<compile_context>
chip_gen: v7x
topology: tpu7x:2x2x1
jax: 0.10.2.dev20260603
libtpu: 0.0.44.dev20260713+nightly
codegen_flags: <defaults>
</compile_context>

<pallas_src>
import jax
import jax.numpy as jnp
from jax import lax
from jax.experimental import pallas as pl
from jax.experimental.pallas import tpu as pltpu
from jax.experimental.pallas import tpu_sc as plsc

N_ENT = 10000
N_USERS = 2048
N_EDGES = 320000
D = 128
NREL = 11
N_HOPS = 2

NC, NS = 2, 16
NW = NC * NS
CHUNK = 128
SUB = 4
SUPER = SUB * CHUNK
N_SUPERS = N_EDGES // SUPER
SUPERS_PER_TILE = -(-N_SUPERS // NW)
ROWS_PER_TILE = 640
ACC_ROWS = ROWS_PER_TILE * NS
CNT_W = 16


def _zero_rows(rows_v):
    zeros16 = jnp.zeros((16,), jnp.float32)

    def fill_zero(i, carry):
        for dcol in range(D // 16):
            rows_v[i, pl.ds(dcol * 16, 16)] = zeros16
        return carry

    lax.fori_loop(0, CHUNK, fill_zero, 0)


def _agg_body(table, gidx2d, head2d, sums_out,
              acc, gidx_v, hidx_v, zidx_v, rows0, rows1, sem0, sem1):
    cid = lax.axis_index("c")
    sid = lax.axis_index("s")
    wid = cid * NS + sid

    iota16 = lax.iota(jnp.int32, 16)

    def fill_zidx(base):
        for jj in range(CHUNK // 16):
            zidx_v[pl.ds(jj * 16, 16)] = base + jj * 16 + iota16

    _zero_rows(rows0)
    for j in range(ROWS_PER_TILE // CHUNK):
        base = sid * ROWS_PER_TILE + j * CHUNK
        fill_zidx(base)
        pltpu.sync_copy(rows0, acc.at[zidx_v])

    plsc.subcore_barrier()

    rows = (rows0, rows1)
    sems = (sem0, sem1)

    def super_body(i, carry):
        s = wid + i * NW

        @pl.when(s < N_SUPERS)
        def _():
            pltpu.sync_copy(gidx2d.at[pl.ds(s * SUB, SUB)], gidx_v)
            pltpu.sync_copy(head2d.at[pl.ds(s * SUB, SUB)], hidx_v)
            descs = [None] * SUB
            descs[0] = pltpu.async_copy(table.at[gidx_v.at[0]], rows[0], sems[0])
            for j in range(SUB):
                descs[j].wait()
                if j + 1 < SUB:
                    descs[j + 1] = pltpu.async_copy(
                        table.at[gidx_v.at[j + 1]], rows[(j + 1) % 2],
                        sems[(j + 1) % 2])
                pltpu.sync_copy(rows[j % 2], acc.at[hidx_v.at[j]], add=True)

        return carry

    lax.fori_loop(0, SUPERS_PER_TILE, super_body, 0)

    plsc.subcore_barrier()

    for j in range(ROWS_PER_TILE // CHUNK):
        base = sid * ROWS_PER_TILE + j * CHUNK
        fill_zidx(base)
        pltpu.sync_copy(acc.at[zidx_v], rows0)
        pltpu.sync_copy(rows0, sums_out.at[cid, pl.ds(base, CHUNK)])


def _sc_agg(table, gidx2d, head2d):
    fn = pl.kernel(
        _agg_body,
        out_type=jax.ShapeDtypeStruct((NC, ACC_ROWS, D), jnp.float32),
        mesh=plsc.VectorSubcoreMesh(core_axis_name="c", subcore_axis_name="s",
                                    num_cores=NC, num_subcores=NS),
        scratch_types=[
            pltpu.VMEM_SHARED((ACC_ROWS, D), jnp.float32),
            pltpu.VMEM((SUB, CHUNK), jnp.int32),
            pltpu.VMEM((SUB, CHUNK), jnp.int32),
            pltpu.VMEM((CHUNK,), jnp.int32),
            pltpu.VMEM((CHUNK, D), jnp.float32),
            pltpu.VMEM((CHUNK, D), jnp.float32),
            pltpu.SemaphoreType.DMA,
            pltpu.SemaphoreType.DMA,
        ],
    )
    return fn(table, gidx2d, head2d)


def _cnt_body(head2d, cnts_out, cnt_acc, hidx_v, zidx_v, ones_v):
    cid = lax.axis_index("c")
    sid = lax.axis_index("s")
    wid = cid * NS + sid

    zeros16 = jnp.zeros((16,), jnp.float32)
    ones16 = jnp.ones((16,), jnp.float32)
    iota16 = lax.iota(jnp.int32, 16)

    def fill_zidx(base):
        for jj in range(CHUNK // 16):
            zidx_v[pl.ds(jj * 16, 16)] = base + jj * 16 + iota16

    def fill_ones(val):
        def body(i, carry):
            ones_v[i, :] = val
            return carry

        lax.fori_loop(0, CHUNK, body, 0)

    fill_ones(zeros16)
    for j in range(ROWS_PER_TILE // CHUNK):
        base = sid * ROWS_PER_TILE + j * CHUNK
        fill_zidx(base)
        pltpu.sync_copy(ones_v, cnt_acc.at[zidx_v])
    fill_ones(ones16)

    plsc.subcore_barrier()

    def super_body(i, carry):
        s = wid + i * NW

        @pl.when(s < N_SUPERS)
        def _():
            pltpu.sync_copy(head2d.at[pl.ds(s * SUB, SUB)], hidx_v)
            for j in range(SUB):
                pltpu.sync_copy(ones_v, cnt_acc.at[hidx_v.at[j]], add=True)

        return carry

    lax.fori_loop(0, SUPERS_PER_TILE, super_body, 0)

    plsc.subcore_barrier()

    for j in range(ROWS_PER_TILE // CHUNK):
        base = sid * ROWS_PER_TILE + j * CHUNK
        fill_zidx(base)
        pltpu.sync_copy(cnt_acc.at[zidx_v], ones_v)
        pltpu.sync_copy(ones_v, cnts_out.at[cid, pl.ds(base, CHUNK)])


def _sc_cnt(head2d):
    fn = pl.kernel(
        _cnt_body,
        out_type=jax.ShapeDtypeStruct((NC, ACC_ROWS, CNT_W), jnp.float32),
        mesh=plsc.VectorSubcoreMesh(core_axis_name="c", subcore_axis_name="s",
                                    num_cores=NC, num_subcores=NS),
        scratch_types=[
            pltpu.VMEM_SHARED((ACC_ROWS, CNT_W), jnp.float32),
            pltpu.VMEM((SUB, CHUNK), jnp.int32),
            pltpu.VMEM((CHUNK,), jnp.int32),
            pltpu.VMEM((CHUNK, CNT_W), jnp.float32),
        ],
    )
    return fn(head2d)


EBLK = 2048
N_TBL_BLKS = ACC_ROWS // EBLK


def _scale_tbl_body(e_ref, w_ref, out_ref):
    r = pl.program_id(0)
    out_ref[...] = e_ref[...] * w_ref[pl.ds(r, 1), :]


def _scale_tbl(e_pad, weight):
    return pl.pallas_call(
        _scale_tbl_body,
        grid=(NREL, N_TBL_BLKS),
        in_specs=[pl.BlockSpec((EBLK, D), lambda r, i: (i, 0)),
                  pl.BlockSpec((NREL, D), lambda r, i: (0, 0))],
        out_specs=pl.BlockSpec((EBLK, D), lambda r, i: (r * N_TBL_BLKS + i, 0)),
        out_shape=jax.ShapeDtypeStruct((NREL * ACC_ROWS, D), jnp.float32),
        compiler_params=pltpu.CompilerParams(
            dimension_semantics=("parallel", "parallel")),
    )(e_pad, weight)


BM = 256
BK = 2048


def _mm_norm_body(a_ref, b_ref, res_ref, out_ref):
    k = pl.program_id(1)
    nk = pl.num_programs(1)

    @pl.when(k == 0)
    def _():
        out_ref[...] = jnp.zeros_like(out_ref)

    @pl.when(k < nk - 1)
    def _():
        out_ref[...] += jnp.dot(a_ref[...], b_ref[...],
                                preferred_element_type=jnp.float32)

    @pl.when(k == nk - 1)
    def _():
        a = a_ref[...]
        col = lax.broadcasted_iota(jnp.int32, a.shape, 1) + k * BK
        a = jnp.where(col < N_ENT, a, 0.0)
        acc = out_ref[...] + jnp.dot(a, b_ref[...],
                                     preferred_element_type=jnp.float32)
        n = jnp.sqrt(jnp.sum(acc * acc, axis=1, keepdims=True))
        out_ref[...] = res_ref[...] + acc / jnp.maximum(n, 1e-12)


def _mm_norm_res(interact_mat, e_pad, usr_res):
    m, kdim = interact_mat.shape
    nk = -(-kdim // BK)
    return pl.pallas_call(
        _mm_norm_body,
        grid=(m // BM, nk),
        in_specs=[pl.BlockSpec((BM, BK), lambda m_, k_: (m_, k_)),
                  pl.BlockSpec((BK, D), lambda m_, k_: (k_, 0)),
                  pl.BlockSpec((BM, D), lambda m_, k_: (m_, 0))],
        out_specs=pl.BlockSpec((BM, D), lambda m_, k_: (m_, 0)),
        out_shape=jax.ShapeDtypeStruct((m, D), jnp.float32),
        compiler_params=pltpu.CompilerParams(
            dimension_semantics=("parallel", "arbitrary")),
    )(interact_mat, e_pad, usr_res)


RBLK = 640


def _combine_body(sums_ref, cnts_ref, res_ref, res_out_ref, e_out_ref):
    s = sums_ref[0] + sums_ref[1]
    c = cnts_ref[0, :, 0] + cnts_ref[1, :, 0]
    e = s / jnp.maximum(c, 1.0)[:, None]
    n = jnp.sqrt(jnp.sum(e * e, axis=1, keepdims=True))
    en = e / jnp.maximum(n, 1e-12)
    res_out_ref[...] = res_ref[...] + en
    e_out_ref[...] = en


def _combine(sums, cnts, ent_res):
    return pl.pallas_call(
        _combine_body,
        grid=(ACC_ROWS // RBLK,),
        in_specs=[pl.BlockSpec((NC, RBLK, D), lambda i: (0, i, 0)),
                  pl.BlockSpec((NC, RBLK, CNT_W), lambda i: (0, i, 0)),
                  pl.BlockSpec((RBLK, D), lambda i: (i, 0))],
        out_specs=[pl.BlockSpec((RBLK, D), lambda i: (i, 0)),
                   pl.BlockSpec((RBLK, D), lambda i: (i, 0))],
        out_shape=[jax.ShapeDtypeStruct((N_ENT, D), jnp.float32),
                   jax.ShapeDtypeStruct((ACC_ROWS, D), jnp.float32)],
        compiler_params=pltpu.CompilerParams(
            dimension_semantics=("parallel",)),
    )(sums, cnts, ent_res)


def kernel(user_emb, entity_emb, edge_index, edge_type, interact_mat, weight):
    head = edge_index[0].astype(jnp.int32)
    tail = edge_index[1].astype(jnp.int32)
    rel_idx = jnp.mod(edge_type - 1, weight.shape[0]).astype(jnp.int32)
    gidx2d = (rel_idx * ACC_ROWS + tail).reshape(N_EDGES // CHUNK, CHUNK)
    head2d = head.reshape(N_EDGES // CHUNK, CHUNK)

    e_pad = jnp.pad(entity_emb, ((0, ACC_ROWS - N_ENT), (0, 0)))

    cnts = _sc_cnt(head2d)
    ent_res = entity_emb
    usr_res = user_emb
    for _hop in range(N_HOPS):
        table = _scale_tbl(e_pad, weight)
        sums = _sc_agg(table, gidx2d, head2d)
        usr_res = _mm_norm_res(interact_mat, e_pad, usr_res)
        ent_res, e_pad = _combine(sums, cnts, ent_res)
    return ent_res, usr_res

# --- scband reference (transcript-rebuilt; emitter-appended) ---
"""Pipeline reference for scband-hgcn-90366111908554 (READ-ONLY COPY).

The authoritative reference and input builder live on the scoring server;
editing this copy changes nothing except your own understanding.
"""

import jax, jax.numpy as jnp
import numpy as np

N_ENT = 10000
N_USERS = 2048
N_EDGES = 320000
D = 128
N_REL = 12
N_HOPS = 2


def setup_inputs(seed: int = 0) -> dict:
    key = jax.random.key(seed)
    k1, k2, k3, k4, k5, k6 = jax.random.split(key, 6)
    user_emb = jax.random.normal(k1, (N_USERS, D), dtype=jnp.float32)
    entity_emb = jax.random.normal(k2, (N_ENT, D), dtype=jnp.float32)
    edge_index = jax.random.randint(k3, (2, N_EDGES), 0, N_ENT, dtype=jnp.int32)
    edge_type = jax.random.randint(k4, (N_EDGES,), 0, N_REL - 1, dtype=jnp.int32)
    interact_mat = jax.random.uniform(k5, (N_USERS, N_ENT), dtype=jnp.float32)
    weight = jax.random.normal(k6, (N_REL - 1, D), dtype=jnp.float32) * 0.1
    return {"user_emb": user_emb, "entity_emb": entity_emb, "edge_index": edge_index,
            "edge_type": edge_type, "interact_mat": interact_mat, "weight": weight}


def _normalize(x, eps=1e-12):
    # F.normalize(x, p=2, dim=1)
    n = jnp.linalg.norm(x, axis=1, keepdims=True)
    return x / jnp.maximum(n, eps)


def _hgcn_layer(entity_emb, head, tail, rel_idx, interact_mat, weight):
    n_entities = entity_emb.shape[0]
    edge_relation_emb = weight[rel_idx]                      # gather over relations
    neigh = entity_emb[tail] * edge_relation_emb             # gather over entities
    sums = jax.ops.segment_sum(neigh, head, num_segments=n_entities)
    cnt = jax.ops.segment_sum(jnp.ones((head.shape[0],), dtype=entity_emb.dtype), head,
                              num_segments=n_entities)
    entity_agg = sums / jnp.maximum(cnt, 1.0)[:, None]       # scatter_mean semantics
    user_agg = interact_mat @ entity_emb                     # torch.sparse.mm equivalent
    return entity_agg, user_agg


def reference(user_emb, entity_emb, edge_index, edge_type, interact_mat, weight):
    head = edge_index[0]
    tail = edge_index[1]
    # torch: weight[edge_type - 1]; edge_type == 0 wraps to last row, same as mod
    rel_idx = jnp.mod(edge_type - 1, weight.shape[0])
    ent_res = entity_emb
    usr_res = user_emb
    e = entity_emb
    u = user_emb
    for _ in range(N_HOPS):
        e, u = _hgcn_layer(e, head, tail, rel_idx, interact_mat, weight)
        # mess_dropout disabled (eval mode / mess_dropout=False)
        e = _normalize(e)
        u = _normalize(u)
        ent_res = ent_res + e
        usr_res = usr_res + u
    return (ent_res, usr_res)

if __name__ == "__main__":
    import jax
    _d = setup_inputs()
    print(jax.jit(kernel)(*tuple(_d.values())))

</pallas_src>

<mosaic_0001>
#map = affine_map<(d0, d1) -> (0, 0)>
#map1 = affine_map<(d0, d1) -> (0, 0, 0)>
module attributes {stable_mosaic.version = 14 : i64} {
  func.func @_agg_body(%arg0: i32, %arg1: i32, %arg2: memref<112640x128xf32, #tpu.memory_space<hbm>>, %arg3: memref<2500x128xi32, #tpu.memory_space<hbm>>, %arg4: memref<2500x128xi32, #tpu.memory_space<hbm>>, %arg5: memref<2x10240x128xf32, #tpu.memory_space<hbm>>, %arg6: memref<10240x128xf32, #tpu.memory_space<vmem_shared>>, %arg7: memref<4x128xi32, #tpu.memory_space<vmem>>, %arg8: memref<4x128xi32, #tpu.memory_space<vmem>>, %arg9: memref<128xi32, #tpu.memory_space<vmem>>, %arg10: memref<128x128xf32, #tpu.memory_space<vmem>>, %arg11: memref<128x128xf32, #tpu.memory_space<vmem>>, %arg12: memref<!tpu.dma_semaphore, #tpu.memory_space<semaphore_mem>>, %arg13: memref<!tpu.dma_semaphore, #tpu.memory_space<semaphore_mem>>) attributes {dimension_semantics = [#tpu.dimension_semantics<core_parallel>, #tpu.dimension_semantics<subcore_parallel>], iteration_bounds = array<i64: 2, 16>, scalar_prefetch = 0 : i64, scratch_operands = 8 : i64, tpu.core_type = #tpu.core_type<sc_vector_subcore>, window_params = [{transform_indices = #map}, {transform_indices = #map}, {transform_indices = #map}, {transform_indices = #map1}]} {
    %mul3A = arith.constant 16 : i32
    %mul3A_0 = arith.muli %arg0, %mul3A : i32
    %add3A = arith.addi %mul3A_0, %arg1 : i32
    %iota3A = tpu.iota {dimensions = array<i32: 0>} : vector<16xi32>
    %broadcast_in_dim3A = arith.constant 0.000000e+00 : f32
    %broadcast_in_dim3A_1 = vector.broadcast %broadcast_in_dim3A : f32 to vector<16xf32>
    %scan3A = arith.constant 0 : i32
    %scan3A_2 = arith.constant 0 : i32
    %scan3A_3 = arith.constant 128 : i32
    %scan3A_4 = arith.addi %scan3A_2, %scan3A_3 : i32
    %scan3A_5 = arith.constant 1 : i32
    scf.for %scan3A_693 = %scan3A_2 to %scan3A_4 step %scan3A_5  : i32 {
      %swap3A_694 = arith.index_cast %scan3A_693 : i32 to index
      %swap3A_695 = arith.constant 0 : index
      %swap3A_696 = tpu.vector_load %arg10[%swap3A_694, %swap3A_695] {strides = array<i32>} : memref<128x128xf32, #tpu.memory_space<vmem>>, vector<1x16xf32>,
      %swap3A_697 = vector.shape_cast %swap3A_696 : vector<1x16xf32> to vector<16xf32>
      %swap3A_698 = vector.shape_cast %broadcast_in_dim3A_1 : vector<16xf32> to vector<1x16xf32>
      tpu.vector_store %arg10[%swap3A_694, %swap3A_695], %swap3A_698 {strides = array<i32>} : memref<128x128xf32, #tpu.memory_space<vmem>>, vector<1x16xf32>,
      %swap3A_699 = arith.index_cast %scan3A_693 : i32 to index
      %swap3A_700 = arith.constant 16 : index
      %swap3A_701 = tpu.vector_load %arg10[%swap3A_699, %swap3A_700] {strides = array<i32>} : memref<128x128xf32, #tpu.memory_space<vmem>>, vector<1x16xf32>,
      %swap3A_702 = vector.shape_cast %swap3A_701 : vector<1x16xf32> to vector<16xf32>
      %swap3A_703 = vector.shape_cast %broadcast_in_dim3A_1 : vector<16xf32> to vector<1x16xf32>
      tpu.vector_store %arg10[%swap3A_699, %swap3A_700], %swap3A_703 {strides = array<i32>} : memref<128x128xf32, #tpu.memory_space<vmem>>, vector<1x16xf32>,
      %swap3A_704 = arith.index_cast %scan3A_693 : i32 to index
      %swap3A_705 = arith.constant 32 : index
      %swap3A_706 = tpu.vector_load %arg10[%swap3A_704, %swap3A_705] {strides = array<i32>} : memref<128x128xf32, #tpu.memory_space<vmem>>, vector<1x16xf32>,
      %swap3A_707 = vector.shape_cast %swap3A_706 : vector<1x16xf32> to vector<16xf32>
      %swap3A_708 = vector.shape_cast %broadcast_in_dim3A_1 : vector<16xf32> to vector<1x16xf32>
      tpu.vector_store %arg10[%swap3A_704, %swap3A_705], %swap3A_708 {strides = array<i32>} : memref<128x128xf32, #tpu.memory_space<vmem>>, vector<1x16xf32>,
      %swap3A_709 = arith.index_cast %scan3A_693 : i32 to index
      %swap3A_710 = arith.constant 48 : index
      %swap3A_711 = tpu.vector_load %arg10[%swap3A_709, %swap3A_710] {strides = array<i32>} : memref<128x128xf32, #tpu.memory_space<vmem>>, vector<1x16xf32>,
      %swap3A_712 = vector.shape_cast %swap3A_711 : vector<1x16xf32> to vector<16xf32>
      %swap3A_713 = vector.shape_cast %broadcast_in_dim3A_1 : vector<16xf32> to vector<1x16xf32>
      tpu.vector_store %arg10[%swap3A_709, %swap3A_710], %swap3A_713 {strides = array<i32>} : memref<128x128xf32, #tpu.memory_space<vmem>>, vector<1x16xf32>,
      %swap3A_714 = arith.index_cast %scan3A_693 : i32 to index
      %swap3A_715 = arith.constant 64 : index
      %swap3A_716 = tpu.vector_load %arg10[%swap3A_714, %swap3A_715] {strides = array<i32>} : memref<128x128xf32, #tpu.memory_space<vmem>>, vector<1x16xf32>,
      %swap3A_717 = vector.shape_cast %swap3A_716 : vector<1x16xf32> to vector<16xf32>
      %swap3A_718 = vector.shape_cast %broadcast_in_dim3A_1 : vector<16xf32> to vector<1x16xf32>
      tpu.vector_store %arg10[%swap3A_714, %swap3A_715], %swap3A_718 {strides = array<i32>} : memref<128x128xf32, #tpu.memory_space<vmem>>, vector<1x16xf32>,
      %swap3A_719 = arith.index_cast %scan3A_693 : i32 to index
      %swap3A_720 = arith.constant 80 : index
      %swap3A_721 = tpu.vector_load %arg10[%swap3A_719, %swap3A_720] {strides = array<i32>} : memref<128x128xf32, #tpu.memory_space<vmem>>, vector<1x16xf32>,
      %swap3A_722 = vector.shape_cast %swap3A_721 : vector<1x16xf32> to vector<16xf32>
      %swap3A_723 = vector.shape_cast %broadcast_in_dim3A_1 : vector<16xf32> to vector<1x16xf32>
      tpu.vector_store %arg10[%swap3A_719, %swap3A_720], %swap3A_723 {strides = array<i32>} : memref<128x128xf32, #tpu.memory_space<vmem>>, vector<1x16xf32>,
      %swap3A_724 = arith.index_cast %scan3A_693 : i32 to index
      %swap3A_725 = arith.constant 96 : index
      %swap3A_726 = tpu.vector_load %arg10[%swap3A_724, %swap3A_725] {strides = array<i32>} : memref<128x128xf32, #tpu.memory_space<vmem>>, vector<1x16xf32>,
      %swap3A_727 = vector.shape_cast %swap3A_726 : vector<1x16xf32> to vector<16xf32>
      %swap3A_728 = vector.shape_cast %broadcast_in_dim3A_1 : vector<16xf32> to vector<1x16xf32>
      tpu.vector_store %arg10[%swap3A_724, %swap3A_725], %swap3A_728 {strides = array<i32>} : memref<128x128xf32, #tpu.memory_space<vmem>>, vector<1x16xf32>,
      %swap3A_729 = arith.index_cast %scan3A_693 : i32 to index
      %swap3A_730 = arith.constant 112 : index
      %swap3A_731 = tpu.vector_load %arg10[%swap3A_729, %swap3A_730] {strides = array<i32>} : memref<128x128xf32, #tpu.memory_space<vmem>>, vector<1x16xf32>,
      %swap3A_732 = vector.shape_cast %swap3A_731 : vector<1x16xf32> to vector<16xf32>
      %swap3A_733 = vector.shape_cast %broadcast_in_dim3A_1 : vector<16xf32> to vector<1x16xf32>
      tpu.vector_store %arg10[%swap3A_729, %swap3A_730], %swap3A_733 {strides = array<i32>} : memref<128x128xf32, #tpu.memory_space<vmem>>, vector<1x16xf32>,
    }
    %scan3A_6 = arith.constant 128 : i32
    %mul3A_7 = arith.constant 640 : i32
    %mul3A_8 = arith.muli %arg1, %mul3A_7 : i32
    %add3A_9 = arith.constant 0 : i32
    %add3A_10 = arith.addi %mul3A_8, %add3A_9 : i32
    %add3A_11 = arith.constant 0 : i32
    %add3A_12 = arith.addi %add3A_10, %add3A_11 : i32
    %add3A_13 = vector.broadcast %add3A_12 : i32 to vector<16xi32>
    %add3A_14 = arith.addi %add3A_13, %iota3A : vector<16xi32>
    %swap3A = arith.constant 0 : index
    %swap3A_15 = tpu.vector_load %arg9[%swap3A] {strides = array<i32>} : memref<128xi32, #tpu.memory_space<vmem>>, vector<16xi32>,
    %swap3A_16 = vector.shape_cast %swap3A_15 : vector<16xi32> to vector<16xi32>
    %swap3A_17 = vector.shape_cast %add3A_14 : vector<16xi32> to vector<16xi32>
    tpu.vector_store %arg9[%swap3A], %swap3A_17 {strides = array<i32>} : memref<128xi32, #tpu.memory_space<vmem>>, vector<16xi32>,
    %add3A_18 = arith.constant 16 : i32
    %add3A_19 = arith.addi %add3A_10, %add3A_18 : i32
    %add3A_20 = vector.broadcast %add3A_19 : i32 to vector<16xi32>
    %add3A_21 = arith.addi %add3A_20, %iota3A : vector<16xi32>
    %swap3A_22 = arith.constant 16 : index
    %swap3A_23 = tpu.vector_load %arg9[%swap3A_22] {strides = array<i32>} : memref<128xi32, #tpu.memory_space<vmem>>, vector<16xi32>,
    %swap3A_24 = vector.shape_cast %swap3A_23 : vector<16xi32> to vector<16xi32>
    %swap3A_25 = vector.shape_cast %add3A_21 : vector<16xi32> to vector<16xi32>
    tpu.vector_store %arg9[%swap3A_22], %swap3A_25 {strides = array<i32>} : memref<128xi32, #tpu.memory_space<vmem>>, vector<16xi32>,
    %add3A_26 = arith.constant 32 : i32
    %add3A_27 = arith.addi %add3A_10, %add3A_26 : i32
    %add3A_28 = vector.broadcast %add3A_27 : i32 to vector<16xi32>
    %add3A_29 = arith.addi %add3A_28, %iota3A : vector<16xi32>
    %swap3A_30 = arith.constant 32 : index
    %swap3A_31 = tpu.vector_load %arg9[%swap3A_30] {strides = array<i32>} : memref<128xi32, #tpu.memory_space<vmem>>, vector<16xi32>,
    %swap3A_32 = vector.shape_cast %swap3A_31 : vector<16xi32> to vector<16xi32>
    %swap3A_33 = vector.shape_cast %add3A_29 : vector<16xi32> to vector<16xi32>
    tpu.vector_store %arg9[%swap3A_30], %swap3A_33 {strides = array<i32>} : memref<128xi32, #tpu.memory_space<vmem>>, vector<16xi32>,
    %add3A_34 = arith.constant 48 : i32
    %add3A_35 = arith.addi %add3A_10, %add3A_34 : i32
    %add3A_36 = vector.broadcast %add3A_35 : i32 to vector<16xi32>
    %add3A_37 = arith.addi %add3A_36, %iota3A : vector<16xi32>
    %swap3A_38 = arith.constant 48 : index
    %swap3A_39 = tpu.vector_load %arg9[%swap3A_38] {strides = array<i32>} : memref<128xi32, #tpu.memory_space<vmem>>, vector<16xi32>,
    %swap3A_40 = vector.shape_cast %swap3A_39 : vector<16xi32> to vector<16xi32>
    %swap3A_41 = vector.shape_cast %add3A_37 : vector<16xi32> to vector<16xi32>
    tpu.vector_store %arg9[%swap3A_38], %swap3A_41 {strides = array<i32>} : memref<128xi32, #tpu.memory_space<vmem>>, vector<16xi32>,
    %add3A_42 = arith.constant 64 : i32
    %add3A_43 = arith.addi %add3A_10, %add3A_42 : i32
    %add3A_44 = vector.broadcast %add3A_43 : i32 to vector<16xi32>
    %add3A_45 = arith.addi %add3A_44, %iota3A : vector<16xi32>
    %swap3A_46 = arith.constant 64 : index
    %swap3A_47 = tpu.vector_load %arg9[%swap3A_46] {strides = array<i32>} : memref<128xi32, #tpu.memory_space<vmem>>, vector<16xi32>,
    %swap3A_48 = vector.shape_cast %swap3A_47 : vector<16xi32> to vector<16xi32>
    %swap3A_49 = vector.shape_cast %add3A_45 : vector<16xi32> to vector<16xi32>
    tpu.vector_store %arg9[%swap3A_46], %swap3A_49 {strides = array<i32>} : memref<128xi32, #tpu.memory_space<vmem>>, vector<16xi32>,
    %add3A_50 = arith.constant 80 : i32
    %add3A_51 = arith.addi %add3A_10, %add3A_50 : i32
    %add3A_52 = vector.broadcast %add3A_51 : i32 to vector<16xi32>
    %add3A_53 = arith.addi %add3A_52, %iota3A : vector<16xi32>
    %swap3A_54 = arith.constant 80 : index
    %swap3A_55 = tpu.vector_load %arg9[%swap3A_54] {strides = array<i32>} : memref<128xi32, #tpu.memory_space<vmem>>, vector<16xi32>,
    %swap3A_56 = vector.shape_cast %swap3A_55 : vector<16xi32> to vector<16xi32>
    %swap3A_57 = vector.shape_cast %add3A_53 : vector<16xi32> to vector<16xi32>
    tpu.vector_store %arg9[%swap3A_54], %swap3A_57 {strides = array<i32>} : memref<128xi32, #tpu.memory_space<vmem>>, vector<16xi32>,
    %add3A_58 = arith.constant 96 : i32
    %add3A_59 = arith.addi %add3A_10, %add3A_58 : i32
    %add3A_60 = vector.broadcast %add3A_59 : i32 to vector<16xi32>
    %add3A_61 = arith.addi %add3A_60, %iota3A : vector<16xi32>
    %swap3A_62 = arith.constant 96 : index
    %swap3A_63 = tpu.vector_load %arg9[%swap3A_62] {strides = array<i32>} : memref<128xi32, #tpu.memory_space<vmem>>, vector<16xi32>,
    %swap3A_64 = vector.shape_cast %swap3A_63 : vector<16xi32> to vector<16xi32>
    %swap3A_65 = vector.shape_cast %add3A_61 : vector<16xi32> to vector<16xi32>
    tpu.vector_store %arg9[%swap3A_62], %swap3A_65 {strides = array<i32>} : memref<128xi32, #tpu.memory_space<vmem>>, vector<16xi32>,
    %add3A_66 = arith.constant 112 : i32
    %add3A_67 = arith.addi %add3A_10, %add3A_66 : i32
    %add3A_68 = vector.broadcast %add3A_67 : i32 to vector<16xi32>
    %add3A_69 = arith.addi %add3A_68, %iota3A : vector<16xi32>
    %swap3A_70 = arith.constant 112 : index
    %swap3A_71 = tpu.vector_load %arg9[%swap3A_70] {strides = array<i32>} : memref<128xi32, #tpu.memory_space<vmem>>, vector<16xi32>,
    %swap3A_72 = vector.shape_cast %swap3A_71 : vector<16xi32> to vector<16xi32>
    %swap3A_73 = vector.shape_cast %add3A_69 : vector<16xi32> to vector<16xi32>
    tpu.vector_store %arg9[%swap3A_70], %swap3A_73 {strides = array<i32>} : memref<128xi32, #tpu.memory_space<vmem>>, vector<16xi32>,
    "tpu.region"() ({
      %run_scoped3A = tpu.sem_alloc : memref<!tpu.dma_semaphore, #tpu.memory_space<semaphore_mem>>
      %dma_start3A = arith.constant 0 : i32
      %dma_start3A_693 = arith.constant 0 : i32
      %dma_start3A_694 = tpu.memref_slice %arg6[%dma_start3A, %dma_start3A_693] : memref<10240x128xf32, #tpu.memory_space<vmem_shared>> -> memref<10240x128xf32, #tpu.memory_space<vmem_shared>>
      tpu.enqueue_indirect_dma source(%arg10 : memref<128x128xf32, #tpu.memory_space<vmem>>) target(%dma_start3A_694 : memref<10240x128xf32, #tpu.memory_space<vmem_shared>>) offsets(%arg9 : memref<128xi32, #tpu.memory_space<vmem>>) semaphore(%run_scoped3A : memref<!tpu.dma_semaphore, #tpu.memory_space<semaphore_mem>>)
      %dma_wait3A = arith.constant 0 : i32
      %dma_wait3A_695 = arith.constant 0 : i32
      %dma_wait3A_696 = tpu.memref_slice %arg6[%dma_wait3A, %dma_wait3A_695] : memref<10240x128xf32, #tpu.memory_space<vmem_shared>> -> memref<10240x128xf32, #tpu.memory_space<vmem_shared>>
      tpu.wait_indirect_dma semaphore(%run_scoped3A : memref<!tpu.dma_semaphore, #tpu.memory_space<semaphore_mem>>) src(%arg10 : memref<128x128xf32, #tpu.memory_space<vmem>>) dst(%dma_wait3A_696 : memref<10240x128xf32, #tpu.memory_space<vmem_shared>>)
      tpu.yield
    }) : () -> ()
    %mul3A_74 = arith.constant 640 : i32
    %mul3A_75 = arith.muli %arg1, %mul3A_74 : i32
    %add3A_76 = arith.constant 128 : i32
    %add3A_77 = arith.addi %mul3A_75, %add3A_76 : i32
    %add3A_78 = arith.constant 0 : i32
    %add3A_79 = arith.addi %add3A_77, %add3A_78 : i32
    %add3A_80 = vector.broadcast %add3A_79 : i32 to vector<16xi32>
    %add3A_81 = arith.addi %add3A_80, %iota3A : vector<16xi32>
    %swap3A_82 = arith.constant 0 : index
    %swap3A_83 = tpu.vector_load %arg9[%swap3A_82] {strides = array<i32>} : memref<128xi32, #tpu.memory_space<vmem>>, vector<16xi32>,
    %swap3A_84 = vector.shape_cast %swap3A_83 : vector<16xi32> to vector<16xi32>
    %swap3A_85 = vector.shape_cast %add3A_81 : vector<16xi32> to vector<16xi32>
    tpu.vector_store %arg9[%swap3A_82], %swap3A_85 {strides = array<i32>} : memref<128xi32, #tpu.memory_space<vmem>>, vector<16xi32>,
    %add3A_86 = arith.constant 16 : i32
    %add3A_87 = arith.addi %add3A_77, %add3A_86 : i32
    %add3A_88 = vector.broadcast %add3A_87 : i32 to vector<16xi32>
    %add3A_89 = arith.addi %add3A_88, %iota3A : vector<16xi32>
    %swap3A_90 = arith.constant 16 : index
    %swap3A_91 = tpu.vector_load %arg9[%swap3A_90] {strides = array<i32>} : memref<128xi32, #tpu.memory_space<vmem>>, vector<16xi32>,
    %swap3A_92 = vector.shape_cast %swap3A_91 : vector<16xi32> to vector<16xi32>
    %swap3A_93 = vector.shape_cast %add3A_89 : vector<16xi32> to vector<16xi32>
    tpu.vector_store %arg9[%swap3A_90], %swap3A_93 {strides = array<i32>} : memref<128xi32, #tpu.memory_space<vmem>>, vector<16xi32>,
    %add3A_94 = arith.constant 32 : i32
    %add3A_95 = arith.addi %add3A_77, %add3A_94 : i32
    %add3A_96 = vector.broadcast %add3A_95 : i32 to vector<16xi32>
    %add3A_97 = arith.addi %add3A_96, %iota3A : vector<16xi32>
    %swap3A_98 = arith.constant 32 : index
    %swap3A_99 = tpu.vector_load %arg9[%swap3A_98] {strides = array<i32>} : memref<128xi32, #tpu.memory_space<vmem>>, vector<16xi32>,
    %swap3A_100 = vector.shape_cast %swap3A_99 : vector<16xi32> to vector<16xi32>
    %swap3A_101 = vector.shape_cast %add3A_97 : vector<16xi32> to vector<16xi32>
    tpu.vector_store %arg9[%swap3A_98], %swap3A_101 {strides = array<i32>} : memref<128xi32, #tpu.memory_space<vmem>>, vector<16xi32>,
    %add3A_102 = arith.constant 48 : i32
    %add3A_103 = arith.addi %add3A_77, %add3A_102 : i32
    %add3A_104 = vector.broadcast %add3A_103 : i32 to vector<16xi32>
    %add3A_105 = arith.addi %add3A_104, %iota3A : vector<16xi32>
    %swap3A_106 = arith.constant 48 : index
    %swap3A_107 = tpu.vector_load %arg9[%swap3A_106] {strides = array<i32>} : memref<128xi32, #tpu.memory_space<vmem>>, vector<16xi32>,
    %swap3A_108 = vector.shape_cast %swap3A_107 : vector<16xi32> to vector<16xi32>
    %swap3A_109 = vector.shape_cast %add3A_105 : vector<16xi32> to vector<16xi32>
    tpu.vector_store %arg9[%swap3A_106], %swap3A_109 {strides = array<i32>} : memref<128xi32, #tpu.memory_space<vmem>>, vector<16xi32>,
    %add3A_110 = arith.constant 64 : i32
    %add3A_111 = arith.addi %add3A_77, %add3A_110 : i32
    %add3A_112 = vector.broadcast %add3A_111 : i32 to vector<16xi32>
    %add3A_113 = arith.addi %add3A_112, %iota3A : vector<16xi32>
    %swap3A_114 = arith.constant 64 : index
    %swap3A_115 = tpu.vector_load %arg9[%swap3A_114] {strides = array<i32>} : memref<128xi32, #tpu.memory_space<vmem>>, vector<16xi32>,
    %swap3A_116 = vector.shape_cast %swap3A_115 : vector<16xi32> to vector<16xi32>
    %swap3A_117 = vector.shape_cast %add3A_113 : vector<16xi32> to vector<16xi32>
    tpu.vector_store %arg9[%swap3A_114], %swap3A_117 {strides = array<i32>} : memref<128xi32, #tpu.memory_space<vmem>>, vector<16xi32>,
    %add3A_118 = arith.constant 80 : i32
    %add3A_119 = arith.addi %add3A_77, %add3A_118 : i32
    %add3A_120 = vector.broadcast %add3A_119 : i32 to vector<16xi32>
    %add3A_121 = arith.addi %add3A_120, %iota3A : vector<16xi32>
    %swap3A_122 = arith.constant 80 : index
    %swap3A_123 = tpu.vector_load %arg9[%swap3A_122] {strides = array<i32>} : memref<128xi32, #tpu.memory_space<vmem>>, vector<16xi32>,
    %swap3A_124 = vector.shape_cast %swap3A_123 : vector<16xi32> to vector<16xi32>
    %swap3A_125 = vector.shape_cast %add3A_121 : vector<16xi32> to vector<16xi32>
    tpu.vector_store %arg9[%swap3A_122], %swap3A_125 {strides = array<i32>} : memref<128xi32, #tpu.memory_space<vmem>>, vector<16xi32>,
    %add3A_126 = arith.constant 96 : i32
    %add3A_127 = arith.addi %add3A_77, %add3A_126 : i32
    %add3A_128 = vector.broadcast %add3A_127 : i32 to vector<16xi32>
    %add3A_129 = arith.addi %add3A_128, %iota3A : vector<16xi32>
    %swap3A_130 = arith.constant 96 : index
    %swap3A_131 = tpu.vector_load %arg9[%swap3A_130] {strides = array<i32>} : memref<128xi32, #tpu.memory_space<vmem>>, vector<16xi32>,
    %swap3A_132 = vector.shape_cast %swap3A_131 : vector<16xi32> to vector<16xi32>
    %swap3A_133 = vector.shape_cast %add3A_129 : vector<16xi32> to vector<16xi32>
    tpu.vector_store %arg9[%swap3A_130], %swap3A_133 {strides = array<i32>} : memref<128xi32, #tpu.memory_space<vmem>>, vector<16xi32>,
    %add3A_134 = arith.constant 112 : i32
    %add3A_135 = arith.addi %add3A_77, %add3A_134 : i32
    %add3A_136 = vector.broadcast %add3A_135 : i32 to vector<16xi32>
    %add3A_137 = arith.addi %add3A_136, %iota3A : vector<16xi32>
    %swap3A_138 = arith.constant 112 : index
    %swap3A_139 = tpu.vector_load %arg9[%swap3A_138] {strides = array<i32>} : memref<128xi32, #tpu.memory_space<vmem>>, vector<16xi32>,
    %swap3A_140 = vector.shape_cast %swap3A_139 : vector<16xi32> to vector<16xi32>
    %swap3A_141 = vector.shape_cast %add3A_137 : vector<16xi32> to vector<16xi32>
    tpu.vector_store %arg9[%swap3A_138], %swap3A_141 {strides = array<i32>} : memref<128xi32, #tpu.memory_space<vmem>>, vector<16xi32>,
    "tpu.region"() ({
      %run_scoped3A = tpu.sem_alloc : memref<!tpu.dma_semaphore, #tpu.memory_space<semaphore_mem>>
      %dma_start3A = arith.constant 0 : i32
      %dma_start3A_693 = arith.constant 0 : i32
      %dma_start3A_694 = tpu.memref_slice %arg6[%dma_start3A, %dma_start3A_693] : memref<10240x128xf32, #tpu.memory_space<vmem_shared>> -> memref<10240x128xf32, #tpu.memory_space<vmem_shared>>
      tpu.enqueue_indirect_dma source(%arg10 : memref<128x128xf32, #tpu.memory_space<vmem>>) target(%dma_start3A_694 : memref<10240x128xf32, #tpu.memory_space<vmem_shared>>) offsets(%arg9 : memref<128xi32, #tpu.memory_space<vmem>>) semaphore(%run_scoped3A : memref<!tpu.dma_semaphore, #tpu.memory_space<semaphore_mem>>)
      %dma_wait3A = arith.constant 0 : i32
      %dma_wait3A_695 = arith.constant 0 : i32
      %dma_wait3A_696 = tpu.memref_slice %arg6[%dma_wait3A, %dma_wait3A_695] : memref<10240x128xf32, #tpu.memory_space<vmem_shared>> -> memref<10240x128xf32, #tpu.memory_space<vmem_shared>>
      tpu.wait_indirect_dma semaphore(%run_scoped3A : memref<!tpu.dma_semaphore, #tpu.memory_space<semaphore_mem>>) src(%arg10 : memref<128x128xf32, #tpu.memory_space<vmem>>) dst(%dma_wait3A_696 : memref<10240x128xf32, #tpu.memory_space<vmem_shared>>)
      tpu.yield
    }) : () -> ()
    %mul3A_142 = arith.constant 640 : i32
    %mul3A_143 = arith.muli %arg1, %mul3A_142 : i32
    %add3A_144 = arith.constant 256 : i32
    %add3A_145 = arith.addi %mul3A_143, %add3A_144 : i32
    %add3A_146 = arith.constant 0 : i32
    %add3A_147 = arith.addi %add3A_145, %add3A_146 : i32
    %add3A_148 = vector.broadcast %add3A_147 : i32 to vector<16xi32>
    %add3A_149 = arith.addi %add3A_148, %iota3A : vector<16xi32>
    %swap3A_150 = arith.constant 0 : index
    %swap3A_151 = tpu.vector_load %arg9[%swap3A_150] {strides = array<i32>} : memref<128xi32, #tpu.memory_space<vmem>>, vector<16xi32>,
    %swap3A_152 = vector.shape_cast %swap3A_151 : vector<16xi32> to vector<16xi32>
    %swap3A_153 = vector.shape_cast %add3A_149 : vector<16xi32> to vector<16xi32>
    tpu.vector_store %arg9[%swap3A_150], %swap3A_153 {strides = array<i32>} : memref<128xi32, #tpu.memory_space<vmem>>, vector<16xi32>,
    %add3A_154 = arith.constant 16 : i32
    %add3A_155 = arith.addi %add3A_145, %add3A_154 : i32
    %add3A_156 = vector.broadcast %add3A_155 : i32 to vector<16xi32>
    %add3A_157 = arith.addi %add3A_156, %iota3A : vector<16xi32>
    %swap3A_158 = arith.constant 16 : index
    %swap3A_159 = tpu.vector_load %arg9[%swap3A_158] {strides = array<i32>} : memref<128xi32, #tpu.memory_space<vmem>>, vector<16xi32>,
    %swap3A_160 = vector.shape_cast %swap3A_159 : vector<16xi32> to vector<16xi32>
    %swap3A_161 = vector.shape_cast %add3A_157 : vector<16xi32> to vector<16xi32>
    tpu.vector_store %arg9[%swap3A_158], %swap3A_161 {strides = array<i32>} : memref<128xi32, #tpu.memory_space<vmem>>, vector<16xi32>,
    %add3A_162 = arith.constant 32 : i32
    %add3A_163 = arith.addi %add3A_145, %add3A_162 : i32
    %add3A_164 = vector.broadcast %add3A_163 : i32 to vector<16xi32>
    %add3A_165 = arith.addi %add3A_164, %iota3A : vector<16xi32>
    %swap3A_166 = arith.constant 32 : index
    %swap3A_167 = tpu.vector_load %arg9[%swap3A_166] {strides = array<i32>} : memref<128xi32, #tpu.memory_space<vmem>>, vector<16xi32>,
    %swap3A_168 = vector.shape_cast %swap3A_167 : vector<16xi32> to vector<16xi32>
    %swap3A_169 = vector.shape_cast %add3A_165 : vector<16xi32> to vector<16xi32>
    tpu.vector_store %arg9[%swap3A_166], %swap3A_169 {strides = array<i32>} : memref<128xi32, #tpu.memory_space<vmem>>, vector<16xi32>,
    %add3A_170 = arith.constant 48 : i32
    %add3A_171 = arith.addi %add3A_145, %add3A_170 : i32
    %add3A_172 = vector.broadcast %add3A_171 : i32 to vector<16xi32>
    %add3A_173 = arith.addi %add3A_172, %iota3A : vector<16xi32>
    %swap3A_174 = arith.constant 48 : index
    %swap3A_175 = tpu.vector_load %arg9[%swap3A_174] {strides = array<i32>} : memref<128xi32, #tpu.memory_space<vmem>>, vector<16xi32>,
    %swap3A_176 = vector.shape_cast %swap3A_175 : vector<16xi32> to vector<16xi32>
    %swap3A_177 = vector.shape_cast %add3A_173 : vector<16xi32> to vector<16xi32>
    tpu.vector_store %arg9[%swap3A_174], %swap3A_177 {strides = array<i32>} : memref<128xi32, #tpu.memory_space<vmem>>, vector<16xi32>,
    %add3A_178 = arith.constant 64 : i32
    %add3A_179 = arith.addi %add3A_145, %add3A_178 : i32
    %add3A_180 = vector.broadcast %add3A_179 : i32 to vector<16xi32>
    %add3A_181 = arith.addi %add3A_180, %iota3A : vector<16xi32>
    %swap3A_182 = arith.constant 64 : index
    %swap3A_183 = tpu.vector_load %arg9[%swap3A_182] {strides = array<i32>} : memref<128xi32, #tpu.memory_space<vmem>>, vector<16xi32>,
    %swap3A_184 = vector.shape_cast %swap3A_183 : vector<16xi32> to vector<16xi32>
    %swap3A_185 = vector.shape_cast %add3A_181 : vector<16xi32> to vector<16xi32>
    tpu.vector_store %arg9[%swap3A_182], %swap3A_185 {strides = array<i32>} : memref<128xi32, #tpu.memory_space<vmem>>, vector<16xi32>,
    %add3A_186 = arith.constant 80 : i32
    %add3A_187 = arith.addi %add3A_145, %add3A_186 : i32
    %add3A_188 = vector.broadcast %add3A_187 : i32 to vector<16xi32>
    %add3A_189 = arith.addi %add3A_188, %iota3A : vector<16xi32>
    %swap3A_190 = arith.constant 80 : index
    %swap3A_191 = tpu.vector_load %arg9[%swap3A_190] {strides = array<i32>} : memref<128xi32, #tpu.memory_space<vmem>>, vector<16xi32>,
    %swap3A_192 = vector.shape_cast %swap3A_191 : vector<16xi32> to vector<16xi32>
    %swap3A_193 = vector.shape_cast %add3A_189 : vector<16xi32> to vector<16xi32>
    tpu.vector_store %arg9[%swap3A_190], %swap3A_193 {strides = array<i32>} : memref<128xi32, #tpu.memory_space<vmem>>, vector<16xi32>,
    %add3A_194 = arith.constant 96 : i32
    %add3A_195 = arith.addi %add3A_145, %add3A_194 : i32
    %add3A_196 = vector.broadcast %add3A_195 : i32 to vector<16xi32>
    %add3A_197 = arith.addi %add3A_196, %iota3A : vector<16xi32>
    %swap3A_198 = arith.constant 96 : index
    %swap3A_199 = tpu.vector_load %arg9[%swap3A_198] {strides = array<i32>} : memref<128xi32, #tpu.memory_space<vmem>>, vector<16xi32>,
    %swap3A_200 = vector.shape_cast %swap3A_199 : vector<16xi32> to vector<16xi32>
    %swap3A_201 = vector.shape_cast %add3A_197 : vector<16xi32> to vector<16xi32>
    tpu.vector_store %arg9[%swap3A_198], %swap3A_201 {strides = array<i32>} : memref<128xi32, #tpu.memory_space<vmem>>, vector<16xi32>,
    %add3A_202 = arith.constant 112 : i32
    %add3A_203 = arith.addi %add3A_145, %add3A_202 : i32
    %add3A_204 = vector.broadcast %add3A_203 : i32 to vector<16xi32>
    %add3A_205 = arith.addi %add3A_204, %iota3A : vector<16xi32>
    %swap3A_206 = arith.constant 112 : index
    %swap3A_207 = tpu.vector_load %arg9[%swap3A_206] {strides = array<i32>} : memref<128xi32, #tpu.memory_space<vmem>>, vector<16xi32>,
    %swap3A_208 = vector.shape_cast %swap3A_207 : vector<16xi32> to vector<16xi32>
    %swap3A_209 = vector.shape_cast %add3A_205 : vector<16xi32> to vector<16xi32>
    tpu.vector_store %arg9[%swap3A_206], %swap3A_209 {strides = array<i32>} : memref<128xi32, #tpu.memory_space<vmem>>, vector<16xi32>,
    "tpu.region"() ({
      %run_scoped3A = tpu.sem_alloc : memref<!tpu.dma_semaphore, #tpu.memory_space<semaphore_mem>>
      %dma_start3A = arith.constant 0 : i32
      %dma_start3A_693 = arith.constant 0 : i32
      %dma_start3A_694 = tpu.memref_slice %arg6[%dma_start3A, %dma_start3A_693] : memref<10240x128xf32, #tpu.memory_space<vmem_shared>> -> memref<10240x128xf32, #tpu.memory_space<vmem_shared>>
      tpu.enqueue_indirect_dma source(%arg10 : memref<128x128xf32, #tpu.memory_space<vmem>>) target(%dma_start3A_694 : memref<10240x128xf32, #tpu.memory_space<vmem_shared>>) offsets(%arg9 : memref<128xi32, #tpu.memory_space<vmem>>) semaphore(%run_scoped3A : memref<!tpu.dma_semaphore, #tpu.memory_space<semaphore_mem>>)
      %dma_wait3A = arith.constant 0 : i32
      %dma_wait3A_695 = arith.constant 0 : i32
      %dma_wait3A_696 = tpu.memref_slice %arg6[%dma_wait3A, %dma_wait3A_695] : memref<10240x128xf32, #tpu.memory_space<vmem_shared>> -> memref<10240x128xf32, #tpu.memory_space<vmem_shared>>
      tpu.wait_indirect_dma semaphore(%run_scoped3A : memref<!tpu.dma_semaphore, #tpu.memory_space<semaphore_mem>>) src(%arg10 : memref<128x128xf32, #tpu.memory_space<vmem>>) dst(%dma_wait3A_696 : memref<10240x128xf32, #tpu.memory_space<vmem_shared>>)
      tpu.yield
    }) : () -> ()
    %mul3A_210 = arith.constant 640 : i32
    %mul3A_211 = arith.muli %arg1, %mul3A_210 : i32
    %add3A_212 = arith.constant 384 : i32
    %add3A_213 = arith.addi %mul3A_211, %add3A_212 : i32
    %add3A_214 = arith.constant 0 : i32
    %add3A_215 = arith.addi %add3A_213, %add3A_214 : i32
    %add3A_216 = vector.broadcast %add3A_215 : i32 to vector<16xi32>
    %add3A_217 = arith.addi %add3A_216, %iota3A : vector<16xi32>
    %swap3A_218 = arith.constant 0 : index
    %swap3A_219 = tpu.vector_load %arg9[%swap3A_218] {strides = array<i32>} : memref<128xi32, #tpu.memory_space<vmem>>, vector<16xi32>,
    %swap3A_220 = vector.shape_cast %swap3A_219 : vector<16xi32> to vector<16xi32>
    %swap3A_221 = vector.shape_cast %add3A_217 : vector<16xi32> to vector<16xi32>
    tpu.vector_store %arg9[%swap3A_218], %swap3A_221 {strides = array<i32>} : memref<128xi32, #tpu.memory_space<vmem>>, vector<16xi32>,
    %add3A_222 = arith.constant 16 : i32
    %add3A_223 = arith.addi %add3A_213, %add3A_222 : i32
    %add3A_224 = vector.broadcast %add3A_223 : i32 to vector<16xi32>
    %add3A_225 = arith.addi %add3A_224, %iota3A : vector<16xi32>
    %swap3A_226 = arith.constant 16 : index
    %swap3A_227 = tpu.vector_load %arg9[%swap3A_226] {strides = array<i32>} : memref<128xi32, #tpu.memory_space<vmem>>, vector<16xi32>,
    %swap3A_228 = vector.shape_cast %swap3A_227 : vector<16xi32> to vector<16xi32>
    %swap3A_229 = vector.shape_cast %add3A_225 : vector<16xi32> to vector<16xi32>
    tpu.vector_store %arg9[%swap3A_226], %swap3A_229 {strides = array<i32>} : memref<128xi32, #tpu.memory_space<vmem>>, vector<16xi32>,
    %add3A_230 = arith.constant 32 : i32
    %add3A_231 = arith.addi %add3A_213, %add3A_230 : i32
    %add3A_232 = vector.broadcast %add3A_231 : i32 to vector<16xi32>
    %add3A_233 = arith.addi %add3A_232, %iota3A : vector<16xi32>
    %swap3A_234 = arith.constant 32 : index
    %swap3A_235 = tpu.vector_load %arg9[%swap3A_234] {strides = array<i32>} : memref<128xi32, #tpu.memory_space<vmem>>, vector<16xi32>,
    %swap3A_236 = vector.shape_cast %swap3A_235 : vector<16xi32> to vector<16xi32>
    %swap3A_237 = vector.shape_cast %add3A_233 : vector<16xi32> to vector<16xi32>
    tpu.vector_store %arg9[%swap3A_234], %swap3A_237 {strides = array<i32>} : memref<128xi32, #tpu.memory_space<vmem>>, vector<16xi32>,
    %add3A_238 = arith.constant 48 : i32
    %add3A_239 = arith.addi %add3A_213, %add3A_238 : i32
    %add3A_240 = vector.broadcast %add3A_239 : i32 to vector<16xi32>
    %add3A_241 = arith.addi %add3A_240, %iota3A : vector<16xi32>
    %swap3A_242 = arith.constant 48 : index
    %swap3A_243 = tpu.vector_load %arg9[%swap3A_242] {strides = array<i32>} : memref<128xi32, #tpu.memory_space<vmem>>, vector<16xi32>,
    %swap3A_244 = vector.shape_cast %swap3A_243 : vector<16xi32> to vector<16xi32>
    %swap3A_245 = vector.shape_cast %add3A_241 : vector<16xi32> to vector<16xi32>
    tpu.vector_store %arg9[%swap3A_242], %swap3A_245 {strides = array<i32>} : memref<128xi32, #tpu.memory_space<vmem>>, vector<16xi32>,
    %add3A_246 = arith.constant 64 : i32
    %add3A_247 = arith.addi %add3A_213, %add3A_246 : i32
    %add3A_248 = vector.broadcast %add3A_247 : i32 to vector<16xi32>
    %add3A_249 = arith.addi %add3A_248, %iota3A : vector<16xi32>
    %swap3A_250 = arith.constant 64 : index
    %swap3A_251 = tpu.vector_load %arg9[%swap3A_250] {strides = array<i32>} : memref<128xi32, #tpu.memory_space<vmem>>, vector<16xi32>,
    %swap3A_252 = vector.shape_cast %swap3A_251 : vector<16xi32> to vector<16xi32>
    %swap3A_253 = vector.shape_cast %add3A_249 : vector<16xi32> to vector<16xi32>
    tpu.vector_store %arg9[%swap3A_250], %swap3A_253 {strides = array<i32>} : memref<128xi32, #tpu.memory_space<vmem>>, vector<16xi32>,
    %add3A_254 = arith.constant 80 : i32
    %add3A_255 = arith.addi %add3A_213, %add3A_254 : i32
    %add3A_256 = vector.broadcast %add3A_255 : i32 to vector<16xi32>
    %add3A_257 = arith.addi %add3A_256, %iota3A : vector<16xi32>
    %swap3A_258 = arith.constant 80 : index
    %swap3A_259 = tpu.vector_load %arg9[%swap3A_258] {strides = array<i32>} : memref<128xi32, #tpu.memory_space<vmem>>, vector<16xi32>,
    %swap3A_260 = vector.shape_cast %swap3A_259 : vector<16xi32> to vector<16xi32>
    %swap3A_261 = vector.shape_cast %add3A_257 : vector<16xi32> to vector<16xi32>
    tpu.vector_store %arg9[%swap3A_258], %swap3A_261 {strides = array<i32>} : memref<128xi32, #tpu.memory_space<vmem>>, vector<16xi32>,
    %add3A_262 = arith.constant 96 : i32
    %add3A_263 = arith.addi %add3A_213, %add3A_262 : i32
    %add3A_264 = vector.broadcast %add3A_263 : i32 to vector<16xi32>
    %add3A_265 = arith.addi %add3A_264, %iota3A : vector<16xi32>
    %swap3A_266 = arith.constant 96 : index
    %swap3A_267 = tpu.vector_load %arg9[%swap3A_266] {strides = array<i32>} : memref<128xi32, #tpu.memory_space<vmem>>, vector<16xi32>,
    %swap3A_268 = vector.shape_cast %swap3A_267 : vector<16xi32> to vector<16xi32>
    %swap3A_269 = vector.shape_cast %add3A_265 : vector<16xi32> to vector<16xi32>
    tpu.vector_store %arg9[%swap3A_266], %swap3A_269 {strides = array<i32>} : memref<128xi32, #tpu.memory_space<vmem>>, vector<16xi32>,
    %add3A_270 = arith.constant 112 : i32
    %add3A_271 = arith.addi %add3A_213, %add3A_270 : i32
    %add3A_272 = vector.broadcast %add3A_271 : i32 to vector<16xi32>
    %add3A_273 = arith.addi %add3A_272, %iota3A : vector<16xi32>
    %swap3A_274 = arith.constant 112 : index
    %swap3A_275 = tpu.vector_load %arg9[%swap3A_274] {strides = array<i32>} : memref<128xi32, #tpu.memory_space<vmem>>, vector<16xi32>,
    %swap3A_276 = vector.shape_cast %swap3A_275 : vector<16xi32> to vector<16xi32>
    %swap3A_277 = vector.shape_cast %add3A_273 : vector<16xi32> to vector<16xi32>
    tpu.vector_store %arg9[%swap3A_274], %swap3A_277 {strides = array<i32>} : memref<128xi32, #tpu.memory_space<vmem>>, vector<16xi32>,
    "tpu.region"() ({
      %run_scoped3A = tpu.sem_alloc : memref<!tpu.dma_semaphore, #tpu.memory_space<semaphore_mem>>
      %dma_start3A = arith.constant 0 : i32
      %dma_start3A_693 = arith.constant 0 : i32
      %dma_start3A_694 = tpu.memref_slice %arg6[%dma_start3A, %dma_start3A_693] : memref<10240x128xf32, #tpu.memory_space<vmem_shared>> -> memref<10240x128xf32, #tpu.memory_space<vmem_shared>>
      tpu.enqueue_indirect_dma source(%arg10 : memref<128x128xf32, #tpu.memory_space<vmem>>) target(%dma_start3A_694 : memref<10240x128xf32, #tpu.memory_space<vmem_shared>>) offsets(%arg9 : memref<128xi32, #tpu.memory_space<vmem>>) semaphore(%run_scoped3A : memref<!tpu.dma_semaphore, #tpu.memory_space<semaphore_mem>>)
      %dma_wait3A = arith.constant 0 : i32
      %dma_wait3A_695 = arith.constant 0 : i32
      %dma_wait3A_696 = tpu.memref_slice %arg6[%dma_wait3A, %dma_wait3A_695] : memref<10240x128xf32, #tpu.memory_space<vmem_shared>> -> memref<10240x128xf32, #tpu.memory_space<vmem_shared>>
      tpu.wait_indirect_dma semaphore(%run_scoped3A : memref<!tpu.dma_semaphore, #tpu.memory_space<semaphore_mem>>) src(%arg10 : memref<128x128xf32, #tpu.memory_space<vmem>>) dst(%dma_wait3A_696 : memref<10240x128xf32, #tpu.memory_space<vmem_shared>>)
      tpu.yield
    }) : () -> ()
    %mul3A_278 = arith.constant 640 : i32
    %mul3A_279 = arith.muli %arg1, %mul3A_278 : i32
    %add3A_280 = arith.constant 512 : i32
    %add3A_281 = arith.addi %mul3A_279, %add3A_280 : i32
    %add3A_282 = arith.constant 0 : i32
    %add3A_283 = arith.addi %add3A_281, %add3A_282 : i32
    %add3A_284 = vector.broadcast %add3A_283 : i32 to vector<16xi32>
    %add3A_285 = arith.addi %add3A_284, %iota3A : vector<16xi32>
    %swap3A_286 = arith.constant 0 : index
    %swap3A_287 = tpu.vector_load %arg9[%swap3A_286] {strides = array<i32>} : memref<128xi32, #tpu.memory_space<vmem>>, vector<16xi32>,
    %swap3A_288 = vector.shape_cast %swap3A_287 : vector<16xi32> to vector<16xi32>
    %swap3A_289 = vector.shape_cast %add3A_285 : vector<16xi32> to vector<16xi32>
    tpu.vector_store %arg9[%swap3A_286], %swap3A_289 {strides = array<i32>} : memref<128xi32, #tpu.memory_space<vmem>>, vector<16xi32>,
    %add3A_290 = arith.constant 16 : i32
    %add3A_291 = arith.addi %add3A_281, %add3A_290 : i32
    %add3A_292 = vector.broadcast %add3A_291 : i32 to vector<16xi32>
    %add3A_293 = arith.addi %add3A_292, %iota3A : vector<16xi32>
    %swap3A_294 = arith.constant 16 : index
    %swap3A_295 = tpu.vector_load %arg9[%swap3A_294] {strides = array<i32>} : memref<128xi32, #tpu.memory_space<vmem>>, vector<16xi32>,
    %swap3A_296 = vector.shape_cast %swap3A_295 : vector<16xi32> to vector<16xi32>
    %swap3A_297 = vector.shape_cast %add3A_293 : vector<16xi32> to vector<16xi32>
    tpu.vector_store %arg9[%swap3A_294], %swap3A_297 {strides = array<i32>} : memref<128xi32, #tpu.memory_space<vmem>>, vector<16xi32>,
    %add3A_298 = arith.constant 32 : i32
    %add3A_299 = arith.addi %add3A_281, %add3A_298 : i32
    %add3A_300 = vector.broadcast %add3A_299 : i32 to vector<16xi32>
    %add3A_301 = arith.addi %add3A_300, %iota3A : vector<16xi32>
    %swap3A_302 = arith.constant 32 : index
    %swap3A_303 = tpu.vector_load %arg9[%swap3A_302] {strides = array<i32>} : memref<128xi32, #tpu.memory_space<vmem>>, vector<16xi32>,
    %swap3A_304 = vector.shape_cast %swap3A_303 : vector<16xi32> to vector<16xi32>
    %swap3A_305 = vector.shape_cast %add3A_301 : vector<16xi32> to vector<16xi32>
    tpu.vector_store %arg9[%swap3A_302], %swap3A_305 {strides = array<i32>} : memref<128xi32, #tpu.memory_space<vmem>>, vector<16xi32>,
    %add3A_306 = arith.constant 48 : i32
    %add3A_307 = arith.addi %add3A_281, %add3A_306 : i32
    %add3A_308 = vector.broadcast %add3A_307 : i32 to vector<16xi32>
    %add3A_309 = arith.addi %add3A_308, %iota3A : vector<16xi32>
    %swap3A_310 = arith.constant 48 : index
    %swap3A_311 = tpu.vector_load %arg9[%swap3A_310] {strides = array<i32>} : memref<128xi32, #tpu.memory_space<vmem>>, vector<16xi32>,
    %swap3A_312 = vector.shape_cast %swap3A_311 : vector<16xi32> to vector<16xi32>
    %swap3A_313 = vector.shape_cast %add3A_309 : vector<16xi32> to vector<16xi32>
    tpu.vector_store %arg9[%swap3A_310], %swap3A_313 {strides = array<i32>} : memref<128xi32, #tpu.memory_space<vmem>>, vector<16xi32>,
    %add3A_314 = arith.constant 64 : i32
    %add3A_315 = arith.addi %add3A_281, %add3A_314 : i32
    %add3A_316 = vector.broadcast %add3A_315 : i32 to vector<16xi32>
    %add3A_317 = arith.addi %add3A_316, %iota3A : vector<16xi32>
    %swap3A_318 = arith.constant 64 : index
    %swap3A_319 = tpu.vector_load %arg9[%swap3A_318] {strides = array<i32>} : memref<128xi32, #tpu.memory_space<vmem>>, vector<16xi32>,
    %swap3A_320 = vector.shape_cast %swap3A_319 : vector<16xi32> to vector<16xi32>
    %swap3A_321 = vector.shape_cast %add3A_317 : vector<16xi32> to vector<16xi32>
    tpu.vector_store %arg9[%swap3A_318], %swap3A_321 {strides = array<i32>} : memref<128xi32, #tpu.memory_space<vmem>>, vector<16xi32>,
    %add3A_322 = arith.constant 80 : i32
    %add3A_323 = arith.addi %add3A_281, %add3A_322 : i32
    %add3A_324 = vector.broadcast %add3A_323 : i32 to vector<16xi32>
    %add3A_325 = arith.addi %add3A_324, %iota3A : vector<16xi32>
    %swap3A_326 = arith.constant 80 : index
    %swap3A_327 = tpu.vector_load %arg9[%swap3A_326] {strides = array<i32>} : memref<128xi32, #tpu.memory_space<vmem>>, vector<16xi32>,
    %swap3A_328 = vector.shape_cast %swap3A_327 : vector<16xi32> to vector<16xi32>
    %swap3A_329 = vector.shape_cast %add3A_325 : vector<16xi32> to vector<16xi32>
    tpu.vector_store %arg9[%swap3A_326], %swap3A_329 {strides = array<i32>} : memref<128xi32, #tpu.memory_space<vmem>>, vector<16xi32>,
    %add3A_330 = arith.constant 96 : i32
    %add3A_331 = arith.addi %add3A_281, %add3A_330 : i32
    %add3A_332 = vector.broadcast %add3A_331 : i32 to vector<16xi32>
    %add3A_333 = arith.addi %add3A_332, %iota3A : vector<16xi32>
    %swap3A_334 = arith.constant 96 : index
    %swap3A_335 = tpu.vector_load %arg9[%swap3A_334] {strides = array<i32>} : memref<128xi32, #tpu.memory_space<vmem>>, vector<16xi32>,
    %swap3A_336 = vector.shape_cast %swap3A_335 : vector<16xi32> to vector<16xi32>
    %swap3A_337 = vector.shape_cast %add3A_333 : vector<16xi32> to vector<16xi32>
    tpu.vector_store %arg9[%swap3A_334], %swap3A_337 {strides = array<i32>} : memref<128xi32, #tpu.memory_space<vmem>>, vector<16xi32>,
    %add3A_338 = arith.constant 112 : i32
    %add3A_339 = arith.addi %add3A_281, %add3A_338 : i32
    %add3A_340 = vector.broadcast %add3A_339 : i32 to vector<16xi32>
    %add3A_341 = arith.addi %add3A_340, %iota3A : vector<16xi32>
    %swap3A_342 = arith.constant 112 : index
    %swap3A_343 = tpu.vector_load %arg9[%swap3A_342] {strides = array<i32>} : memref<128xi32, #tpu.memory_space<vmem>>, vector<16xi32>,
    %swap3A_344 = vector.shape_cast %swap3A_343 : vector<16xi32> to vector<16xi32>
    %swap3A_345 = vector.shape_cast %add3A_341 : vector<16xi32> to vector<16xi32>
    tpu.vector_store %arg9[%swap3A_342], %swap3A_345 {strides = array<i32>} : memref<128xi32, #tpu.memory_space<vmem>>, vector<16xi32>,
    "tpu.region"() ({
      %run_scoped3A = tpu.sem_alloc : memref<!tpu.dma_semaphore, #tpu.memory_space<semaphore_mem>>
      %dma_start3A = arith.constant 0 : i32
      %dma_start3A_693 = arith.constant 0 : i32
      %dma_start3A_694 = tpu.memref_slice %arg6[%dma_start3A, %dma_start3A_693] : memref<10240x128xf32, #tpu.memory_space<vmem_shared>> -> memref<10240x128xf32, #tpu.memory_space<vmem_shared>>
      tpu.enqueue_indirect_dma source(%arg10 : memref<128x128xf32, #tpu.memory_space<vmem>>) target(%dma_start3A_694 : memref<10240x128xf32, #tpu.memory_space<vmem_shared>>) offsets(%arg9 : memref<128xi32, #tpu.memory_space<vmem>>) semaphore(%run_scoped3A : memref<!tpu.dma_semaphore, #tpu.memory_space<semaphore_mem>>)
      %dma_wait3A = arith.constant 0 : i32
      %dma_wait3A_695 = arith.constant 0 : i32
      %dma_wait3A_696 = tpu.memref_slice %arg6[%dma_wait3A, %dma_wait3A_695] : memref<10240x128xf32, #tpu.memory_space<vmem_shared>> -> memref<10240x128xf32, #tpu.memory_space<vmem_shared>>
      tpu.wait_indirect_dma semaphore(%run_scoped3A : memref<!tpu.dma_semaphore, #tpu.memory_space<semaphore_mem>>) src(%arg10 : memref<128x128xf32, #tpu.memory_space<vmem>>) dst(%dma_wait3A_696 : memref<10240x128xf32, #tpu.memory_space<vmem_shared>>)
      tpu.yield
    }) : () -> ()
    %barrier3A = arith.constant 0 : index
    tpu.barrier barrier_id(%barrier3A)
    %scan3A_346 = arith.constant 0 : i32
    %scan3A_347 = arith.constant 0 : i32
    %scan3A_348 = arith.constant 20 : i32
    %scan3A_349 = arith.addi %scan3A_347, %scan3A_348 : i32
    %scan3A_350 = arith.constant 1 : i32
    scf.for %scan3A_693 = %scan3A_347 to %scan3A_349 step %scan3A_350  : i32 {
      %mul3A_694 = arith.constant 32 : i32
      %mul3A_695 = arith.muli %scan3A_693, %mul3A_694 : i32
      %add3A_696 = arith.addi %add3A, %mul3A_695 : i32
      %lt3A = arith.constant 625 : i32
      %lt3A_697 = arith.cmpi slt, %add3A_696, %lt3A : i32
      %convert_element_type3A = arith.extui %lt3A_697 : i1 to i32
      %cond3A = arith.constant 0 : i32
      %cond3A_698 = arith.cmpi ne, %convert_element_type3A, %cond3A : i32
      scf.if %cond3A_698 {
        %mul3A_699 = arith.constant 4 : i32
        %mul3A_700 = arith.muli %add3A_696, %mul3A_699 : i32
        "tpu.region"() ({
          %run_scoped3A_760 = tpu.sem_alloc : memref<!tpu.dma_semaphore, #tpu.memory_space<semaphore_mem>>
          %dma_start3A_761 = arith.constant 0 : i32
          %dma_start3A_762 = tpu.memref_slice %arg3[%mul3A_700, %dma_start3A_761] : memref<2500x128xi32, #tpu.memory_space<hbm>> -> memref<4x128xi32, #tpu.memory_space<hbm>>
          %dma_start3A_763 = arith.constant 0 : i32
          %dma_start3A_764 = tpu.memref_slice %arg3[%mul3A_700, %dma_start3A_763] : memref<2500x128xi32, #tpu.memory_space<hbm>> -> memref<4x128xi32, #tpu.memory_space<hbm>>
          tpu.enqueue_dma source(%dma_start3A_764 : memref<4x128xi32, #tpu.memory_space<hbm>>) target(%arg7 : memref<4x128xi32, #tpu.memory_space<vmem>>) target_semaphore(%run_scoped3A_760 : memref<!tpu.dma_semaphore, #tpu.memory_space<semaphore_mem>>)
          %dma_wait3A_765 = arith.constant 0 : i32
          %dma_wait3A_766 = tpu.memref_slice %arg3[%mul3A_700, %dma_wait3A_765] : memref<2500x128xi32, #tpu.memory_space<hbm>> -> memref<4x128xi32, #tpu.memory_space<hbm>>
          %dma_wait3A_767 = arith.constant 0 : i32
          %dma_wait3A_768 = tpu.memref_slice %arg3[%mul3A_700, %dma_wait3A_767] : memref<2500x128xi32, #tpu.memory_space<hbm>> -> memref<4x128xi32, #tpu.memory_space<hbm>>
          tpu.wait_dma2 semaphore(%run_scoped3A_760 : memref<!tpu.dma_semaphore, #tpu.memory_space<semaphore_mem>>) src(%dma_wait3A_768 : memref<4x128xi32, #tpu.memory_space<hbm>>) dst(%arg7 : memref<4x128xi32, #tpu.memory_space<vmem>>)
          tpu.yield
        }) : () -> ()
        %mul3A_701 = arith.constant 4 : i32
        %mul3A_702 = arith.muli %add3A_696, %mul3A_701 : i32
        "tpu.region"() ({
          %run_scoped3A_760 = tpu.sem_alloc : memref<!tpu.dma_semaphore, #tpu.memory_space<semaphore_mem>>
          %dma_start3A_761 = arith.constant 0 : i32
          %dma_start3A_762 = tpu.memref_slice %arg4[%mul3A_702, %dma_start3A_761] : memref<2500x128xi32, #tpu.memory_space<hbm>> -> memref<4x128xi32, #tpu.memory_space<hbm>>
          %dma_start3A_763 = arith.constant 0 : i32
          %dma_start3A_764 = tpu.memref_slice %arg4[%mul3A_702, %dma_start3A_763] : memref<2500x128xi32, #tpu.memory_space<hbm>> -> memref<4x128xi32, #tpu.memory_space<hbm>>
          tpu.enqueue_dma source(%dma_start3A_764 : memref<4x128xi32, #tpu.memory_space<hbm>>) target(%arg8 : memref<4x128xi32, #tpu.memory_space<vmem>>) target_semaphore(%run_scoped3A_760 : memref<!tpu.dma_semaphore, #tpu.memory_space<semaphore_mem>>)
          %dma_wait3A_765 = arith.constant 0 : i32
          %dma_wait3A_766 = tpu.memref_slice %arg4[%mul3A_702, %dma_wait3A_765] : memref<2500x128xi32, #tpu.memory_space<hbm>> -> memref<4x128xi32, #tpu.memory_space<hbm>>
          %dma_wait3A_767 = arith.constant 0 : i32
          %dma_wait3A_768 = tpu.memref_slice %arg4[%mul3A_702, %dma_wait3A_767] : memref<2500x128xi32, #tpu.memory_space<hbm>> -> memref<4x128xi32, #tpu.memory_space<hbm>>
          tpu.wait_dma2 semaphore(%run_scoped3A_760 : memref<!tpu.dma_semaphore, #tpu.memory_space<semaphore_mem>>) src(%dma_wait3A_768 : memref<4x128xi32, #tpu.memory_space<hbm>>) dst(%arg8 : memref<4x128xi32, #tpu.memory_space<vmem>>)
          tpu.yield
        }) : () -> ()
        %dma_start3A = arith.constant 0 : i32
        %dma_start3A_703 = arith.constant 0 : i32
        %dma_start3A_704 = tpu.memref_slice %arg7[%dma_start3A, %dma_start3A_703] : memref<4x128xi32, #tpu.memory_space<vmem>> -> memref<1x128xi32, #tpu.memory_space<vmem>>
        %dma_start3A_705 = tpu.memref_squeeze %dma_start3A_704 : memref<1x128xi32, #tpu.memory_space<vmem>> -> memref<128xi32, #tpu.memory_space<vmem>>
        %dma_start3A_706 = arith.constant 0 : i32
        %dma_start3A_707 = arith.constant 0 : i32
        %dma_start3A_708 = tpu.memref_slice %arg2[%dma_start3A_706, %dma_start3A_707] : memref<112640x128xf32, #tpu.memory_space<hbm>> -> memref<112640x128xf32, #tpu.memory_space<hbm>>
        tpu.enqueue_indirect_dma source(%dma_start3A_708 : memref<112640x128xf32, #tpu.memory_space<hbm>>) target(%arg10 : memref<128x128xf32, #tpu.memory_space<vmem>>) offsets(%dma_start3A_705 : memref<128xi32, #tpu.memory_space<vmem>>) semaphore(%arg12 : memref<!tpu.dma_semaphore, #tpu.memory_space<semaphore_mem>>)
        %dma_wait3A = arith.constant 0 : i32
        %dma_wait3A_709 = arith.constant 0 : i32
        %dma_wait3A_710 = tpu.memref_slice %arg7[%dma_wait3A, %dma_wait3A_709] : memref<4x128xi32, #tpu.memory_space<vmem>> -> memref<1x128xi32, #tpu.memory_space<vmem>>
        %dma_wait3A_711 = tpu.memref_squeeze %dma_wait3A_710 : memref<1x128xi32, #tpu.memory_space<vmem>> -> memref<128xi32, #tpu.memory_space<vmem>>
        %dma_wait3A_712 = arith.constant 0 : i32
        %dma_wait3A_713 = arith.constant 0 : i32
        %dma_wait3A_714 = tpu.memref_slice %arg2[%dma_wait3A_712, %dma_wait3A_713] : memref<112640x128xf32, #tpu.memory_space<hbm>> -> memref<112640x128xf32, #tpu.memory_space<hbm>>
        tpu.wait_indirect_dma semaphore(%arg12 : memref<!tpu.dma_semaphore, #tpu.memory_space<semaphore_mem>>) src(%dma_wait3A_714 : memref<112640x128xf32, #tpu.memory_space<hbm>>) dst(%arg10 : memref<128x128xf32, #tpu.memory_space<vmem>>)
        %dma_start3A_715 = arith.constant 1 : i32
        %dma_start3A_716 = arith.constant 0 : i32
        %dma_start3A_717 = tpu.memref_slice %arg7[%dma_start3A_715, %dma_start3A_716] : memref<4x128xi32, #tpu.memory_space<vmem>> -> memref<1x128xi32, #tpu.memory_space<vmem>>
        %dma_start3A_718 = tpu.memref_squeeze %dma_start3A_717 : memref<1x128xi32, #tpu.memory_space<vmem>> -> memref<128xi32, #tpu.memory_space<vmem>>
        %dma_start3A_719 = arith.constant 0 : i32
        %dma_start3A_720 = arith.constant 0 : i32
        %dma_start3A_721 = tpu.memref_slice %arg2[%dma_start3A_719, %dma_start3A_720] : memref<112640x128xf32, #tpu.memory_space<hbm>> -> memref<112640x128xf32, #tpu.memory_space<hbm>>
        tpu.enqueue_indirect_dma source(%dma_start3A_721 : memref<112640x128xf32, #tpu.memory_space<hbm>>) target(%arg11 : memref<128x128xf32, #tpu.memory_space<vmem>>) offsets(%dma_start3A_718 : memref<128xi32, #tpu.memory_space<vmem>>) semaphore(%arg13 : memref<!tpu.dma_semaphore, #tpu.memory_space<semaphore_mem>>)
        %run_scoped3A = arith.constant 0 : i32
        "tpu.region"() ({
          %run_scoped3A_760 = tpu.sem_alloc : memref<!tpu.dma_semaphore, #tpu.memory_space<semaphore_mem>>
          %dma_start3A_761 = arith.constant 0 : i32
          %dma_start3A_762 = tpu.memref_slice %arg8[%run_scoped3A, %dma_start3A_761] : memref<4x128xi32, #tpu.memory_space<vmem>> -> memref<1x128xi32, #tpu.memory_space<vmem>>
          %dma_start3A_763 = tpu.memref_squeeze %dma_start3A_762 : memref<1x128xi32, #tpu.memory_space<vmem>> -> memref<128xi32, #tpu.memory_space<vmem>>
          %dma_start3A_764 = arith.constant 0 : i32
          %dma_start3A_765 = arith.constant 0 : i32
          %dma_start3A_766 = tpu.memref_slice %arg6[%dma_start3A_764, %dma_start3A_765] : memref<10240x128xf32, #tpu.memory_space<vmem_shared>> -> memref<10240x128xf32, #tpu.memory_space<vmem_shared>>
          tpu.enqueue_indirect_dma source(%arg10 : memref<128x128xf32, #tpu.memory_space<vmem>>) target(%dma_start3A_766 : memref<10240x128xf32, #tpu.memory_space<vmem_shared>>) offsets(%dma_start3A_763 : memref<128xi32, #tpu.memory_space<vmem>>) semaphore(%run_scoped3A_760 : memref<!tpu.dma_semaphore, #tpu.memory_space<semaphore_mem>>) {add = true}
          %dma_wait3A_767 = arith.constant 0 : i32
          %dma_wait3A_768 = tpu.memref_slice %arg8[%run_scoped3A, %dma_wait3A_767] : memref<4x128xi32, #tpu.memory_space<vmem>> -> memref<1x128xi32, #tpu.memory_space<vmem>>
          %dma_wait3A_769 = tpu.memref_squeeze %dma_wait3A_768 : memref<1x128xi32, #tpu.memory_space<vmem>> -> memref<128xi32, #tpu.memory_space<vmem>>
          %dma_wait3A_770 = arith.constant 0 : i32
          %dma_wait3A_771 = arith.constant 0 : i32
          %dma_wait3A_772 = tpu.memref_slice %arg6[%dma_wait3A_770, %dma_wait3A_771] : memref<10240x128xf32, #tpu.memory_space<vmem_shared>> -> memref<10240x128xf32, #tpu.memory_space<vmem_shared>>
          tpu.wait_indirect_dma semaphore(%run_scoped3A_760 : memref<!tpu.dma_semaphore, #tpu.memory_space<semaphore_mem>>) src(%arg10 : memref<128x128xf32, #tpu.memory_space<vmem>>) dst(%dma_wait3A_772 : memref<10240x128xf32, #tpu.memory_space<vmem_shared>>)
          tpu.yield
        }) : () -> ()
        %dma_wait3A_722 = arith.constant 1 : i32
        %dma_wait3A_723 = arith.constant 0 : i32
        %dma_wait3A_724 = tpu.memref_slice %arg7[%dma_wait3A_722, %dma_wait3A_723] : memref<4x128xi32, #tpu.memory_space<vmem>> -> memref<1x128xi32, #tpu.memory_space<vmem>>
        %dma_wait3A_725 = tpu.memref_squeeze %dma_wait3A_724 : memref<1x128xi32, #tpu.memory_space<vmem>> -> memref<128xi32, #tpu.memory_space<vmem>>
        %dma_wait3A_726 = arith.constant 0 : i32
        %dma_wait3A_727 = arith.constant 0 : i32
        %dma_wait3A_728 = tpu.memref_slice %arg2[%dma_wait3A_726, %dma_wait3A_727] : memref<112640x128xf32, #tpu.memory_space<hbm>> -> memref<112640x128xf32, #tpu.memory_space<hbm>>
        tpu.wait_indirect_dma semaphore(%arg13 : memref<!tpu.dma_semaphore, #tpu.memory_space<semaphore_mem>>) src(%dma_wait3A_728 : memref<112640x128xf32, #tpu.memory_space<hbm>>) dst(%arg11 : memref<128x128xf32, #tpu.memory_space<vmem>>)
        %dma_start3A_729 = arith.constant 2 : i32
        %dma_start3A_730 = arith.constant 0 : i32
        %dma_start3A_731 = tpu.memref_slice %arg7[%dma_start3A_729, %dma_start3A_730] : memref<4x128xi32, #tpu.memory_space<vmem>> -> memref<1x128xi32, #tpu.memory_space<vmem>>
        %dma_start3A_732 = tpu.memref_squeeze %dma_start3A_731 : memref<1x128xi32, #tpu.memory_space<vmem>> -> memref<128xi32, #tpu.memory_space<vmem>>
        %dma_start3A_733 = arith.constant 0 : i32
        %dma_start3A_734 = arith.constant 0 : i32
        %dma_start3A_735 = tpu.memref_slice %arg2[%dma_start3A_733, %dma_start3A_734] : memref<112640x128xf32, #tpu.memory_space<hbm>> -> memref<112640x128xf32, #tpu.memory_space<hbm>>
        tpu.enqueue_indirect_dma source(%dma_start3A_735 : memref<112640x128xf32, #tpu.memory_space<hbm>>) target(%arg10 : memref<128x128xf32, #tpu.memory_space<vmem>>) offsets(%dma_start3A_732 : memref<128xi32, #tpu.memory_space<vmem>>) semaphore(%arg12 : memref<!tpu.dma_semaphore, #tpu.memory_space<semaphore_mem>>)
        %run_scoped3A_736 = arith.constant 1 : i32
        "tpu.region"() ({
          %run_scoped3A_760 = tpu.sem_alloc : memref<!tpu.dma_semaphore, #tpu.memory_space<semaphore_mem>>
          %dma_start3A_761 = arith.constant 0 : i32
          %dma_start3A_762 = tpu.memref_slice %arg8[%run_scoped3A_736, %dma_start3A_761] : memref<4x128xi32, #tpu.memory_space<vmem>> -> memref<1x128xi32, #tpu.memory_space<vmem>>
          %dma_start3A_763 = tpu.memref_squeeze %dma_start3A_762 : memref<1x128xi32, #tpu.memory_space<vmem>> -> memref<128xi32, #tpu.memory_space<vmem>>
          %dma_start3A_764 = arith.constant 0 : i32
          %dma_start3A_765 = arith.constant 0 : i32
          %dma_start3A_766 = tpu.memref_slice %arg6[%dma_start3A_764, %dma_start3A_765] : memref<10240x128xf32, #tpu.memory_space<vmem_shared>> -> memref<10240x128xf32, #tpu.memory_space<vmem_shared>>
          tpu.enqueue_indirect_dma source(%arg11 : memref<128x128xf32, #tpu.memory_space<vmem>>) target(%dma_start3A_766 : memref<10240x128xf32, #tpu.memory_space<vmem_shared>>) offsets(%dma_start3A_763 : memref<128xi32, #tpu.memory_space<vmem>>) semaphore(%run_scoped3A_760 : memref<!tpu.dma_semaphore, #tpu.memory_space<semaphore_mem>>) {add = true}
          %dma_wait3A_767 = arith.constant 0 : i32
          %dma_wait3A_768 = tpu.memref_slice %arg8[%run_scoped3A_736, %dma_wait3A_767] : memref<4x128xi32, #tpu.memory_space<vmem>> -> memref<1x128xi32, #tpu.memory_space<vmem>>
          %dma_wait3A_769 = tpu.memref_squeeze %dma_wait3A_768 : memref<1x128xi32, #tpu.memory_space<vmem>> -> memref<128xi32, #tpu.memory_space<vmem>>
          %dma_wait3A_770 = arith.constant 0 : i32
          %dma_wait3A_771 = arith.constant 0 : i32
          %dma_wait3A_772 = tpu.memref_slice %arg6[%dma_wait3A_770, %dma_wait3A_771] : memref<10240x128xf32, #tpu.memory_space<vmem_shared>> -> memref<10240x128xf32, #tpu.memory_space<vmem_shared>>
          tpu.wait_indirect_dma semaphore(%run_scoped3A_760 : memref<!tpu.dma_semaphore, #tpu.memory_space<semaphore_mem>>) src(%arg11 : memref<128x128xf32, #tpu.memory_space<vmem>>) dst(%dma_wait3A_772 : memref<10240x128xf32, #tpu.memory_space<vmem_shared>>)
          tpu.yield
        }) : () -> ()
        %dma_wait3A_737 = arith.constant 2 : i32
        %dma_wait3A_738 = arith.constant 0 : i32
        %dma_wait3A_739 = tpu.memref_slice %arg7[%dma_wait3A_737, %dma_wait3A_738] : memref<4x128xi32, #tpu.memory_space<vmem>> -> memref<1x128xi32, #tpu.memory_space<vmem>>
        %dma_wait3A_740 = tpu.memref_squeeze %dma_wait3A_739 : memref<1x128xi32, #tpu.memory_space<vmem>> -> memref<128xi32, #tpu.memory_space<vmem>>
        %dma_wait3A_741 = arith.constant 0 : i32
        %dma_wait3A_742 = arith.constant 0 : i32
        %dma_wait3A_743 = tpu.memref_slice %arg2[%dma_wait3A_741, %dma_wait3A_742] : memref<112640x128xf32, #tpu.memory_space<hbm>> -> memref<112640x128xf32, #tpu.memory_space<hbm>>
        tpu.wait_indirect_dma semaphore(%arg12 : memref<!tpu.dma_semaphore, #tpu.memory_space<semaphore_mem>>) src(%dma_wait3A_743 : memref<112640x128xf32, #tpu.memory_space<hbm>>) dst(%arg10 : memref<128x128xf32, #tpu.memory_space<vmem>>)
        %dma_start3A_744 = arith.constant 3 : i32
        %dma_start3A_745 = arith.constant 0 : i32
        %dma_start3A_746 = tpu.memref_slice %arg7[%dma_start3A_744, %dma_start3A_745] : memref<4x128xi32, #tpu.memory_space<vmem>> -> memref<1x128xi32, #tpu.memory_space<vmem>>
        %dma_start3A_747 = tpu.memref_squeeze %dma_start3A_746 : memref<1x128xi32, #tpu.memory_space<vmem>> -> memref<128xi32, #tpu.memory_space<vmem>>
        %dma_start3A_748 = arith.constant 0 : i32
        %dma_start3A_749 = arith.constant 0 : i32
        %dma_start3A_750 = tpu.memref_slice %arg2[%dma_start3A_748, %dma_start3A_749] : memref<112640x128xf32, #tpu.memory_space<hbm>> -> memref<112640x128xf32, #tpu.memory_space<hbm>>
        tpu.enqueue_indirect_dma source(%dma_start3A_750 : memref<112640x128xf32, #tpu.memory_space<hbm>>) target(%arg11 : memref<128x128xf32, #tpu.memory_space<vmem>>) offsets(%dma_start3A_747 : memref<128xi32, #tpu.memory_space<vmem>>) semaphore(%arg13 : memref<!tpu.dma_semaphore, #tpu.memory_space<semaphore_mem>>)
        %run_scoped3A_751 = arith.constant 2 : i32
        "tpu.region"() ({
          %run_scoped3A_760 = tpu.sem_alloc : memref<!tpu.dma_semaphore, #tpu.memory_space<semaphore_mem>>
          %dma_start3A_761 = arith.constant 0 : i32
          %dma_start3A_762 = tpu.memref_slice %arg8[%run_scoped3A_751, %dma_start3A_761] : memref<4x128xi32, #tpu.memory_space<vmem>> -> memref<1x128xi32, #tpu.memory_space<vmem>>
          %dma_start3A_763 = tpu.memref_squeeze %dma_start3A_762 : memref<1x128xi32, #tpu.memory_space<vmem>> -> memref<128xi32, #tpu.memory_space<vmem>>
          %dma_start3A_764 = arith.constant 0 : i32
          %dma_start3A_765 = arith.constant 0 : i32
          %dma_start3A_766 = tpu.memref_slice %arg6[%dma_start3A_764, %dma_start3A_765] : memref<10240x128xf32, #tpu.memory_space<vmem_shared>> -> memref<10240x128xf32, #tpu.memory_space<vmem_shared>>
          tpu.enqueue_indirect_dma source(%arg10 : memref<128x128xf32, #tpu.memory_space<vmem>>) target(%dma_start3A_766 : memref<10240x128xf32, #tpu.memory_space<vmem_shared>>) offsets(%dma_start3A_763 : memref<128xi32, #tpu.memory_space<vmem>>) semaphore(%run_scoped3A_760 : memref<!tpu.dma_semaphore, #tpu.memory_space<semaphore_mem>>) {add = true}
          %dma_wait3A_767 = arith.constant 0 : i32
          %dma_wait3A_768 = tpu.memref_slice %arg8[%run_scoped3A_751, %dma_wait3A_767] : memref<4x128xi32, #tpu.memory_space<vmem>> -> memref<1x128xi32, #tpu.memory_space<vmem>>
          %dma_wait3A_769 = tpu.memref_squeeze %dma_wait3A_768 : memref<1x128xi32, #tpu.memory_space<vmem>> -> memref<128xi32, #tpu.memory_space<vmem>>
          %dma_wait3A_770 = arith.constant 0 : i32
          %dma_wait3A_771 = arith.constant 0 : i32
          %dma_wait3A_772 = tpu.memref_slice %arg6[%dma_wait3A_770, %dma_wait3A_771] : memref<10240x128xf32, #tpu.memory_space<vmem_shared>> -> memref<10240x128xf32, #tpu.memory_space<vmem_shared>>
          tpu.wait_indirect_dma semaphore(%run_scoped3A_760 : memref<!tpu.dma_semaphore, #tpu.memory_space<semaphore_mem>>) src(%arg10 : memref<128x128xf32, #tpu.memory_space<vmem>>) dst(%dma_wait3A_772 : memref<10240x128xf32, #tpu.memory_space<vmem_shared>>)
          tpu.yield
        }) : () -> ()
        %dma_wait3A_752 = arith.constant 3 : i32
        %dma_wait3A_753 = arith.constant 0 : i32
        %dma_wait3A_754 = tpu.memref_slice %arg7[%dma_wait3A_752, %dma_wait3A_753] : memref<4x128xi32, #tpu.memory_space<vmem>> -> memref<1x128xi32, #tpu.memory_space<vmem>>
        %dma_wait3A_755 = tpu.memref_squeeze %dma_wait3A_754 : memref<1x128xi32, #tpu.memory_space<vmem>> -> memref<128xi32, #tpu.memory_space<vmem>>
        %dma_wait3A_756 = arith.constant 0 : i32
        %dma_wait3A_757 = arith.constant 0 : i32
        %dma_wait3A_758 = tpu.memref_slice %arg2[%dma_wait3A_756, %dma_wait3A_757] : memref<112640x128xf32, #tpu.memory_space<hbm>> -> memref<112640x128xf32, #tpu.memory_space<hbm>>
        tpu.wait_indirect_dma semaphore(%arg13 : memref<!tpu.dma_semaphore, #tpu.memory_space<semaphore_mem>>) src(%dma_wait3A_758 : memref<112640x128xf32, #tpu.memory_space<hbm>>) dst(%arg11 : memref<128x128xf32, #tpu.memory_space<vmem>>)
        %run_scoped3A_759 = arith.constant 3 : i32
        "tpu.region"() ({
          %run_scoped3A_760 = tpu.sem_alloc : memref<!tpu.dma_semaphore, #tpu.memory_space<semaphore_mem>>
          %dma_start3A_761 = arith.constant 0 : i32
          %dma_start3A_762 = tpu.memref_slice %arg8[%run_scoped3A_759, %dma_start3A_761] : memref<4x128xi32, #tpu.memory_space<vmem>> -> memref<1x128xi32, #tpu.memory_space<vmem>>
          %dma_start3A_763 = tpu.memref_squeeze %dma_start3A_762 : memref<1x128xi32, #tpu.memory_space<vmem>> -> memref<128xi32, #tpu.memory_space<vmem>>
          %dma_start3A_764 = arith.constant 0 : i32
          %dma_start3A_765 = arith.constant 0 : i32
          %dma_start3A_766 = tpu.memref_slice %arg6[%dma_start3A_764, %dma_start3A_765] : memref<10240x128xf32, #tpu.memory_space<vmem_shared>> -> memref<10240x128xf32, #tpu.memory_space<vmem_shared>>
          tpu.enqueue_indirect_dma source(%arg11 : memref<128x128xf32, #tpu.memory_space<vmem>>) target(%dma_start3A_766 : memref<10240x128xf32, #tpu.memory_space<vmem_shared>>) offsets(%dma_start3A_763 : memref<128xi32, #tpu.memory_space<vmem>>) semaphore(%run_scoped3A_760 : memref<!tpu.dma_semaphore, #tpu.memory_space<semaphore_mem>>) {add = true}
          %dma_wait3A_767 = arith.constant 0 : i32
          %dma_wait3A_768 = tpu.memref_slice %arg8[%run_scoped3A_759, %dma_wait3A_767] : memref<4x128xi32, #tpu.memory_space<vmem>> -> memref<1x128xi32, #tpu.memory_space<vmem>>
          %dma_wait3A_769 = tpu.memref_squeeze %dma_wait3A_768 : memref<1x128xi32, #tpu.memory_space<vmem>> -> memref<128xi32, #tpu.memory_space<vmem>>
          %dma_wait3A_770 = arith.constant 0 : i32
          %dma_wait3A_771 = arith.constant 0 : i32
          %dma_wait3A_772 = tpu.memref_slice %arg6[%dma_wait3A_770, %dma_wait3A_771] : memref<10240x128xf32, #tpu.memory_space<vmem_shared>> -> memref<10240x128xf32, #tpu.memory_space<vmem_shared>>
          tpu.wait_indirect_dma semaphore(%run_scoped3A_760 : memref<!tpu.dma_semaphore, #tpu.memory_space<semaphore_mem>>) src(%arg11 : memref<128x128xf32, #tpu.memory_space<vmem>>) dst(%dma_wait3A_772 : memref<10240x128xf32, #tpu.memory_space<vmem_shared>>)
          tpu.yield
        }) : () -> ()
      } else {
      }
    }
    %scan3A_351 = arith.constant 20 : i32
    %barrier3A_352 = arith.constant 0 : index
    tpu.barrier barrier_id(%barrier3A_352)
    %mul3A_353 = arith.constant 640 : i32
    %mul3A_354 = arith.muli %arg1, %mul3A_353 : i32
    %add3A_355 = arith.constant 0 : i32
    %add3A_356 = arith.addi %mul3A_354, %add3A_355 : i32
    %add3A_357 = arith.constant 0 : i32
    %add3A_358 = arith.addi %add3A_356, %add3A_357 : i32
    %add3A_359 = vector.broadcast %add3A_358 : i32 to vector<16xi32>
    %add3A_360 = arith.addi %add3A_359, %iota3A : vector<16xi32>
    %swap3A_361 = arith.constant 0 : index
    %swap3A_362 = tpu.vector_load %arg9[%swap3A_361] {strides = array<i32>} : memref<128xi32, #tpu.memory_space<vmem>>, vector<16xi32>,
    %swap3A_363 = vector.shape_cast %swap3A_362 : vector<16xi32> to vector<16xi32>
    %swap3A_364 = vector.shape_cast %add3A_360 : vector<16xi32> to vector<16xi32>
    tpu.vector_store %arg9[%swap3A_361], %swap3A_364 {strides = array<i32>} : memref<128xi32, #tpu.memory_space<vmem>>, vector<16xi32>,
    %add3A_365 = arith.constant 16 : i32
    %add3A_366 = arith.addi %add3A_356, %add3A_365 : i32
    %add3A_367 = vector.broadcast %add3A_366 : i32 to vector<16xi32>
    %add3A_368 = arith.addi %add3A_367, %iota3A : vector<16xi32>
    %swap3A_369 = arith.constant 16 : index
    %swap3A_370 = tpu.vector_load %arg9[%swap3A_369] {strides = array<i32>} : memref<128xi32, #tpu.memory_space<vmem>>, vector<16xi32>,
    %swap3A_371 = vector.shape_cast %swap3A_370 : vector<16xi32> to vector<16xi32>
    %swap3A_372 = vector.shape_cast %add3A_368 : vector<16xi32> to vector<16xi32>
    tpu.vector_store %arg9[%swap3A_369], %swap3A_372 {strides = array<i32>} : memref<128xi32, #tpu.memory_space<vmem>>, vector<16xi32>,
    %add3A_373 = arith.constant 32 : i32
    %add3A_374 = arith.addi %add3A_356, %add3A_373 : i32
    %add3A_375 = vector.broadcast %add3A_374 : i32 to vector<16xi32>
    %add3A_376 = arith.addi %add3A_375, %iota3A : vector<16xi32>
    %swap3A_377 = arith.constant 32 : index
    %swap3A_378 = tpu.vector_load %arg9[%swap3A_377] {strides = array<i32>} : memref<128xi32, #tpu.memory_space<vmem>>, vector<16xi32>,
    %swap3A_379 = vector.shape_cast %swap3A_378 : vector<16xi32> to vector<16xi32>
    %swap3A_380 = vector.shape_cast %add3A_376 : vector<16xi32> to vector<16xi32>
    tpu.vector_store %arg9[%swap3A_377], %swap3A_380 {strides = array<i32>} : memref<128xi32, #tpu.memory_space<vmem>>, vector<16xi32>,
    %add3A_381 = arith.constant 48 : i32
    %add3A_382 = arith.addi %add3A_356, %add3A_381 : i32
    %add3A_383 = vector.broadcast %add3A_382 : i32 to vector<16xi32>
    %add3A_384 = arith.addi %add3A_383, %iota3A : vector<16xi32>
    %swap3A_385 = arith.constant 48 : index
    %swap3A_386 = tpu.vector_load %arg9[%swap3A_385] {strides = array<i32>} : memref<128xi32, #tpu.memory_space<vmem>>, vector<16xi32>,
    %swap3A_387 = vector.shape_cast %swap3A_386 : vector<16xi32> to vector<16xi32>
    %swap3A_388 = vector.shape_cast %add3A_384 : vector<16xi32> to vector<16xi32>
    tpu.vector_store %arg9[%swap3A_385], %swap3A_388 {strides = array<i32>} : memref<128xi32, #tpu.memory_space<vmem>>, vector<16xi32>,
    %add3A_389 = arith.constant 64 : i32
    %add3A_390 = arith.addi %add3A_356, %add3A_389 : i32
    %add3A_391 = vector.broadcast %add3A_390 : i32 to vector<16xi32>
    %add3A_392 = arith.addi %add3A_391, %iota3A : vector<16xi32>
    %swap3A_393 = arith.constant 64 : index
    %swap3A_394 = tpu.vector_load %arg9[%swap3A_393] {strides = array<i32>} : memref<128xi32, #tpu.memory_space<vmem>>, vector<16xi32>,
    %swap3A_395 = vector.shape_cast %swap3A_394 : vector<16xi32> to vector<16xi32>
    %swap3A_396 = vector.shape_cast %add3A_392 : vector<16xi32> to vector<16xi32>
    tpu.vector_store %arg9[%swap3A_393], %swap3A_396 {strides = array<i32>} : memref<128xi32, #tpu.memory_space<vmem>>, vector<16xi32>,
    %add3A_397 = arith.constant 80 : i32
    %add3A_398 = arith.addi %add3A_356, %add3A_397 : i32
    %add3A_399 = vector.broadcast %add3A_398 : i32 to vector<16xi32>
    %add3A_400 = arith.addi %add3A_399, %iota3A : vector<16xi32>
    %swap3A_401 = arith.constant 80 : index
    %swap3A_402 = tpu.vector_load %arg9[%swap3A_401] {strides = array<i32>} : memref<128xi32, #tpu.memory_space<vmem>>, vector<16xi32>,
    %swap3A_403 = vector.shape_cast %swap3A_402 : vector<16xi32> to vector<16xi32>
    %swap3A_404 = vector.shape_cast %add3A_400 : vector<16xi32> to vector<16xi32>
    tpu.vector_store %arg9[%swap3A_401], %swap3A_404 {strides = array<i32>} : memref<128xi32, #tpu.memory_space<vmem>>, vector<16xi32>,
    %add3A_405 = arith.constant 96 : i32
    %add3A_406 = arith.addi %add3A_356, %add3A_405 : i32
    %add3A_407 = vector.broadcast %add3A_406 : i32 to vector<16xi32>
    %add3A_408 = arith.addi %add3A_407, %iota3A : vector<16xi32>
    %swap3A_409 = arith.constant 96 : index
    %swap3A_410 = tpu.vector_load %arg9[%swap3A_409] {strides = array<i32>} : memref<128xi32, #tpu.memory_space<vmem>>, vector<16xi32>,
    %swap3A_411 = vector.shape_cast %swap3A_410 : vector<16xi32> to vector<16xi32>
    %swap3A_412 = vector.shape_cast %add3A_408 : vector<16xi32> to vector<16xi32>
    tpu.vector_store %arg9[%swap3A_409], %swap3A_412 {strides = array<i32>} : memref<128xi32, #tpu.memory_space<vmem>>, vector<16xi32>,
    %add3A_413 = arith.constant 112 : i32
    %add3A_414 = arith.addi %add3A_356, %add3A_413 : i32
    %add3A_415 = vector.broadcast %add3A_414 : i32 to vector<16xi32>
    %add3A_416 = arith.addi %add3A_415, %iota3A : vector<16xi32>
    %swap3A_417 = arith.constant 112 : index
    %swap3A_418 = tpu.vector_load %arg9[%swap3A_417] {strides = array<i32>} : memref<128xi32, #tpu.memory_space<vmem>>, vector<16xi32>,
    %swap3A_419 = vector.shape_cast %swap3A_418 : vector<16xi32> to vector<16xi32>
    %swap3A_420 = vector.shape_cast %add3A_416 : vector<16xi32> to vector<16xi32>
    tpu.vector_store %arg9[%swap3A_417], %swap3A_420 {strides = array<i32>} : memref<128xi32, #tpu.memory_space<vmem>>, vector<16xi32>,
    "tpu.region"() ({
      %run_scoped3A = tpu.sem_alloc : memref<!tpu.dma_semaphore, #tpu.memory_space<semaphore_mem>>
      %dma_start3A = arith.constant 0 : i32
      %dma_start3A_693 = arith.constant 0 : i32
      %dma_start3A_694 = tpu.memref_slice %arg6[%dma_start3A, %dma_start3A_693] : memref<10240x128xf32, #tpu.memory_space<vmem_shared>> -> memref<10240x128xf32, #tpu.memory_space<vmem_shared>>
      tpu.enqueue_indirect_dma source(%dma_start3A_694 : memref<10240x128xf32, #tpu.memory_space<vmem_shared>>) target(%arg10 : memref<128x128xf32, #tpu.memory_space<vmem>>) offsets(%arg9 : memref<128xi32, #tpu.memory_space<vmem>>) semaphore(%run_scoped3A : memref<!tpu.dma_semaphore, #tpu.memory_space<semaphore_mem>>)
      %dma_wait3A = arith.constant 0 : i32
      %dma_wait3A_695 = arith.constant 0 : i32
      %dma_wait3A_696 = tpu.memref_slice %arg6[%dma_wait3A, %dma_wait3A_695] : memref<10240x128xf32, #tpu.memory_space<vmem_shared>> -> memref<10240x128xf32, #tpu.memory_space<vmem_shared>>
      tpu.wait_indirect_dma semaphore(%run_scoped3A : memref<!tpu.dma_semaphore, #tpu.memory_space<semaphore_mem>>) src(%dma_wait3A_696 : memref<10240x128xf32, #tpu.memory_space<vmem_shared>>) dst(%arg10 : memref<128x128xf32, #tpu.memory_space<vmem>>)
      tpu.yield
    }) : () -> ()
    "tpu.region"() ({
      %run_scoped3A = tpu.sem_alloc : memref<!tpu.dma_semaphore, #tpu.memory_space<semaphore_mem>>
      %dma_start3A = arith.constant 0 : i32
      %dma_start3A_693 = tpu.memref_slice %arg5[%arg0, %add3A_356, %dma_start3A] : memref<2x10240x128xf32, #tpu.memory_space<hbm>> -> memref<1x128x128xf32, #tpu.memory_space<hbm>>
      %dma_start3A_694 = tpu.memref_squeeze %dma_start3A_693 : memref<1x128x128xf32, #tpu.memory_space<hbm>> -> memref<128x128xf32, #tpu.memory_space<hbm>>
      %dma_start3A_695 = arith.constant 0 : i32
      %dma_start3A_696 = tpu.memref_slice %arg5[%arg0, %add3A_356, %dma_start3A_695] : memref<2x10240x128xf32, #tpu.memory_space<hbm>> -> memref<1x128x128xf32, #tpu.memory_space<hbm>>
      %dma_start3A_697 = tpu.memref_squeeze %dma_start3A_696 : memref<1x128x128xf32, #tpu.memory_space<hbm>> -> memref<128x128xf32, #tpu.memory_space<hbm>>
      tpu.enqueue_dma source(%arg10 : memref<128x128xf32, #tpu.memory_space<vmem>>) target(%dma_start3A_697 : memref<128x128xf32, #tpu.memory_space<hbm>>) target_semaphore(%run_scoped3A : memref<!tpu.dma_semaphore, #tpu.memory_space<semaphore_mem>>)
      %dma_wait3A = arith.constant 0 : i32
      %dma_wait3A_698 = tpu.memref_slice %arg5[%arg0, %add3A_356, %dma_wait3A] : memref<2x10240x128xf32, #tpu.memory_space<hbm>> -> memref<1x128x128xf32, #tpu.memory_space<hbm>>
      %dma_wait3A_699 = tpu.memref_squeeze %dma_wait3A_698 : memref<1x128x128xf32, #tpu.memory_space<hbm>> -> memref<128x128xf32, #tpu.memory_space<hbm>>
      %dma_wait3A_700 = arith.constant 0 : i32
      %dma_wait3A_701 = tpu.memref_slice %arg5[%arg0, %add3A_356, %dma_wait3A_700] : memref<2x10240x128xf32, #tpu.memory_space<hbm>> -> memref<1x128x128xf32, #tpu.memory_space<hbm>>
      %dma_wait3A_702 = tpu.memref_squeeze %dma_wait3A_701 : memref<1x128x128xf32, #tpu.memory_space<hbm>> -> memref<128x128xf32, #tpu.memory_space<hbm>>
      tpu.wait_dma2 semaphore(%run_scoped3A : memref<!tpu.dma_semaphore, #tpu.memory_space<semaphore_mem>>) src(%arg10 : memref<128x128xf32, #tpu.memory_space<vmem>>) dst(%dma_wait3A_702 : memref<128x128xf32, #tpu.memory_space<hbm>>)
      tpu.yield
    }) : () -> ()
    %mul3A_421 = arith.constant 640 : i32
    %mul3A_422 = arith.muli %arg1, %mul3A_421 : i32
    %add3A_423 = arith.constant 128 : i32
    %add3A_424 = arith.addi %mul3A_422, %add3A_423 : i32
    %add3A_425 = arith.constant 0 : i32
    %add3A_426 = arith.addi %add3A_424, %add3A_425 : i32
    %add3A_427 = vector.broadcast %add3A_426 : i32 to vector<16xi32>
    %add3A_428 = arith.addi %add3A_427, %iota3A : vector<16xi32>
    %swap3A_429 = arith.constant 0 : index
    %swap3A_430 = tpu.vector_load %arg9[%swap3A_429] {strides = array<i32>} : memref<128xi32, #tpu.memory_space<vmem>>, vector<16xi32>,
    %swap3A_431 = vector.shape_cast %swap3A_430 : vector<16xi32> to vector<16xi32>
    %swap3A_432 = vector.shape_cast %add3A_428 : vector<16xi32> to vector<16xi32>
    tpu.vector_store %arg9[%swap3A_429], %swap3A_432 {strides = array<i32>} : memref<128xi32, #tpu.memory_space<vmem>>, vector<16xi32>,
    %add3A_433 = arith.constant 16 : i32
    %add3A_434 = arith.addi %add3A_424, %add3A_433 : i32
    %add3A_435 = vector.broadcast %add3A_434 : i32 to vector<16xi32>
    %add3A_436 = arith.addi %add3A_435, %iota3A : vector<16xi32>
    %swap3A_437 = arith.constant 16 : index
    %swap3A_438 = tpu.vector_load %arg9[%swap3A_437] {strides = array<i32>} : memref<128xi32, #tpu.memory_space<vmem>>, vector<16xi32>,
    %swap3A_439 = vector.shape_cast %swap3A_438 : vector<16xi32> to vector<16xi32>
    %swap3A_440 = vector.shape_cast %add3A_436 : vector<16xi32> to vector<16xi32>
    tpu.vector_store %arg9[%swap3A_437], %swap3A_440 {strides = array<i32>} : memref<128xi32, #tpu.memory_space<vmem>>, vector<16xi32>,
    %add3A_441 = arith.constant 32 : i32
    %add3A_442 = arith.addi %add3A_424, %add3A_441 : i32
    %add3A_443 = vector.broadcast %add3A_442 : i32 to vector<16xi32>
    %add3A_444 = arith.addi %add3A_443, %iota3A : vector<16xi32>
    %swap3A_445 = arith.constant 32 : index
    %swap3A_446 = tpu.vector_load %arg9[%swap3A_445] {strides = array<i32>} : memref<128xi32, #tpu.memory_space<vmem>>, vector<16xi32>,
    %swap3A_447 = vector.shape_cast %swap3A_446 : vector<16xi32> to vector<16xi32>
    %swap3A_448 = vector.shape_cast %add3A_444 : vector<16xi32> to vector<16xi32>
    tpu.vector_store %arg9[%swap3A_445], %swap3A_448 {strides = array<i32>} : memref<128xi32, #tpu.memory_space<vmem>>, vector<16xi32>,
    %add3A_449 = arith.constant 48 : i32
    %add3A_450 = arith.addi %add3A_424, %add3A_449 : i32
    %add3A_451 = vector.broadcast %add3A_450 : i32 to vector<16xi32>
    %add3A_452 = arith.addi %add3A_451, %iota3A : vector<16xi32>
    %swap3A_453 = arith.constant 48 : index
    %swap3A_454 = tpu.vector_load %arg9[%swap3A_453] {strides = array<i32>} : memref<128xi32, #tpu.memory_space<vmem>>, vector<16xi32>,
    %swap3A_455 = vector.shape_cast %swap3A_454 : vector<16xi32> to vector<16xi32>
    %swap3A_456 = vector.shape_cast %add3A_452 : vector<16xi32> to vector<16xi32>
    tpu.vector_store %arg9[%swap3A_453], %swap3A_456 {strides = array<i32>} : memref<128xi32, #tpu.memory_space<vmem>>, vector<16xi32>,
    %add3A_457 = arith.constant 64 : i32
    %add3A_458 = arith.addi %add3A_424, %add3A_457 : i32
    %add3A_459 = vector.broadcast %add3A_458 : i32 to vector<16xi32>
    %add3A_460 = arith.addi %add3A_459, %iota3A : vector<16xi32>
    %swap3A_461 = arith.constant 64 : index
    %swap3A_462 = tpu.vector_load %arg9[%swap3A_461] {strides = array<i32>} : memref<128xi32, #tpu.memory_space<vmem>>, vector<16xi32>,
    %swap3A_463 = vector.shape_cast %swap3A_462 : vector<16xi32> to vector<16xi32>
    %swap3A_464 = vector.shape_cast %add3A_460 : vector<16xi32> to vector<16xi32>
    tpu.vector_store %arg9[%swap3A_461], %swap3A_464 {strides = array<i32>} : memref<128xi32, #tpu.memory_space<vmem>>, vector<16xi32>,
    %add3A_465 = arith.constant 80 : i32
    %add3A_466 = arith.addi %add3A_424, %add3A_465 : i32
    %add3A_467 = vector.broadcast %add3A_466 : i32 to vector<16xi32>
    %add3A_468 = arith.addi %add3A_467, %iota3A : vector<16xi32>
    %swap3A_469 = arith.constant 80 : index
    %swap3A_470 = tpu.vector_load %arg9[%swap3A_469] {strides = array<i32>} : memref<128xi32, #tpu.memory_space<vmem>>, vector<16xi32>,
    %swap3A_471 = vector.shape_cast %swap3A_470 : vector<16xi32> to vector<16xi32>
    %swap3A_472 = vector.shape_cast %add3A_468 : vector<16xi32> to vector<16xi32>
    tpu.vector_store %arg9[%swap3A_469], %swap3A_472 {strides = array<i32>} : memref<128xi32, #tpu.memory_space<vmem>>, vector<16xi32>,
    %add3A_473 = arith.constant 96 : i32
    %add3A_474 = arith.addi %add3A_424, %add3A_473 : i32
    %add3A_475 = vector.broadcast %add3A_474 : i32 to vector<16xi32>
    %add3A_476 = arith.addi %add3A_475, %iota3A : vector<16xi32>
    %swap3A_477 = arith.constant 96 : index
    %swap3A_478 = tpu.vector_load %arg9[%swap3A_477] {strides = array<i32>} : memref<128xi32, #tpu.memory_space<vmem>>, vector<16xi32>,
    %swap3A_479 = vector.shape_cast %swap3A_478 : vector<16xi32> to vector<16xi32>
    %swap3A_480 = vector.shape_cast %add3A_476 : vector<16xi32> to vector<16xi32>
    tpu.vector_store %arg9[%swap3A_477], %swap3A_480 {strides = array<i32>} : memref<128xi32, #tpu.memory_space<vmem>>, vector<16xi32>,
    %add3A_481 = arith.constant 112 : i32
    %add3A_482 = arith.addi %add3A_424, %add3A_481 : i32
    %add3A_483 = vector.broadcast %add3A_482 : i32 to vector<16xi32>
    %add3A_484 = arith.addi %add3A_483, %iota3A : vector<16xi32>
    %swap3A_485 = arith.constant 112 : index
    %swap3A_486 = tpu.vector_load %arg9[%swap3A_485] {strides = array<i32>} : memref<128xi32, #tpu.memory_space<vmem>>, vector<16xi32>,
    %swap3A_487 = vector.shape_cast %swap3A_486 : vector<16xi32> to vector<16xi32>
    %swap3A_488 = vector.shape_cast %add3A_484 : vector<16xi32> to vector<16xi32>
    tpu.vector_store %arg9[%swap3A_485], %swap3A_488 {strides = array<i32>} : memref<128xi32, #tpu.memory_space<vmem>>, vector<16xi32>,
    "tpu.region"() ({
      %run_scoped3A = tpu.sem_alloc : memref<!tpu.dma_semaphore, #tpu.memory_space<semaphore_mem>>
      %dma_start3A = arith.constant 0 : i32
      %dma_start3A_693 = arith.constant 0 : i32
      %dma_start3A_694 = tpu.memref_slice %arg6[%dma_start3A, %dma_start3A_693] : memref<10240x128xf32, #tpu.memory_space<vmem_shared>> -> memref<10240x128xf32, #tpu.memory_space<vmem_shared>>
      tpu.enqueue_indirect_dma source(%dma_start3A_694 : memref<10240x128xf32, #tpu.memory_space<vmem_shared>>) target(%arg10 : memref<128x128xf32, #tpu.memory_space<vmem>>) offsets(%arg9 : memref<128xi32, #tpu.memory_space<vmem>>) semaphore(%run_scoped3A : memref<!tpu.dma_semaphore, #tpu.memory_space<semaphore_mem>>)
      %dma_wait3A = arith.constant 0 : i32
      %dma_wait3A_695 = arith.constant 0 : i32
      %dma_wait3A_696 = tpu.memref_slice %arg6[%dma_wait3A, %dma_wait3A_695] : memref<10240x128xf32, #tpu.memory_space<vmem_shared>> -> memref<10240x128xf32, #tpu.memory_space<vmem_shared>>
      tpu.wait_indirect_dma semaphore(%run_scoped3A : memref<!tpu.dma_semaphore, #tpu.memory_space<semaphore_mem>>) src(%dma_wait3A_696 : memref<10240x128xf32, #tpu.memory_space<vmem_shared>>) dst(%arg10 : memref<128x128xf32, #tpu.memory_space<vmem>>)
      tpu.yield
    }) : () -> ()
    "tpu.region"() ({
      %run_scoped3A = tpu.sem_alloc : memref<!tpu.dma_semaphore, #tpu.memory_space<semaphore_mem>>
      %dma_start3A = arith.constant 0 : i32
      %dma_start3A_693 = tpu.memref_slice %arg5[%arg0, %add3A_424, %dma_start3A] : memref<2x10240x128xf32, #tpu.memory_space<hbm>> -> memref<1x128x128xf32, #tpu.memory_space<hbm>>
      %dma_start3A_694 = tpu.memref_squeeze %dma_start3A_693 : memref<1x128x128xf32, #tpu.memory_space<hbm>> -> memref<128x128xf32, #tpu.memory_space<hbm>>
      %dma_start3A_695 = arith.constant 0 : i32
      %dma_start3A_696 = tpu.memref_slice %arg5[%arg0, %add3A_424, %dma_start3A_695] : memref<2x10240x128xf32, #tpu.memory_space<hbm>> -> memref<1x128x128xf32, #tpu.memory_space<hbm>>
      %dma_start3A_697 = tpu.memref_squeeze %dma_start3A_696 : memref<1x128x128xf32, #tpu.memory_space<hbm>> -> memref<128x128xf32, #tpu.memory_space<hbm>>
      tpu.enqueue_dma source(%arg10 : memref<128x128xf32, #tpu.memory_space<vmem>>) target(%dma_start3A_697 : memref<128x128xf32, #tpu.memory_space<hbm>>) target_semaphore(%run_scoped3A : memref<!tpu.dma_semaphore, #tpu.memory_space<semaphore_mem>>)
      %dma_wait3A = arith.constant 0 : i32
      %dma_wait3A_698 = tpu.memref_slice %arg5[%arg0, %add3A_424, %dma_wait3A] : memref<2x10240x128xf32, #tpu.memory_space<hbm>> -> memref<1x128x128xf32, #tpu.memory_space<hbm>>
      %dma_wait3A_699 = tpu.memref_squeeze %dma_wait3A_698 : memref<1x128x128xf32, #tpu.memory_space<hbm>> -> memref<128x128xf32, #tpu.memory_space<hbm>>
      %dma_wait3A_700 = arith.constant 0 : i32
      %dma_wait3A_701 = tpu.memref_slice %arg5[%arg0, %add3A_424, %dma_wait3A_700] : memref<2x10240x128xf32, #tpu.memory_space<hbm>> -> memref<1x128x128xf32, #tpu.memory_space<hbm>>
      %dma_wait3A_702 = tpu.memref_squeeze %dma_wait3A_701 : memref<1x128x128xf32, #tpu.memory_space<hbm>> -> memref<128x128xf32, #tpu.memory_space<hbm>>
      tpu.wait_dma2 semaphore(%run_scoped3A : memref<!tpu.dma_semaphore, #tpu.memory_space<semaphore_mem>>) src(%arg10 : memref<128x128xf32, #tpu.memory_space<vmem>>) dst(%dma_wait3A_702 : memref<128x128xf32, #tpu.memory_space<hbm>>)
      tpu.yield
    }) : () -> ()
    %mul3A_489 = arith.constant 640 : i32
    %mul3A_490 = arith.muli %arg1, %mul3A_489 : i32
    %add3A_491 = arith.constant 256 : i32
    %add3A_492 = arith.addi %mul3A_490, %add3A_491 : i32
    %add3A_493 = arith.constant 0 : i32
    %add3A_494 = arith.addi %add3A_492, %add3A_493 : i32
    %add3A_495 = vector.broadcast %add3A_494 : i32 to vector<16xi32>
    %add3A_496 = arith.addi %add3A_495, %iota3A : vector<16xi32>
    %swap3A_497 = arith.constant 0 : index
    %swap3A_498 = tpu.vector_load %arg9[%swap3A_497] {strides = array<i32>} : memref<128xi32, #tpu.memory_space<vmem>>, vector<16xi32>,
    %swap3A_499 = vector.shape_cast %swap3A_498 : vector<16xi32> to vector<16xi32>
    %swap3A_500 = vector.shape_cast %add3A_496 : vector<16xi32> to vector<16xi32>
    tpu.vector_store %arg9[%swap3A_497], %swap3A_500 {strides = array<i32>} : memref<128xi32, #tpu.memory_space<vmem>>, vector<16xi32>,
    %add3A_501 = arith.constant 16 : i32
    %add3A_502 = arith.addi %add3A_492, %add3A_501 : i32
    %add3A_503 = vector.broadcast %add3A_502 : i32 to vector<16xi32>
    %add3A_504 = arith.addi %add3A_503, %iota3A : vector<16xi32>
    %swap3A_505 = arith.constant 16 : index
    %swap3A_506 = tpu.vector_load %arg9[%swap3A_505] {strides = array<i32>} : memref<128xi32, #tpu.memory_space<vmem>>, vector<16xi32>,
    %swap3A_507 = vector.shape_cast %swap3A_506 : vector<16xi32> to vector<16xi32>
    %swap3A_508 = vector.shape_cast %add3A_504 : vector<16xi32> to vector<16xi32>
    tpu.vector_store %arg9[%swap3A_505], %swap3A_508 {strides = array<i32>} : memref<128xi32, #tpu.memory_space<vmem>>, vector<16xi32>,
    %add3A_509 = arith.constant 32 : i32
    %add3A_510 = arith.addi %add3A_492, %add3A_509 : i32
    %add3A_511 = vector.broadcast %add3A_510 : i32 to vector<16xi32>
    %add3A_512 = arith.addi %add3A_511, %iota3A : vector<16xi32>
    %swap3A_513 = arith.constant 32 : index
    %swap3A_514 = tpu.vector_load %arg9[%swap3A_513] {strides = array<i32>} : memref<128xi32, #tpu.memory_space<vmem>>, vector<16xi32>,
    %swap3A_515 = vector.shape_cast %swap3A_514 : vector<16xi32> to vector<16xi32>
    %swap3A_516 = vector.shape_cast %add3A_512 : vector<16xi32> to vector<16xi32>
    tpu.vector_store %arg9[%swap3A_513], %swap3A_516 {strides = array<i32>} : memref<128xi32, #tpu.memory_space<vmem>>, vector<16xi32>,
    %add3A_517 = arith.constant 48 : i32
    %add3A_518 = arith.addi %add3A_492, %add3A_517 : i32
    %add3A_519 = vector.broadcast %add3A_518 : i32 to vector<16xi32>
    %add3A_520 = arith.addi %add3A_519, %iota3A : vector<16xi32>
    %swap3A_521 = arith.constant 48 : index
    %swap3A_522 = tpu.vector_load %arg9[%swap3A_521] {strides = array<i32>} : memref<128xi32, #tpu.memory_space<vmem>>, vector<16xi32>,
    %swap3A_523 = vector.shape_cast %swap3A_522 : vector<16xi32> to vector<16xi32>
    %swap3A_524 = vector.shape_cast %add3A_520 : vector<16xi32> to vector<16xi32>
    tpu.vector_store %arg9[%swap3A_521], %swap3A_524 {strides = array<i32>} : memref<128xi32, #tpu.memory_space<vmem>>, vector<16xi32>,
    %add3A_525 = arith.constant 64 : i32
    %add3A_526 = arith.addi %add3A_492, %add3A_525 : i32
    %add3A_527 = vector.broadcast %add3A_526 : i32 to vector<16xi32>
    %add3A_528 = arith.addi %add3A_527, %iota3A : vector<16xi32>
    %swap3A_529 = arith.constant 64 : index
    %swap3A_530 = tpu.vector_load %arg9[%swap3A_529] {strides = array<i32>} : memref<128xi32, #tpu.memory_space<vmem>>, vector<16xi32>,
    %swap3A_531 = vector.shape_cast %swap3A_530 : vector<16xi32> to vector<16xi32>
    %swap3A_532 = vector.shape_cast %add3A_528 : vector<16xi32> to vector<16xi32>
    tpu.vector_store %arg9[%swap3A_529], %swap3A_532 {strides = array<i32>} : memref<128xi32, #tpu.memory_space<vmem>>, vector<16xi32>,
    %add3A_533 = arith.constant 80 : i32
    %add3A_534 = arith.addi %add3A_492, %add3A_533 : i32
    %add3A_535 = vector.broadcast %add3A_534 : i32 to vector<16xi32>
    %add3A_536 = arith.addi %add3A_535, %iota3A : vector<16xi32>
    %swap3A_537 = arith.constant 80 : index
    %swap3A_538 = tpu.vector_load %arg9[%swap3A_537] {strides = array<i32>} : memref<128xi32, #tpu.memory_space<vmem>>, vector<16xi32>,
    %swap3A_539 = vector.shape_cast %swap3A_538 : vector<16xi32> to vector<16xi32>
    %swap3A_540 = vector.shape_cast %add3A_536 : vector<16xi32> to vector<16xi32>
    tpu.vector_store %arg9[%swap3A_537], %swap3A_540 {strides = array<i32>} : memref<128xi32, #tpu.memory_space<vmem>>, vector<16xi32>,
    %add3A_541 = arith.constant 96 : i32
    %add3A_542 = arith.addi %add3A_492, %add3A_541 : i32
    %add3A_543 = vector.broadcast %add3A_542 : i32 to vector<16xi32>
    %add3A_544 = arith.addi %add3A_543, %iota3A : vector<16xi32>
    %swap3A_545 = arith.constant 96 : index
    %swap3A_546 = tpu.vector_load %arg9[%swap3A_545] {strides = array<i32>} : memref<128xi32, #tpu.memory_space<vmem>>, vector<16xi32>,
    %swap3A_547 = vector.shape_cast %swap3A_546 : vector<16xi32> to vector<16xi32>
    %swap3A_548 = vector.shape_cast %add3A_544 : vector<16xi32> to vector<16xi32>
    tpu.vector_store %arg9[%swap3A_545], %swap3A_548 {strides = array<i32>} : memref<128xi32, #tpu.memory_space<vmem>>, vector<16xi32>,
    %add3A_549 = arith.constant 112 : i32
    %add3A_550 = arith.addi %add3A_492, %add3A_549 : i32
    %add3A_551 = vector.broadcast %add3A_550 : i32 to vector<16xi32>
    %add3A_552 = arith.addi %add3A_551, %iota3A : vector<16xi32>
    %swap3A_553 = arith.constant 112 : index
    %swap3A_554 = tpu.vector_load %arg9[%swap3A_553] {strides = array<i32>} : memref<128xi32, #tpu.memory_space<vmem>>, vector<16xi32>,
    %swap3A_555 = vector.shape_cast %swap3A_554 : vector<16xi32> to vector<16xi32>
    %swap3A_556 = vector.shape_cast %add3A_552 : vector<16xi32> to vector<16xi32>
    tpu.vector_store %arg9[%swap3A_553], %swap3A_556 {strides = array<i32>} : memref<128xi32, #tpu.memory_space<vmem>>, vector<16xi32>,
    "tpu.region"() ({
      %run_scoped3A = tpu.sem_alloc : memref<!tpu.dma_semaphore, #tpu.memory_space<semaphore_mem>>
      %dma_start3A = arith.constant 0 : i32
      %dma_start3A_693 = arith.constant 0 : i32
      %dma_start3A_694 = tpu.memref_slice %arg6[%dma_start3A, %dma_start3A_693] : memref<10240x128xf32, #tpu.memory_space<vmem_shared>> -> memref<10240x128xf32, #tpu.memory_space<vmem_shared>>
      tpu.enqueue_indirect_dma source(%dma_start3A_694 : memref<10240x128xf32, #tpu.memory_space<vmem_shared>>) target(%arg10 : memref<128x128xf32, #tpu.memory_space<vmem>>) offsets(%arg9 : memref<128xi32, #tpu.memory_space<vmem>>) semaphore(%run_scoped3A : memref<!tpu.dma_semaphore, #tpu.memory_space<semaphore_mem>>)
      %dma_wait3A = arith.constant 0 : i32
      %dma_wait3A_695 = arith.constant 0 : i32
      %dma_wait3A_696 = tpu.memref_slice %arg6[%dma_wait3A, %dma_wait3A_695] : memref<10240x128xf32, #tpu.memory_space<vmem_shared>> -> memref<10240x128xf32, #tpu.memory_space<vmem_shared>>
      tpu.wait_indirect_dma semaphore(%run_scoped3A : memref<!tpu.dma_semaphore, #tpu.memory_space<semaphore_mem>>) src(%dma_wait3A_696 : memref<10240x128xf32, #tpu.memory_space<vmem_shared>>) dst(%arg10 : memref<128x128xf32, #tpu.memory_space<vmem>>)
      tpu.yield
    }) : () -> ()
    "tpu.region"() ({
      %run_scoped3A = tpu.sem_alloc : memref<!tpu.dma_semaphore, #tpu.memory_space<semaphore_mem>>
      %dma_start3A = arith.constant 0 : i32
      %dma_start3A_693 = tpu.memref_slice %arg5[%arg0, %add3A_492, %dma_start3A] : memref<2x10240x128xf32, #tpu.memory_space<hbm>> -> memref<1x128x128xf32, #tpu.memory_space<hbm>>
      %dma_start3A_694 = tpu.memref_squeeze %dma_start3A_693 : memref<1x128x128xf32, #tpu.memory_space<hbm>> -> memref<128x128xf32, #tpu.memory_space<hbm>>
      %dma_start3A_695 = arith.constant 0 : i32
      %dma_start3A_696 = tpu.memref_slice %arg5[%arg0, %add3A_492, %dma_start3A_695] : memref<2x10240x128xf32, #tpu.memory_space<hbm>> -> memref<1x128x128xf32, #tpu.memory_space<hbm>>
      %dma_start3A_697 = tpu.memref_squeeze %dma_start3A_696 : memref<1x128x128xf32, #tpu.memory_space<hbm>> -> memref<128x128xf32, #tpu.memory_space<hbm>>
      tpu.enqueue_dma source(%arg10 : memref<128x128xf32, #tpu.memory_space<vmem>>) target(%dma_start3A_697 : memref<128x128xf32, #tpu.memory_space<hbm>>) target_semaphore(%run_scoped3A : memref<!tpu.dma_semaphore, #tpu.memory_space<semaphore_mem>>)
      %dma_wait3A = arith.constant 0 : i32
      %dma_wait3A_698 = tpu.memref_slice %arg5[%arg0, %add3A_492, %dma_wait3A] : memref<2x10240x128xf32, #tpu.memory_space<hbm>> -> memref<1x128x128xf32, #tpu.memory_space<hbm>>
      %dma_wait3A_699 = tpu.memref_squeeze %dma_wait3A_698 : memref<1x128x128xf32, #tpu.memory_space<hbm>> -> memref<128x128xf32, #tpu.memory_space<hbm>>
      %dma_wait3A_700 = arith.constant 0 : i32
      %dma_wait3A_701 = tpu.memref_slice %arg5[%arg0, %add3A_492, %dma_wait3A_700] : memref<2x10240x128xf32, #tpu.memory_space<hbm>> -> memref<1x128x128xf32, #tpu.memory_space<hbm>>
      %dma_wait3A_702 = tpu.memref_squeeze %dma_wait3A_701 : memref<1x128x128xf32, #tpu.memory_space<hbm>> -> memref<128x128xf32, #tpu.memory_space<hbm>>
      tpu.wait_dma2 semaphore(%run_scoped3A : memref<!tpu.dma_semaphore, #tpu.memory_space<semaphore_mem>>) src(%arg10 : memref<128x128xf32, #tpu.memory_space<vmem>>) dst(%dma_wait3A_702 : memref<128x128xf32, #tpu.memory_space<hbm>>)
      tpu.yield
    }) : () -> ()
    %mul3A_557 = arith.constant 640 : i32
    %mul3A_558 = arith.muli %arg1, %mul3A_557 : i32
    %add3A_559 = arith.constant 384 : i32
    %add3A_560 = arith.addi %mul3A_558, %add3A_559 : i32
    %add3A_561 = arith.constant 0 : i32
    %add3A_562 = arith.addi %add3A_560, %add3A_561 : i32
    %add3A_563 = vector.broadcast %add3A_562 : i32 to vector<16xi32>
    %add3A_564 = arith.addi %add3A_563, %iota3A : vector<16xi32>
    %swap3A_565 = arith.constant 0 : index
    %swap3A_566 = tpu.vector_load %arg9[%swap3A_565] {strides = array<i32>} : memref<128xi32, #tpu.memory_space<vmem>>, vector<16xi32>,
    %swap3A_567 = vector.shape_cast %swap3A_566 : vector<16xi32> to vector<16xi32>
    %swap3A_568 = vector.shape_cast %add3A_564 : vector<16xi32> to vector<16xi32>
    tpu.vector_store %arg9[%swap3A_565], %swap3A_568 {strides = array<i32>} : memref<128xi32, #tpu.memory_space<vmem>>, vector<16xi32>,
    %add3A_569 = arith.constant 16 : i32
    %add3A_570 = arith.addi %add3A_560, %add3A_569 : i32
    %add3A_571 = vector.broadcast %add3A_570 : i32 to vector<16xi32>
    %add3A_572 = arith.addi %add3A_571, %iota3A : vector<16xi32>
    %swap3A_573 = arith.constant 16 : index
    %swap3A_574 = tpu.vector_load %arg9[%swap3A_573] {strides = array<i32>} : memref<128xi32, #tpu.memory_space<vmem>>, vector<16xi32>,
    %swap3A_575 = vector.shape_cast %swap3A_574 : vector<16xi32> to vector<16xi32>
    %swap3A_576 = vector.shape_cast %add3A_572 : vector<16xi32> to vector<16xi32>
    tpu.vector_store %arg9[%swap3A_573], %swap3A_576 {strides = array<i32>} : memref<128xi32, #tpu.memory_space<vmem>>, vector<16xi32>,
    %add3A_577 = arith.constant 32 : i32
    %add3A_578 = arith.addi %add3A_560, %add3A_577 : i32
    %add3A_579 = vector.broadcast %add3A_578 : i32 to vector<16xi32>
    %add3A_580 = arith.addi %add3A_579, %iota3A : vector<16xi32>
    %swap3A_581 = arith.constant 32 : index
    %swap3A_582 = tpu.vector_load %arg9[%swap3A_581] {strides = array<i32>} : memref<128xi32, #tpu.memory_space<vmem>>, vector<16xi32>,
    %swap3A_583 = vector.shape_cast %swap3A_582 : vector<16xi32> to vector<16xi32>
    %swap3A_584 = vector.shape_cast %add3A_580 : vector<16xi32> to vector<16xi32>
    tpu.vector_store %arg9[%swap3A_581], %swap3A_584 {strides = array<i32>} : memref<128xi32, #tpu.memory_space<vmem>>, vector<16xi32>,
    %add3A_585 = arith.constant 48 : i32
    %add3A_586 = arith.addi %add3A_560, %add3A_585 : i32
    %add3A_587 = vector.broadcast %add3A_586 : i32 to vector<16xi32>
    %add3A_588 = arith.addi %add3A_587, %iota3A : vector<16xi32>
    %swap3A_589 = arith.constant 48 : index
    %swap3A_590 = tpu.vector_load %arg9[%swap3A_589] {strides = array<i32>} : memref<128xi32, #tpu.memory_space<vmem>>, vector<16xi32>,
    %swap3A_591 = vector.shape_cast %swap3A_590 : vector<16xi32> to vector<16xi32>
    %swap3A_592 = vector.shape_cast %add3A_588 : vector<16xi32> to vector<16xi32>
    tpu.vector_store %arg9[%swap3A_589], %swap3A_592 {strides = array<i32>} : memref<128xi32, #tpu.memory_space<vmem>>, vector<16xi32>,
    %add3A_593 = arith.constant 64 : i32
    %add3A_594 = arith.addi %add3A_560, %add3A_593 : i32
    %add3A_595 = vector.broadcast %add3A_594 : i32 to vector<16xi32>
    %add3A_596 = arith.addi %add3A_595, %iota3A : vector<16xi32>
    %swap3A_597 = arith.constant 64 : index
    %swap3A_598 = tpu.vector_load %arg9[%swap3A_597] {strides = array<i32>} : memref<128xi32, #tpu.memory_space<vmem>>, vector<16xi32>,
    %swap3A_599 = vector.shape_cast %swap3A_598 : vector<16xi32> to vector<16xi32>
    %swap3A_600 = vector.shape_cast %add3A_596 : vector<16xi32> to vector<16xi32>
    tpu.vector_store %arg9[%swap3A_597], %swap3A_600 {strides = array<i32>} : memref<128xi32, #tpu.memory_space<vmem>>, vector<16xi32>,
    %add3A_601 = arith.constant 80 : i32
    %add3A_602 = arith.addi %add3A_560, %add3A_601 : i32
    %add3A_603 = vector.broadcast %add3A_602 : i32 to vector<16xi32>
    %add3A_604 = arith.addi %add3A_603, %iota3A : vector<16xi32>
    %swap3A_605 = arith.constant 80 : index
    %swap3A_606 = tpu.vector_load %arg9[%swap3A_605] {strides = array<i32>} : memref<128xi32, #tpu.memory_space<vmem>>, vector<16xi32>,
    %swap3A_607 = vector.shape_cast %swap3A_606 : vector<16xi32> to vector<16xi32>
    %swap3A_608 = vector.shape_cast %add3A_604 : vector<16xi32> to vector<16xi32>
    tpu.vector_store %arg9[%swap3A_605], %swap3A_608 {strides = array<i32>} : memref<128xi32, #tpu.memory_space<vmem>>, vector<16xi32>,
    %add3A_609 = arith.constant 96 : i32
    %add3A_610 = arith.addi %add3A_560, %add3A_609 : i32
    %add3A_611 = vector.broadcast %add3A_610 : i32 to vector<16xi32>
    %add3A_612 = arith.addi %add3A_611, %iota3A : vector<16xi32>
    %swap3A_613 = arith.constant 96 : index
    %swap3A_614 = tpu.vector_load %arg9[%swap3A_613] {strides = array<i32>} : memref<128xi32, #tpu.memory_space<vmem>>, vector<16xi32>,
    %swap3A_615 = vector.shape_cast %swap3A_614 : vector<16xi32> to vector<16xi32>
    %swap3A_616 = vector.shape_cast %add3A_612 : vector<16xi32> to vector<16xi32>
    tpu.vector_store %arg9[%swap3A_613], %swap3A_616 {strides = array<i32>} : memref<128xi32, #tpu.memory_space<vmem>>, vector<16xi32>,
    %add3A_617 = arith.constant 112 : i32
    %add3A_618 = arith.addi %add3A_560, %add3A_617 : i32
    %add3A_619 = vector.broadcast %add3A_618 : i32 to vector<16xi32>
    %add3A_620 = arith.addi %add3A_619, %iota3A : vector<16xi32>
    %swap3A_621 = arith.constant 112 : index
    %swap3A_622 = tpu.vector_load %arg9[%swap3A_621] {strides = array<i32>} : memref<128xi32, #tpu.memory_space<vmem>>, vector<16xi32>,
    %swap3A_623 = vector.shape_cast %swap3A_622 : vector<16xi32> to vector<16xi32>
    %swap3A_624 = vector.shape_cast %add3A_620 : vector<16xi32> to vector<16xi32>
    tpu.vector_store %arg9[%swap3A_621], %swap3A_624 {strides = array<i32>} : memref<128xi32, #tpu.memory_space<vmem>>, vector<16xi32>,
    "tpu.region"() ({
      %run_scoped3A = tpu.sem_alloc : memref<!tpu.dma_semaphore, #tpu.memory_space<semaphore_mem>>
      %dma_start3A = arith.constant 0 : i32
      %dma_start3A_693 = arith.constant 0 : i32
      %dma_start3A_694 = tpu.memref_slice %arg6[%dma_start3A, %dma_start3A_693] : memref<10240x128xf32, #tpu.memory_space<vmem_shared>> -> memref<10240x128xf32, #tpu.memory_space<vmem_shared>>
      tpu.enqueue_indirect_dma source(%dma_start3A_694 : memref<10240x128xf32, #tpu.memory_space<vmem_shared>>) target(%arg10 : memref<128x128xf32, #tpu.memory_space<vmem>>) offsets(%arg9 : memref<128xi32, #tpu.memory_space<vmem>>) semaphore(%run_scoped3A : memref<!tpu.dma_semaphore, #tpu.memory_space<semaphore_mem>>)
      %dma_wait3A = arith.constant 0 : i32
      %dma_wait3A_695 = arith.constant 0 : i32
      %dma_wait3A_696 = tpu.memref_slice %arg6[%dma_wait3A, %dma_wait3A_695] : memref<10240x128xf32, #tpu.memory_space<vmem_shared>> -> memref<10240x128xf32, #tpu.memory_space<vmem_shared>>
      tpu.wait_indirect_dma semaphore(%run_scoped3A : memref<!tpu.dma_semaphore, #tpu.memory_space<semaphore_mem>>) src(%dma_wait3A_696 : memref<10240x128xf32, #tpu.memory_space<vmem_shared>>) dst(%arg10 : memref<128x128xf32, #tpu.memory_space<vmem>>)
      tpu.yield
    }) : () -> ()
    "tpu.region"() ({
      %run_scoped3A = tpu.sem_alloc : memref<!tpu.dma_semaphore, #tpu.memory_space<semaphore_mem>>
      %dma_start3A = arith.constant 0 : i32
      %dma_start3A_693 = tpu.memref_slice %arg5[%arg0, %add3A_560, %dma_start3A] : memref<2x10240x128xf32, #tpu.memory_space<hbm>> -> memref<1x128x128xf32, #tpu.memory_space<hbm>>
      %dma_start3A_694 = tpu.memref_squeeze %dma_start3A_693 : memref<1x128x128xf32, #tpu.memory_space<hbm>> -> memref<128x128xf32, #tpu.memory_space<hbm>>
      %dma_start3A_695 = arith.constant 0 : i32
      %dma_start3A_696 = tpu.memref_slice %arg5[%arg0, %add3A_560, %dma_start3A_695] : memref<2x10240x128xf32, #tpu.memory_space<hbm>> -> memref<1x128x128xf32, #tpu.memory_space<hbm>>
      %dma_start3A_697 = tpu.memref_squeeze %dma_start3A_696 : memref<1x128x128xf32, #tpu.memory_space<hbm>> -> memref<128x128xf32, #tpu.memory_space<hbm>>
      tpu.enqueue_dma source(%arg10 : memref<128x128xf32, #tpu.memory_space<vmem>>) target(%dma_start3A_697 : memref<128x128xf32, #tpu.memory_space<hbm>>) target_semaphore(%run_scoped3A : memref<!tpu.dma_semaphore, #tpu.memory_space<semaphore_mem>>)
      %dma_wait3A = arith.constant 0 : i32
      %dma_wait3A_698 = tpu.memref_slice %arg5[%arg0, %add3A_560, %dma_wait3A] : memref<2x10240x128xf32, #tpu.memory_space<hbm>> -> memref<1x128x128xf32, #tpu.memory_space<hbm>>
      %dma_wait3A_699 = tpu.memref_squeeze %dma_wait3A_698 : memref<1x128x128xf32, #tpu.memory_space<hbm>> -> memref<128x128xf32, #tpu.memory_space<hbm>>
      %dma_wait3A_700 = arith.constant 0 : i32
      %dma_wait3A_701 = tpu.memref_slice %arg5[%arg0, %add3A_560, %dma_wait3A_700] : memref<2x10240x128xf32, #tpu.memory_space<hbm>> -> memref<1x128x128xf32, #tpu.memory_space<hbm>>
      %dma_wait3A_702 = tpu.memref_squeeze %dma_wait3A_701 : memref<1x128x128xf32, #tpu.memory_space<hbm>> -> memref<128x128xf32, #tpu.memory_space<hbm>>
      tpu.wait_dma2 semaphore(%run_scoped3A : memref<!tpu.dma_semaphore, #tpu.memory_space<semaphore_mem>>) src(%arg10 : memref<128x128xf32, #tpu.memory_space<vmem>>) dst(%dma_wait3A_702 : memref<128x128xf32, #tpu.memory_space<hbm>>)
      tpu.yield
    }) : () -> ()
    %mul3A_625 = arith.constant 640 : i32
    %mul3A_626 = arith.muli %arg1, %mul3A_625 : i32
    %add3A_627 = arith.constant 512 : i32
    %add3A_628 = arith.addi %mul3A_626, %add3A_627 : i32
    %add3A_629 = arith.constant 0 : i32
    %add3A_630 = arith.addi %add3A_628, %add3A_629 : i32
    %add3A_631 = vector.broadcast %add3A_630 : i32 to vector<16xi32>
    %add3A_632 = arith.addi %add3A_631, %iota3A : vector<16xi32>
    %swap3A_633 = arith.constant 0 : index
    %swap3A_634 = tpu.vector_load %arg9[%swap3A_633] {strides = array<i32>} : memref<128xi32, #tpu.memory_space<vmem>>, vector<16xi32>,
    %swap3A_635 = vector.shape_cast %swap3A_634 : vector<16xi32> to vector<16xi32>
    %swap3A_636 = vector.shape_cast %add3A_632 : vector<16xi32> to vector<16xi32>
    tpu.vector_store %arg9[%swap3A_633], %swap3A_636 {strides = array<i32>} : memref<128xi32, #tpu.memory_space<vmem>>, vector<16xi32>,
    %add3A_637 = arith.constant 16 : i32
    %add3A_638 = arith.addi %add3A_628, %add3A_637 : i32
    %add3A_639 = vector.broadcast %add3A_638 : i32 to vector<16xi32>
    %add3A_640 = arith.addi %add3A_639, %iota3A : vector<16xi32>
    %swap3A_641 = arith.constant 16 : index
    %swap3A_642 = tpu.vector_load %arg9[%swap3A_641] {strides = array<i32>} : memref<128xi32, #tpu.memory_space<vmem>>, vector<16xi32>,
    %swap3A_643 = vector.shape_cast %swap3A_642 : vector<16xi32> to vector<16xi32>
    %swap3A_644 = vector.shape_cast %add3A_640 : vector<16xi32> to vector<16xi32>
    tpu.vector_store %arg9[%swap3A_641], %swap3A_644 {strides = array<i32>} : memref<128xi32, #tpu.memory_space<vmem>>, vector<16xi32>,
    %add3A_645 = arith.constant 32 : i32
    %add3A_646 = arith.addi %add3A_628, %add3A_645 : i32
    %add3A_647 = vector.broadcast %add3A_646 : i32 to vector<16xi32>
    %add3A_648 = arith.addi %add3A_647, %iota3A : vector<16xi32>
    %swap3A_649 = arith.constant 32 : index
    %swap3A_650 = tpu.vector_load %arg9[%swap3A_649] {strides = array<i32>} : memref<128xi32, #tpu.memory_space<vmem>>, vector<16xi32>,
    %swap3A_651 = vector.shape_cast %swap3A_650 : vector<16xi32> to vector<16xi32>
    %swap3A_652 = vector.shape_cast %add3A_648 : vector<16xi32> to vector<16xi32>
    tpu.vector_store %arg9[%swap3A_649], %swap3A_652 {strides = array<i32>} : memref<128xi32, #tpu.memory_space<vmem>>, vector<16xi32>,
    %add3A_653 = arith.constant 48 : i32
    %add3A_654 = arith.addi %add3A_628, %add3A_653 : i32
    %add3A_655 = vector.broadcast %add3A_654 : i32 to vector<16xi32>
    %add3A_656 = arith.addi %add3A_655, %iota3A : vector<16xi32>
    %swap3A_657 = arith.constant 48 : index
    %swap3A_658 = tpu.vector_load %arg9[%swap3A_657] {strides = array<i32>} : memref<128xi32, #tpu.memory_space<vmem>>, vector<16xi32>,
    %swap3A_659 = vector.shape_cast %swap3A_658 : vector<16xi32> to vector<16xi32>
    %swap3A_660 = vector.shape_cast %add3A_656 : vector<16xi32> to vector<16xi32>
    tpu.vector_store %arg9[%swap3A_657], %swap3A_660 {strides = array<i32>} : memref<128xi32, #tpu.memory_space<vmem>>, vector<16xi32>,
    %add3A_661 = arith.constant 64 : i32
    %add3A_662 = arith.addi %add3A_628, %add3A_661 : i32
    %add3A_663 = vector.broadcast %add3A_662 : i32 to vector<16xi32>
    %add3A_664 = arith.addi %add3A_663, %iota3A : vector<16xi32>
    %swap3A_665 = arith.constant 64 : index
    %swap3A_666 = tpu.vector_load %arg9[%swap3A_665] {strides = array<i32>} : memref<128xi32, #tpu.memory_space<vmem>>, vector<16xi32>,
    %swap3A_667 = vector.shape_cast %swap3A_666 : vector<16xi32> to vector<16xi32>
    %swap3A_668 = vector.shape_cast %add3A_664 : vector<16xi32> to vector<16xi32>
    tpu.vector_store %arg9[%swap3A_665], %swap3A_668 {strides = array<i32>} : memref<128xi32, #tpu.memory_space<vmem>>, vector<16xi32>,
    %add3A_669 = arith.constant 80 : i32
    %add3A_670 = arith.addi %add3A_628, %add3A_669 : i32
    %add3A_671 = vector.broadcast %add3A_670 : i32 to vector<16xi32>
    %add3A_672 = arith.addi %add3A_671, %iota3A : vector<16xi32>
    %swap3A_673 = arith.constant 80 : index
    %swap3A_674 = tpu.vector_load %arg9[%swap3A_673] {strides = array<i32>} : memref<128xi32, #tpu.memory_space<vmem>>, vector<16xi32>,
    %swap3A_675 = vector.shape_cast %swap3A_674 : vector<16xi32> to vector<16xi32>
    %swap3A_676 = vector.shape_cast %add3A_672 : vector<16xi32> to vector<16xi32>
    tpu.vector_store %arg9[%swap3A_673], %swap3A_676 {strides = array<i32>} : memref<128xi32, #tpu.memory_space<vmem>>, vector<16xi32>,
    %add3A_677 = arith.constant 96 : i32
    %add3A_678 = arith.addi %add3A_628, %add3A_677 : i32
    %add3A_679 = vector.broadcast %add3A_678 : i32 to vector<16xi32>
    %add3A_680 = arith.addi %add3A_679, %iota3A : vector<16xi32>
    %swap3A_681 = arith.constant 96 : index
    %swap3A_682 = tpu.vector_load %arg9[%swap3A_681] {strides = array<i32>} : memref<128xi32, #tpu.memory_space<vmem>>, vector<16xi32>,
    %swap3A_683 = vector.shape_cast %swap3A_682 : vector<16xi32> to vector<16xi32>
    %swap3A_684 = vector.shape_cast %add3A_680 : vector<16xi32> to vector<16xi32>
    tpu.vector_store %arg9[%swap3A_681], %swap3A_684 {strides = array<i32>} : memref<128xi32, #tpu.memory_space<vmem>>, vector<16xi32>,
    %add3A_685 = arith.constant 112 : i32
    %add3A_686 = arith.addi %add3A_628, %add3A_685 : i32
    %add3A_687 = vector.broadcast %add3A_686 : i32 to vector<16xi32>
    %add3A_688 = arith.addi %add3A_687, %iota3A : vector<16xi32>
    %swap3A_689 = arith.constant 112 : index
    %swap3A_690 = tpu.vector_load %arg9[%swap3A_689] {strides = array<i32>} : memref<128xi32, #tpu.memory_space<vmem>>, vector<16xi32>,
    %swap3A_691 = vector.shape_cast %swap3A_690 : vector<16xi32> to vector<16xi32>
    %swap3A_692 = vector.shape_cast %add3A_688 : vector<16xi32> to vector<16xi32>
    tpu.vector_store %arg9[%swap3A_689], %swap3A_692 {strides = array<i32>} : memref<128xi32, #tpu.memory_space<vmem>>, vector<16xi32>,
    "tpu.region"() ({
      %run_scoped3A = tpu.sem_alloc : memref<!tpu.dma_semaphore, #tpu.memory_space<semaphore_mem>>
      %dma_start3A = arith.constant 0 : i32
      %dma_start3A_693 = arith.constant 0 : i32
      %dma_start3A_694 = tpu.memref_slice %arg6[%dma_start3A, %dma_start3A_693] : memref<10240x128xf32, #tpu.memory_space<vmem_shared>> -> memref<10240x128xf32, #tpu.memory_space<vmem_shared>>
      tpu.enqueue_indirect_dma source(%dma_start3A_694 : memref<10240x128xf32, #tpu.memory_space<vmem_shared>>) target(%arg10 : memref<128x128xf32, #tpu.memory_space<vmem>>) offsets(%arg9 : memref<128xi32, #tpu.memory_space<vmem>>) semaphore(%run_scoped3A : memref<!tpu.dma_semaphore, #tpu.memory_space<semaphore_mem>>)
      %dma_wait3A = arith.constant 0 : i32
      %dma_wait3A_695 = arith.constant 0 : i32
      %dma_wait3A_696 = tpu.memref_slice %arg6[%dma_wait3A, %dma_wait3A_695] : memref<10240x128xf32, #tpu.memory_space<vmem_shared>> -> memref<10240x128xf32, #tpu.memory_space<vmem_shared>>
      tpu.wait_indirect_dma semaphore(%run_scoped3A : memref<!tpu.dma_semaphore, #tpu.memory_space<semaphore_mem>>) src(%dma_wait3A_696 : memref<10240x128xf32, #tpu.memory_space<vmem_shared>>) dst(%arg10 : memref<128x128xf32, #tpu.memory_space<vmem>>)
      tpu.yield
    }) : () -> ()
    "tpu.region"() ({
      %run_scoped3A = tpu.sem_alloc : memref<!tpu.dma_semaphore, #tpu.memory_space<semaphore_mem>>
      %dma_start3A = arith.constant 0 : i32
      %dma_start3A_693 = tpu.memref_slice %arg5[%arg0, %add3A_628, %dma_start3A] : memref<2x10240x128xf32, #tpu.memory_space<hbm>> -> memref<1x128x128xf32, #tpu.memory_space<hbm>>
      %dma_start3A_694 = tpu.memref_squeeze %dma_start3A_693 : memref<1x128x128xf32, #tpu.memory_space<hbm>> -> memref<128x128xf32, #tpu.memory_space<hbm>>
      %dma_start3A_695 = arith.constant 0 : i32
      %dma_start3A_696 = tpu.memref_slice %arg5[%arg0, %add3A_628, %dma_start3A_695] : memref<2x10240x128xf32, #tpu.memory_space<hbm>> -> memref<1x128x128xf32, #tpu.memory_space<hbm>>
      %dma_start3A_697 = tpu.memref_squeeze %dma_start3A_696 : memref<1x128x128xf32, #tpu.memory_space<hbm>> -> memref<128x128xf32, #tpu.memory_space<hbm>>
      tpu.enqueue_dma source(%arg10 : memref<128x128xf32, #tpu.memory_space<vmem>>) target(%dma_start3A_697 : memref<128x128xf32, #tpu.memory_space<hbm>>) target_semaphore(%run_scoped3A : memref<!tpu.dma_semaphore, #tpu.memory_space<semaphore_mem>>)
      %dma_wait3A = arith.constant 0 : i32
      %dma_wait3A_698 = tpu.memref_slice %arg5[%arg0, %add3A_628, %dma_wait3A] : memref<2x10240x128xf32, #tpu.memory_space<hbm>> -> memref<1x128x128xf32, #tpu.memory_space<hbm>>
      %dma_wait3A_699 = tpu.memref_squeeze %dma_wait3A_698 : memref<1x128x128xf32, #tpu.memory_space<hbm>> -> memref<128x128xf32, #tpu.memory_space<hbm>>
      %dma_wait3A_700 = arith.constant 0 : i32
      %dma_wait3A_701 = tpu.memref_slice %arg5[%arg0, %add3A_628, %dma_wait3A_700] : memref<2x10240x128xf32, #tpu.memory_space<hbm>> -> memref<1x128x128xf32, #tpu.memory_space<hbm>>
      %dma_wait3A_702 = tpu.memref_squeeze %dma_wait3A_701 : memref<1x128x128xf32, #tpu.memory_space<hbm>> -> memref<128x128xf32, #tpu.memory_space<hbm>>
      tpu.wait_dma2 semaphore(%run_scoped3A : memref<!tpu.dma_semaphore, #tpu.memory_space<semaphore_mem>>) src(%arg10 : memref<128x128xf32, #tpu.memory_space<vmem>>) dst(%dma_wait3A_702 : memref<128x128xf32, #tpu.memory_space<hbm>>)
      tpu.yield
    }) : () -> ()
    return
  }
}

#map = affine_map<(d0, d1) -> (0, 0)>
#map1 = affine_map<(d0, d1) -> (0, 0, 0)>
module attributes {stable_mosaic.version = 14 : i64} {
  func.func @_cnt_body(%arg0: i32, %arg1: i32, %arg2: memref<2500x128xi32, #tpu.memory_space<hbm>>, %arg3: memref<2x10240x16xf32, #tpu.memory_space<hbm>>, %arg4: memref<10240x16xf32, #tpu.memory_space<vmem_shared>>, %arg5: memref<4x128xi32, #tpu.memory_space<vmem>>, %arg6: memref<128xi32, #tpu.memory_space<vmem>>, %arg7: memref<128x16xf32, #tpu.memory_space<vmem>>) attributes {dimension_semantics = [#tpu.dimension_semantics<core_parallel>, #tpu.dimension_semantics<subcore_parallel>], iteration_bounds = array<i64: 2, 16>, scalar_prefetch = 0 : i64, scratch_operands = 4 : i64, tpu.core_type = #tpu.core_type<sc_vector_subcore>, window_params = [{transform_indices = #map}, {transform_indices = #map1}]} {
    %mul3A = arith.constant 16 : i32
    %mul3A_0 = arith.muli %arg0, %mul3A : i32
    %add3A = arith.addi %mul3A_0, %arg1 : i32
    %broadcast_in_dim3A = arith.constant 0.000000e+00 : f32
    %broadcast_in_dim3A_1 = vector.broadcast %broadcast_in_dim3A : f32 to vector<16xf32>
    %broadcast_in_dim3A_2 = arith.constant 1.000000e+00 : f32
    %broadcast_in_dim3A_3 = vector.broadcast %broadcast_in_dim3A_2 : f32 to vector<16xf32>
    %iota3A = tpu.iota {dimensions = array<i32: 0>} : vector<16xi32>
    %scan3A = arith.constant 0 : i32
    %scan3A_4 = arith.constant 0 : i32
    %scan3A_5 = arith.constant 128 : i32
    %scan3A_6 = arith.addi %scan3A_4, %scan3A_5 : i32
    %scan3A_7 = arith.constant 1 : i32
    scf.for %scan3A_701 = %scan3A_4 to %scan3A_6 step %scan3A_7  : i32 {
      %swap3A_702 = arith.index_cast %scan3A_701 : i32 to index
      %swap3A_703 = arith.constant 0 : index
      %swap3A_704 = tpu.vector_load %arg7[%swap3A_702, %swap3A_703] {strides = array<i32>} : memref<128x16xf32, #tpu.memory_space<vmem>>, vector<1x16xf32>,
      %swap3A_705 = vector.shape_cast %swap3A_704 : vector<1x16xf32> to vector<16xf32>
      %swap3A_706 = vector.shape_cast %broadcast_in_dim3A_1 : vector<16xf32> to vector<1x16xf32>
      tpu.vector_store %arg7[%swap3A_702, %swap3A_703], %swap3A_706 {strides = array<i32>} : memref<128x16xf32, #tpu.memory_space<vmem>>, vector<1x16xf32>,
    }
    %scan3A_8 = arith.constant 128 : i32
    %mul3A_9 = arith.constant 640 : i32
    %mul3A_10 = arith.muli %arg1, %mul3A_9 : i32
    %add3A_11 = arith.constant 0 : i32
    %add3A_12 = arith.addi %mul3A_10, %add3A_11 : i32
    %add3A_13 = arith.constant 0 : i32
    %add3A_14 = arith.addi %add3A_12, %add3A_13 : i32
    %add3A_15 = vector.broadcast %add3A_14 : i32 to vector<16xi32>
    %add3A_16 = arith.addi %add3A_15, %iota3A : vector<16xi32>
    %swap3A = arith.constant 0 : index
    %swap3A_17 = tpu.vector_load %arg6[%swap3A] {strides = array<i32>} : memref<128xi32, #tpu.memory_space<vmem>>, vector<16xi32>,
    %swap3A_18 = vector.shape_cast %swap3A_17 : vector<16xi32> to vector<16xi32>
    %swap3A_19 = vector.shape_cast %add3A_16 : vector<16xi32> to vector<16xi32>
    tpu.vector_store %arg6[%swap3A], %swap3A_19 {strides = array<i32>} : memref<128xi32, #tpu.memory_space<vmem>>, vector<16xi32>,
    %add3A_20 = arith.constant 16 : i32
    %add3A_21 = arith.addi %add3A_12, %add3A_20 : i32
    %add3A_22 = vector.broadcast %add3A_21 : i32 to vector<16xi32>
    %add3A_23 = arith.addi %add3A_22, %iota3A : vector<16xi32>
    %swap3A_24 = arith.constant 16 : index
    %swap3A_25 = tpu.vector_load %arg6[%swap3A_24] {strides = array<i32>} : memref<128xi32, #tpu.memory_space<vmem>>, vector<16xi32>,
    %swap3A_26 = vector.shape_cast %swap3A_25 : vector<16xi32> to vector<16xi32>
    %swap3A_27 = vector.shape_cast %add3A_23 : vector<16xi32> to vector<16xi32>
    tpu.vector_store %arg6[%swap3A_24], %swap3A_27 {strides = array<i32>} : memref<128xi32, #tpu.memory_space<vmem>>, vector<16xi32>,
    %add3A_28 = arith.constant 32 : i32
    %add3A_29 = arith.addi %add3A_12, %add3A_28 : i32
    %add3A_30 = vector.broadcast %add3A_29 : i32 to vector<16xi32>
    %add3A_31 = arith.addi %add3A_30, %iota3A : vector<16xi32>
    %swap3A_32 = arith.constant 32 : index
    %swap3A_33 = tpu.vector_load %arg6[%swap3A_32] {strides = array<i32>} : memref<128xi32, #tpu.memory_space<vmem>>, vector<16xi32>,
    %swap3A_34 = vector.shape_cast %swap3A_33 : vector<16xi32> to vector<16xi32>
    %swap3A_35 = vector.shape_cast %add3A_31 : vector<16xi32> to vector<16xi32>
    tpu.vector_store %arg6[%swap3A_32], %swap3A_35 {strides = array<i32>} : memref<128xi32, #tpu.memory_space<vmem>>, vector<16xi32>,
    %add3A_36 = arith.constant 48 : i32
    %add3A_37 = arith.addi %add3A_12, %add3A_36 : i32
    %add3A_38 = vector.broadcast %add3A_37 : i32 to vector<16xi32>
    %add3A_39 = arith.addi %add3A_38, %iota3A : vector<16xi32>
    %swap3A_40 = arith.constant 48 : index
    %swap3A_41 = tpu.vector_load %arg6[%swap3A_40] {strides = array<i32>} : memref<128xi32, #tpu.memory_space<vmem>>, vector<16xi32>,
    %swap3A_42 = vector.shape_cast %swap3A_41 : vector<16xi32> to vector<16xi32>
    %swap3A_43 = vector.shape_cast %add3A_39 : vector<16xi32> to vector<16xi32>
    tpu.vector_store %arg6[%swap3A_40], %swap3A_43 {strides = array<i32>} : memref<128xi32, #tpu.memory_space<vmem>>, vector<16xi32>,
    %add3A_44 = arith.constant 64 : i32
    %add3A_45 = arith.addi %add3A_12, %add3A_44 : i32
    %add3A_46 = vector.broadcast %add3A_45 : i32 to vector<16xi32>
    %add3A_47 = arith.addi %add3A_46, %iota3A : vector<16xi32>
    %swap3A_48 = arith.constant 64 : index
    %swap3A_49 = tpu.vector_load %arg6[%swap3A_48] {strides = array<i32>} : memref<128xi32, #tpu.memory_space<vmem>>, vector<16xi32>,
    %swap3A_50 = vector.shape_cast %swap3A_49 : vector<16xi32> to vector<16xi32>
    %swap3A_51 = vector.shape_cast %add3A_47 : vector<16xi32> to vector<16xi32>
    tpu.vector_store %arg6[%swap3A_48], %swap3A_51 {strides = array<i32>} : memref<128xi32, #tpu.memory_space<vmem>>, vector<16xi32>,
    %add3A_52 = arith.constant 80 : i32
    %add3A_53 = arith.addi %add3A_12, %add3A_52 : i32
    %add3A_54 = vector.broadcast %add3A_53 : i32 to vector<16xi32>
    %add3A_55 = arith.addi %add3A_54, %iota3A : vector<16xi32>
    %swap3A_56 = arith.constant 80 : index
    %swap3A_57 = tpu.vector_load %arg6[%swap3A_56] {strides = array<i32>} : memref<128xi32, #tpu.memory_space<vmem>>, vector<16xi32>,
    %swap3A_58 = vector.shape_cast %swap3A_57 : vector<16xi32> to vector<16xi32>
    %swap3A_59 = vector.shape_cast %add3A_55 : vector<16xi32> to vector<16xi32>
    tpu.vector_store %arg6[%swap3A_56], %swap3A_59 {strides = array<i32>} : memref<128xi32, #tpu.memory_space<vmem>>, vector<16xi32>,
    %add3A_60 = arith.constant 96 : i32
    %add3A_61 = arith.addi %add3A_12, %add3A_60 : i32
    %add3A_62 = vector.broadcast %add3A_61 : i32 to vector<16xi32>
    %add3A_63 = arith.addi %add3A_62, %iota3A : vector<16xi32>
    %swap3A_64 = arith.constant 96 : index
    %swap3A_65 = tpu.vector_load %arg6[%swap3A_64] {strides = array<i32>} : memref<128xi32, #tpu.memory_space<vmem>>, vector<16xi32>,
    %swap3A_66 = vector.shape_cast %swap3A_65 : vector<16xi32> to vector<16xi32>
    %swap3A_67 = vector.shape_cast %add3A_63 : vector<16xi32> to vector<16xi32>
    tpu.vector_store %arg6[%swap3A_64], %swap3A_67 {strides = array<i32>} : memref<128xi32, #tpu.memory_space<vmem>>, vector<16xi32>,
    %add3A_68 = arith.constant 112 : i32
    %add3A_69 = arith.addi %add3A_12, %add3A_68 : i32
    %add3A_70 = vector.broadcast %add3A_69 : i32 to vector<16xi32>
    %add3A_71 = arith.addi %add3A_70, %iota3A : vector<16xi32>
    %swap3A_72 = arith.constant 112 : index
    %swap3A_73 = tpu.vector_load %arg6[%swap3A_72] {strides = array<i32>} : memref<128xi32, #tpu.memory_space<vmem>>, vector<16xi32>,
    %swap3A_74 = vector.shape_cast %swap3A_73 : vector<16xi32> to vector<16xi32>
    %swap3A_75 = vector.shape_cast %add3A_71 : vector<16xi32> to vector<16xi32>
    tpu.vector_store %arg6[%swap3A_72], %swap3A_75 {strides = array<i32>} : memref<128xi32, #tpu.memory_space<vmem>>, vector<16xi32>,
    "tpu.region"() ({
      %run_scoped3A = tpu.sem_alloc : memref<!tpu.dma_semaphore, #tpu.memory_space<semaphore_mem>>
      %dma_start3A = arith.constant 0 : i32
      %dma_start3A_701 = arith.constant 0 : i32
      %dma_start3A_702 = tpu.memref_slice %arg4[%dma_start3A, %dma_start3A_701] : memref<10240x16xf32, #tpu.memory_space<vmem_shared>> -> memref<10240x16xf32, #tpu.memory_space<vmem_shared>>
      tpu.enqueue_indirect_dma source(%arg7 : memref<128x16xf32, #tpu.memory_space<vmem>>) target(%dma_start3A_702 : memref<10240x16xf32, #tpu.memory_space<vmem_shared>>) offsets(%arg6 : memref<128xi32, #tpu.memory_space<vmem>>) semaphore(%run_scoped3A : memref<!tpu.dma_semaphore, #tpu.memory_space<semaphore_mem>>)
      %dma_wait3A = arith.constant 0 : i32
      %dma_wait3A_703 = arith.constant 0 : i32
      %dma_wait3A_704 = tpu.memref_slice %arg4[%dma_wait3A, %dma_wait3A_703] : memref<10240x16xf32, #tpu.memory_space<vmem_shared>> -> memref<10240x16xf32, #tpu.memory_space<vmem_shared>>
      tpu.wait_indirect_dma semaphore(%run_scoped3A : memref<!tpu.dma_semaphore, #tpu.memory_space<semaphore_mem>>) src(%arg7 : memref<128x16xf32, #tpu.memory_space<vmem>>) dst(%dma_wait3A_704 : memref<10240x16xf32, #tpu.memory_space<vmem_shared>>)
      tpu.yield
    }) : () -> ()
    %mul3A_76 = arith.constant 640 : i32
    %mul3A_77 = arith.muli %arg1, %mul3A_76 : i32
    %add3A_78 = arith.constant 128 : i32
    %add3A_79 = arith.addi %mul3A_77, %add3A_78 : i32
    %add3A_80 = arith.constant 0 : i32
    %add3A_81 = arith.addi %add3A_79, %add3A_80 : i32
    %add3A_82 = vector.broadcast %add3A_81 : i32 to vector<16xi32>
    %add3A_83 = arith.addi %add3A_82, %iota3A : vector<16xi32>
    %swap3A_84 = arith.constant 0 : index
    %swap3A_85 = tpu.vector_load %arg6[%swap3A_84] {strides = array<i32>} : memref<128xi32, #tpu.memory_space<vmem>>, vector<16xi32>,
    %swap3A_86 = vector.shape_cast %swap3A_85 : vector<16xi32> to vector<16xi32>
    %swap3A_87 = vector.shape_cast %add3A_83 : vector<16xi32> to vector<16xi32>
    tpu.vector_store %arg6[%swap3A_84], %swap3A_87 {strides = array<i32>} : memref<128xi32, #tpu.memory_space<vmem>>, vector<16xi32>,
    %add3A_88 = arith.constant 16 : i32
    %add3A_89 = arith.addi %add3A_79, %add3A_88 : i32
    %add3A_90 = vector.broadcast %add3A_89 : i32 to vector<16xi32>
    %add3A_91 = arith.addi %add3A_90, %iota3A : vector<16xi32>
    %swap3A_92 = arith.constant 16 : index
    %swap3A_93 = tpu.vector_load %arg6[%swap3A_92] {strides = array<i32>} : memref<128xi32, #tpu.memory_space<vmem>>, vector<16xi32>,
    %swap3A_94 = vector.shape_cast %swap3A_93 : vector<16xi32> to vector<16xi32>
    %swap3A_95 = vector.shape_cast %add3A_91 : vector<16xi32> to vector<16xi32>
    tpu.vector_store %arg6[%swap3A_92], %swap3A_95 {strides = array<i32>} : memref<128xi32, #tpu.memory_space<vmem>>, vector<16xi32>,
    %add3A_96 = arith.constant 32 : i32
    %add3A_97 = arith.addi %add3A_79, %add3A_96 : i32
    %add3A_98 = vector.broadcast %add3A_97 : i32 to vector<16xi32>
    %add3A_99 = arith.addi %add3A_98, %iota3A : vector<16xi32>
    %swap3A_100 = arith.constant 32 : index
    %swap3A_101 = tpu.vector_load %arg6[%swap3A_100] {strides = array<i32>} : memref<128xi32, #tpu.memory_space<vmem>>, vector<16xi32>,
    %swap3A_102 = vector.shape_cast %swap3A_101 : vector<16xi32> to vector<16xi32>
    %swap3A_103 = vector.shape_cast %add3A_99 : vector<16xi32> to vector<16xi32>
    tpu.vector_store %arg6[%swap3A_100], %swap3A_103 {strides = array<i32>} : memref<128xi32, #tpu.memory_space<vmem>>, vector<16xi32>,
    %add3A_104 = arith.constant 48 : i32
    %add3A_105 = arith.addi %add3A_79, %add3A_104 : i32
    %add3A_106 = vector.broadcast %add3A_105 : i32 to vector<16xi32>
    %add3A_107 = arith.addi %add3A_106, %iota3A : vector<16xi32>
    %swap3A_108 = arith.constant 48 : index
    %swap3A_109 = tpu.vector_load %arg6[%swap3A_108] {strides = array<i32>} : memref<128xi32, #tpu.memory_space<vmem>>, vector<16xi32>,
    %swap3A_110 = vector.shape_cast %swap3A_109 : vector<16xi32> to vector<16xi32>
    %swap3A_111 = vector.shape_cast %add3A_107 : vector<16xi32> to vector<16xi32>
    tpu.vector_store %arg6[%swap3A_108], %swap3A_111 {strides = array<i32>} : memref<128xi32, #tpu.memory_space<vmem>>, vector<16xi32>,
    %add3A_112 = arith.constant 64 : i32
    %add3A_113 = arith.addi %add3A_79, %add3A_112 : i32
    %add3A_114 = vector.broadcast %add3A_113 : i32 to vector<16xi32>
    %add3A_115 = arith.addi %add3A_114, %iota3A : vector<16xi32>
    %swap3A_116 = arith.constant 64 : index
    %swap3A_117 = tpu.vector_load %arg6[%swap3A_116] {strides = array<i32>} : memref<128xi32, #tpu.memory_space<vmem>>, vector<16xi32>,
    %swap3A_118 = vector.shape_cast %swap3A_117 : vector<16xi32> to vector<16xi32>
    %swap3A_119 = vector.shape_cast %add3A_115 : vector<16xi32> to vector<16xi32>
    tpu.vector_store %arg6[%swap3A_116], %swap3A_119 {strides = array<i32>} : memref<128xi32, #tpu.memory_space<vmem>>, vector<16xi32>,
    %add3A_120 = arith.constant 80 : i32
    %add3A_121 = arith.addi %add3A_79, %add3A_120 : i32
    %add3A_122 = vector.broadcast %add3A_121 : i32 to vector<16xi32>
    %add3A_123 = arith.addi %add3A_122, %iota3A : vector<16xi32>
    %swap3A_124 = arith.constant 80 : index
    %swap3A_125 = tpu.vector_load %arg6[%swap3A_124] {strides = array<i32>} : memref<128xi32, #tpu.memory_space<vmem>>, vector<16xi32>,
    %swap3A_126 = vector.shape_cast %swap3A_125 : vector<16xi32> to vector<16xi32>
    %swap3A_127 = vector.shape_cast %add3A_123 : vector<16xi32> to vector<16xi32>
    tpu.vector_store %arg6[%swap3A_124], %swap3A_127 {strides = array<i32>} : memref<128xi32, #tpu.memory_space<vmem>>, vector<16xi32>,
    %add3A_128 = arith.constant 96 : i32
    %add3A_129 = arith.addi %add3A_79, %add3A_128 : i32
    %add3A_130 = vector.broadcast %add3A_129 : i32 to vector<16xi32>
    %add3A_131 = arith.addi %add3A_130, %iota3A : vector<16xi32>
    %swap3A_132 = arith.constant 96 : index
    %swap3A_133 = tpu.vector_load %arg6[%swap3A_132] {strides = array<i32>} : memref<128xi32, #tpu.memory_space<vmem>>, vector<16xi32>,
    %swap3A_134 = vector.shape_cast %swap3A_133 : vector<16xi32> to vector<16xi32>
    %swap3A_135 = vector.shape_cast %add3A_131 : vector<16xi32> to vector<16xi32>
    tpu.vector_store %arg6[%swap3A_132], %swap3A_135 {strides = array<i32>} : memref<128xi32, #tpu.memory_space<vmem>>, vector<16xi32>,
    %add3A_136 = arith.constant 112 : i32
    %add3A_137 = arith.addi %add3A_79, %add3A_136 : i32
    %add3A_138 = vector.broadcast %add3A_137 : i32 to vector<16xi32>
    %add3A_139 = arith.addi %add3A_138, %iota3A : vector<16xi32>
    %swap3A_140 = arith.constant 112 : index
    %swap3A_141 = tpu.vector_load %arg6[%swap3A_140] {strides = array<i32>} : memref<128xi32, #tpu.memory_space<vmem>>, vector<16xi32>,
    %swap3A_142 = vector.shape_cast %swap3A_141 : vector<16xi32> to vector<16xi32>
    %swap3A_143 = vector.shape_cast %add3A_139 : vector<16xi32> to vector<16xi32>
    tpu.vector_store %arg6[%swap3A_140], %swap3A_143 {strides = array<i32>} : memref<128xi32, #tpu.memory_space<vmem>>, vector<16xi32>,
    "tpu.region"() ({
      %run_scoped3A = tpu.sem_alloc : memref<!tpu.dma_semaphore, #tpu.memory_space<semaphore_mem>>
      %dma_start3A = arith.constant 0 : i32
      %dma_start3A_701 = arith.constant 0 : i32
      %dma_start3A_702 = tpu.memref_slice %arg4[%dma_start3A, %dma_start3A_701] : memref<10240x16xf32, #tpu.memory_space<vmem_shared>> -> memref<10240x16xf32, #tpu.memory_space<vmem_shared>>
      tpu.enqueue_indirect_dma source(%arg7 : memref<128x16xf32, #tpu.memory_space<vmem>>) target(%dma_start3A_702 : memref<10240x16xf32, #tpu.memory_space<vmem_shared>>) offsets(%arg6 : memref<128xi32, #tpu.memory_space<vmem>>) semaphore(%run_scoped3A : memref<!tpu.dma_semaphore, #tpu.memory_space<semaphore_mem>>)
      %dma_wait3A = arith.constant 0 : i32
      %dma_wait3A_703 = arith.constant 0 : i32
      %dma_wait3A_704 = tpu.memref_slice %arg4[%dma_wait3A, %dma_wait3A_703] : memref<10240x16xf32, #tpu.memory_space<vmem_shared>> -> memref<10240x16xf32, #tpu.memory_space<vmem_shared>>
      tpu.wait_indirect_dma semaphore(%run_scoped3A : memref<!tpu.dma_semaphore, #tpu.memory_space<semaphore_mem>>) src(%arg7 : memref<128x16xf32, #tpu.memory_space<vmem>>) dst(%dma_wait3A_704 : memref<10240x16xf32, #tpu.memory_space<vmem_shared>>)
      tpu.yield
    }) : () -> ()
    %mul3A_144 = arith.constant 640 : i32
    %mul3A_145 = arith.muli %arg1, %mul3A_144 : i32
    %add3A_146 = arith.constant 256 : i32
    %add3A_147 = arith.addi %mul3A_145, %add3A_146 : i32
    %add3A_148 = arith.constant 0 : i32
    %add3A_149 = arith.addi %add3A_147, %add3A_148 : i32
    %add3A_150 = vector.broadcast %add3A_149 : i32 to vector<16xi32>
    %add3A_151 = arith.addi %add3A_150, %iota3A : vector<16xi32>
    %swap3A_152 = arith.constant 0 : index
    %swap3A_153 = tpu.vector_load %arg6[%swap3A_152] {strides = array<i32>} : memref<128xi32, #tpu.memory_space<vmem>>, vector<16xi32>,
    %swap3A_154 = vector.shape_cast %swap3A_153 : vector<16xi32> to vector<16xi32>
    %swap3A_155 = vector.shape_cast %add3A_151 : vector<16xi32> to vector<16xi32>
    tpu.vector_store %arg6[%swap3A_152], %swap3A_155 {strides = array<i32>} : memref<128xi32, #tpu.memory_space<vmem>>, vector<16xi32>,
    %add3A_156 = arith.constant 16 : i32
    %add3A_157 = arith.addi %add3A_147, %add3A_156 : i32
    %add3A_158 = vector.broadcast %add3A_157 : i32 to vector<16xi32>
    %add3A_159 = arith.addi %add3A_158, %iota3A : vector<16xi32>
    %swap3A_160 = arith.constant 16 : index
    %swap3A_161 = tpu.vector_load %arg6[%swap3A_160] {strides = array<i32>} : memref<128xi32, #tpu.memory_space<vmem>>, vector<16xi32>,
    %swap3A_162 = vector.shape_cast %swap3A_161 : vector<16xi32> to vector<16xi32>
    %swap3A_163 = vector.shape_cast %add3A_159 : vector<16xi32> to vector<16xi32>
    tpu.vector_store %arg6[%swap3A_160], %swap3A_163 {strides = array<i32>} : memref<128xi32, #tpu.memory_space<vmem>>, vector<16xi32>,
    %add3A_164 = arith.constant 32 : i32
    %add3A_165 = arith.addi %add3A_147, %add3A_164 : i32
    %add3A_166 = vector.broadcast %add3A_165 : i32 to vector<16xi32>
    %add3A_167 = arith.addi %add3A_166, %iota3A : vector<16xi32>
    %swap3A_168 = arith.constant 32 : index
    %swap3A_169 = tpu.vector_load %arg6[%swap3A_168] {strides = array<i32>} : memref<128xi32, #tpu.memory_space<vmem>>, vector<16xi32>,
    %swap3A_170 = vector.shape_cast %swap3A_169 : vector<16xi32> to vector<16xi32>
    %swap3A_171 = vector.shape_cast %add3A_167 : vector<16xi32> to vector<16xi32>
    tpu.vector_store %arg6[%swap3A_168], %swap3A_171 {strides = array<i32>} : memref<128xi32, #tpu.memory_space<vmem>>, vector<16xi32>,
    %add3A_172 = arith.constant 48 : i32
    %add3A_173 = arith.addi %add3A_147, %add3A_172 : i32
    %add3A_174 = vector.broadcast %add3A_173 : i32 to vector<16xi32>
    %add3A_175 = arith.addi %add3A_174, %iota3A : vector<16xi32>
    %swap3A_176 = arith.constant 48 : index
    %swap3A_177 = tpu.vector_load %arg6[%swap3A_176] {strides = array<i32>} : memref<128xi32, #tpu.memory_space<vmem>>, vector<16xi32>,
    %swap3A_178 = vector.shape_cast %swap3A_177 : vector<16xi32> to vector<16xi32>
    %swap3A_179 = vector.shape_cast %add3A_175 : vector<16xi32> to vector<16xi32>
    tpu.vector_store %arg6[%swap3A_176], %swap3A_179 {strides = array<i32>} : memref<128xi32, #tpu.memory_space<vmem>>, vector<16xi32>,
    %add3A_180 = arith.constant 64 : i32
    %add3A_181 = arith.addi %add3A_147, %add3A_180 : i32
    %add3A_182 = vector.broadcast %add3A_181 : i32 to vector<16xi32>
    %add3A_183 = arith.addi %add3A_182, %iota3A : vector<16xi32>
    %swap3A_184 = arith.constant 64 : index
    %swap3A_185 = tpu.vector_load %arg6[%swap3A_184] {strides = array<i32>} : memref<128xi32, #tpu.memory_space<vmem>>, vector<16xi32>,
    %swap3A_186 = vector.shape_cast %swap3A_185 : vector<16xi32> to vector<16xi32>
    %swap3A_187 = vector.shape_cast %add3A_183 : vector<16xi32> to vector<16xi32>
    tpu.vector_store %arg6[%swap3A_184], %swap3A_187 {strides = array<i32>} : memref<128xi32, #tpu.memory_space<vmem>>, vector<16xi32>,
    %add3A_188 = arith.constant 80 : i32
    %add3A_189 = arith.addi %add3A_147, %add3A_188 : i32
    %add3A_190 = vector.broadcast %add3A_189 : i32 to vector<16xi32>
    %add3A_191 = arith.addi %add3A_190, %iota3A : vector<16xi32>
    %swap3A_192 = arith.constant 80 : index
    %swap3A_193 = tpu.vector_load %arg6[%swap3A_192] {strides = array<i32>} : memref<128xi32, #tpu.memory_space<vmem>>, vector<16xi32>,
    %swap3A_194 = vector.shape_cast %swap3A_193 : vector<16xi32> to vector<16xi32>
    %swap3A_195 = vector.shape_cast %add3A_191 : vector<16xi32> to vector<16xi32>
    tpu.vector_store %arg6[%swap3A_192], %swap3A_195 {strides = array<i32>} : memref<128xi32, #tpu.memory_space<vmem>>, vector<16xi32>,
    %add3A_196 = arith.constant 96 : i32
    %add3A_197 = arith.addi %add3A_147, %add3A_196 : i32
    %add3A_198 = vector.broadcast %add3A_197 : i32 to vector<16xi32>
    %add3A_199 = arith.addi %add3A_198, %iota3A : vector<16xi32>
    %swap3A_200 = arith.constant 96 : index
    %swap3A_201 = tpu.vector_load %arg6[%swap3A_200] {strides = array<i32>} : memref<128xi32, #tpu.memory_space<vmem>>, vector<16xi32>,
    %swap3A_202 = vector.shape_cast %swap3A_201 : vector<16xi32> to vector<16xi32>
    %swap3A_203 = vector.shape_cast %add3A_199 : vector<16xi32> to vector<16xi32>
    tpu.vector_store %arg6[%swap3A_200], %swap3A_203 {strides = array<i32>} : memref<128xi32, #tpu.memory_space<vmem>>, vector<16xi32>,
    %add3A_204 = arith.constant 112 : i32
    %add3A_205 = arith.addi %add3A_147, %add3A_204 : i32
    %add3A_206 = vector.broadcast %add3A_205 : i32 to vector<16xi32>
    %add3A_207 = arith.addi %add3A_206, %iota3A : vector<16xi32>
    %swap3A_208 = arith.constant 112 : index
    %swap3A_209 = tpu.vector_load %arg6[%swap3A_208] {strides = array<i32>} : memref<128xi32, #tpu.memory_space<vmem>>, vector<16xi32>,
    %swap3A_210 = vector.shape_cast %swap3A_209 : vector<16xi32> to vector<16xi32>
    %swap3A_211 = vector.shape_cast %add3A_207 : vector<16xi32> to vector<16xi32>
    tpu.vector_store %arg6[%swap3A_208], %swap3A_211 {strides = array<i32>} : memref<128xi32, #tpu.memory_space<vmem>>, vector<16xi32>,
    "tpu.region"() ({
      %run_scoped3A = tpu.sem_alloc : memref<!tpu.dma_semaphore, #tpu.memory_space<semaphore_mem>>
      %dma_start3A = arith.constant 0 : i32
      %dma_start3A_701 = arith.constant 0 : i32
      %dma_start3A_702 = tpu.memref_slice %arg4[%dma_start3A, %dma_start3A_701] : memref<10240x16xf32, #tpu.memory_space<vmem_shared>> -> memref<10240x16xf32, #tpu.memory_space<vmem_shared>>
      tpu.enqueue_indirect_dma source(%arg7 : memref<128x16xf32, #tpu.memory_space<vmem>>) target(%dma_start3A_702 : memref<10240x16xf32, #tpu.memory_space<vmem_shared>>) offsets(%arg6 : memref<128xi32, #tpu.memory_space<vmem>>) semaphore(%run_scoped3A : memref<!tpu.dma_semaphore, #tpu.memory_space<semaphore_mem>>)
      %dma_wait3A = arith.constant 0 : i32
      %dma_wait3A_703 = arith.constant 0 : i32
      %dma_wait3A_704 = tpu.memref_slice %arg4[%dma_wait3A, %dma_wait3A_703] : memref<10240x16xf32, #tpu.memory_space<vmem_shared>> -> memref<10240x16xf32, #tpu.memory_space<vmem_shared>>
      tpu.wait_indirect_dma semaphore(%run_scoped3A : memref<!tpu.dma_semaphore, #tpu.memory_space<semaphore_mem>>) src(%arg7 : memref<128x16xf32, #tpu.memory_space<vmem>>) dst(%dma_wait3A_704 : memref<10240x16xf32, #tpu.memory_space<vmem_shared>>)
      tpu.yield
    }) : () -> ()
    %mul3A_212 = arith.constant 640 : i32
    %mul3A_213 = arith.muli %arg1, %mul3A_212 : i32
    %add3A_214 = arith.constant 384 : i32
    %add3A_215 = arith.addi %mul3A_213, %add3A_214 : i32
    %add3A_216 = arith.constant 0 : i32
    %add3A_217 = arith.addi %add3A_215, %add3A_216 : i32
    %add3A_218 = vector.broadcast %add3A_217 : i32 to vector<16xi32>
    %add3A_219 = arith.addi %add3A_218, %iota3A : vector<16xi32>
    %swap3A_220 = arith.constant 0 : index
    %swap3A_221 = tpu.vector_load %arg6[%swap3A_220] {strides = array<i32>} : memref<128xi32, #tpu.memory_space<vmem>>, vector<16xi32>,
    %swap3A_222 = vector.shape_cast %swap3A_221 : vector<16xi32> to vector<16xi32>
    %swap3A_223 = vector.shape_cast %add3A_219 : vector<16xi32> to vector<16xi32>
    tpu.vector_store %arg6[%swap3A_220], %swap3A_223 {strides = array<i32>} : memref<128xi32, #tpu.memory_space<vmem>>, vector<16xi32>,
    %add3A_224 = arith.constant 16 : i32
    %add3A_225 = arith.addi %add3A_215, %add3A_224 : i32
    %add3A_226 = vector.broadcast %add3A_225 : i32 to vector<16xi32>
    %add3A_227 = arith.addi %add3A_226, %iota3A : vector<16xi32>
    %swap3A_228 = arith.constant 16 : index
    %swap3A_229 = tpu.vector_load %arg6[%swap3A_228] {strides = array<i32>} : memref<128xi32, #tpu.memory_space<vmem>>, vector<16xi32>,
    %swap3A_230 = vector.shape_cast %swap3A_229 : vector<16xi32> to vector<16xi32>
    %swap3A_231 = vector.shape_cast %add3A_227 : vector<16xi32> to vector<16xi32>
    tpu.vector_store %arg6[%swap3A_228], %swap3A_231 {strides = array<i32>} : memref<128xi32, #tpu.memory_space<vmem>>, vector<16xi32>,
    %add3A_232 = arith.constant 32 : i32
    %add3A_233 = arith.addi %add3A_215, %add3A_232 : i32
    %add3A_234 = vector.broadcast %add3A_233 : i32 to vector<16xi32>
    %add3A_235 = arith.addi %add3A_234, %iota3A : vector<16xi32>
    %swap3A_236 = arith.constant 32 : index
    %swap3A_237 = tpu.vector_load %arg6[%swap3A_236] {strides = array<i32>} : memref<128xi32, #tpu.memory_space<vmem>>, vector<16xi32>,
    %swap3A_238 = vector.shape_cast %swap3A_237 : vector<16xi32> to vector<16xi32>
    %swap3A_239 = vector.shape_cast %add3A_235 : vector<16xi32> to vector<16xi32>
    tpu.vector_store %arg6[%swap3A_236], %swap3A_239 {strides = array<i32>} : memref<128xi32, #tpu.memory_space<vmem>>, vector<16xi32>,
    %add3A_240 = arith.constant 48 : i32
    %add3A_241 = arith.addi %add3A_215, %add3A_240 : i32
    %add3A_242 = vector.broadcast %add3A_241 : i32 to vector<16xi32>
    %add3A_243 = arith.addi %add3A_242, %iota3A : vector<16xi32>
    %swap3A_244 = arith.constant 48 : index
    %swap3A_245 = tpu.vector_load %arg6[%swap3A_244] {strides = array<i32>} : memref<128xi32, #tpu.memory_space<vmem>>, vector<16xi32>,
    %swap3A_246 = vector.shape_cast %swap3A_245 : vector<16xi32> to vector<16xi32>
    %swap3A_247 = vector.shape_cast %add3A_243 : vector<16xi32> to vector<16xi32>
    tpu.vector_store %arg6[%swap3A_244], %swap3A_247 {strides = array<i32>} : memref<128xi32, #tpu.memory_space<vmem>>, vector<16xi32>,
    %add3A_248 = arith.constant 64 : i32
    %add3A_249 = arith.addi %add3A_215, %add3A_248 : i32
    %add3A_250 = vector.broadcast %add3A_249 : i32 to vector<16xi32>
    %add3A_251 = arith.addi %add3A_250, %iota3A : vector<16xi32>
    %swap3A_252 = arith.constant 64 : index
    %swap3A_253 = tpu.vector_load %arg6[%swap3A_252] {strides = array<i32>} : memref<128xi32, #tpu.memory_space<vmem>>, vector<16xi32>,
    %swap3A_254 = vector.shape_cast %swap3A_253 : vector<16xi32> to vector<16xi32>
    %swap3A_255 = vector.shape_cast %add3A_251 : vector<16xi32> to vector<16xi32>
    tpu.vector_store %arg6[%swap3A_252], %swap3A_255 {strides = array<i32>} : memref<128xi32, #tpu.memory_space<vmem>>, vector<16xi32>,
    %add3A_256 = arith.constant 80 : i32
    %add3A_257 = arith.addi %add3A_215, %add3A_256 : i32
    %add3A_258 = vector.broadcast %add3A_257 : i32 to vector<16xi32>
    %add3A_259 = arith.addi %add3A_258, %iota3A : vector<16xi32>
    %swap3A_260 = arith.constant 80 : index
    %swap3A_261 = tpu.vector_load %arg6[%swap3A_260] {strides = array<i32>} : memref<128xi32, #tpu.memory_space<vmem>>, vector<16xi32>,
    %swap3A_262 = vector.shape_cast %swap3A_261 : vector<16xi32> to vector<16xi32>
    %swap3A_263 = vector.shape_cast %add3A_259 : vector<16xi32> to vector<16xi32>
    tpu.vector_store %arg6[%swap3A_260], %swap3A_263 {strides = array<i32>} : memref<128xi32, #tpu.memory_space<vmem>>, vector<16xi32>,
    %add3A_264 = arith.constant 96 : i32
    %add3A_265 = arith.addi %add3A_215, %add3A_264 : i32
    %add3A_266 = vector.broadcast %add3A_265 : i32 to vector<16xi32>
    %add3A_267 = arith.addi %add3A_266, %iota3A : vector<16xi32>
    %swap3A_268 = arith.constant 96 : index
    %swap3A_269 = tpu.vector_load %arg6[%swap3A_268] {strides = array<i32>} : memref<128xi32, #tpu.memory_space<vmem>>, vector<16xi32>,
    %swap3A_270 = vector.shape_cast %swap3A_269 : vector<16xi32> to vector<16xi32>
    %swap3A_271 = vector.shape_cast %add3A_267 : vector<16xi32> to vector<16xi32>
    tpu.vector_store %arg6[%swap3A_268], %swap3A_271 {strides = array<i32>} : memref<128xi32, #tpu.memory_space<vmem>>, vector<16xi32>,
    %add3A_272 = arith.constant 112 : i32
    %add3A_273 = arith.addi %add3A_215, %add3A_272 : i32
    %add3A_274 = vector.broadcast %add3A_273 : i32 to vector<16xi32>
    %add3A_275 = arith.addi %add3A_274, %iota3A : vector<16xi32>
    %swap3A_276 = arith.constant 112 : index
    %swap3A_277 = tpu.vector_load %arg6[%swap3A_276] {strides = array<i32>} : memref<128xi32, #tpu.memory_space<vmem>>, vector<16xi32>,
    %swap3A_278 = vector.shape_cast %swap3A_277 : vector<16xi32> to vector<16xi32>
    %swap3A_279 = vector.shape_cast %add3A_275 : vector<16xi32> to vector<16xi32>
    tpu.vector_store %arg6[%swap3A_276], %swap3A_279 {strides = array<i32>} : memref<128xi32, #tpu.memory_space<vmem>>, vector<16xi32>,
    "tpu.region"() ({
      %run_scoped3A = tpu.sem_alloc : memref<!tpu.dma_semaphore, #tpu.memory_space<semaphore_mem>>
      %dma_start3A = arith.constant 0 : i32
      %dma_start3A_701 = arith.constant 0 : i32
      %dma_start3A_702 = tpu.memref_slice %arg4[%dma_start3A, %dma_start3A_701] : memref<10240x16xf32, #tpu.memory_space<vmem_shared>> -> memref<10240x16xf32, #tpu.memory_space<vmem_shared>>
      tpu.enqueue_indirect_dma source(%arg7 : memref<128x16xf32, #tpu.memory_space<vmem>>) target(%dma_start3A_702 : memref<10240x16xf32, #tpu.memory_space<vmem_shared>>) offsets(%arg6 : memref<128xi32, #tpu.memory_space<vmem>>) semaphore(%run_scoped3A : memref<!tpu.dma_semaphore, #tpu.memory_space<semaphore_mem>>)
      %dma_wait3A = arith.constant 0 : i32
      %dma_wait3A_703 = arith.constant 0 : i32
      %dma_wait3A_704 = tpu.memref_slice %arg4[%dma_wait3A, %dma_wait3A_703] : memref<10240x16xf32, #tpu.memory_space<vmem_shared>> -> memref<10240x16xf32, #tpu.memory_space<vmem_shared>>
      tpu.wait_indirect_dma semaphore(%run_scoped3A : memref<!tpu.dma_semaphore, #tpu.memory_space<semaphore_mem>>) src(%arg7 : memref<128x16xf32, #tpu.memory_space<vmem>>) dst(%dma_wait3A_704 : memref<10240x16xf32, #tpu.memory_space<vmem_shared>>)
      tpu.yield
    }) : () -> ()
    %mul3A_280 = arith.constant 640 : i32
    %mul3A_281 = arith.muli %arg1, %mul3A_280 : i32
    %add3A_282 = arith.constant 512 : i32
    %add3A_283 = arith.addi %mul3A_281, %add3A_282 : i32
    %add3A_284 = arith.constant 0 : i32
    %add3A_285 = arith.addi %add3A_283, %add3A_284 : i32
    %add3A_286 = vector.broadcast %add3A_285 : i32 to vector<16xi32>
    %add3A_287 = arith.addi %add3A_286, %iota3A : vector<16xi32>
    %swap3A_288 = arith.constant 0 : index
    %swap3A_289 = tpu.vector_load %arg6[%swap3A_288] {strides = array<i32>} : memref<128xi32, #tpu.memory_space<vmem>>, vector<16xi32>,
    %swap3A_290 = vector.shape_cast %swap3A_289 : vector<16xi32> to vector<16xi32>
    %swap3A_291 = vector.shape_cast %add3A_287 : vector<16xi32> to vector<16xi32>
    tpu.vector_store %arg6[%swap3A_288], %swap3A_291 {strides = array<i32>} : memref<128xi32, #tpu.memory_space<vmem>>, vector<16xi32>,
    %add3A_292 = arith.constant 16 : i32
    %add3A_293 = arith.addi %add3A_283, %add3A_292 : i32
    %add3A_294 = vector.broadcast %add3A_293 : i32 to vector<16xi32>
    %add3A_295 = arith.addi %add3A_294, %iota3A : vector<16xi32>
    %swap3A_296 = arith.constant 16 : index
    %swap3A_297 = tpu.vector_load %arg6[%swap3A_296] {strides = array<i32>} : memref<128xi32, #tpu.memory_space<vmem>>, vector<16xi32>,
    %swap3A_298 = vector.shape_cast %swap3A_297 : vector<16xi32> to vector<16xi32>
    %swap3A_299 = vector.shape_cast %add3A_295 : vector<16xi32> to vector<16xi32>
    tpu.vector_store %arg6[%swap3A_296], %swap3A_299 {strides = array<i32>} : memref<128xi32, #tpu.memory_space<vmem>>, vector<16xi32>,
    %add3A_300 = arith.constant 32 : i32
    %add3A_301 = arith.addi %add3A_283, %add3A_300 : i32
    %add3A_302 = vector.broadcast %add3A_301 : i32 to vector<16xi32>
    %add3A_303 = arith.addi %add3A_302, %iota3A : vector<16xi32>
    %swap3A_304 = arith.constant 32 : index
    %swap3A_305 = tpu.vector_load %arg6[%swap3A_304] {strides = array<i32>} : memref<128xi32, #tpu.memory_space<vmem>>, vector<16xi32>,
    %swap3A_306 = vector.shape_cast %swap3A_305 : vector<16xi32> to vector<16xi32>
    %swap3A_307 = vector.shape_cast %add3A_303 : vector<16xi32> to vector<16xi32>
    tpu.vector_store %arg6[%swap3A_304], %swap3A_307 {strides = array<i32>} : memref<128xi32, #tpu.memory_space<vmem>>, vector<16xi32>,
    %add3A_308 = arith.constant 48 : i32
    %add3A_309 = arith.addi %add3A_283, %add3A_308 : i32
    %add3A_310 = vector.broadcast %add3A_309 : i32 to vector<16xi32>
    %add3A_311 = arith.addi %add3A_310, %iota3A : vector<16xi32>
    %swap3A_312 = arith.constant 48 : index
    %swap3A_313 = tpu.vector_load %arg6[%swap3A_312] {strides = array<i32>} : memref<128xi32, #tpu.memory_space<vmem>>, vector<16xi32>,
    %swap3A_314 = vector.shape_cast %swap3A_313 : vector<16xi32> to vector<16xi32>
    %swap3A_315 = vector.shape_cast %add3A_311 : vector<16xi32> to vector<16xi32>
    tpu.vector_store %arg6[%swap3A_312], %swap3A_315 {strides = array<i32>} : memref<128xi32, #tpu.memory_space<vmem>>, vector<16xi32>,
    %add3A_316 = arith.constant 64 : i32
    %add3A_317 = arith.addi %add3A_283, %add3A_316 : i32
    %add3A_318 = vector.broadcast %add3A_317 : i32 to vector<16xi32>
    %add3A_319 = arith.addi %add3A_318, %iota3A : vector<16xi32>
    %swap3A_320 = arith.constant 64 : index
    %swap3A_321 = tpu.vector_load %arg6[%swap3A_320] {strides = array<i32>} : memref<128xi32, #tpu.memory_space<vmem>>, vector<16xi32>,
    %swap3A_322 = vector.shape_cast %swap3A_321 : vector<16xi32> to vector<16xi32>
    %swap3A_323 = vector.shape_cast %add3A_319 : vector<16xi32> to vector<16xi32>
    tpu.vector_store %arg6[%swap3A_320], %swap3A_323 {strides = array<i32>} : memref<128xi32, #tpu.memory_space<vmem>>, vector<16xi32>,
    %add3A_324 = arith.constant 80 : i32
    %add3A_325 = arith.addi %add3A_283, %add3A_324 : i32
    %add3A_326 = vector.broadcast %add3A_325 : i32 to vector<16xi32>
    %add3A_327 = arith.addi %add3A_326, %iota3A : vector<16xi32>
    %swap3A_328 = arith.constant 80 : index
    %swap3A_329 = tpu.vector_load %arg6[%swap3A_328] {strides = array<i32>} : memref<128xi32, #tpu.memory_space<vmem>>, vector<16xi32>,
    %swap3A_330 = vector.shape_cast %swap3A_329 : vector<16xi32> to vector<16xi32>
    %swap3A_331 = vector.shape_cast %add3A_327 : vector<16xi32> to vector<16xi32>
    tpu.vector_store %arg6[%swap3A_328], %swap3A_331 {strides = array<i32>} : memref<128xi32, #tpu.memory_space<vmem>>, vector<16xi32>,
    %add3A_332 = arith.constant 96 : i32
    %add3A_333 = arith.addi %add3A_283, %add3A_332 : i32
    %add3A_334 = vector.broadcast %add3A_333 : i32 to vector<16xi32>
    %add3A_335 = arith.addi %add3A_334, %iota3A : vector<16xi32>
    %swap3A_336 = arith.constant 96 : index
    %swap3A_337 = tpu.vector_load %arg6[%swap3A_336] {strides = array<i32>} : memref<128xi32, #tpu.memory_space<vmem>>, vector<16xi32>,
    %swap3A_338 = vector.shape_cast %swap3A_337 : vector<16xi32> to vector<16xi32>
    %swap3A_339 = vector.shape_cast %add3A_335 : vector<16xi32> to vector<16xi32>
    tpu.vector_store %arg6[%swap3A_336], %swap3A_339 {strides = array<i32>} : memref<128xi32, #tpu.memory_space<vmem>>, vector<16xi32>,
    %add3A_340 = arith.constant 112 : i32
    %add3A_341 = arith.addi %add3A_283, %add3A_340 : i32
    %add3A_342 = vector.broadcast %add3A_341 : i32 to vector<16xi32>
    %add3A_343 = arith.addi %add3A_342, %iota3A : vector<16xi32>
    %swap3A_344 = arith.constant 112 : index
    %swap3A_345 = tpu.vector_load %arg6[%swap3A_344] {strides = array<i32>} : memref<128xi32, #tpu.memory_space<vmem>>, vector<16xi32>,
    %swap3A_346 = vector.shape_cast %swap3A_345 : vector<16xi32> to vector<16xi32>
    %swap3A_347 = vector.shape_cast %add3A_343 : vector<16xi32> to vector<16xi32>
    tpu.vector_store %arg6[%swap3A_344], %swap3A_347 {strides = array<i32>} : memref<128xi32, #tpu.memory_space<vmem>>, vector<16xi32>,
    "tpu.region"() ({
      %run_scoped3A = tpu.sem_alloc : memref<!tpu.dma_semaphore, #tpu.memory_space<semaphore_mem>>
      %dma_start3A = arith.constant 0 : i32
      %dma_start3A_701 = arith.constant 0 : i32
      %dma_start3A_702 = tpu.memref_slice %arg4[%dma_start3A, %dma_start3A_701] : memref<10240x16xf32, #tpu.memory_space<vmem_shared>> -> memref<10240x16xf32, #tpu.memory_space<vmem_shared>>
      tpu.enqueue_indirect_dma source(%arg7 : memref<128x16xf32, #tpu.memory_space<vmem>>) target(%dma_start3A_702 : memref<10240x16xf32, #tpu.memory_space<vmem_shared>>) offsets(%arg6 : memref<128xi32, #tpu.memory_space<vmem>>) semaphore(%run_scoped3A : memref<!tpu.dma_semaphore, #tpu.memory_space<semaphore_mem>>)
      %dma_wait3A = arith.constant 0 : i32
      %dma_wait3A_703 = arith.constant 0 : i32
      %dma_wait3A_704 = tpu.memref_slice %arg4[%dma_wait3A, %dma_wait3A_703] : memref<10240x16xf32, #tpu.memory_space<vmem_shared>> -> memref<10240x16xf32, #tpu.memory_space<vmem_shared>>
      tpu.wait_indirect_dma semaphore(%run_scoped3A : memref<!tpu.dma_semaphore, #tpu.memory_space<semaphore_mem>>) src(%arg7 : memref<128x16xf32, #tpu.memory_space<vmem>>) dst(%dma_wait3A_704 : memref<10240x16xf32, #tpu.memory_space<vmem_shared>>)
      tpu.yield
    }) : () -> ()
    %scan3A_348 = arith.constant 0 : i32
    %scan3A_349 = arith.constant 0 : i32
    %scan3A_350 = arith.constant 128 : i32
    %scan3A_351 = arith.addi %scan3A_349, %scan3A_350 : i32
    %scan3A_352 = arith.constant 1 : i32
    scf.for %scan3A_701 = %scan3A_349 to %scan3A_351 step %scan3A_352  : i32 {
      %swap3A_702 = arith.index_cast %scan3A_701 : i32 to index
      %swap3A_703 = arith.constant 0 : index
      %swap3A_704 = tpu.vector_load %arg7[%swap3A_702, %swap3A_703] {strides = array<i32>} : memref<128x16xf32, #tpu.memory_space<vmem>>, vector<1x16xf32>,
      %swap3A_705 = vector.shape_cast %swap3A_704 : vector<1x16xf32> to vector<16xf32>
      %swap3A_706 = vector.shape_cast %broadcast_in_dim3A_3 : vector<16xf32> to vector<1x16xf32>
      tpu.vector_store %arg7[%swap3A_702, %swap3A_703], %swap3A_706 {strides = array<i32>} : memref<128x16xf32, #tpu.memory_space<vmem>>, vector<1x16xf32>,
    }
    %scan3A_353 = arith.constant 128 : i32
    %barrier3A = arith.constant 0 : index
    tpu.barrier barrier_id(%barrier3A)
    %scan3A_354 = arith.constant 0 : i32
    %scan3A_355 = arith.constant 0 : i32
    %scan3A_356 = arith.constant 20 : i32
    %scan3A_357 = arith.addi %scan3A_355, %scan3A_356 : i32
    %scan3A_358 = arith.constant 1 : i32
    scf.for %scan3A_701 = %scan3A_355 to %scan3A_357 step %scan3A_358  : i32 {
      %mul3A_702 = arith.constant 32 : i32
      %mul3A_703 = arith.muli %scan3A_701, %mul3A_702 : i32
      %add3A_704 = arith.addi %add3A, %mul3A_703 : i32
      %lt3A = arith.constant 625 : i32
      %lt3A_705 = arith.cmpi slt, %add3A_704, %lt3A : i32
      %convert_element_type3A = arith.extui %lt3A_705 : i1 to i32
      %cond3A = arith.constant 0 : i32
      %cond3A_706 = arith.cmpi ne, %convert_element_type3A, %cond3A : i32
      scf.if %cond3A_706 {
        %mul3A_707 = arith.constant 4 : i32
        %mul3A_708 = arith.muli %add3A_704, %mul3A_707 : i32
        "tpu.region"() ({
          %run_scoped3A_712 = tpu.sem_alloc : memref<!tpu.dma_semaphore, #tpu.memory_space<semaphore_mem>>
          %dma_start3A = arith.constant 0 : i32
          %dma_start3A_713 = tpu.memref_slice %arg2[%mul3A_708, %dma_start3A] : memref<2500x128xi32, #tpu.memory_space<hbm>> -> memref<4x128xi32, #tpu.memory_space<hbm>>
          %dma_start3A_714 = arith.constant 0 : i32
          %dma_start3A_715 = tpu.memref_slice %arg2[%mul3A_708, %dma_start3A_714] : memref<2500x128xi32, #tpu.memory_space<hbm>> -> memref<4x128xi32, #tpu.memory_space<hbm>>
          tpu.enqueue_dma source(%dma_start3A_715 : memref<4x128xi32, #tpu.memory_space<hbm>>) target(%arg5 : memref<4x128xi32, #tpu.memory_space<vmem>>) target_semaphore(%run_scoped3A_712 : memref<!tpu.dma_semaphore, #tpu.memory_space<semaphore_mem>>)
          %dma_wait3A = arith.constant 0 : i32
          %dma_wait3A_716 = tpu.memref_slice %arg2[%mul3A_708, %dma_wait3A] : memref<2500x128xi32, #tpu.memory_space<hbm>> -> memref<4x128xi32, #tpu.memory_space<hbm>>
          %dma_wait3A_717 = arith.constant 0 : i32
          %dma_wait3A_718 = tpu.memref_slice %arg2[%mul3A_708, %dma_wait3A_717] : memref<2500x128xi32, #tpu.memory_space<hbm>> -> memref<4x128xi32, #tpu.memory_space<hbm>>
          tpu.wait_dma2 semaphore(%run_scoped3A_712 : memref<!tpu.dma_semaphore, #tpu.memory_space<semaphore_mem>>) src(%dma_wait3A_718 : memref<4x128xi32, #tpu.memory_space<hbm>>) dst(%arg5 : memref<4x128xi32, #tpu.memory_space<vmem>>)
          tpu.yield
        }) : () -> ()
        %run_scoped3A = arith.constant 0 : i32
        "tpu.region"() ({
          %run_scoped3A_712 = tpu.sem_alloc : memref<!tpu.dma_semaphore, #tpu.memory_space<semaphore_mem>>
          %dma_start3A = arith.constant 0 : i32
          %dma_start3A_713 = tpu.memref_slice %arg5[%run_scoped3A, %dma_start3A] : memref<4x128xi32, #tpu.memory_space<vmem>> -> memref<1x128xi32, #tpu.memory_space<vmem>>
          %dma_start3A_714 = tpu.memref_squeeze %dma_start3A_713 : memref<1x128xi32, #tpu.memory_space<vmem>> -> memref<128xi32, #tpu.memory_space<vmem>>
          %dma_start3A_715 = arith.constant 0 : i32
          %dma_start3A_716 = arith.constant 0 : i32
          %dma_start3A_717 = tpu.memref_slice %arg4[%dma_start3A_715, %dma_start3A_716] : memref<10240x16xf32, #tpu.memory_space<vmem_shared>> -> memref<10240x16xf32, #tpu.memory_space<vmem_shared>>
          tpu.enqueue_indirect_dma source(%arg7 : memref<128x16xf32, #tpu.memory_space<vmem>>) target(%dma_start3A_717 : memref<10240x16xf32, #tpu.memory_space<vmem_shared>>) offsets(%dma_start3A_714 : memref<128xi32, #tpu.memory_space<vmem>>) semaphore(%run_scoped3A_712 : memref<!tpu.dma_semaphore, #tpu.memory_space<semaphore_mem>>) {add = true}
          %dma_wait3A = arith.constant 0 : i32
          %dma_wait3A_718 = tpu.memref_slice %arg5[%run_scoped3A, %dma_wait3A] : memref<4x128xi32, #tpu.memory_space<vmem>> -> memref<1x128xi32, #tpu.memory_space<vmem>>
          %dma_wait3A_719 = tpu.memref_squeeze %dma_wait3A_718 : memref<1x128xi32, #tpu.memory_space<vmem>> -> memref<128xi32, #tpu.memory_space<vmem>>
          %dma_wait3A_720 = arith.constant 0 : i32
          %dma_wait3A_721 = arith.constant 0 : i32
          %dma_wait3A_722 = tpu.memref_slice %arg4[%dma_wait3A_720, %dma_wait3A_721] : memref<10240x16xf32, #tpu.memory_space<vmem_shared>> -> memref<10240x16xf32, #tpu.memory_space<vmem_shared>>
          tpu.wait_indirect_dma semaphore(%run_scoped3A_712 : memref<!tpu.dma_semaphore, #tpu.memory_space<semaphore_mem>>) src(%arg7 : memref<128x16xf32, #tpu.memory_space<vmem>>) dst(%dma_wait3A_722 : memref<10240x16xf32, #tpu.memory_space<vmem_shared>>)
          tpu.yield
        }) : () -> ()
        %run_scoped3A_709 = arith.constant 1 : i32
        "tpu.region"() ({
          %run_scoped3A_712 = tpu.sem_alloc : memref<!tpu.dma_semaphore, #tpu.memory_space<semaphore_mem>>
          %dma_start3A = arith.constant 0 : i32
          %dma_start3A_713 = tpu.memref_slice %arg5[%run_scoped3A_709, %dma_start3A] : memref<4x128xi32, #tpu.memory_space<vmem>> -> memref<1x128xi32, #tpu.memory_space<vmem>>
          %dma_start3A_714 = tpu.memref_squeeze %dma_start3A_713 : memref<1x128xi32, #tpu.memory_space<vmem>> -> memref<128xi32, #tpu.memory_space<vmem>>
          %dma_start3A_715 = arith.constant 0 : i32
          %dma_start3A_716 = arith.constant 0 : i32
          %dma_start3A_717 = tpu.memref_slice %arg4[%dma_start3A_715, %dma_start3A_716] : memref<10240x16xf32, #tpu.memory_space<vmem_shared>> -> memref<10240x16xf32, #tpu.memory_space<vmem_shared>>
          tpu.enqueue_indirect_dma source(%arg7 : memref<128x16xf32, #tpu.memory_space<vmem>>) target(%dma_start3A_717 : memref<10240x16xf32, #tpu.memory_space<vmem_shared>>) offsets(%dma_start3A_714 : memref<128xi32, #tpu.memory_space<vmem>>) semaphore(%run_scoped3A_712 : memref<!tpu.dma_semaphore, #tpu.memory_space<semaphore_mem>>) {add = true}
          %dma_wait3A = arith.constant 0 : i32
          %dma_wait3A_718 = tpu.memref_slice %arg5[%run_scoped3A_709, %dma_wait3A] : memref<4x128xi32, #tpu.memory_space<vmem>> -> memref<1x128xi32, #tpu.memory_space<vmem>>
          %dma_wait3A_719 = tpu.memref_squeeze %dma_wait3A_718 : memref<1x128xi32, #tpu.memory_space<vmem>> -> memref<128xi32, #tpu.memory_space<vmem>>
          %dma_wait3A_720 = arith.constant 0 : i32
          %dma_wait3A_721 = arith.constant 0 : i32
          %dma_wait3A_722 = tpu.memref_slice %arg4[%dma_wait3A_720, %dma_wait3A_721] : memref<10240x16xf32, #tpu.memory_space<vmem_shared>> -> memref<10240x16xf32, #tpu.memory_space<vmem_shared>>
          tpu.wait_indirect_dma semaphore(%run_scoped3A_712 : memref<!tpu.dma_semaphore, #tpu.memory_space<semaphore_mem>>) src(%arg7 : memref<128x16xf32, #tpu.memory_space<vmem>>) dst(%dma_wait3A_722 : memref<10240x16xf32, #tpu.memory_space<vmem_shared>>)
          tpu.yield
        }) : () -> ()
        %run_scoped3A_710 = arith.constant 2 : i32
        "tpu.region"() ({
          %run_scoped3A_712 = tpu.sem_alloc : memref<!tpu.dma_semaphore, #tpu.memory_space<semaphore_mem>>
          %dma_start3A = arith.constant 0 : i32
          %dma_start3A_713 = tpu.memref_slice %arg5[%run_scoped3A_710, %dma_start3A] : memref<4x128xi32, #tpu.memory_space<vmem>> -> memref<1x128xi32, #tpu.memory_space<vmem>>
          %dma_start3A_714 = tpu.memref_squeeze %dma_start3A_713 : memref<1x128xi32, #tpu.memory_space<vmem>> -> memref<128xi32, #tpu.memory_space<vmem>>
          %dma_start3A_715 = arith.constant 0 : i32
          %dma_start3A_716 = arith.constant 0 : i32
          %dma_start3A_717 = tpu.memref_slice %arg4[%dma_start3A_715, %dma_start3A_716] : memref<10240x16xf32, #tpu.memory_space<vmem_shared>> -> memref<10240x16xf32, #tpu.memory_space<vmem_shared>>
          tpu.enqueue_indirect_dma source(%arg7 : memref<128x16xf32, #tpu.memory_space<vmem>>) target(%dma_start3A_717 : memref<10240x16xf32, #tpu.memory_space<vmem_shared>>) offsets(%dma_start3A_714 : memref<128xi32, #tpu.memory_space<vmem>>) semaphore(%run_scoped3A_712 : memref<!tpu.dma_semaphore, #tpu.memory_space<semaphore_mem>>) {add = true}
          %dma_wait3A = arith.constant 0 : i32
          %dma_wait3A_718 = tpu.memref_slice %arg5[%run_scoped3A_710, %dma_wait3A] : memref<4x128xi32, #tpu.memory_space<vmem>> -> memref<1x128xi32, #tpu.memory_space<vmem>>
          %dma_wait3A_719 = tpu.memref_squeeze %dma_wait3A_718 : memref<1x128xi32, #tpu.memory_space<vmem>> -> memref<128xi32, #tpu.memory_space<vmem>>
          %dma_wait3A_720 = arith.constant 0 : i32
          %dma_wait3A_721 = arith.constant 0 : i32
          %dma_wait3A_722 = tpu.memref_slice %arg4[%dma_wait3A_720, %dma_wait3A_721] : memref<10240x16xf32, #tpu.memory_space<vmem_shared>> -> memref<10240x16xf32, #tpu.memory_space<vmem_shared>>
          tpu.wait_indirect_dma semaphore(%run_scoped3A_712 : memref<!tpu.dma_semaphore, #tpu.memory_space<semaphore_mem>>) src(%arg7 : memref<128x16xf32, #tpu.memory_space<vmem>>) dst(%dma_wait3A_722 : memref<10240x16xf32, #tpu.memory_space<vmem_shared>>)
          tpu.yield
        }) : () -> ()
        %run_scoped3A_711 = arith.constant 3 : i32
        "tpu.region"() ({
          %run_scoped3A_712 = tpu.sem_alloc : memref<!tpu.dma_semaphore, #tpu.memory_space<semaphore_mem>>
          %dma_start3A = arith.constant 0 : i32
          %dma_start3A_713 = tpu.memref_slice %arg5[%run_scoped3A_711, %dma_start3A] : memref<4x128xi32, #tpu.memory_space<vmem>> -> memref<1x128xi32, #tpu.memory_space<vmem>>
          %dma_start3A_714 = tpu.memref_squeeze %dma_start3A_713 : memref<1x128xi32, #tpu.memory_space<vmem>> -> memref<128xi32, #tpu.memory_space<vmem>>
          %dma_start3A_715 = arith.constant 0 : i32
          %dma_start3A_716 = arith.constant 0 : i32
          %dma_start3A_717 = tpu.memref_slice %arg4[%dma_start3A_715, %dma_start3A_716] : memref<10240x16xf32, #tpu.memory_space<vmem_shared>> -> memref<10240x16xf32, #tpu.memory_space<vmem_shared>>
          tpu.enqueue_indirect_dma source(%arg7 : memref<128x16xf32, #tpu.memory_space<vmem>>) target(%dma_start3A_717 : memref<10240x16xf32, #tpu.memory_space<vmem_shared>>) offsets(%dma_start3A_714 : memref<128xi32, #tpu.memory_space<vmem>>) semaphore(%run_scoped3A_712 : memref<!tpu.dma_semaphore, #tpu.memory_space<semaphore_mem>>) {add = true}
          %dma_wait3A = arith.constant 0 : i32
          %dma_wait3A_718 = tpu.memref_slice %arg5[%run_scoped3A_711, %dma_wait3A] : memref<4x128xi32, #tpu.memory_space<vmem>> -> memref<1x128xi32, #tpu.memory_space<vmem>>
          %dma_wait3A_719 = tpu.memref_squeeze %dma_wait3A_718 : memref<1x128xi32, #tpu.memory_space<vmem>> -> memref<128xi32, #tpu.memory_space<vmem>>
          %dma_wait3A_720 = arith.constant 0 : i32
          %dma_wait3A_721 = arith.constant 0 : i32
          %dma_wait3A_722 = tpu.memref_slice %arg4[%dma_wait3A_720, %dma_wait3A_721] : memref<10240x16xf32, #tpu.memory_space<vmem_shared>> -> memref<10240x16xf32, #tpu.memory_space<vmem_shared>>
          tpu.wait_indirect_dma semaphore(%run_scoped3A_712 : memref<!tpu.dma_semaphore, #tpu.memory_space<semaphore_mem>>) src(%arg7 : memref<128x16xf32, #tpu.memory_space<vmem>>) dst(%dma_wait3A_722 : memref<10240x16xf32, #tpu.memory_space<vmem_shared>>)
          tpu.yield
        }) : () -> ()
      } else {
      }
    }
    %scan3A_359 = arith.constant 20 : i32
    %barrier3A_360 = arith.constant 0 : index
    tpu.barrier barrier_id(%barrier3A_360)
    %mul3A_361 = arith.constant 640 : i32
    %mul3A_362 = arith.muli %arg1, %mul3A_361 : i32
    %add3A_363 = arith.constant 0 : i32
    %add3A_364 = arith.addi %mul3A_362, %add3A_363 : i32
    %add3A_365 = arith.constant 0 : i32
    %add3A_366 = arith.addi %add3A_364, %add3A_365 : i32
    %add3A_367 = vector.broadcast %add3A_366 : i32 to vector<16xi32>
    %add3A_368 = arith.addi %add3A_367, %iota3A : vector<16xi32>
    %swap3A_369 = arith.constant 0 : index
    %swap3A_370 = tpu.vector_load %arg6[%swap3A_369] {strides = array<i32>} : memref<128xi32, #tpu.memory_space<vmem>>, vector<16xi32>,
    %swap3A_371 = vector.shape_cast %swap3A_370 : vector<16xi32> to vector<16xi32>
    %swap3A_372 = vector.shape_cast %add3A_368 : vector<16xi32> to vector<16xi32>
    tpu.vector_store %arg6[%swap3A_369], %swap3A_372 {strides = array<i32>} : memref<128xi32, #tpu.memory_space<vmem>>, vector<16xi32>,
    %add3A_373 = arith.constant 16 : i32
    %add3A_374 = arith.addi %add3A_364, %add3A_373 : i32
    %add3A_375 = vector.broadcast %add3A_374 : i32 to vector<16xi32>
    %add3A_376 = arith.addi %add3A_375, %iota3A : vector<16xi32>
    %swap3A_377 = arith.constant 16 : index
    %swap3A_378 = tpu.vector_load %arg6[%swap3A_377] {strides = array<i32>} : memref<128xi32, #tpu.memory_space<vmem>>, vector<16xi32>,
    %swap3A_379 = vector.shape_cast %swap3A_378 : vector<16xi32> to vector<16xi32>
    %swap3A_380 = vector.shape_cast %add3A_376 : vector<16xi32> to vector<16xi32>
    tpu.vector_store %arg6[%swap3A_377], %swap3A_380 {strides = array<i32>} : memref<128xi32, #tpu.memory_space<vmem>>, vector<16xi32>,
    %add3A_381 = arith.constant 32 : i32
    %add3A_382 = arith.addi %add3A_364, %add3A_381 : i32
    %add3A_383 = vector.broadcast %add3A_382 : i32 to vector<16xi32>
    %add3A_384 = arith.addi %add3A_383, %iota3A : vector<16xi32>
    %swap3A_385 = arith.constant 32 : index
    %swap3A_386 = tpu.vector_load %arg6[%swap3A_385] {strides = array<i32>} : memref<128xi32, #tpu.memory_space<vmem>>, vector<16xi32>,
    %swap3A_387 = vector.shape_cast %swap3A_386 : vector<16xi32> to vector<16xi32>
    %swap3A_388 = vector.shape_cast %add3A_384 : vector<16xi32> to vector<16xi32>
    tpu.vector_store %arg6[%swap3A_385], %swap3A_388 {strides = array<i32>} : memref<128xi32, #tpu.memory_space<vmem>>, vector<16xi32>,
    %add3A_389 = arith.constant 48 : i32
    %add3A_390 = arith.addi %add3A_364, %add3A_389 : i32
    %add3A_391 = vector.broadcast %add3A_390 : i32 to vector<16xi32>
    %add3A_392 = arith.addi %add3A_391, %iota3A : vector<16xi32>
    %swap3A_393 = arith.constant 48 : index
    %swap3A_394 = tpu.vector_load %arg6[%swap3A_393] {strides = array<i32>} : memref<128xi32, #tpu.memory_space<vmem>>, vector<16xi32>,
    %swap3A_395 = vector.shape_cast %swap3A_394 : vector<16xi32> to vector<16xi32>
    %swap3A_396 = vector.shape_cast %add3A_392 : vector<16xi32> to vector<16xi32>
    tpu.vector_store %arg6[%swap3A_393], %swap3A_396 {strides = array<i32>} : memref<128xi32, #tpu.memory_space<vmem>>, vector<16xi32>,
    %add3A_397 = arith.constant 64 : i32
    %add3A_398 = arith.addi %add3A_364, %add3A_397 : i32
    %add3A_399 = vector.broadcast %add3A_398 : i32 to vector<16xi32>
    %add3A_400 = arith.addi %add3A_399, %iota3A : vector<16xi32>
    %swap3A_401 = arith.constant 64 : index
    %swap3A_402 = tpu.vector_load %arg6[%swap3A_401] {strides = array<i32>} : memref<128xi32, #tpu.memory_space<vmem>>, vector<16xi32>,
    %swap3A_403 = vector.shape_cast %swap3A_402 : vector<16xi32> to vector<16xi32>
    %swap3A_404 = vector.shape_cast %add3A_400 : vector<16xi32> to vector<16xi32>
    tpu.vector_store %arg6[%swap3A_401], %swap3A_404 {strides = array<i32>} : memref<128xi32, #tpu.memory_space<vmem>>, vector<16xi32>,
    %add3A_405 = arith.constant 80 : i32
    %add3A_406 = arith.addi %add3A_364, %add3A_405 : i32
    %add3A_407 = vector.broadcast %add3A_406 : i32 to vector<16xi32>
    %add3A_408 = arith.addi %add3A_407, %iota3A : vector<16xi32>
    %swap3A_409 = arith.constant 80 : index
    %swap3A_410 = tpu.vector_load %arg6[%swap3A_409] {strides = array<i32>} : memref<128xi32, #tpu.memory_space<vmem>>, vector<16xi32>,
    %swap3A_411 = vector.shape_cast %swap3A_410 : vector<16xi32> to vector<16xi32>
    %swap3A_412 = vector.shape_cast %add3A_408 : vector<16xi32> to vector<16xi32>
    tpu.vector_store %arg6[%swap3A_409], %swap3A_412 {strides = array<i32>} : memref<128xi32, #tpu.memory_space<vmem>>, vector<16xi32>,
    %add3A_413 = arith.constant 96 : i32
    %add3A_414 = arith.addi %add3A_364, %add3A_413 : i32
    %add3A_415 = vector.broadcast %add3A_414 : i32 to vector<16xi32>
    %add3A_416 = arith.addi %add3A_415, %iota3A : vector<16xi32>
    %swap3A_417 = arith.constant 96 : index
    %swap3A_418 = tpu.vector_load %arg6[%swap3A_417] {strides = array<i32>} : memref<128xi32, #tpu.memory_space<vmem>>, vector<16xi32>,
    %swap3A_419 = vector.shape_cast %swap3A_418 : vector<16xi32> to vector<16xi32>
    %swap3A_420 = vector.shape_cast %add3A_416 : vector<16xi32> to vector<16xi32>
    tpu.vector_store %arg6[%swap3A_417], %swap3A_420 {strides = array<i32>} : memref<128xi32, #tpu.memory_space<vmem>>, vector<16xi32>,
    %add3A_421 = arith.constant 112 : i32
    %add3A_422 = arith.addi %add3A_364, %add3A_421 : i32
    %add3A_423 = vector.broadcast %add3A_422 : i32 to vector<16xi32>
    %add3A_424 = arith.addi %add3A_423, %iota3A : vector<16xi32>
    %swap3A_425 = arith.constant 112 : index
    %swap3A_426 = tpu.vector_load %arg6[%swap3A_425] {strides = array<i32>} : memref<128xi32, #tpu.memory_space<vmem>>, vector<16xi32>,
    %swap3A_427 = vector.shape_cast %swap3A_426 : vector<16xi32> to vector<16xi32>
    %swap3A_428 = vector.shape_cast %add3A_424 : vector<16xi32> to vector<16xi32>
    tpu.vector_store %arg6[%swap3A_425], %swap3A_428 {strides = array<i32>} : memref<128xi32, #tpu.memory_space<vmem>>, vector<16xi32>,
    "tpu.region"() ({
      %run_scoped3A = tpu.sem_alloc : memref<!tpu.dma_semaphore, #tpu.memory_space<semaphore_mem>>
      %dma_start3A = arith.constant 0 : i32
      %dma_start3A_701 = arith.constant 0 : i32
      %dma_start3A_702 = tpu.memref_slice %arg4[%dma_start3A, %dma_start3A_701] : memref<10240x16xf32, #tpu.memory_space<vmem_shared>> -> memref<10240x16xf32, #tpu.memory_space<vmem_shared>>
      tpu.enqueue_indirect_dma source(%dma_start3A_702 : memref<10240x16xf32, #tpu.memory_space<vmem_shared>>) target(%arg7 : memref<128x16xf32, #tpu.memory_space<vmem>>) offsets(%arg6 : memref<128xi32, #tpu.memory_space<vmem>>) semaphore(%run_scoped3A : memref<!tpu.dma_semaphore, #tpu.memory_space<semaphore_mem>>)
      %dma_wait3A = arith.constant 0 : i32
      %dma_wait3A_703 = arith.constant 0 : i32
      %dma_wait3A_704 = tpu.memref_slice %arg4[%dma_wait3A, %dma_wait3A_703] : memref<10240x16xf32, #tpu.memory_space<vmem_shared>> -> memref<10240x16xf32, #tpu.memory_space<vmem_shared>>
      tpu.wait_indirect_dma semaphore(%run_scoped3A : memref<!tpu.dma_semaphore, #tpu.memory_space<semaphore_mem>>) src(%dma_wait3A_704 : memref<10240x16xf32, #tpu.memory_space<vmem_shared>>) dst(%arg7 : memref<128x16xf32, #tpu.memory_space<vmem>>)
      tpu.yield
    }) : () -> ()
    "tpu.region"() ({
      %run_scoped3A = tpu.sem_alloc : memref<!tpu.dma_semaphore, #tpu.memory_space<semaphore_mem>>
      %dma_start3A = arith.constant 0 : i32
      %dma_start3A_701 = tpu.memref_slice %arg3[%arg0, %add3A_364, %dma_start3A] : memref<2x10240x16xf32, #tpu.memory_space<hbm>> -> memref<1x128x16xf32, #tpu.memory_space<hbm>>
      %dma_start3A_702 = tpu.memref_squeeze %dma_start3A_701 : memref<1x128x16xf32, #tpu.memory_space<hbm>> -> memref<128x16xf32, #tpu.memory_space<hbm>>
      %dma_start3A_703 = arith.constant 0 : i32
      %dma_start3A_704 = tpu.memref_slice %arg3[%arg0, %add3A_364, %dma_start3A_703] : memref<2x10240x16xf32, #tpu.memory_space<hbm>> -> memref<1x128x16xf32, #tpu.memory_space<hbm>>
      %dma_start3A_705 = tpu.memref_squeeze %dma_start3A_704 : memref<1x128x16xf32, #tpu.memory_space<hbm>> -> memref<128x16xf32, #tpu.memory_space<hbm>>
      tpu.enqueue_dma source(%arg7 : memref<128x16xf32, #tpu.memory_space<vmem>>) target(%dma_start3A_705 : memref<128x16xf32, #tpu.memory_space<hbm>>) target_semaphore(%run_scoped3A : memref<!tpu.dma_semaphore, #tpu.memory_space<semaphore_mem>>)
      %dma_wait3A = arith.constant 0 : i32
      %dma_wait3A_706 = tpu.memref_slice %arg3[%arg0, %add3A_364, %dma_wait3A] : memref<2x10240x16xf32, #tpu.memory_space<hbm>> -> memref<1x128x16xf32, #tpu.memory_space<hbm>>
      %dma_wait3A_707 = tpu.memref_squeeze %dma_wait3A_706 : memref<1x128x16xf32, #tpu.memory_space<hbm>> -> memref<128x16xf32, #tpu.memory_space<hbm>>
      %dma_wait3A_708 = arith.constant 0 : i32
      %dma_wait3A_709 = tpu.memref_slice %arg3[%arg0, %add3A_364, %dma_wait3A_708] : memref<2x10240x16xf32, #tpu.memory_space<hbm>> -> memref<1x128x16xf32, #tpu.memory_space<hbm>>
      %dma_wait3A_710 = tpu.memref_squeeze %dma_wait3A_709 : memref<1x128x16xf32, #tpu.memory_space<hbm>> -> memref<128x16xf32, #tpu.memory_space<hbm>>
      tpu.wait_dma2 semaphore(%run_scoped3A : memref<!tpu.dma_semaphore, #tpu.memory_space<semaphore_mem>>) src(%arg7 : memref<128x16xf32, #tpu.memory_space<vmem>>) dst(%dma_wait3A_710 : memref<128x16xf32, #tpu.memory_space<hbm>>)
      tpu.yield
    }) : () -> ()
    %mul3A_429 = arith.constant 640 : i32
    %mul3A_430 = arith.muli %arg1, %mul3A_429 : i32
    %add3A_431 = arith.constant 128 : i32
    %add3A_432 = arith.addi %mul3A_430, %add3A_431 : i32
    %add3A_433 = arith.constant 0 : i32
    %add3A_434 = arith.addi %add3A_432, %add3A_433 : i32
    %add3A_435 = vector.broadcast %add3A_434 : i32 to vector<16xi32>
    %add3A_436 = arith.addi %add3A_435, %iota3A : vector<16xi32>
    %swap3A_437 = arith.constant 0 : index
    %swap3A_438 = tpu.vector_load %arg6[%swap3A_437] {strides = array<i32>} : memref<128xi32, #tpu.memory_space<vmem>>, vector<16xi32>,
    %swap3A_439 = vector.shape_cast %swap3A_438 : vector<16xi32> to vector<16xi32>
    %swap3A_440 = vector.shape_cast %add3A_436 : vector<16xi32> to vector<16xi32>
    tpu.vector_store %arg6[%swap3A_437], %swap3A_440 {strides = array<i32>} : memref<128xi32, #tpu.memory_space<vmem>>, vector<16xi32>,
    %add3A_441 = arith.constant 16 : i32
    %add3A_442 = arith.addi %add3A_432, %add3A_441 : i32
    %add3A_443 = vector.broadcast %add3A_442 : i32 to vector<16xi32>
    %add3A_444 = arith.addi %add3A_443, %iota3A : vector<16xi32>
    %swap3A_445 = arith.constant 16 : index
    %swap3A_446 = tpu.vector_load %arg6[%swap3A_445] {strides = array<i32>} : memref<128xi32, #tpu.memory_space<vmem>>, vector<16xi32>,
    %swap3A_447 = vector.shape_cast %swap3A_446 : vector<16xi32> to vector<16xi32>
    %swap3A_448 = vector.shape_cast %add3A_444 : vector<16xi32> to vector<16xi32>
    tpu.vector_store %arg6[%swap3A_445], %swap3A_448 {strides = array<i32>} : memref<128xi32, #tpu.memory_space<vmem>>, vector<16xi32>,
    %add3A_449 = arith.constant 32 : i32
    %add3A_450 = arith.addi %add3A_432, %add3A_449 : i32
    %add3A_451 = vector.broadcast %add3A_450 : i32 to vector<16xi32>
    %add3A_452 = arith.addi %add3A_451, %iota3A : vector<16xi32>
    %swap3A_453 = arith.constant 32 : index
    %swap3A_454 = tpu.vector_load %arg6[%swap3A_453] {strides = array<i32>} : memref<128xi32, #tpu.memory_space<vmem>>, vector<16xi32>,
    %swap3A_455 = vector.shape_cast %swap3A_454 : vector<16xi32> to vector<16xi32>
    %swap3A_456 = vector.shape_cast %add3A_452 : vector<16xi32> to vector<16xi32>
    tpu.vector_store %arg6[%swap3A_453], %swap3A_456 {strides = array<i32>} : memref<128xi32, #tpu.memory_space<vmem>>, vector<16xi32>,
    %add3A_457 = arith.constant 48 : i32
    %add3A_458 = arith.addi %add3A_432, %add3A_457 : i32
    %add3A_459 = vector.broadcast %add3A_458 : i32 to vector<16xi32>
    %add3A_460 = arith.addi %add3A_459, %iota3A : vector<16xi32>
    %swap3A_461 = arith.constant 48 : index
    %swap3A_462 = tpu.vector_load %arg6[%swap3A_461] {strides = array<i32>} : memref<128xi32, #tpu.memory_space<vmem>>, vector<16xi32>,
    %swap3A_463 = vector.shape_cast %swap3A_462 : vector<16xi32> to vector<16xi32>
    %swap3A_464 = vector.shape_cast %add3A_460 : vector<16xi32> to vector<16xi32>
    tpu.vector_store %arg6[%swap3A_461], %swap3A_464 {strides = array<i32>} : memref<128xi32, #tpu.memory_space<vmem>>, vector<16xi32>,
    %add3A_465 = arith.constant 64 : i32
    %add3A_466 = arith.addi %add3A_432, %add3A_465 : i32
    %add3A_467 = vector.broadcast %add3A_466 : i32 to vector<16xi32>
    %add3A_468 = arith.addi %add3A_467, %iota3A : vector<16xi32>
    %swap3A_469 = arith.constant 64 : index
    %swap3A_470 = tpu.vector_load %arg6[%swap3A_469] {strides = array<i32>} : memref<128xi32, #tpu.memory_space<vmem>>, vector<16xi32>,
    %swap3A_471 = vector.shape_cast %swap3A_470 : vector<16xi32> to vector<16xi32>
    %swap3A_472 = vector.shape_cast %add3A_468 : vector<16xi32> to vector<16xi32>
    tpu.vector_store %arg6[%swap3A_469], %swap3A_472 {strides = array<i32>} : memref<128xi32, #tpu.memory_space<vmem>>, vector<16xi32>,
    %add3A_473 = arith.constant 80 : i32
    %add3A_474 = arith.addi %add3A_432, %add3A_473 : i32
    %add3A_475 = vector.broadcast %add3A_474 : i32 to vector<16xi32>
    %add3A_476 = arith.addi %add3A_475, %iota3A : vector<16xi32>
    %swap3A_477 = arith.constant 80 : index
    %swap3A_478 = tpu.vector_load %arg6[%swap3A_477] {strides = array<i32>} : memref<128xi32, #tpu.memory_space<vmem>>, vector<16xi32>,
    %swap3A_479 = vector.shape_cast %swap3A_478 : vector<16xi32> to vector<16xi32>
    %swap3A_480 = vector.shape_cast %add3A_476 : vector<16xi32> to vector<16xi32>
    tpu.vector_store %arg6[%swap3A_477], %swap3A_480 {strides = array<i32>} : memref<128xi32, #tpu.memory_space<vmem>>, vector<16xi32>,
    %add3A_481 = arith.constant 96 : i32
    %add3A_482 = arith.addi %add3A_432, %add3A_481 : i32
    %add3A_483 = vector.broadcast %add3A_482 : i32 to vector<16xi32>
    %add3A_484 = arith.addi %add3A_483, %iota3A : vector<16xi32>
    %swap3A_485 = arith.constant 96 : index
    %swap3A_486 = tpu.vector_load %arg6[%swap3A_485] {strides = array<i32>} : memref<128xi32, #tpu.memory_space<vmem>>, vector<16xi32>,
    %swap3A_487 = vector.shape_cast %swap3A_486 : vector<16xi32> to vector<16xi32>
    %swap3A_488 = vector.shape_cast %add3A_484 : vector<16xi32> to vector<16xi32>
    tpu.vector_store %arg6[%swap3A_485], %swap3A_488 {strides = array<i32>} : memref<128xi32, #tpu.memory_space<vmem>>, vector<16xi32>,
    %add3A_489 = arith.constant 112 : i32
    %add3A_490 = arith.addi %add3A_432, %add3A_489 : i32
    %add3A_491 = vector.broadcast %add3A_490 : i32 to vector<16xi32>
    %add3A_492 = arith.addi %add3A_491, %iota3A : vector<16xi32>
    %swap3A_493 = arith.constant 112 : index
    %swap3A_494 = tpu.vector_load %arg6[%swap3A_493] {strides = array<i32>} : memref<128xi32, #tpu.memory_space<vmem>>, vector<16xi32>,
    %swap3A_495 = vector.shape_cast %swap3A_494 : vector<16xi32> to vector<16xi32>
    %swap3A_496 = vector.shape_cast %add3A_492 : vector<16xi32> to vector<16xi32>
    tpu.vector_store %arg6[%swap3A_493], %swap3A_496 {strides = array<i32>} : memref<128xi32, #tpu.memory_space<vmem>>, vector<16xi32>,
    "tpu.region"() ({
      %run_scoped3A = tpu.sem_alloc : memref<!tpu.dma_semaphore, #tpu.memory_space<semaphore_mem>>
      %dma_start3A = arith.constant 0 : i32
      %dma_start3A_701 = arith.constant 0 : i32
      %dma_start3A_702 = tpu.memref_slice %arg4[%dma_start3A, %dma_start3A_701] : memref<10240x16xf32, #tpu.memory_space<vmem_shared>> -> memref<10240x16xf32, #tpu.memory_space<vmem_shared>>
      tpu.enqueue_indirect_dma source(%dma_start3A_702 : memref<10240x16xf32, #tpu.memory_space<vmem_shared>>) target(%arg7 : memref<128x16xf32, #tpu.memory_space<vmem>>) offsets(%arg6 : memref<128xi32, #tpu.memory_space<vmem>>) semaphore(%run_scoped3A : memref<!tpu.dma_semaphore, #tpu.memory_space<semaphore_mem>>)
      %dma_wait3A = arith.constant 0 : i32
      %dma_wait3A_703 = arith.constant 0 : i32
      %dma_wait3A_704 = tpu.memref_slice %arg4[%dma_wait3A, %dma_wait3A_703] : memref<10240x16xf32, #tpu.memory_space<vmem_shared>> -> memref<10240x16xf32, #tpu.memory_space<vmem_shared>>
      tpu.wait_indirect_dma semaphore(%run_scoped3A : memref<!tpu.dma_semaphore, #tpu.memory_space<semaphore_mem>>) src(%dma_wait3A_704 : memref<10240x16xf32, #tpu.memory_space<vmem_shared>>) dst(%arg7 : memref<128x16xf32, #tpu.memory_space<vmem>>)
      tpu.yield
    }) : () -> ()
    "tpu.region"() ({
      %run_scoped3A = tpu.sem_alloc : memref<!tpu.dma_semaphore, #tpu.memory_space<semaphore_mem>>
      %dma_start3A = arith.constant 0 : i32
      %dma_start3A_701 = tpu.memref_slice %arg3[%arg0, %add3A_432, %dma_start3A] : memref<2x10240x16xf32, #tpu.memory_space<hbm>> -> memref<1x128x16xf32, #tpu.memory_space<hbm>>
      %dma_start3A_702 = tpu.memref_squeeze %dma_start3A_701 : memref<1x128x16xf32, #tpu.memory_space<hbm>> -> memref<128x16xf32, #tpu.memory_space<hbm>>
      %dma_start3A_703 = arith.constant 0 : i32
      %dma_start3A_704 = tpu.memref_slice %arg3[%arg0, %add3A_432, %dma_start3A_703] : memref<2x10240x16xf32, #tpu.memory_space<hbm>> -> memref<1x128x16xf32, #tpu.memory_space<hbm>>
      %dma_start3A_705 = tpu.memref_squeeze %dma_start3A_704 : memref<1x128x16xf32, #tpu.memory_space<hbm>> -> memref<128x16xf32, #tpu.memory_space<hbm>>
      tpu.enqueue_dma source(%arg7 : memref<128x16xf32, #tpu.memory_space<vmem>>) target(%dma_start3A_705 : memref<128x16xf32, #tpu.memory_space<hbm>>) target_semaphore(%run_scoped3A : memref<!tpu.dma_semaphore, #tpu.memory_space<semaphore_mem>>)
      %dma_wait3A = arith.constant 0 : i32
      %dma_wait3A_706 = tpu.memref_slice %arg3[%arg0, %add3A_432, %dma_wait3A] : memref<2x10240x16xf32, #tpu.memory_space<hbm>> -> memref<1x128x16xf32, #tpu.memory_space<hbm>>
      %dma_wait3A_707 = tpu.memref_squeeze %dma_wait3A_706 : memref<1x128x16xf32, #tpu.memory_space<hbm>> -> memref<128x16xf32, #tpu.memory_space<hbm>>
      %dma_wait3A_708 = arith.constant 0 : i32
      %dma_wait3A_709 = tpu.memref_slice %arg3[%arg0, %add3A_432, %dma_wait3A_708] : memref<2x10240x16xf32, #tpu.memory_space<hbm>> -> memref<1x128x16xf32, #tpu.memory_space<hbm>>
      %dma_wait3A_710 = tpu.memref_squeeze %dma_wait3A_709 : memref<1x128x16xf32, #tpu.memory_space<hbm>> -> memref<128x16xf32, #tpu.memory_space<hbm>>
      tpu.wait_dma2 semaphore(%run_scoped3A : memref<!tpu.dma_semaphore, #tpu.memory_space<semaphore_mem>>) src(%arg7 : memref<128x16xf32, #tpu.memory_space<vmem>>) dst(%dma_wait3A_710 : memref<128x16xf32, #tpu.memory_space<hbm>>)
      tpu.yield
    }) : () -> ()
    %mul3A_497 = arith.constant 640 : i32
    %mul3A_498 = arith.muli %arg1, %mul3A_497 : i32
    %add3A_499 = arith.constant 256 : i32
    %add3A_500 = arith.addi %mul3A_498, %add3A_499 : i32
    %add3A_501 = arith.constant 0 : i32
    %add3A_502 = arith.addi %add3A_500, %add3A_501 : i32
    %add3A_503 = vector.broadcast %add3A_502 : i32 to vector<16xi32>
    %add3A_504 = arith.addi %add3A_503, %iota3A : vector<16xi32>
    %swap3A_505 = arith.constant 0 : index
    %swap3A_506 = tpu.vector_load %arg6[%swap3A_505] {strides = array<i32>} : memref<128xi32, #tpu.memory_space<vmem>>, vector<16xi32>,
    %swap3A_507 = vector.shape_cast %swap3A_506 : vector<16xi32> to vector<16xi32>
    %swap3A_508 = vector.shape_cast %add3A_504 : vector<16xi32> to vector<16xi32>
    tpu.vector_store %arg6[%swap3A_505], %swap3A_508 {strides = array<i32>} : memref<128xi32, #tpu.memory_space<vmem>>, vector<16xi32>,
    %add3A_509 = arith.constant 16 : i32
    %add3A_510 = arith.addi %add3A_500, %add3A_509 : i32
    %add3A_511 = vector.broadcast %add3A_510 : i32 to vector<16xi32>
    %add3A_512 = arith.addi %add3A_511, %iota3A : vector<16xi32>
    %swap3A_513 = arith.constant 16 : index
    %swap3A_514 = tpu.vector_load %arg6[%swap3A_513] {strides = array<i32>} : memref<128xi32, #tpu.memory_space<vmem>>, vector<16xi32>,
    %swap3A_515 = vector.shape_cast %swap3A_514 : vector<16xi32> to vector<16xi32>
    %swap3A_516 = vector.shape_cast %add3A_512 : vector<16xi32> to vector<16xi32>
    tpu.vector_store %arg6[%swap3A_513], %swap3A_516 {strides = array<i32>} : memref<128xi32, #tpu.memory_space<vmem>>, vector<16xi32>,
    %add3A_517 = arith.constant 32 : i32
    %add3A_518 = arith.addi %add3A_500, %add3A_517 : i32
    %add3A_519 = vector.broadcast %add3A_518 : i32 to vector<16xi32>
    %add3A_520 = arith.addi %add3A_519, %iota3A : vector<16xi32>
    %swap3A_521 = arith.constant 32 : index
    %swap3A_522 = tpu.vector_load %arg6[%swap3A_521] {strides = array<i32>} : memref<128xi32, #tpu.memory_space<vmem>>, vector<16xi32>,
    %swap3A_523 = vector.shape_cast %swap3A_522 : vector<16xi32> to vector<16xi32>
    %swap3A_524 = vector.shape_cast %add3A_520 : vector<16xi32> to vector<16xi32>
    tpu.vector_store %arg6[%swap3A_521], %swap3A_524 {strides = array<i32>} : memref<128xi32, #tpu.memory_space<vmem>>, vector<16xi32>,
    %add3A_525 = arith.constant 48 : i32
    %add3A_526 = arith.addi %add3A_500, %add3A_525 : i32
    %add3A_527 = vector.broadcast %add3A_526 : i32 to vector<16xi32>
    %add3A_528 = arith.addi %add3A_527, %iota3A : vector<16xi32>
    %swap3A_529 = arith.constant 48 : index
    %swap3A_530 = tpu.vector_load %arg6[%swap3A_529] {strides = array<i32>} : memref<128xi32, #tpu.memory_space<vmem>>, vector<16xi32>,
    %swap3A_531 = vector.shape_cast %swap3A_530 : vector<16xi32> to vector<16xi32>
    %swap3A_532 = vector.shape_cast %add3A_528 : vector<16xi32> to vector<16xi32>
    tpu.vector_store %arg6[%swap3A_529], %swap3A_532 {strides = array<i32>} : memref<128xi32, #tpu.memory_space<vmem>>, vector<16xi32>,
    %add3A_533 = arith.constant 64 : i32
    %add3A_534 = arith.addi %add3A_500, %add3A_533 : i32
    %add3A_535 = vector.broadcast %add3A_534 : i32 to vector<16xi32>
    %add3A_536 = arith.addi %add3A_535, %iota3A : vector<16xi32>
    %swap3A_537 = arith.constant 64 : index
    %swap3A_538 = tpu.vector_load %arg6[%swap3A_537] {strides = array<i32>} : memref<128xi32, #tpu.memory_space<vmem>>, vector<16xi32>,
    %swap3A_539 = vector.shape_cast %swap3A_538 : vector<16xi32> to vector<16xi32>
    %swap3A_540 = vector.shape_cast %add3A_536 : vector<16xi32> to vector<16xi32>
    tpu.vector_store %arg6[%swap3A_537], %swap3A_540 {strides = array<i32>} : memref<128xi32, #tpu.memory_space<vmem>>, vector<16xi32>,
    %add3A_541 = arith.constant 80 : i32
    %add3A_542 = arith.addi %add3A_500, %add3A_541 : i32
    %add3A_543 = vector.broadcast %add3A_542 : i32 to vector<16xi32>
    %add3A_544 = arith.addi %add3A_543, %iota3A : vector<16xi32>
    %swap3A_545 = arith.constant 80 : index
    %swap3A_546 = tpu.vector_load %arg6[%swap3A_545] {strides = array<i32>} : memref<128xi32, #tpu.memory_space<vmem>>, vector<16xi32>,
    %swap3A_547 = vector.shape_cast %swap3A_546 : vector<16xi32> to vector<16xi32>
    %swap3A_548 = vector.shape_cast %add3A_544 : vector<16xi32> to vector<16xi32>
    tpu.vector_store %arg6[%swap3A_545], %swap3A_548 {strides = array<i32>} : memref<128xi32, #tpu.memory_space<vmem>>, vector<16xi32>,
    %add3A_549 = arith.constant 96 : i32
    %add3A_550 = arith.addi %add3A_500, %add3A_549 : i32
    %add3A_551 = vector.broadcast %add3A_550 : i32 to vector<16xi32>
    %add3A_552 = arith.addi %add3A_551, %iota3A : vector<16xi32>
    %swap3A_553 = arith.constant 96 : index
    %swap3A_554 = tpu.vector_load %arg6[%swap3A_553] {strides = array<i32>} : memref<128xi32, #tpu.memory_space<vmem>>, vector<16xi32>,
    %swap3A_555 = vector.shape_cast %swap3A_554 : vector<16xi32> to vector<16xi32>
    %swap3A_556 = vector.shape_cast %add3A_552 : vector<16xi32> to vector<16xi32>
    tpu.vector_store %arg6[%swap3A_553], %swap3A_556 {strides = array<i32>} : memref<128xi32, #tpu.memory_space<vmem>>, vector<16xi32>,
    %add3A_557 = arith.constant 112 : i32
    %add3A_558 = arith.addi %add3A_500, %add3A_557 : i32
    %add3A_559 = vector.broadcast %add3A_558 : i32 to vector<16xi32>
    %add3A_560 = arith.addi %add3A_559, %iota3A : vector<16xi32>
    %swap3A_561 = arith.constant 112 : index
    %swap3A_562 = tpu.vector_load %arg6[%swap3A_561] {strides = array<i32>} : memref<128xi32, #tpu.memory_space<vmem>>, vector<16xi32>,
    %swap3A_563 = vector.shape_cast %swap3A_562 : vector<16xi32> to vector<16xi32>
    %swap3A_564 = vector.shape_cast %add3A_560 : vector<16xi32> to vector<16xi32>
    tpu.vector_store %arg6[%swap3A_561], %swap3A_564 {strides = array<i32>} : memref<128xi32, #tpu.memory_space<vmem>>, vector<16xi32>,
    "tpu.region"() ({
      %run_scoped3A = tpu.sem_alloc : memref<!tpu.dma_semaphore, #tpu.memory_space<semaphore_mem>>
      %dma_start3A = arith.constant 0 : i32
      %dma_start3A_701 = arith.constant 0 : i32
      %dma_start3A_702 = tpu.memref_slice %arg4[%dma_start3A, %dma_start3A_701] : memref<10240x16xf32, #tpu.memory_space<vmem_shared>> -> memref<10240x16xf32, #tpu.memory_space<vmem_shared>>
      tpu.enqueue_indirect_dma source(%dma_start3A_702 : memref<10240x16xf32, #tpu.memory_space<vmem_shared>>) target(%arg7 : memref<128x16xf32, #tpu.memory_space<vmem>>) offsets(%arg6 : memref<128xi32, #tpu.memory_space<vmem>>) semaphore(%run_scoped3A : memref<!tpu.dma_semaphore, #tpu.memory_space<semaphore_mem>>)
      %dma_wait3A = arith.constant 0 : i32
      %dma_wait3A_703 = arith.constant 0 : i32
      %dma_wait3A_704 = tpu.memref_slice %arg4[%dma_wait3A, %dma_wait3A_703] : memref<10240x16xf32, #tpu.memory_space<vmem_shared>> -> memref<10240x16xf32, #tpu.memory_space<vmem_shared>>
      tpu.wait_indirect_dma semaphore(%run_scoped3A : memref<!tpu.dma_semaphore, #tpu.memory_space<semaphore_mem>>) src(%dma_wait3A_704 : memref<10240x16xf32, #tpu.memory_space<vmem_shared>>) dst(%arg7 : memref<128x16xf32, #tpu.memory_space<vmem>>)
      tpu.yield
    }) : () -> ()
    "tpu.region"() ({
      %run_scoped3A = tpu.sem_alloc : memref<!tpu.dma_semaphore, #tpu.memory_space<semaphore_mem>>
      %dma_start3A = arith.constant 0 : i32
      %dma_start3A_701 = tpu.memref_slice %arg3[%arg0, %add3A_500, %dma_start3A] : memref<2x10240x16xf32, #tpu.memory_space<hbm>> -> memref<1x128x16xf32, #tpu.memory_space<hbm>>
      %dma_start3A_702 = tpu.memref_squeeze %dma_start3A_701 : memref<1x128x16xf32, #tpu.memory_space<hbm>> -> memref<128x16xf32, #tpu.memory_space<hbm>>
      %dma_start3A_703 = arith.constant 0 : i32
      %dma_start3A_704 = tpu.memref_slice %arg3[%arg0, %add3A_500, %dma_start3A_703] : memref<2x10240x16xf32, #tpu.memory_space<hbm>> -> memref<1x128x16xf32, #tpu.memory_space<hbm>>
      %dma_start3A_705 = tpu.memref_squeeze %dma_start3A_704 : memref<1x128x16xf32, #tpu.memory_space<hbm>> -> memref<128x16xf32, #tpu.memory_space<hbm>>
      tpu.enqueue_dma source(%arg7 : memref<128x16xf32, #tpu.memory_space<vmem>>) target(%dma_start3A_705 : memref<128x16xf32, #tpu.memory_space<hbm>>) target_semaphore(%run_scoped3A : memref<!tpu.dma_semaphore, #tpu.memory_space<semaphore_mem>>)
      %dma_wait3A = arith.constant 0 : i32
      %dma_wait3A_706 = tpu.memref_slice %arg3[%arg0, %add3A_500, %dma_wait3A] : memref<2x10240x16xf32, #tpu.memory_space<hbm>> -> memref<1x128x16xf32, #tpu.memory_space<hbm>>
      %dma_wait3A_707 = tpu.memref_squeeze %dma_wait3A_706 : memref<1x128x16xf32, #tpu.memory_space<hbm>> -> memref<128x16xf32, #tpu.memory_space<hbm>>
      %dma_wait3A_708 = arith.constant 0 : i32
      %dma_wait3A_709 = tpu.memref_slice %arg3[%arg0, %add3A_500, %dma_wait3A_708] : memref<2x10240x16xf32, #tpu.memory_space<hbm>> -> memref<1x128x16xf32, #tpu.memory_space<hbm>>
      %dma_wait3A_710 = tpu.memref_squeeze %dma_wait3A_709 : memref<1x128x16xf32, #tpu.memory_space<hbm>> -> memref<128x16xf32, #tpu.memory_space<hbm>>
      tpu.wait_dma2 semaphore(%run_scoped3A : memref<!tpu.dma_semaphore, #tpu.memory_space<semaphore_mem>>) src(%arg7 : memref<128x16xf32, #tpu.memory_space<vmem>>) dst(%dma_wait3A_710 : memref<128x16xf32, #tpu.memory_space<hbm>>)
      tpu.yield
    }) : () -> ()
    %mul3A_565 = arith.constant 640 : i32
    %mul3A_566 = arith.muli %arg1, %mul3A_565 : i32
    %add3A_567 = arith.constant 384 : i32
    %add3A_568 = arith.addi %mul3A_566, %add3A_567 : i32
    %add3A_569 = arith.constant 0 : i32
    %add3A_570 = arith.addi %add3A_568, %add3A_569 : i32
    %add3A_571 = vector.broadcast %add3A_570 : i32 to vector<16xi32>
    %add3A_572 = arith.addi %add3A_571, %iota3A : vector<16xi32>
    %swap3A_573 = arith.constant 0 : index
    %swap3A_574 = tpu.vector_load %arg6[%swap3A_573] {strides = array<i32>} : memref<128xi32, #tpu.memory_space<vmem>>, vector<16xi32>,
    %swap3A_575 = vector.shape_cast %swap3A_574 : vector<16xi32> to vector<16xi32>
    %swap3A_576 = vector.shape_cast %add3A_572 : vector<16xi32> to vector<16xi32>
    tpu.vector_store %arg6[%swap3A_573], %swap3A_576 {strides = array<i32>} : memref<128xi32, #tpu.memory_space<vmem>>, vector<16xi32>,
    %add3A_577 = arith.constant 16 : i32
    %add3A_578 = arith.addi %add3A_568, %add3A_577 : i32
    %add3A_579 = vector.broadcast %add3A_578 : i32 to vector<16xi32>
    %add3A_580 = arith.addi %add3A_579, %iota3A : vector<16xi32>
    %swap3A_581 = arith.constant 16 : index
    %swap3A_582 = tpu.vector_load %arg6[%swap3A_581] {strides = array<i32>} : memref<128xi32, #tpu.memory_space<vmem>>, vector<16xi32>,
    %swap3A_583 = vector.shape_cast %swap3A_582 : vector<16xi32> to vector<16xi32>
    %swap3A_584 = vector.shape_cast %add3A_580 : vector<16xi32> to vector<16xi32>
    tpu.vector_store %arg6[%swap3A_581], %swap3A_584 {strides = array<i32>} : memref<128xi32, #tpu.memory_space<vmem>>, vector<16xi32>,
    %add3A_585 = arith.constant 32 : i32
    %add3A_586 = arith.addi %add3A_568, %add3A_585 : i32
    %add3A_587 = vector.broadcast %add3A_586 : i32 to vector<16xi32>
    %add3A_588 = arith.addi %add3A_587, %iota3A : vector<16xi32>
    %swap3A_589 = arith.constant 32 : index
    %swap3A_590 = tpu.vector_load %arg6[%swap3A_589] {strides = array<i32>} : memref<128xi32, #tpu.memory_space<vmem>>, vector<16xi32>,
    %swap3A_591 = vector.shape_cast %swap3A_590 : vector<16xi32> to vector<16xi32>
    %swap3A_592 = vector.shape_cast %add3A_588 : vector<16xi32> to vector<16xi32>
    tpu.vector_store %arg6[%swap3A_589], %swap3A_592 {strides = array<i32>} : memref<128xi32, #tpu.memory_space<vmem>>, vector<16xi32>,
    %add3A_593 = arith.constant 48 : i32
    %add3A_594 = arith.addi %add3A_568, %add3A_593 : i32
    %add3A_595 = vector.broadcast %add3A_594 : i32 to vector<16xi32>
    %add3A_596 = arith.addi %add3A_595, %iota3A : vector<16xi32>
    %swap3A_597 = arith.constant 48 : index
    %swap3A_598 = tpu.vector_load %arg6[%swap3A_597] {strides = array<i32>} : memref<128xi32, #tpu.memory_space<vmem>>, vector<16xi32>,
    %swap3A_599 = vector.shape_cast %swap3A_598 : vector<16xi32> to vector<16xi32>
    %swap3A_600 = vector.shape_cast %add3A_596 : vector<16xi32> to vector<16xi32>
    tpu.vector_store %arg6[%swap3A_597], %swap3A_600 {strides = array<i32>} : memref<128xi32, #tpu.memory_space<vmem>>, vector<16xi32>,
    %add3A_601 = arith.constant 64 : i32
    %add3A_602 = arith.addi %add3A_568, %add3A_601 : i32
    %add3A_603 = vector.broadcast %add3A_602 : i32 to vector<16xi32>
    %add3A_604 = arith.addi %add3A_603, %iota3A : vector<16xi32>
    %swap3A_605 = arith.constant 64 : index
    %swap3A_606 = tpu.vector_load %arg6[%swap3A_605] {strides = array<i32>} : memref<128xi32, #tpu.memory_space<vmem>>, vector<16xi32>,
    %swap3A_607 = vector.shape_cast %swap3A_606 : vector<16xi32> to vector<16xi32>
    %swap3A_608 = vector.shape_cast %add3A_604 : vector<16xi32> to vector<16xi32>
    tpu.vector_store %arg6[%swap3A_605], %swap3A_608 {strides = array<i32>} : memref<128xi32, #tpu.memory_space<vmem>>, vector<16xi32>,
    %add3A_609 = arith.constant 80 : i32
    %add3A_610 = arith.addi %add3A_568, %add3A_609 : i32
    %add3A_611 = vector.broadcast %add3A_610 : i32 to vector<16xi32>
    %add3A_612 = arith.addi %add3A_611, %iota3A : vector<16xi32>
    %swap3A_613 = arith.constant 80 : index
    %swap3A_614 = tpu.vector_load %arg6[%swap3A_613] {strides = array<i32>} : memref<128xi32, #tpu.memory_space<vmem>>, vector<16xi32>,
    %swap3A_615 = vector.shape_cast %swap3A_614 : vector<16xi32> to vector<16xi32>
    %swap3A_616 = vector.shape_cast %add3A_612 : vector<16xi32> to vector<16xi32>
    tpu.vector_store %arg6[%swap3A_613], %swap3A_616 {strides = array<i32>} : memref<128xi32, #tpu.memory_space<vmem>>, vector<16xi32>,
    %add3A_617 = arith.constant 96 : i32
    %add3A_618 = arith.addi %add3A_568, %add3A_617 : i32
    %add3A_619 = vector.broadcast %add3A_618 : i32 to vector<16xi32>
    %add3A_620 = arith.addi %add3A_619, %iota3A : vector<16xi32>
    %swap3A_621 = arith.constant 96 : index
    %swap3A_622 = tpu.vector_load %arg6[%swap3A_621] {strides = array<i32>} : memref<128xi32, #tpu.memory_space<vmem>>, vector<16xi32>,
    %swap3A_623 = vector.shape_cast %swap3A_622 : vector<16xi32> to vector<16xi32>
    %swap3A_624 = vector.shape_cast %add3A_620 : vector<16xi32> to vector<16xi32>
    tpu.vector_store %arg6[%swap3A_621], %swap3A_624 {strides = array<i32>} : memref<128xi32, #tpu.memory_space<vmem>>, vector<16xi32>,
    %add3A_625 = arith.constant 112 : i32
    %add3A_626 = arith.addi %add3A_568, %add3A_625 : i32
    %add3A_627 = vector.broadcast %add3A_626 : i32 to vector<16xi32>
    %add3A_628 = arith.addi %add3A_627, %iota3A : vector<16xi32>
    %swap3A_629 = arith.constant 112 : index
    %swap3A_630 = tpu.vector_load %arg6[%swap3A_629] {strides = array<i32>} : memref<128xi32, #tpu.memory_space<vmem>>, vector<16xi32>,
    %swap3A_631 = vector.shape_cast %swap3A_630 : vector<16xi32> to vector<16xi32>
    %swap3A_632 = vector.shape_cast %add3A_628 : vector<16xi32> to vector<16xi32>
    tpu.vector_store %arg6[%swap3A_629], %swap3A_632 {strides = array<i32>} : memref<128xi32, #tpu.memory_space<vmem>>, vector<16xi32>,
    "tpu.region"() ({
      %run_scoped3A = tpu.sem_alloc : memref<!tpu.dma_semaphore, #tpu.memory_space<semaphore_mem>>
      %dma_start3A = arith.constant 0 : i32
      %dma_start3A_701 = arith.constant 0 : i32
      %dma_start3A_702 = tpu.memref_slice %arg4[%dma_start3A, %dma_start3A_701] : memref<10240x16xf32, #tpu.memory_space<vmem_shared>> -> memref<10240x16xf32, #tpu.memory_space<vmem_shared>>
      tpu.enqueue_indirect_dma source(%dma_start3A_702 : memref<10240x16xf32, #tpu.memory_space<vmem_shared>>) target(%arg7 : memref<128x16xf32, #tpu.memory_space<vmem>>) offsets(%arg6 : memref<128xi32, #tpu.memory_space<vmem>>) semaphore(%run_scoped3A : memref<!tpu.dma_semaphore, #tpu.memory_space<semaphore_mem>>)
      %dma_wait3A = arith.constant 0 : i32
      %dma_wait3A_703 = arith.constant 0 : i32
      %dma_wait3A_704 = tpu.memref_slice %arg4[%dma_wait3A, %dma_wait3A_703] : memref<10240x16xf32, #tpu.memory_space<vmem_shared>> -> memref<10240x16xf32, #tpu.memory_space<vmem_shared>>
      tpu.wait_indirect_dma semaphore(%run_scoped3A : memref<!tpu.dma_semaphore, #tpu.memory_space<semaphore_mem>>) src(%dma_wait3A_704 : memref<10240x16xf32, #tpu.memory_space<vmem_shared>>) dst(%arg7 : memref<128x16xf32, #tpu.memory_space<vmem>>)
      tpu.yield
    }) : () -> ()
    "tpu.region"() ({
      %run_scoped3A = tpu.sem_alloc : memref<!tpu.dma_semaphore, #tpu.memory_space<semaphore_mem>>
      %dma_start3A = arith.constant 0 : i32
      %dma_start3A_701 = tpu.memref_slice %arg3[%arg0, %add3A_568, %dma_start3A] : memref<2x10240x16xf32, #tpu.memory_space<hbm>> -> memref<1x128x16xf32, #tpu.memory_space<hbm>>
      %dma_start3A_702 = tpu.memref_squeeze %dma_start3A_701 : memref<1x128x16xf32, #tpu.memory_space<hbm>> -> memref<128x16xf32, #tpu.memory_space<hbm>>
      %dma_start3A_703 = arith.constant 0 : i32
      %dma_start3A_704 = tpu.memref_slice %arg3[%arg0, %add3A_568, %dma_start3A_703] : memref<2x10240x16xf32, #tpu.memory_space<hbm>> -> memref<1x128x16xf32, #tpu.memory_space<hbm>>
      %dma_start3A_705 = tpu.memref_squeeze %dma_start3A_704 : memref<1x128x16xf32, #tpu.memory_space<hbm>> -> memref<128x16xf32, #tpu.memory_space<hbm>>
      tpu.enqueue_dma source(%arg7 : memref<128x16xf32, #tpu.memory_space<vmem>>) target(%dma_start3A_705 : memref<128x16xf32, #tpu.memory_space<hbm>>) target_semaphore(%run_scoped3A : memref<!tpu.dma_semaphore, #tpu.memory_space<semaphore_mem>>)
      %dma_wait3A = arith.constant 0 : i32
      %dma_wait3A_706 = tpu.memref_slice %arg3[%arg0, %add3A_568, %dma_wait3A] : memref<2x10240x16xf32, #tpu.memory_space<hbm>> -> memref<1x128x16xf32, #tpu.memory_space<hbm>>
      %dma_wait3A_707 = tpu.memref_squeeze %dma_wait3A_706 : memref<1x128x16xf32, #tpu.memory_space<hbm>> -> memref<128x16xf32, #tpu.memory_space<hbm>>
      %dma_wait3A_708 = arith.constant 0 : i32
      %dma_wait3A_709 = tpu.memref_slice %arg3[%arg0, %add3A_568, %dma_wait3A_708] : memref<2x10240x16xf32, #tpu.memory_space<hbm>> -> memref<1x128x16xf32, #tpu.memory_space<hbm>>
      %dma_wait3A_710 = tpu.memref_squeeze %dma_wait3A_709 : memref<1x128x16xf32, #tpu.memory_space<hbm>> -> memref<128x16xf32, #tpu.memory_space<hbm>>
      tpu.wait_dma2 semaphore(%run_scoped3A : memref<!tpu.dma_semaphore, #tpu.memory_space<semaphore_mem>>) src(%arg7 : memref<128x16xf32, #tpu.memory_space<vmem>>) dst(%dma_wait3A_710 : memref<128x16xf32, #tpu.memory_space<hbm>>)
      tpu.yield
    }) : () -> ()
    %mul3A_633 = arith.constant 640 : i32
    %mul3A_634 = arith.muli %arg1, %mul3A_633 : i32
    %add3A_635 = arith.constant 512 : i32
    %add3A_636 = arith.addi %mul3A_634, %add3A_635 : i32
    %add3A_637 = arith.constant 0 : i32
    %add3A_638 = arith.addi %add3A_636, %add3A_637 : i32
    %add3A_639 = vector.broadcast %add3A_638 : i32 to vector<16xi32>
    %add3A_640 = arith.addi %add3A_639, %iota3A : vector<16xi32>
    %swap3A_641 = arith.constant 0 : index
    %swap3A_642 = tpu.vector_load %arg6[%swap3A_641] {strides = array<i32>} : memref<128xi32, #tpu.memory_space<vmem>>, vector<16xi32>,
    %swap3A_643 = vector.shape_cast %swap3A_642 : vector<16xi32> to vector<16xi32>
    %swap3A_644 = vector.shape_cast %add3A_640 : vector<16xi32> to vector<16xi32>
    tpu.vector_store %arg6[%swap3A_641], %swap3A_644 {strides = array<i32>} : memref<128xi32, #tpu.memory_space<vmem>>, vector<16xi32>,
    %add3A_645 = arith.constant 16 : i32
    %add3A_646 = arith.addi %add3A_636, %add3A_645 : i32
    %add3A_647 = vector.broadcast %add3A_646 : i32 to vector<16xi32>
    %add3A_648 = arith.addi %add3A_647, %iota3A : vector<16xi32>
    %swap3A_649 = arith.constant 16 : index
    %swap3A_650 = tpu.vector_load %arg6[%swap3A_649] {strides = array<i32>} : memref<128xi32, #tpu.memory_space<vmem>>, vector<16xi32>,
    %swap3A_651 = vector.shape_cast %swap3A_650 : vector<16xi32> to vector<16xi32>
    %swap3A_652 = vector.shape_cast %add3A_648 : vector<16xi32> to vector<16xi32>
    tpu.vector_store %arg6[%swap3A_649], %swap3A_652 {strides = array<i32>} : memref<128xi32, #tpu.memory_space<vmem>>, vector<16xi32>,
    %add3A_653 = arith.constant 32 : i32
    %add3A_654 = arith.addi %add3A_636, %add3A_653 : i32
    %add3A_655 = vector.broadcast %add3A_654 : i32 to vector<16xi32>
    %add3A_656 = arith.addi %add3A_655, %iota3A : vector<16xi32>
    %swap3A_657 = arith.constant 32 : index
    %swap3A_658 = tpu.vector_load %arg6[%swap3A_657] {strides = array<i32>} : memref<128xi32, #tpu.memory_space<vmem>>, vector<16xi32>,
    %swap3A_659 = vector.shape_cast %swap3A_658 : vector<16xi32> to vector<16xi32>
    %swap3A_660 = vector.shape_cast %add3A_656 : vector<16xi32> to vector<16xi32>
    tpu.vector_store %arg6[%swap3A_657], %swap3A_660 {strides = array<i32>} : memref<128xi32, #tpu.memory_space<vmem>>, vector<16xi32>,
    %add3A_661 = arith.constant 48 : i32
    %add3A_662 = arith.addi %add3A_636, %add3A_661 : i32
    %add3A_663 = vector.broadcast %add3A_662 : i32 to vector<16xi32>
    %add3A_664 = arith.addi %add3A_663, %iota3A : vector<16xi32>
    %swap3A_665 = arith.constant 48 : index
    %swap3A_666 = tpu.vector_load %arg6[%swap3A_665] {strides = array<i32>} : memref<128xi32, #tpu.memory_space<vmem>>, vector<16xi32>,
    %swap3A_667 = vector.shape_cast %swap3A_666 : vector<16xi32> to vector<16xi32>
    %swap3A_668 = vector.shape_cast %add3A_664 : vector<16xi32> to vector<16xi32>
    tpu.vector_store %arg6[%swap3A_665], %swap3A_668 {strides = array<i32>} : memref<128xi32, #tpu.memory_space<vmem>>, vector<16xi32>,
    %add3A_669 = arith.constant 64 : i32
    %add3A_670 = arith.addi %add3A_636, %add3A_669 : i32
    %add3A_671 = vector.broadcast %add3A_670 : i32 to vector<16xi32>
    %add3A_672 = arith.addi %add3A_671, %iota3A : vector<16xi32>
    %swap3A_673 = arith.constant 64 : index
    %swap3A_674 = tpu.vector_load %arg6[%swap3A_673] {strides = array<i32>} : memref<128xi32, #tpu.memory_space<vmem>>, vector<16xi32>,
    %swap3A_675 = vector.shape_cast %swap3A_674 : vector<16xi32> to vector<16xi32>
    %swap3A_676 = vector.shape_cast %add3A_672 : vector<16xi32> to vector<16xi32>
    tpu.vector_store %arg6[%swap3A_673], %swap3A_676 {strides = array<i32>} : memref<128xi32, #tpu.memory_space<vmem>>, vector<16xi32>,
    %add3A_677 = arith.constant 80 : i32
    %add3A_678 = arith.addi %add3A_636, %add3A_677 : i32
    %add3A_679 = vector.broadcast %add3A_678 : i32 to vector<16xi32>
    %add3A_680 = arith.addi %add3A_679, %iota3A : vector<16xi32>
    %swap3A_681 = arith.constant 80 : index
    %swap3A_682 = tpu.vector_load %arg6[%swap3A_681] {strides = array<i32>} : memref<128xi32, #tpu.memory_space<vmem>>, vector<16xi32>,
    %swap3A_683 = vector.shape_cast %swap3A_682 : vector<16xi32> to vector<16xi32>
    %swap3A_684 = vector.shape_cast %add3A_680 : vector<16xi32> to vector<16xi32>
    tpu.vector_store %arg6[%swap3A_681], %swap3A_684 {strides = array<i32>} : memref<128xi32, #tpu.memory_space<vmem>>, vector<16xi32>,
    %add3A_685 = arith.constant 96 : i32
    %add3A_686 = arith.addi %add3A_636, %add3A_685 : i32
    %add3A_687 = vector.broadcast %add3A_686 : i32 to vector<16xi32>
    %add3A_688 = arith.addi %add3A_687, %iota3A : vector<16xi32>
    %swap3A_689 = arith.constant 96 : index
    %swap3A_690 = tpu.vector_load %arg6[%swap3A_689] {strides = array<i32>} : memref<128xi32, #tpu.memory_space<vmem>>, vector<16xi32>,
    %swap3A_691 = vector.shape_cast %swap3A_690 : vector<16xi32> to vector<16xi32>
    %swap3A_692 = vector.shape_cast %add3A_688 : vector<16xi32> to vector<16xi32>
    tpu.vector_store %arg6[%swap3A_689], %swap3A_692 {strides = array<i32>} : memref<128xi32, #tpu.memory_space<vmem>>, vector<16xi32>,
    %add3A_693 = arith.constant 112 : i32
    %add3A_694 = arith.addi %add3A_636, %add3A_693 : i32
    %add3A_695 = vector.broadcast %add3A_694 : i32 to vector<16xi32>
    %add3A_696 = arith.addi %add3A_695, %iota3A : vector<16xi32>
    %swap3A_697 = arith.constant 112 : index
    %swap3A_698 = tpu.vector_load %arg6[%swap3A_697] {strides = array<i32>} : memref<128xi32, #tpu.memory_space<vmem>>, vector<16xi32>,
    %swap3A_699 = vector.shape_cast %swap3A_698 : vector<16xi32> to vector<16xi32>
    %swap3A_700 = vector.shape_cast %add3A_696 : vector<16xi32> to vector<16xi32>
    tpu.vector_store %arg6[%swap3A_697], %swap3A_700 {strides = array<i32>} : memref<128xi32, #tpu.memory_space<vmem>>, vector<16xi32>,
    "tpu.region"() ({
      %run_scoped3A = tpu.sem_alloc : memref<!tpu.dma_semaphore, #tpu.memory_space<semaphore_mem>>
      %dma_start3A = arith.constant 0 : i32
      %dma_start3A_701 = arith.constant 0 : i32
      %dma_start3A_702 = tpu.memref_slice %arg4[%dma_start3A, %dma_start3A_701] : memref<10240x16xf32, #tpu.memory_space<vmem_shared>> -> memref<10240x16xf32, #tpu.memory_space<vmem_shared>>
      tpu.enqueue_indirect_dma source(%dma_start3A_702 : memref<10240x16xf32, #tpu.memory_space<vmem_shared>>) target(%arg7 : memref<128x16xf32, #tpu.memory_space<vmem>>) offsets(%arg6 : memref<128xi32, #tpu.memory_space<vmem>>) semaphore(%run_scoped3A : memref<!tpu.dma_semaphore, #tpu.memory_space<semaphore_mem>>)
      %dma_wait3A = arith.constant 0 : i32
      %dma_wait3A_703 = arith.constant 0 : i32
      %dma_wait3A_704 = tpu.memref_slice %arg4[%dma_wait3A, %dma_wait3A_703] : memref<10240x16xf32, #tpu.memory_space<vmem_shared>> -> memref<10240x16xf32, #tpu.memory_space<vmem_shared>>
      tpu.wait_indirect_dma semaphore(%run_scoped3A : memref<!tpu.dma_semaphore, #tpu.memory_space<semaphore_mem>>) src(%dma_wait3A_704 : memref<10240x16xf32, #tpu.memory_space<vmem_shared>>) dst(%arg7 : memref<128x16xf32, #tpu.memory_space<vmem>>)
      tpu.yield
    }) : () -> ()
    "tpu.region"() ({
      %run_scoped3A = tpu.sem_alloc : memref<!tpu.dma_semaphore, #tpu.memory_space<semaphore_mem>>
      %dma_start3A = arith.constant 0 : i32
      %dma_start3A_701 = tpu.memref_slice %arg3[%arg0, %add3A_636, %dma_start3A] : memref<2x10240x16xf32, #tpu.memory_space<hbm>> -> memref<1x128x16xf32, #tpu.memory_space<hbm>>
      %dma_start3A_702 = tpu.memref_squeeze %dma_start3A_701 : memref<1x128x16xf32, #tpu.memory_space<hbm>> -> memref<128x16xf32, #tpu.memory_space<hbm>>
      %dma_start3A_703 = arith.constant 0 : i32
      %dma_start3A_704 = tpu.memref_slice %arg3[%arg0, %add3A_636, %dma_start3A_703] : memref<2x10240x16xf32, #tpu.memory_space<hbm>> -> memref<1x128x16xf32, #tpu.memory_space<hbm>>
      %dma_start3A_705 = tpu.memref_squeeze %dma_start3A_704 : memref<1x128x16xf32, #tpu.memory_space<hbm>> -> memref<128x16xf32, #tpu.memory_space<hbm>>
      tpu.enqueue_dma source(%arg7 : memref<128x16xf32, #tpu.memory_space<vmem>>) target(%dma_start3A_705 : memref<128x16xf32, #tpu.memory_space<hbm>>) target_semaphore(%run_scoped3A : memref<!tpu.dma_semaphore, #tpu.memory_space<semaphore_mem>>)
      %dma_wait3A = arith.constant 0 : i32
      %dma_wait3A_706 = tpu.memref_slice %arg3[%arg0, %add3A_636, %dma_wait3A] : memref<2x10240x16xf32, #tpu.memory_space<hbm>> -> memref<1x128x16xf32, #tpu.memory_space<hbm>>
      %dma_wait3A_707 = tpu.memref_squeeze %dma_wait3A_706 : memref<1x128x16xf32, #tpu.memory_space<hbm>> -> memref<128x16xf32, #tpu.memory_space<hbm>>
      %dma_wait3A_708 = arith.constant 0 : i32
      %dma_wait3A_709 = tpu.memref_slice %arg3[%arg0, %add3A_636, %dma_wait3A_708] : memref<2x10240x16xf32, #tpu.memory_space<hbm>> -> memref<1x128x16xf32, #tpu.memory_space<hbm>>
      %dma_wait3A_710 = tpu.memref_squeeze %dma_wait3A_709 : memref<1x128x16xf32, #tpu.memory_space<hbm>> -> memref<128x16xf32, #tpu.memory_space<hbm>>
      tpu.wait_dma2 semaphore(%run_scoped3A : memref<!tpu.dma_semaphore, #tpu.memory_space<semaphore_mem>>) src(%arg7 : memref<128x16xf32, #tpu.memory_space<vmem>>) dst(%dma_wait3A_710 : memref<128x16xf32, #tpu.memory_space<hbm>>)
      tpu.yield
    }) : () -> ()
    return
  }
}

#map = affine_map<(d0, d1) -> (0, 0)>
#map1 = affine_map<(d0, d1) -> (0, 0, 0)>
module attributes {stable_mosaic.version = 14 : i64} {
  func.func @_agg_body(%arg0: i32, %arg1: i32, %arg2: memref<112640x128xf32, #tpu.memory_space<hbm>>, %arg3: memref<2500x128xi32, #tpu.memory_space<hbm>>, %arg4: memref<2500x128xi32, #tpu.memory_space<hbm>>, %arg5: memref<2x10240x128xf32, #tpu.memory_space<hbm>>, %arg6: memref<10240x128xf32, #tpu.memory_space<vmem_shared>>, %arg7: memref<4x128xi32, #tpu.memory_space<vmem>>, %arg8: memref<4x128xi32, #tpu.memory_space<vmem>>, %arg9: memref<128xi32, #tpu.memory_space<vmem>>, %arg10: memref<128x128xf32, #tpu.memory_space<vmem>>, %arg11: memref<128x128xf32, #tpu.memory_space<vmem>>, %arg12: memref<!tpu.dma_semaphore, #tpu.memory_space<semaphore_mem>>, %arg13: memref<!tpu.dma_semaphore, #tpu.memory_space<semaphore_mem>>) attributes {dimension_semantics = [#tpu.dimension_semantics<core_parallel>, #tpu.dimension_semantics<subcore_parallel>], iteration_bounds = array<i64: 2, 16>, scalar_prefetch = 0 : i64, scratch_operands = 8 : i64, tpu.core_type = #tpu.core_type<sc_vector_subcore>, window_params = [{transform_indices = #map}, {transform_indices = #map}, {transform_indices = #map}, {transform_indices = #map1}]} {
    %mul3A = arith.constant 16 : i32
    %mul3A_0 = arith.muli %arg0, %mul3A : i32
    %add3A = arith.addi %mul3A_0, %arg1 : i32
    %iota3A = tpu.iota {dimensions = array<i32: 0>} : vector<16xi32>
    %broadcast_in_dim3A = arith.constant 0.000000e+00 : f32
    %broadcast_in_dim3A_1 = vector.broadcast %broadcast_in_dim3A : f32 to vector<16xf32>
    %scan3A = arith.constant 0 : i32
    %scan3A_2 = arith.constant 0 : i32
    %scan3A_3 = arith.constant 128 : i32
    %scan3A_4 = arith.addi %scan3A_2, %scan3A_3 : i32
    %scan3A_5 = arith.constant 1 : i32
    scf.for %scan3A_693 = %scan3A_2 to %scan3A_4 step %scan3A_5  : i32 {
      %swap3A_694 = arith.index_cast %scan3A_693 : i32 to index
      %swap3A_695 = arith.constant 0 : index
      %swap3A_696 = tpu.vector_load %arg10[%swap3A_694, %swap3A_695] {strides = array<i32>} : memref<128x128xf32, #tpu.memory_space<vmem>>, vector<1x16xf32>,
      %swap3A_697 = vector.shape_cast %swap3A_696 : vector<1x16xf32> to vector<16xf32>
      %swap3A_698 = vector.shape_cast %broadcast_in_dim3A_1 : vector<16xf32> to vector<1x16xf32>
      tpu.vector_store %arg10[%swap3A_694, %swap3A_695], %swap3A_698 {strides = array<i32>} : memref<128x128xf32, #tpu.memory_space<vmem>>, vector<1x16xf32>,
      %swap3A_699 = arith.index_cast %scan3A_693 : i32 to index
      %swap3A_700 = arith.constant 16 : index
      %swap3A_701 = tpu.vector_load %arg10[%swap3A_699, %swap3A_700] {strides = array<i32>} : memref<128x128xf32, #tpu.memory_space<vmem>>, vector<1x16xf32>,
      %swap3A_702 = vector.shape_cast %swap3A_701 : vector<1x16xf32> to vector<16xf32>
      %swap3A_703 = vector.shape_cast %broadcast_in_dim3A_1 : vector<16xf32> to vector<1x16xf32>
      tpu.vector_store %arg10[%swap3A_699, %swap3A_700], %swap3A_703 {strides = array<i32>} : memref<128x128xf32, #tpu.memory_space<vmem>>, vector<1x16xf32>,
      %swap3A_704 = arith.index_cast %scan3A_693 : i32 to index
      %swap3A_705 = arith.constant 32 : index
      %swap3A_706 = tpu.vector_load %arg10[%swap3A_704, %swap3A_705] {strides = array<i32>} : memref<128x128xf32, #tpu.memory_space<vmem>>, vector<1x16xf32>,
      %swap3A_707 = vector.shape_cast %swap3A_706 : vector<1x16xf32> to vector<16xf32>
      %swap3A_708 = vector.shape_cast %broadcast_in_dim3A_1 : vector<16xf32> to vector<1x16xf32>
      tpu.vector_store %arg10[%swap3A_704, %swap3A_705], %swap3A_708 {strides = array<i32>} : memref<128x128xf32, #tpu.memory_space<vmem>>, vector<1x16xf32>,
      %swap3A_709 = arith.index_cast %scan3A_693 : i32 to index
      %swap3A_710 = arith.constant 48 : index
      %swap3A_711 = tpu.vector_load %arg10[%swap3A_709, %swap3A_710] {strides = array<i32>} : memref<128x128xf32, #tpu.memory_space<vmem>>, vector<1x16xf32>,
      %swap3A_712 = vector.shape_cast %swap3A_711 : vector<1x16xf32> to vector<16xf32>
      %swap3A_713 = vector.shape_cast %broadcast_in_dim3A_1 : vector<16xf32> to vector<1x16xf32>
      tpu.vector_store %arg10[%swap3A_709, %swap3A_710], %swap3A_713 {strides = array<i32>} : memref<128x128xf32, #tpu.memory_space<vmem>>, vector<1x16xf32>,
      %swap3A_714 = arith.index_cast %scan3A_693 : i32 to index
      %swap3A_715 = arith.constant 64 : index
      %swap3A_716 = tpu.vector_load %arg10[%swap3A_714, %swap3A_715] {strides = array<i32>} : memref<128x128xf32, #tpu.memory_space<vmem>>, vector<1x16xf32>,
      %swap3A_717 = vector.shape_cast %swap3A_716 : vector<1x16xf32> to vector<16xf32>
      %swap3A_718 = vector.shape_cast %broadcast_in_dim3A_1 : vector<16xf32> to vector<1x16xf32>
      tpu.vector_store %arg10[%swap3A_714, %swap3A_715], %swap3A_718 {strides = array<i32>} : memref<128x128xf32, #tpu.memory_space<vmem>>, vector<1x16xf32>,
      %swap3A_719 = arith.index_cast %scan3A_693 : i32 to index
      %swap3A_720 = arith.constant 80 : index
      %swap3A_721 = tpu.vector_load %arg10[%swap3A_719, %swap3A_720] {strides = array<i32>} : memref<128x128xf32, #tpu.memory_space<vmem>>, vector<1x16xf32>,
      %swap3A_722 = vector.shape_cast %swap3A_721 : vector<1x16xf32> to vector<16xf32>
      %swap3A_723 = vector.shape_cast %broadcast_in_dim3A_1 : vector<16xf32> to vector<1x16xf32>
      tpu.vector_store %arg10[%swap3A_719, %swap3A_720], %swap3A_723 {strides = array<i32>} : memref<128x128xf32, #tpu.memory_space<vmem>>, vector<1x16xf32>,
      %swap3A_724 = arith.index_cast %scan3A_693 : i32 to index
      %swap3A_725 = arith.constant 96 : index
      %swap3A_726 = tpu.vector_load %arg10[%swap3A_724, %swap3A_725] {strides = array<i32>} : memref<128x128xf32, #tpu.memory_space<vmem>>, vector<1x16xf32>,
      %swap3A_727 = vector.shape_cast %swap3A_726 : vector<1x16xf32> to vector<16xf32>
      %swap3A_728 = vector.shape_cast %broadcast_in_dim3A_1 : vector<16xf32> to vector<1x16xf32>
      tpu.vector_store %arg10[%swap3A_724, %swap3A_725], %swap3A_728 {strides = array<i32>} : memref<128x128xf32, #tpu.memory_space<vmem>>, vector<1x16xf32>,
      %swap3A_729 = arith.index_cast %scan3A_693 : i32 to index
      %swap3A_730 = arith.constant 112 : index
      %swap3A_731 = tpu.vector_load %arg10[%swap3A_729, %swap3A_730] {strides = array<i32>} : memref<128x128xf32, #tpu.memory_space<vmem>>, vector<1x16xf32>,
      %swap3A_732 = vector.shape_cast %swap3A_731 : vector<1x16xf32> to vector<16xf32>
      %swap3A_733 = vector.shape_cast %broadcast_in_dim3A_1 : vector<16xf32> to vector<1x16xf32>
      tpu.vector_store %arg10[%swap3A_729, %swap3A_730], %swap3A_733 {strides = array<i32>} : memref<128x128xf32, #tpu.memory_space<vmem>>, vector<1x16xf32>,
    }
    %scan3A_6 = arith.constant 128 : i32
    %mul3A_7 = arith.constant 640 : i32
    %mul3A_8 = arith.muli %arg1, %mul3A_7 : i32
    %add3A_9 = arith.constant 0 : i32
    %add3A_10 = arith.addi %mul3A_8, %add3A_9 : i32
    %add3A_11 = arith.constant 0 : i32
    %add3A_12 = arith.addi %add3A_10, %add3A_11 : i32
    %add3A_13 = vector.broadcast %add3A_12 : i32 to vector<16xi32>
    %add3A_14 = arith.addi %add3A_13, %iota3A : vector<16xi32>
    %swap3A = arith.constant 0 : index
    %swap3A_15 = tpu.vector_load %arg9[%swap3A] {strides = array<i32>} : memref<128xi32, #tpu.memory_space<vmem>>, vector<16xi32>,
    %swap3A_16 = vector.shape_cast %swap3A_15 : vector<16xi32> to vector<16xi32>
    %swap3A_17 = vector.shape_cast %add3A_14 : vector<16xi32> to vector<16xi32>
    tpu.vector_store %arg9[%swap3A], %swap3A_17 {strides = array<i32>} : memref<128xi32, #tpu.memory_space<vmem>>, vector<16xi32>,
    %add3A_18 = arith.constant 16 : i32
    %add3A_19 = arith.addi %add3A_10, %add3A_18 : i32
    %add3A_20 = vector.broadcast %add3A_19 : i32 to vector<16xi32>
    %add3A_21 = arith.addi %add3A_20, %iota3A : vector<16xi32>
    %swap3A_22 = arith.constant 16 : index
    %swap3A_23 = tpu.vector_load %arg9[%swap3A_22] {strides = array<i32>} : memref<128xi32, #tpu.memory_space<vmem>>, vector<16xi32>,
    %swap3A_24 = vector.shape_cast %swap3A_23 : vector<16xi32> to vector<16xi32>
    %swap3A_25 = vector.shape_cast %add3A_21 : vector<16xi32> to vector<16xi32>
    tpu.vector_store %arg9[%swap3A_22], %swap3A_25 {strides = array<i32>} : memref<128xi32, #tpu.memory_space<vmem>>, vector<16xi32>,
    %add3A_26 = arith.constant 32 : i32
    %add3A_27 = arith.addi %add3A_10, %add3A_26 : i32
    %add3A_28 = vector.broadcast %add3A_27 : i32 to vector<16xi32>
    %add3A_29 = arith.addi %add3A_28, %iota3A : vector<16xi32>
    %swap3A_30 = arith.constant 32 : index
    %swap3A_31 = tpu.vector_load %arg9[%swap3A_30] {strides = array<i32>} : memref<128xi32, #tpu.memory_space<vmem>>, vector<16xi32>,
    %swap3A_32 = vector.shape_cast %swap3A_31 : vector<16xi32> to vector<16xi32>
    %swap3A_33 = vector.shape_cast %add3A_29 : vector<16xi32> to vector<16xi32>
    tpu.vector_store %arg9[%swap3A_30], %swap3A_33 {strides = array<i32>} : memref<128xi32, #tpu.memory_space<vmem>>, vector<16xi32>,
    %add3A_34 = arith.constant 48 : i32
    %add3A_35 = arith.addi %add3A_10, %add3A_34 : i32
    %add3A_36 = vector.broadcast %add3A_35 : i32 to vector<16xi32>
    %add3A_37 = arith.addi %add3A_36, %iota3A : vector<16xi32>
    %swap3A_38 = arith.constant 48 : index
    %swap3A_39 = tpu.vector_load %arg9[%swap3A_38] {strides = array<i32>} : memref<128xi32, #tpu.memory_space<vmem>>, vector<16xi32>,
    %swap3A_40 = vector.shape_cast %swap3A_39 : vector<16xi32> to vector<16xi32>
    %swap3A_41 = vector.shape_cast %add3A_37 : vector<16xi32> to vector<16xi32>
    tpu.vector_store %arg9[%swap3A_38], %swap3A_41 {strides = array<i32>} : memref<128xi32, #tpu.memory_space<vmem>>, vector<16xi32>,
    %add3A_42 = arith.constant 64 : i32
    %add3A_43 = arith.addi %add3A_10, %add3A_42 : i32
    %add3A_44 = vector.broadcast %add3A_43 : i32 to vector<16xi32>
    %add3A_45 = arith.addi %add3A_44, %iota3A : vector<16xi32>
    %swap3A_46 = arith.constant 64 : index
    %swap3A_47 = tpu.vector_load %arg9[%swap3A_46] {strides = array<i32>} : memref<128xi32, #tpu.memory_space<vmem>>, vector<16xi32>,
    %swap3A_48 = vector.shape_cast %swap3A_47 : vector<16xi32> to vector<16xi32>
    %swap3A_49 = vector.shape_cast %add3A_45 : vector<16xi32> to vector<16xi32>
    tpu.vector_store %arg9[%swap3A_46], %swap3A_49 {strides = array<i32>} : memref<128xi32, #tpu.memory_space<vmem>>, vector<16xi32>,
    %add3A_50 = arith.constant 80 : i32
    %add3A_51 = arith.addi %add3A_10, %add3A_50 : i32
    %add3A_52 = vector.broadcast %add3A_51 : i32 to vector<16xi32>
    %add3A_53 = arith.addi %add3A_52, %iota3A : vector<16xi32>
    %swap3A_54 = arith.constant 80 : index
    %swap3A_55 = tpu.vector_load %arg9[%swap3A_54] {strides = array<i32>} : memref<128xi32, #tpu.memory_space<vmem>>, vector<16xi32>,
    %swap3A_56 = vector.shape_cast %swap3A_55 : vector<16xi32> to vector<16xi32>
    %swap3A_57 = vector.shape_cast %add3A_53 : vector<16xi32> to vector<16xi32>
    tpu.vector_store %arg9[%swap3A_54], %swap3A_57 {strides = array<i32>} : memref<128xi32, #tpu.memory_space<vmem>>, vector<16xi32>,
    %add3A_58 = arith.constant 96 : i32
    %add3A_59 = arith.addi %add3A_10, %add3A_58 : i32
    %add3A_60 = vector.broadcast %add3A_59 : i32 to vector<16xi32>
    %add3A_61 = arith.addi %add3A_60, %iota3A : vector<16xi32>
    %swap3A_62 = arith.constant 96 : index
    %swap3A_63 = tpu.vector_load %arg9[%swap3A_62] {strides = array<i32>} : memref<128xi32, #tpu.memory_space<vmem>>, vector<16xi32>,
    %swap3A_64 = vector.shape_cast %swap3A_63 : vector<16xi32> to vector<16xi32>
    %swap3A_65 = vector.shape_cast %add3A_61 : vector<16xi32> to vector<16xi32>
    tpu.vector_store %arg9[%swap3A_62], %swap3A_65 {strides = array<i32>} : memref<128xi32, #tpu.memory_space<vmem>>, vector<16xi32>,
    %add3A_66 = arith.constant 112 : i32
    %add3A_67 = arith.addi %add3A_10, %add3A_66 : i32
    %add3A_68 = vector.broadcast %add3A_67 : i32 to vector<16xi32>
    %add3A_69 = arith.addi %add3A_68, %iota3A : vector<16xi32>
    %swap3A_70 = arith.constant 112 : index
    %swap3A_71 = tpu.vector_load %arg9[%swap3A_70] {strides = array<i32>} : memref<128xi32, #tpu.memory_space<vmem>>, vector<16xi32>,
    %swap3A_72 = vector.shape_cast %swap3A_71 : vector<16xi32> to vector<16xi32>
    %swap3A_73 = vector.shape_cast %add3A_69 : vector<16xi32> to vector<16xi32>
    tpu.vector_store %arg9[%swap3A_70], %swap3A_73 {strides = array<i32>} : memref<128xi32, #tpu.memory_space<vmem>>, vector<16xi32>,
    "tpu.region"() ({
      %run_scoped3A = tpu.sem_alloc : memref<!tpu.dma_semaphore, #tpu.memory_space<semaphore_mem>>
      %dma_start3A = arith.constant 0 : i32
      %dma_start3A_693 = arith.constant 0 : i32
      %dma_start3A_694 = tpu.memref_slice %arg6[%dma_start3A, %dma_start3A_693] : memref<10240x128xf32, #tpu.memory_space<vmem_shared>> -> memref<10240x128xf32, #tpu.memory_space<vmem_shared>>
      tpu.enqueue_indirect_dma source(%arg10 : memref<128x128xf32, #tpu.memory_space<vmem>>) target(%dma_start3A_694 : memref<10240x128xf32, #tpu.memory_space<vmem_shared>>) offsets(%arg9 : memref<128xi32, #tpu.memory_space<vmem>>) semaphore(%run_scoped3A : memref<!tpu.dma_semaphore, #tpu.memory_space<semaphore_mem>>)
      %dma_wait3A = arith.constant 0 : i32
      %dma_wait3A_695 = arith.constant 0 : i32
      %dma_wait3A_696 = tpu.memref_slice %arg6[%dma_wait3A, %dma_wait3A_695] : memref<10240x128xf32, #tpu.memory_space<vmem_shared>> -> memref<10240x128xf32, #tpu.memory_space<vmem_shared>>
      tpu.wait_indirect_dma semaphore(%run_scoped3A : memref<!tpu.dma_semaphore, #tpu.memory_space<semaphore_mem>>) src(%arg10 : memref<128x128xf32, #tpu.memory_space<vmem>>) dst(%dma_wait3A_696 : memref<10240x128xf32, #tpu.memory_space<vmem_shared>>)
      tpu.yield
    }) : () -> ()
    %mul3A_74 = arith.constant 640 : i32
    %mul3A_75 = arith.muli %arg1, %mul3A_74 : i32
    %add3A_76 = arith.constant 128 : i32
    %add3A_77 = arith.addi %mul3A_75, %add3A_76 : i32
    %add3A_78 = arith.constant 0 : i32
    %add3A_79 = arith.addi %add3A_77, %add3A_78 : i32
    %add3A_80 = vector.broadcast %add3A_79 : i32 to vector<16xi32>
    %add3A_81 = arith.addi %add3A_80, %iota3A : vector<16xi32>
    %swap3A_82 = arith.constant 0 : index
    %swap3A_83 = tpu.vector_load %arg9[%swap3A_82] {strides = array<i32>} : memref<128xi32, #tpu.memory_space<vmem>>, vector<16xi32>,
    %swap3A_84 = vector.shape_cast %swap3A_83 : vector<16xi32> to vector<16xi32>
    %swap3A_85 = vector.shape_cast %add3A_81 : vector<16xi32> to vector<16xi32>
    tpu.vector_store %arg9[%swap3A_82], %swap3A_85 {strides = array<i32>} : memref<128xi32, #tpu.memory_space<vmem>>, vector<16xi32>,
    %add3A_86 = arith.constant 16 : i32
    %add3A_87 = arith.addi %add3A_77, %add3A_86 : i32
    %add3A_88 = vector.broadcast %add3A_87 : i32 to vector<16xi32>
    %add3A_89 = arith.addi %add3A_88, %iota3A : vector<16xi32>
    %swap3A_90 = arith.constant 16 : index
    %swap3A_91 = tpu.vector_load %arg9[%swap3A_90] {strides = array<i32>} : memref<128xi32, #tpu.memory_space<vmem>>, vector<16xi32>,
    %swap3A_92 = vector.shape_cast %swap3A_91 : vector<16xi32> to vector<16xi32>
    %swap3A_93 = vector.shape_cast %add3A_89 : vector<16xi32> to vector<16xi32>
    tpu.vector_store %arg9[%swap3A_90], %swap3A_93 {strides = array<i32>} : memref<128xi32, #tpu.memory_space<vmem>>, vector<16xi32>,
    %add3A_94 = arith.constant 32 : i32
    %add3A_95 = arith.addi %add3A_77, %add3A_94 : i32
    %add3A_96 = vector.broadcast %add3A_95 : i32 to vector<16xi32>
    %add3A_97 = arith.addi %add3A_96, %iota3A : vector<16xi32>
    %swap3A_98 = arith.constant 32 : index
    %swap3A_99 = tpu.vector_load %arg9[%swap3A_98] {strides = array<i32>} : memref<128xi32, #tpu.memory_space<vmem>>, vector<16xi32>,
    %swap3A_100 = vector.shape_cast %swap3A_99 : vector<16xi32> to vector<16xi32>
    %swap3A_101 = vector.shape_cast %add3A_97 : vector<16xi32> to vector<16xi32>
    tpu.vector_store %arg9[%swap3A_98], %swap3A_101 {strides = array<i32>} : memref<128xi32, #tpu.memory_space<vmem>>, vector<16xi32>,
    %add3A_102 = arith.constant 48 : i32
    %add3A_103 = arith.addi %add3A_77, %add3A_102 : i32
    %add3A_104 = vector.broadcast %add3A_103 : i32 to vector<16xi32>
    %add3A_105 = arith.addi %add3A_104, %iota3A : vector<16xi32>
    %swap3A_106 = arith.constant 48 : index
    %swap3A_107 = tpu.vector_load %arg9[%swap3A_106] {strides = array<i32>} : memref<128xi32, #tpu.memory_space<vmem>>, vector<16xi32>,
    %swap3A_108 = vector.shape_cast %swap3A_107 : vector<16xi32> to vector<16xi32>
    %swap3A_109 = vector.shape_cast %add3A_105 : vector<16xi32> to vector<16xi32>
    tpu.vector_store %arg9[%swap3A_106], %swap3A_109 {strides = array<i32>} : memref<128xi32, #tpu.memory_space<vmem>>, vector<16xi32>,
    %add3A_110 = arith.constant 64 : i32
    %add3A_111 = arith.addi %add3A_77, %add3A_110 : i32
    %add3A_112 = vector.broadcast %add3A_111 : i32 to vector<16xi32>
    %add3A_113 = arith.addi %add3A_112, %iota3A : vector<16xi32>
    %swap3A_114 = arith.constant 64 : index
    %swap3A_115 = tpu.vector_load %arg9[%swap3A_114] {strides = array<i32>} : memref<128xi32, #tpu.memory_space<vmem>>, vector<16xi32>,
    %swap3A_116 = vector.shape_cast %swap3A_115 : vector<16xi32> to vector<16xi32>
    %swap3A_117 = vector.shape_cast %add3A_113 : vector<16xi32> to vector<16xi32>
    tpu.vector_store %arg9[%swap3A_114], %swap3A_117 {strides = array<i32>} : memref<128xi32, #tpu.memory_space<vmem>>, vector<16xi32>,
    %add3A_118 = arith.constant 80 : i32
    %add3A_119 = arith.addi %add3A_77, %add3A_118 : i32
    %add3A_120 = vector.broadcast %add3A_119 : i32 to vector<16xi32>
    %add3A_121 = arith.addi %add3A_120, %iota3A : vector<16xi32>
    %swap3A_122 = arith.constant 80 : index
    %swap3A_123 = tpu.vector_load %arg9[%swap3A_122] {strides = array<i32>} : memref<128xi32, #tpu.memory_space<vmem>>, vector<16xi32>,
    %swap3A_124 = vector.shape_cast %swap3A_123 : vector<16xi32> to vector<16xi32>
    %swap3A_125 = vector.shape_cast %add3A_121 : vector<16xi32> to vector<16xi32>
    tpu.vector_store %arg9[%swap3A_122], %swap3A_125 {strides = array<i32>} : memref<128xi32, #tpu.memory_space<vmem>>, vector<16xi32>,
    %add3A_126 = arith.constant 96 : i32
    %add3A_127 = arith.addi %add3A_77, %add3A_126 : i32
    %add3A_128 = vector.broadcast %add3A_127 : i32 to vector<16xi32>
    %add3A_129 = arith.addi %add3A_128, %iota3A : vector<16xi32>
    %swap3A_130 = arith.constant 96 : index
    %swap3A_131 = tpu.vector_load %arg9[%swap3A_130] {strides = array<i32>} : memref<128xi32, #tpu.memory_space<vmem>>, vector<16xi32>,
    %swap3A_132 = vector.shape_cast %swap3A_131 : vector<16xi32> to vector<16xi32>
    %swap3A_133 = vector.shape_cast %add3A_129 : vector<16xi32> to vector<16xi32>
    tpu.vector_store %arg9[%swap3A_130], %swap3A_133 {strides = array<i32>} : memref<128xi32, #tpu.memory_space<vmem>>, vector<16xi32>,
    %add3A_134 = arith.constant 112 : i32
    %add3A_135 = arith.addi %add3A_77, %add3A_134 : i32
    %add3A_136 = vector.broadcast %add3A_135 : i32 to vector<16xi32>
    %add3A_137 = arith.addi %add3A_136, %iota3A : vector<16xi32>
    %swap3A_138 = arith.constant 112 : index
    %swap3A_139 = tpu.vector_load %arg9[%swap3A_138] {strides = array<i32>} : memref<128xi32, #tpu.memory_space<vmem>>, vector<16xi32>,
    %swap3A_140 = vector.shape_cast %swap3A_139 : vector<16xi32> to vector<16xi32>
    %swap3A_141 = vector.shape_cast %add3A_137 : vector<16xi32> to vector<16xi32>
    tpu.vector_store %arg9[%swap3A_138], %swap3A_141 {strides = array<i32>} : memref<128xi32, #tpu.memory_space<vmem>>, vector<16xi32>,
    "tpu.region"() ({
      %run_scoped3A = tpu.sem_alloc : memref<!tpu.dma_semaphore, #tpu.memory_space<semaphore_mem>>
      %dma_start3A = arith.constant 0 : i32
      %dma_start3A_693 = arith.constant 0 : i32
      %dma_start3A_694 = tpu.memref_slice %arg6[%dma_start3A, %dma_start3A_693] : memref<10240x128xf32, #tpu.memory_space<vmem_shared>> -> memref<10240x128xf32, #tpu.memory_space<vmem_shared>>
      tpu.enqueue_indirect_dma source(%arg10 : memref<128x128xf32, #tpu.memory_space<vmem>>) target(%dma_start3A_694 : memref<10240x128xf32, #tpu.memory_space<vmem_shared>>) offsets(%arg9 : memref<128xi32, #tpu.memory_space<vmem>>) semaphore(%run_scoped3A : memref<!tpu.dma_semaphore, #tpu.memory_space<semaphore_mem>>)
      %dma_wait3A = arith.constant 0 : i32
      %dma_wait3A_695 = arith.constant 0 : i32
      %dma_wait3A_696 = tpu.memref_slice %arg6[%dma_wait3A, %dma_wait3A_695] : memref<10240x128xf32, #tpu.memory_space<vmem_shared>> -> memref<10240x128xf32, #tpu.memory_space<vmem_shared>>
      tpu.wait_indirect_dma semaphore(%run_scoped3A : memref<!tpu.dma_semaphore, #tpu.memory_space<semaphore_mem>>) src(%arg10 : memref<128x128xf32, #tpu.memory_space<vmem>>) dst(%dma_wait3A_696 : memref<10240x128xf32, #tpu.memory_space<vmem_shared>>)
      tpu.yield
    }) : () -> ()
    %mul3A_142 = arith.constant 640 : i32
    %mul3A_143 = arith.muli %arg1, %mul3A_142 : i32
    %add3A_144 = arith.constant 256 : i32
    %add3A_145 = arith.addi %mul3A_143, %add3A_144 : i32
    %add3A_146 = arith.constant 0 : i32
    %add3A_147 = arith.addi %add3A_145, %add3A_146 : i32
    %add3A_148 = vector.broadcast %add3A_147 : i32 to vector<16xi32>
    %add3A_149 = arith.addi %add3A_148, %iota3A : vector<16xi32>
    %swap3A_150 = arith.constant 0 : index
    %swap3A_151 = tpu.vector_load %arg9[%swap3A_150] {strides = array<i32>} : memref<128xi32, #tpu.memory_space<vmem>>, vector<16xi32>,
    %swap3A_152 = vector.shape_cast %swap3A_151 : vector<16xi32> to vector<16xi32>
    %swap3A_153 = vector.shape_cast %add3A_149 : vector<16xi32> to vector<16xi32>
    tpu.vector_store %arg9[%swap3A_150], %swap3A_153 {strides = array<i32>} : memref<128xi32, #tpu.memory_space<vmem>>, vector<16xi32>,
    %add3A_154 = arith.constant 16 : i32
    %add3A_155 = arith.addi %add3A_145, %add3A_154 : i32
    %add3A_156 = vector.broadcast %add3A_155 : i32 to vector<16xi32>
    %add3A_157 = arith.addi %add3A_156, %iota3A : vector<16xi32>
    %swap3A_158 = arith.constant 16 : index
    %swap3A_159 = tpu.vector_load %arg9[%swap3A_158] {strides = array<i32>} : memref<128xi32, #tpu.memory_space<vmem>>, vector<16xi32>,
    %swap3A_160 = vector.shape_cast %swap3A_159 : vector<16xi32> to vector<16xi32>
    %swap3A_161 = vector.shape_cast %add3A_157 : vector<16xi32> to vector<16xi32>
    tpu.vector_store %arg9[%swap3A_158], %swap3A_161 {strides = array<i32>} : memref<128xi32, #tpu.memory_space<vmem>>, vector<16xi32>,
    %add3A_162 = arith.constant 32 : i32
    %add3A_163 = arith.addi %add3A_145, %add3A_162 : i32
    %add3A_164 = vector.broadcast %add3A_163 : i32 to vector<16xi32>
    %add3A_165 = arith.addi %add3A_164, %iota3A : vector<16xi32>
    %swap3A_166 = arith.constant 32 : index
    %swap3A_167 = tpu.vector_load %arg9[%swap3A_166] {strides = array<i32>} : memref<128xi32, #tpu.memory_space<vmem>>, vector<16xi32>,
    %swap3A_168 = vector.shape_cast %swap3A_167 : vector<16xi32> to vector<16xi32>
    %swap3A_169 = vector.shape_cast %add3A_165 : vector<16xi32> to vector<16xi32>
    tpu.vector_store %arg9[%swap3A_166], %swap3A_169 {strides = array<i32>} : memref<128xi32, #tpu.memory_space<vmem>>, vector<16xi32>,
    %add3A_170 = arith.constant 48 : i32
    %add3A_171 = arith.addi %add3A_145, %add3A_170 : i32
    %add3A_172 = vector.broadcast %add3A_171 : i32 to vector<16xi32>
    %add3A_173 = arith.addi %add3A_172, %iota3A : vector<16xi32>
    %swap3A_174 = arith.constant 48 : index
    %swap3A_175 = tpu.vector_load %arg9[%swap3A_174] {strides = array<i32>} : memref<128xi32, #tpu.memory_space<vmem>>, vector<16xi32>,
    %swap3A_176 = vector.shape_cast %swap3A_175 : vector<16xi32> to vector<16xi32>
    %swap3A_177 = vector.shape_cast %add3A_173 : vector<16xi32> to vector<16xi32>
    tpu.vector_store %arg9[%swap3A_174], %swap3A_177 {strides = array<i32>} : memref<128xi32, #tpu.memory_space<vmem>>, vector<16xi32>,
    %add3A_178 = arith.constant 64 : i32
    %add3A_179 = arith.addi %add3A_145, %add3A_178 : i32
    %add3A_180 = vector.broadcast %add3A_179 : i32 to vector<16xi32>
    %add3A_181 = arith.addi %add3A_180, %iota3A : vector<16xi32>
    %swap3A_182 = arith.constant 64 : index
    %swap3A_183 = tpu.vector_load %arg9[%swap3A_182] {strides = array<i32>} : memref<128xi32, #tpu.memory_space<vmem>>, vector<16xi32>,
    %swap3A_184 = vector.shape_cast %swap3A_183 : vector<16xi32> to vector<16xi32>
    %swap3A_185 = vector.shape_cast %add3A_181 : vector<16xi32> to vector<16xi32>
    tpu.vector_store %arg9[%swap3A_182], %swap3A_185 {strides = array<i32>} : memref<128xi32, #tpu.memory_space<vmem>>, vector<16xi32>,
    %add3A_186 = arith.constant 80 : i32
    %add3A_187 = arith.addi %add3A_145, %add3A_186 : i32
    %add3A_188 = vector.broadcast %add3A_187 : i32 to vector<16xi32>
    %add3A_189 = arith.addi %add3A_188, %iota3A : vector<16xi32>
    %swap3A_190 = arith.constant 80 : index
    %swap3A_191 = tpu.vector_load %arg9[%swap3A_190] {strides = array<i32>} : memref<128xi32, #tpu.memory_space<vmem>>, vector<16xi32>,
    %swap3A_192 = vector.shape_cast %swap3A_191 : vector<16xi32> to vector<16xi32>
    %swap3A_193 = vector.shape_cast %add3A_189 : vector<16xi32> to vector<16xi32>
    tpu.vector_store %arg9[%swap3A_190], %swap3A_193 {strides = array<i32>} : memref<128xi32, #tpu.memory_space<vmem>>, vector<16xi32>,
    %add3A_194 = arith.constant 96 : i32
    %add3A_195 = arith.addi %add3A_145, %add3A_194 : i32
    %add3A_196 = vector.broadcast %add3A_195 : i32 to vector<16xi32>
    %add3A_197 = arith.addi %add3A_196, %iota3A : vector<16xi32>
    %swap3A_198 = arith.constant 96 : index
    %swap3A_199 = tpu.vector_load %arg9[%swap3A_198] {strides = array<i32>} : memref<128xi32, #tpu.memory_space<vmem>>, vector<16xi32>,
    %swap3A_200 = vector.shape_cast %swap3A_199 : vector<16xi32> to vector<16xi32>
    %swap3A_201 = vector.shape_cast %add3A_197 : vector<16xi32> to vector<16xi32>
    tpu.vector_store %arg9[%swap3A_198], %swap3A_201 {strides = array<i32>} : memref<128xi32, #tpu.memory_space<vmem>>, vector<16xi32>,
    %add3A_202 = arith.constant 112 : i32
    %add3A_203 = arith.addi %add3A_145, %add3A_202 : i32
    %add3A_204 = vector.broadcast %add3A_203 : i32 to vector<16xi32>
    %add3A_205 = arith.addi %add3A_204, %iota3A : vector<16xi32>
    %swap3A_206 = arith.constant 112 : index
    %swap3A_207 = tpu.vector_load %arg9[%swap3A_206] {strides = array<i32>} : memref<128xi32, #tpu.memory_space<vmem>>, vector<16xi32>,
    %swap3A_208 = vector.shape_cast %swap3A_207 : vector<16xi32> to vector<16xi32>
    %swap3A_209 = vector.shape_cast %add3A_205 : vector<16xi32> to vector<16xi32>
    tpu.vector_store %arg9[%swap3A_206], %swap3A_209 {strides = array<i32>} : memref<128xi32, #tpu.memory_space<vmem>>, vector<16xi32>,
    "tpu.region"() ({
      %run_scoped3A = tpu.sem_alloc : memref<!tpu.dma_semaphore, #tpu.memory_space<semaphore_mem>>
      %dma_start3A = arith.constant 0 : i32
      %dma_start3A_693 = arith.constant 0 : i32
      %dma_start3A_694 = tpu.memref_slice %arg6[%dma_start3A, %dma_start3A_693] : memref<10240x128xf32, #tpu.memory_space<vmem_shared>> -> memref<10240x128xf32, #tpu.memory_space<vmem_shared>>
      tpu.enqueue_indirect_dma source(%arg10 : memref<128x128xf32, #tpu.memory_space<vmem>>) target(%dma_start3A_694 : memref<10240x128xf32, #tpu.memory_space<vmem_shared>>) offsets(%arg9 : memref<128xi32, #tpu.memory_space<vmem>>) semaphore(%run_scoped3A : memref<!tpu.dma_semaphore, #tpu.memory_space<semaphore_mem>>)
      %dma_wait3A = arith.constant 0 : i32
      %dma_wait3A_695 = arith.constant 0 : i32
      %dma_wait3A_696 = tpu.memref_slice %arg6[%dma_wait3A, %dma_wait3A_695] : memref<10240x128xf32, #tpu.memory_space<vmem_shared>> -> memref<10240x128xf32, #tpu.memory_space<vmem_shared>>
      tpu.wait_indirect_dma semaphore(%run_scoped3A : memref<!tpu.dma_semaphore, #tpu.memory_space<semaphore_mem>>) src(%arg10 : memref<128x128xf32, #tpu.memory_space<vmem>>) dst(%dma_wait3A_696 : memref<10240x128xf32, #tpu.memory_space<vmem_shared>>)
      tpu.yield
    }) : () -> ()
    %mul3A_210 = arith.constant 640 : i32
    %mul3A_211 = arith.muli %arg1, %mul3A_210 : i32
    %add3A_212 = arith.constant 384 : i32
    %add3A_213 = arith.addi %mul3A_211, %add3A_212 : i32
    %add3A_214 = arith.constant 0 : i32
    %add3A_215 = arith.addi %add3A_213, %add3A_214 : i32
    %add3A_216 = vector.broadcast %add3A_215 : i32 to vector<16xi32>
    %add3A_217 = arith.addi %add3A_216, %iota3A : vector<16xi32>
    %swap3A_218 = arith.constant 0 : index
    %swap3A_219 = tpu.vector_load %arg9[%swap3A_218] {strides = array<i32>} : memref<128xi32, #tpu.memory_space<vmem>>, vector<16xi32>,
    %swap3A_220 = vector.shape_cast %swap3A_219 : vector<16xi32> to vector<16xi32>
    %swap3A_221 = vector.shape_cast %add3A_217 : vector<16xi32> to vector<16xi32>
    tpu.vector_store %arg9[%swap3A_218], %swap3A_221 {strides = array<i32>} : memref<128xi32, #tpu.memory_space<vmem>>, vector<16xi32>,
    %add3A_222 = arith.constant 16 : i32
    %add3A_223 = arith.addi %add3A_213, %add3A_222 : i32
    %add3A_224 = vector.broadcast %add3A_223 : i32 to vector<16xi32>
    %add3A_225 = arith.addi %add3A_224, %iota3A : vector<16xi32>
    %swap3A_226 = arith.constant 16 : index
    %swap3A_227 = tpu.vector_load %arg9[%swap3A_226] {strides = array<i32>} : memref<128xi32, #tpu.memory_space<vmem>>, vector<16xi32>,
    %swap3A_228 = vector.shape_cast %swap3A_227 : vector<16xi32> to vector<16xi32>
    %swap3A_229 = vector.shape_cast %add3A_225 : vector<16xi32> to vector<16xi32>
    tpu.vector_store %arg9[%swap3A_226], %swap3A_229 {strides = array<i32>} : memref<128xi32, #tpu.memory_space<vmem>>, vector<16xi32>,
    %add3A_230 = arith.constant 32 : i32
    %add3A_231 = arith.addi %add3A_213, %add3A_230 : i32
    %add3A_232 = vector.broadcast %add3A_231 : i32 to vector<16xi32>
    %add3A_233 = arith.addi %add3A_232, %iota3A : vector<16xi32>
    %swap3A_234 = arith.constant 32 : index
    %swap3A_235 = tpu.vector_load %arg9[%swap3A_234] {strides = array<i32>} : memref<128xi32, #tpu.memory_space<vmem>>, vector<16xi32>,
    %swap3A_236 = vector.shape_cast %swap3A_235 : vector<16xi32> to vector<16xi32>
    %swap3A_237 = vector.shape_cast %add3A_233 : vector<16xi32> to vector<16xi32>
    tpu.vector_store %arg9[%swap3A_234], %swap3A_237 {strides = array<i32>} : memref<128xi32, #tpu.memory_space<vmem>>, vector<16xi32>,
    %add3A_238 = arith.constant 48 : i32
    %add3A_239 = arith.addi %add3A_213, %add3A_238 : i32
    %add3A_240 = vector.broadcast %add3A_239 : i32 to vector<16xi32>
    %add3A_241 = arith.addi %add3A_240, %iota3A : vector<16xi32>
    %swap3A_242 = arith.constant 48 : index
    %swap3A_243 = tpu.vector_load %arg9[%swap3A_242] {strides = array<i32>} : memref<128xi32, #tpu.memory_space<vmem>>, vector<16xi32>,
    %swap3A_244 = vector.shape_cast %swap3A_243 : vector<16xi32> to vector<16xi32>
    %swap3A_245 = vector.shape_cast %add3A_241 : vector<16xi32> to vector<16xi32>
    tpu.vector_store %arg9[%swap3A_242], %swap3A_245 {strides = array<i32>} : memref<128xi32, #tpu.memory_space<vmem>>, vector<16xi32>,
    %add3A_246 = arith.constant 64 : i32
    %add3A_247 = arith.addi %add3A_213, %add3A_246 : i32
    %add3A_248 = vector.broadcast %add3A_247 : i32 to vector<16xi32>
    %add3A_249 = arith.addi %add3A_248, %iota3A : vector<16xi32>
    %swap3A_250 = arith.constant 64 : index
    %swap3A_251 = tpu.vector_load %arg9[%swap3A_250] {strides = array<i32>} : memref<128xi32, #tpu.memory_space<vmem>>, vector<16xi32>,
    %swap3A_252 = vector.shape_cast %swap3A_251 : vector<16xi32> to vector<16xi32>
    %swap3A_253 = vector.shape_cast %add3A_249 : vector<16xi32> to vector<16xi32>
    tpu.vector_store %arg9[%swap3A_250], %swap3A_253 {strides = array<i32>} : memref<128xi32, #tpu.memory_space<vmem>>, vector<16xi32>,
    %add3A_254 = arith.constant 80 : i32
    %add3A_255 = arith.addi %add3A_213, %add3A_254 : i32
    %add3A_256 = vector.broadcast %add3A_255 : i32 to vector<16xi32>
    %add3A_257 = arith.addi %add3A_256, %iota3A : vector<16xi32>
    %swap3A_258 = arith.constant 80 : index
    %swap3A_259 = tpu.vector_load %arg9[%swap3A_258] {strides = array<i32>} : memref<128xi32, #tpu.memory_space<vmem>>, vector<16xi32>,
    %swap3A_260 = vector.shape_cast %swap3A_259 : vector<16xi32> to vector<16xi32>
    %swap3A_261 = vector.shape_cast %add3A_257 : vector<16xi32> to vector<16xi32>
    tpu.vector_store %arg9[%swap3A_258], %swap3A_261 {strides = array<i32>} : memref<128xi32, #tpu.memory_space<vmem>>, vector<16xi32>,
    %add3A_262 = arith.constant 96 : i32
    %add3A_263 = arith.addi %add3A_213, %add3A_262 : i32
    %add3A_264 = vector.broadcast %add3A_263 : i32 to vector<16xi32>
    %add3A_265 = arith.addi %add3A_264, %iota3A : vector<16xi32>
    %swap3A_266 = arith.constant 96 : index
    %swap3A_267 = tpu.vector_load %arg9[%swap3A_266] {strides = array<i32>} : memref<128xi32, #tpu.memory_space<vmem>>, vector<16xi32>,
    %swap3A_268 = vector.shape_cast %swap3A_267 : vector<16xi32> to vector<16xi32>
    %swap3A_269 = vector.shape_cast %add3A_265 : vector<16xi32> to vector<16xi32>
    tpu.vector_store %arg9[%swap3A_266], %swap3A_269 {strides = array<i32>} : memref<128xi32, #tpu.memory_space<vmem>>, vector<16xi32>,
    %add3A_270 = arith.constant 112 : i32
    %add3A_271 = arith.addi %add3A_213, %add3A_270 : i32
    %add3A_272 = vector.broadcast %add3A_271 : i32 to vector<16xi32>
    %add3A_273 = arith.addi %add3A_272, %iota3A : vector<16xi32>
    %swap3A_274 = arith.constant 112 : index
    %swap3A_275 = tpu.vector_load %arg9[%swap3A_274] {strides = array<i32>} : memref<128xi32, #tpu.memory_space<vmem>>, vector<16xi32>,
    %swap3A_276 = vector.shape_cast %swap3A_275 : vector<16xi32> to vector<16xi32>
    %swap3A_277 = vector.shape_cast %add3A_273 : vector<16xi32> to vector<16xi32>
    tpu.vector_store %arg9[%swap3A_274], %swap3A_277 {strides = array<i32>} : memref<128xi32, #tpu.memory_space<vmem>>, vector<16xi32>,
    "tpu.region"() ({
      %run_scoped3A = tpu.sem_alloc : memref<!tpu.dma_semaphore, #tpu.memory_space<semaphore_mem>>
      %dma_start3A = arith.constant 0 : i32
      %dma_start3A_693 = arith.constant 0 : i32
      %dma_start3A_694 = tpu.memref_slice %arg6[%dma_start3A, %dma_start3A_693] : memref<10240x128xf32, #tpu.memory_space<vmem_shared>> -> memref<10240x128xf32, #tpu.memory_space<vmem_shared>>
      tpu.enqueue_indirect_dma source(%arg10 : memref<128x128xf32, #tpu.memory_space<vmem>>) target(%dma_start3A_694 : memref<10240x128xf32, #tpu.memory_space<vmem_shared>>) offsets(%arg9 : memref<128xi32, #tpu.memory_space<vmem>>) semaphore(%run_scoped3A : memref<!tpu.dma_semaphore, #tpu.memory_space<semaphore_mem>>)
      %dma_wait3A = arith.constant 0 : i32
      %dma_wait3A_695 = arith.constant 0 : i32
      %dma_wait3A_696 = tpu.memref_slice %arg6[%dma_wait3A, %dma_wait3A_695] : memref<10240x128xf32, #tpu.memory_space<vmem_shared>> -> memref<10240x128xf32, #tpu.memory_space<vmem_shared>>
      tpu.wait_indirect_dma semaphore(%run_scoped3A : memref<!tpu.dma_semaphore, #tpu.memory_space<semaphore_mem>>) src(%arg10 : memref<128x128xf32, #tpu.memory_space<vmem>>) dst(%dma_wait3A_696 : memref<10240x128xf32, #tpu.memory_space<vmem_shared>>)
      tpu.yield
    }) : () -> ()
    %mul3A_278 = arith.constant 640 : i32
    %mul3A_279 = arith.muli %arg1, %mul3A_278 : i32
    %add3A_280 = arith.constant 512 : i32
    %add3A_281 = arith.addi %mul3A_279, %add3A_280 : i32
    %add3A_282 = arith.constant 0 : i32
    %add3A_283 = arith.addi %add3A_281, %add3A_282 : i32
    %add3A_284 = vector.broadcast %add3A_283 : i32 to vector<16xi32>
    %add3A_285 = arith.addi %add3A_284, %iota3A : vector<16xi32>
    %swap3A_286 = arith.constant 0 : index
    %swap3A_287 = tpu.vector_load %arg9[%swap3A_286] {strides = array<i32>} : memref<128xi32, #tpu.memory_space<vmem>>, vector<16xi32>,
    %swap3A_288 = vector.shape_cast %swap3A_287 : vector<16xi32> to vector<16xi32>
    %swap3A_289 = vector.shape_cast %add3A_285 : vector<16xi32> to vector<16xi32>
    tpu.vector_store %arg9[%swap3A_286], %swap3A_289 {strides = array<i32>} : memref<128xi32, #tpu.memory_space<vmem>>, vector<16xi32>,
    %add3A_290 = arith.constant 16 : i32
    %add3A_291 = arith.addi %add3A_281, %add3A_290 : i32
    %add3A_292 = vector.broadcast %add3A_291 : i32 to vector<16xi32>
    %add3A_293 = arith.addi %add3A_292, %iota3A : vector<16xi32>
    %swap3A_294 = arith.constant 16 : index
    %swap3A_295 = tpu.vector_load %arg9[%swap3A_294] {strides = array<i32>} : memref<128xi32, #tpu.memory_space<vmem>>, vector<16xi32>,
    %swap3A_296 = vector.shape_cast %swap3A_295 : vector<16xi32> to vector<16xi32>
    %swap3A_297 = vector.shape_cast %add3A_293 : vector<16xi32> to vector<16xi32>
    tpu.vector_store %arg9[%swap3A_294], %swap3A_297 {strides = array<i32>} : memref<128xi32, #tpu.memory_space<vmem>>, vector<16xi32>,
    %add3A_298 = arith.constant 32 : i32
    %add3A_299 = arith.addi %add3A_281, %add3A_298 : i32
    %add3A_300 = vector.broadcast %add3A_299 : i32 to vector<16xi32>
    %add3A_301 = arith.addi %add3A_300, %iota3A : vector<16xi32>
    %swap3A_302 = arith.constant 32 : index
    %swap3A_303 = tpu.vector_load %arg9[%swap3A_302] {strides = array<i32>} : memref<128xi32, #tpu.memory_space<vmem>>, vector<16xi32>,
    %swap3A_304 = vector.shape_cast %swap3A_303 : vector<16xi32> to vector<16xi32>
    %swap3A_305 = vector.shape_cast %add3A_301 : vector<16xi32> to vector<16xi32>
    tpu.vector_store %arg9[%swap3A_302], %swap3A_305 {strides = array<i32>} : memref<128xi32, #tpu.memory_space<vmem>>, vector<16xi32>,
    %add3A_306 = arith.constant 48 : i32
    %add3A_307 = arith.addi %add3A_281, %add3A_306 : i32
    %add3A_308 = vector.broadcast %add3A_307 : i32 to vector<16xi32>
    %add3A_309 = arith.addi %add3A_308, %iota3A : vector<16xi32>
    %swap3A_310 = arith.constant 48 : index
    %swap3A_311 = tpu.vector_load %arg9[%swap3A_310] {strides = array<i32>} : memref<128xi32, #tpu.memory_space<vmem>>, vector<16xi32>,
    %swap3A_312 = vector.shape_cast %swap3A_311 : vector<16xi32> to vector<16xi32>
    %swap3A_313 = vector.shape_cast %add3A_309 : vector<16xi32> to vector<16xi32>
    tpu.vector_store %arg9[%swap3A_310], %swap3A_313 {strides = array<i32>} : memref<128xi32, #tpu.memory_space<vmem>>, vector<16xi32>,
    %add3A_314 = arith.constant 64 : i32
    %add3A_315 = arith.addi %add3A_281, %add3A_314 : i32
    %add3A_316 = vector.broadcast %add3A_315 : i32 to vector<16xi32>
    %add3A_317 = arith.addi %add3A_316, %iota3A : vector<16xi32>
    %swap3A_318 = arith.constant 64 : index
    %swap3A_319 = tpu.vector_load %arg9[%swap3A_318] {strides = array<i32>} : memref<128xi32, #tpu.memory_space<vmem>>, vector<16xi32>,
    %swap3A_320 = vector.shape_cast %swap3A_319 : vector<16xi32> to vector<16xi32>
    %swap3A_321 = vector.shape_cast %add3A_317 : vector<16xi32> to vector<16xi32>
    tpu.vector_store %arg9[%swap3A_318], %swap3A_321 {strides = array<i32>} : memref<128xi32, #tpu.memory_space<vmem>>, vector<16xi32>,
    %add3A_322 = arith.constant 80 : i32
    %add3A_323 = arith.addi %add3A_281, %add3A_322 : i32
    %add3A_324 = vector.broadcast %add3A_323 : i32 to vector<16xi32>
    %add3A_325 = arith.addi %add3A_324, %iota3A : vector<16xi32>
    %swap3A_326 = arith.constant 80 : index
    %swap3A_327 = tpu.vector_load %arg9[%swap3A_326] {strides = array<i32>} : memref<128xi32, #tpu.memory_space<vmem>>, vector<16xi32>,
    %swap3A_328 = vector.shape_cast %swap3A_327 : vector<16xi32> to vector<16xi32>
    %swap3A_329 = vector.shape_cast %add3A_325 : vector<16xi32> to vector<16xi32>
    tpu.vector_store %arg9[%swap3A_326], %swap3A_329 {strides = array<i32>} : memref<128xi32, #tpu.memory_space<vmem>>, vector<16xi32>,
    %add3A_330 = arith.constant 96 : i32
    %add3A_331 = arith.addi %add3A_281, %add3A_330 : i32
    %add3A_332 = vector.broadcast %add3A_331 : i32 to vector<16xi32>
    %add3A_333 = arith.addi %add3A_332, %iota3A : vector<16xi32>
    %swap3A_334 = arith.constant 96 : index
    %swap3A_335 = tpu.vector_load %arg9[%swap3A_334] {strides = array<i32>} : memref<128xi32, #tpu.memory_space<vmem>>, vector<16xi32>,
    %swap3A_336 = vector.shape_cast %swap3A_335 : vector<16xi32> to vector<16xi32>
    %swap3A_337 = vector.shape_cast %add3A_333 : vector<16xi32> to vector<16xi32>
    tpu.vector_store %arg9[%swap3A_334], %swap3A_337 {strides = array<i32>} : memref<128xi32, #tpu.memory_space<vmem>>, vector<16xi32>,
    %add3A_338 = arith.constant 112 : i32
    %add3A_339 = arith.addi %add3A_281, %add3A_338 : i32
    %add3A_340 = vector.broadcast %add3A_339 : i32 to vector<16xi32>
    %add3A_341 = arith.addi %add3A_340, %iota3A : vector<16xi32>
    %swap3A_342 = arith.constant 112 : index
    %swap3A_343 = tpu.vector_load %arg9[%swap3A_342] {strides = array<i32>} : memref<128xi32, #tpu.memory_space<vmem>>, vector<16xi32>,
    %swap3A_344 = vector.shape_cast %swap3A_343 : vector<16xi32> to vector<16xi32>
    %swap3A_345 = vector.shape_cast %add3A_341 : vector<16xi32> to vector<16xi32>
    tpu.vector_store %arg9[%swap3A_342], %swap3A_345 {strides = array<i32>} : memref<128xi32, #tpu.memory_space<vmem>>, vector<16xi32>,
    "tpu.region"() ({
      %run_scoped3A = tpu.sem_alloc : memref<!tpu.dma_semaphore, #tpu.memory_space<semaphore_mem>>
      %dma_start3A = arith.constant 0 : i32
      %dma_start3A_693 = arith.constant 0 : i32
      %dma_start3A_694 = tpu.memref_slice %arg6[%dma_start3A, %dma_start3A_693] : memref<10240x128xf32, #tpu.memory_space<vmem_shared>> -> memref<10240x128xf32, #tpu.memory_space<vmem_shared>>
      tpu.enqueue_indirect_dma source(%arg10 : memref<128x128xf32, #tpu.memory_space<vmem>>) target(%dma_start3A_694 : memref<10240x128xf32, #tpu.memory_space<vmem_shared>>) offsets(%arg9 : memref<128xi32, #tpu.memory_space<vmem>>) semaphore(%run_scoped3A : memref<!tpu.dma_semaphore, #tpu.memory_space<semaphore_mem>>)
      %dma_wait3A = arith.constant 0 : i32
      %dma_wait3A_695 = arith.constant 0 : i32
      %dma_wait3A_696 = tpu.memref_slice %arg6[%dma_wait3A, %dma_wait3A_695] : memref<10240x128xf32, #tpu.memory_space<vmem_shared>> -> memref<10240x128xf32, #tpu.memory_space<vmem_shared>>
      tpu.wait_indirect_dma semaphore(%run_scoped3A : memref<!tpu.dma_semaphore, #tpu.memory_space<semaphore_mem>>) src(%arg10 : memref<128x128xf32, #tpu.memory_space<vmem>>) dst(%dma_wait3A_696 : memref<10240x128xf32, #tpu.memory_space<vmem_shared>>)
      tpu.yield
    }) : () -> ()
    %barrier3A = arith.constant 0 : index
    tpu.barrier barrier_id(%barrier3A)
    %scan3A_346 = arith.constant 0 : i32
    %scan3A_347 = arith.constant 0 : i32
    %scan3A_348 = arith.constant 20 : i32
    %scan3A_349 = arith.addi %scan3A_347, %scan3A_348 : i32
    %scan3A_350 = arith.constant 1 : i32
    scf.for %scan3A_693 = %scan3A_347 to %scan3A_349 step %scan3A_350  : i32 {
      %mul3A_694 = arith.constant 32 : i32
      %mul3A_695 = arith.muli %scan3A_693, %mul3A_694 : i32
      %add3A_696 = arith.addi %add3A, %mul3A_695 : i32
      %lt3A = arith.constant 625 : i32
      %lt3A_697 = arith.cmpi slt, %add3A_696, %lt3A : i32
      %convert_element_type3A = arith.extui %lt3A_697 : i1 to i32
      %cond3A = arith.constant 0 : i32
      %cond3A_698 = arith.cmpi ne, %convert_element_type3A, %cond3A : i32
      scf.if %cond3A_698 {
        %mul3A_699 = arith.constant 4 : i32
        %mul3A_700 = arith.muli %add3A_696, %mul3A_699 : i32
        "tpu.region"() ({
          %run_scoped3A_760 = tpu.sem_alloc : memref<!tpu.dma_semaphore, #tpu.memory_space<semaphore_mem>>
          %dma_start3A_761 = arith.constant 0 : i32
          %dma_start3A_762 = tpu.memref_slice %arg3[%mul3A_700, %dma_start3A_761] : memref<2500x128xi32, #tpu.memory_space<hbm>> -> memref<4x128xi32, #tpu.memory_space<hbm>>
          %dma_start3A_763 = arith.constant 0 : i32
          %dma_start3A_764 = tpu.memref_slice %arg3[%mul3A_700, %dma_start3A_763] : memref<2500x128xi32, #tpu.memory_space<hbm>> -> memref<4x128xi32, #tpu.memory_space<hbm>>
          tpu.enqueue_dma source(%dma_start3A_764 : memref<4x128xi32, #tpu.memory_space<hbm>>) target(%arg7 : memref<4x128xi32, #tpu.memory_space<vmem>>) target_semaphore(%run_scoped3A_760 : memref<!tpu.dma_semaphore, #tpu.memory_space<semaphore_mem>>)
          %dma_wait3A_765 = arith.constant 0 : i32
          %dma_wait3A_766 = tpu.memref_slice %arg3[%mul3A_700, %dma_wait3A_765] : memref<2500x128xi32, #tpu.memory_space<hbm>> -> memref<4x128xi32, #tpu.memory_space<hbm>>
          %dma_wait3A_767 = arith.constant 0 : i32
          %dma_wait3A_768 = tpu.memref_slice %arg3[%mul3A_700, %dma_wait3A_767] : memref<2500x128xi32, #tpu.memory_space<hbm>> -> memref<4x128xi32, #tpu.memory_space<hbm>>
          tpu.wait_dma2 semaphore(%run_scoped3A_760 : memref<!tpu.dma_semaphore, #tpu.memory_space<semaphore_mem>>) src(%dma_wait3A_768 : memref<4x128xi32, #tpu.memory_space<hbm>>) dst(%arg7 : memref<4x128xi32, #tpu.memory_space<vmem>>)
          tpu.yield
        }) : () -> ()
        %mul3A_701 = arith.constant 4 : i32
        %mul3A_702 = arith.muli %add3A_696, %mul3A_701 : i32
        "tpu.region"() ({
          %run_scoped3A_760 = tpu.sem_alloc : memref<!tpu.dma_semaphore, #tpu.memory_space<semaphore_mem>>
          %dma_start3A_761 = arith.constant 0 : i32
          %dma_start3A_762 = tpu.memref_slice %arg4[%mul3A_702, %dma_start3A_761] : memref<2500x128xi32, #tpu.memory_space<hbm>> -> memref<4x128xi32, #tpu.memory_space<hbm>>
          %dma_start3A_763 = arith.constant 0 : i32
          %dma_start3A_764 = tpu.memref_slice %arg4[%mul3A_702, %dma_start3A_763] : memref<2500x128xi32, #tpu.memory_space<hbm>> -> memref<4x128xi32, #tpu.memory_space<hbm>>
          tpu.enqueue_dma source(%dma_start3A_764 : memref<4x128xi32, #tpu.memory_space<hbm>>) target(%arg8 : memref<4x128xi32, #tpu.memory_space<vmem>>) target_semaphore(%run_scoped3A_760 : memref<!tpu.dma_semaphore, #tpu.memory_space<semaphore_mem>>)
          %dma_wait3A_765 = arith.constant 0 : i32
          %dma_wait3A_766 = tpu.memref_slice %arg4[%mul3A_702, %dma_wait3A_765] : memref<2500x128xi32, #tpu.memory_space<hbm>> -> memref<4x128xi32, #tpu.memory_space<hbm>>
          %dma_wait3A_767 = arith.constant 0 : i32
          %dma_wait3A_768 = tpu.memref_slice %arg4[%mul3A_702, %dma_wait3A_767] : memref<2500x128xi32, #tpu.memory_space<hbm>> -> memref<4x128xi32, #tpu.memory_space<hbm>>
          tpu.wait_dma2 semaphore(%run_scoped3A_760 : memref<!tpu.dma_semaphore, #tpu.memory_space<semaphore_mem>>) src(%dma_wait3A_768 : memref<4x128xi32, #tpu.memory_space<hbm>>) dst(%arg8 : memref<4x128xi32, #tpu.memory_space<vmem>>)
          tpu.yield
        }) : () -> ()
        %dma_start3A = arith.constant 0 : i32
        %dma_start3A_703 = arith.constant 0 : i32
        %dma_start3A_704 = tpu.memref_slice %arg7[%dma_start3A, %dma_start3A_703] : memref<4x128xi32, #tpu.memory_space<vmem>> -> memref<1x128xi32, #tpu.memory_space<vmem>>
        %dma_start3A_705 = tpu.memref_squeeze %dma_start3A_704 : memref<1x128xi32, #tpu.memory_space<vmem>> -> memref<128xi32, #tpu.memory_space<vmem>>
        %dma_start3A_706 = arith.constant 0 : i32
        %dma_start3A_707 = arith.constant 0 : i32
        %dma_start3A_708 = tpu.memref_slice %arg2[%dma_start3A_706, %dma_start3A_707] : memref<112640x128xf32, #tpu.memory_space<hbm>> -> memref<112640x128xf32, #tpu.memory_space<hbm>>
        tpu.enqueue_indirect_dma source(%dma_start3A_708 : memref<112640x128xf32, #tpu.memory_space<hbm>>) target(%arg10 : memref<128x128xf32, #tpu.memory_space<vmem>>) offsets(%dma_start3A_705 : memref<128xi32, #tpu.memory_space<vmem>>) semaphore(%arg12 : memref<!tpu.dma_semaphore, #tpu.memory_space<semaphore_mem>>)
        %dma_wait3A = arith.constant 0 : i32
        %dma_wait3A_709 = arith.constant 0 : i32
        %dma_wait3A_710 = tpu.memref_slice %arg7[%dma_wait3A, %dma_wait3A_709] : memref<4x128xi32, #tpu.memory_space<vmem>> -> memref<1x128xi32, #tpu.memory_space<vmem>>
        %dma_wait3A_711 = tpu.memref_squeeze %dma_wait3A_710 : memref<1x128xi32, #tpu.memory_space<vmem>> -> memref<128xi32, #tpu.memory_space<vmem>>
        %dma_wait3A_712 = arith.constant 0 : i32
        %dma_wait3A_713 = arith.constant 0 : i32
        %dma_wait3A_714 = tpu.memref_slice %arg2[%dma_wait3A_712, %dma_wait3A_713] : memref<112640x128xf32, #tpu.memory_space<hbm>> -> memref<112640x128xf32, #tpu.memory_space<hbm>>
        tpu.wait_indirect_dma semaphore(%arg12 : memref<!tpu.dma_semaphore, #tpu.memory_space<semaphore_mem>>) src(%dma_wait3A_714 : memref<112640x128xf32, #tpu.memory_space<hbm>>) dst(%arg10 : memref<128x128xf32, #tpu.memory_space<vmem>>)
        %dma_start3A_715 = arith.constant 1 : i32
        %dma_start3A_716 = arith.constant 0 : i32
        %dma_start3A_717 = tpu.memref_slice %arg7[%dma_start3A_715, %dma_start3A_716] : memref<4x128xi32, #tpu.memory_space<vmem>> -> memref<1x128xi32, #tpu.memory_space<vmem>>
        %dma_start3A_718 = tpu.memref_squeeze %dma_start3A_717 : memref<1x128xi32, #tpu.memory_space<vmem>> -> memref<128xi32, #tpu.memory_space<vmem>>
        %dma_start3A_719 = arith.constant 0 : i32
        %dma_start3A_720 = arith.constant 0 : i32
        %dma_start3A_721 = tpu.memref_slice %arg2[%dma_start3A_719, %dma_start3A_720] : memref<112640x128xf32, #tpu.memory_space<hbm>> -> memref<112640x128xf32, #tpu.memory_space<hbm>>
        tpu.enqueue_indirect_dma source(%dma_start3A_721 : memref<112640x128xf32, #tpu.memory_space<hbm>>) target(%arg11 : memref<128x128xf32, #tpu.memory_space<vmem>>) offsets(%dma_start3A_718 : memref<128xi32, #tpu.memory_space<vmem>>) semaphore(%arg13 : memref<!tpu.dma_semaphore, #tpu.memory_space<semaphore_mem>>)
        %run_scoped3A = arith.constant 0 : i32
        "tpu.region"() ({
          %run_scoped3A_760 = tpu.sem_alloc : memref<!tpu.dma_semaphore, #tpu.memory_space<semaphore_mem>>
          %dma_start3A_761 = arith.constant 0 : i32
          %dma_start3A_762 = tpu.memref_slice %arg8[%run_scoped3A, %dma_start3A_761] : memref<4x128xi32, #tpu.memory_space<vmem>> -> memref<1x128xi32, #tpu.memory_space<vmem>>
          %dma_start3A_763 = tpu.memref_squeeze %dma_start3A_762 : memref<1x128xi32, #tpu.memory_space<vmem>> -> memref<128xi32, #tpu.memory_space<vmem>>
          %dma_start3A_764 = arith.constant 0 : i32
          %dma_start3A_765 = arith.constant 0 : i32
          %dma_start3A_766 = tpu.memref_slice %arg6[%dma_start3A_764, %dma_start3A_765] : memref<10240x128xf32, #tpu.memory_space<vmem_shared>> -> memref<10240x128xf32, #tpu.memory_space<vmem_shared>>
          tpu.enqueue_indirect_dma source(%arg10 : memref<128x128xf32, #tpu.memory_space<vmem>>) target(%dma_start3A_766 : memref<10240x128xf32, #tpu.memory_space<vmem_shared>>) offsets(%dma_start3A_763 : memref<128xi32, #tpu.memory_space<vmem>>) semaphore(%run_scoped3A_760 : memref<!tpu.dma_semaphore, #tpu.memory_space<semaphore_mem>>) {add = true}
          %dma_wait3A_767 = arith.constant 0 : i32
          %dma_wait3A_768 = tpu.memref_slice %arg8[%run_scoped3A, %dma_wait3A_767] : memref<4x128xi32, #tpu.memory_space<vmem>> -> memref<1x128xi32, #tpu.memory_space<vmem>>
          %dma_wait3A_769 = tpu.memref_squeeze %dma_wait3A_768 : memref<1x128xi32, #tpu.memory_space<vmem>> -> memref<128xi32, #tpu.memory_space<vmem>>
          %dma_wait3A_770 = arith.constant 0 : i32
          %dma_wait3A_771 = arith.constant 0 : i32
          %dma_wait3A_772 = tpu.memref_slice %arg6[%dma_wait3A_770, %dma_wait3A_771] : memref<10240x128xf32, #tpu.memory_space<vmem_shared>> -> memref<10240x128xf32, #tpu.memory_space<vmem_shared>>
          tpu.wait_indirect_dma semaphore(%run_scoped3A_760 : memref<!tpu.dma_semaphore, #tpu.memory_space<semaphore_mem>>) src(%arg10 : memref<128x128xf32, #tpu.memory_space<vmem>>) dst(%dma_wait3A_772 : memref<10240x128xf32, #tpu.memory_space<vmem_shared>>)
          tpu.yield
        }) : () -> ()
        %dma_wait3A_722 = arith.constant 1 : i32
        %dma_wait3A_723 = arith.constant 0 : i32
        %dma_wait3A_724 = tpu.memref_slice %arg7[%dma_wait3A_722, %dma_wait3A_723] : memref<4x128xi32, #tpu.memory_space<vmem>> -> memref<1x128xi32, #tpu.memory_space<vmem>>
        %dma_wait3A_725 = tpu.memref_squeeze %dma_wait3A_724 : memref<1x128xi32, #tpu.memory_space<vmem>> -> memref<128xi32, #tpu.memory_space<vmem>>
        %dma_wait3A_726 = arith.constant 0 : i32
        %dma_wait3A_727 = arith.constant 0 : i32
        %dma_wait3A_728 = tpu.memref_slice %arg2[%dma_wait3A_726, %dma_wait3A_727] : memref<112640x128xf32, #tpu.memory_space<hbm>> -> memref<112640x128xf32, #tpu.memory_space<hbm>>
        tpu.wait_indirect_dma semaphore(%arg13 : memref<!tpu.dma_semaphore, #tpu.memory_space<semaphore_mem>>) src(%dma_wait3A_728 : memref<112640x128xf32, #tpu.memory_space<hbm>>) dst(%arg11 : memref<128x128xf32, #tpu.memory_space<vmem>>)
        %dma_start3A_729 = arith.constant 2 : i32
        %dma_start3A_730 = arith.constant 0 : i32
        %dma_start3A_731 = tpu.memref_slice %arg7[%dma_start3A_729, %dma_start3A_730] : memref<4x128xi32, #tpu.memory_space<vmem>> -> memref<1x128xi32, #tpu.memory_space<vmem>>
        %dma_start3A_732 = tpu.memref_squeeze %dma_start3A_731 : memref<1x128xi32, #tpu.memory_space<vmem>> -> memref<128xi32, #tpu.memory_space<vmem>>
        %dma_start3A_733 = arith.constant 0 : i32
        %dma_start3A_734 = arith.constant 0 : i32
        %dma_start3A_735 = tpu.memref_slice %arg2[%dma_start3A_733, %dma_start3A_734] : memref<112640x128xf32, #tpu.memory_space<hbm>> -> memref<112640x128xf32, #tpu.memory_space<hbm>>
        tpu.enqueue_indirect_dma source(%dma_start3A_735 : memref<112640x128xf32, #tpu.memory_space<hbm>>) target(%arg10 : memref<128x128xf32, #tpu.memory_space<vmem>>) offsets(%dma_start3A_732 : memref<128xi32, #tpu.memory_space<vmem>>) semaphore(%arg12 : memref<!tpu.dma_semaphore, #tpu.memory_space<semaphore_mem>>)
        %run_scoped3A_736 = arith.constant 1 : i32
        "tpu.region"() ({
          %run_scoped3A_760 = tpu.sem_alloc : memref<!tpu.dma_semaphore, #tpu.memory_space<semaphore_mem>>
          %dma_start3A_761 = arith.constant 0 : i32
          %dma_start3A_762 = tpu.memref_slice %arg8[%run_scoped3A_736, %dma_start3A_761] : memref<4x128xi32, #tpu.memory_space<vmem>> -> memref<1x128xi32, #tpu.memory_space<vmem>>
          %dma_start3A_763 = tpu.memref_squeeze %dma_start3A_762 : memref<1x128xi32, #tpu.memory_space<vmem>> -> memref<128xi32, #tpu.memory_space<vmem>>
          %dma_start3A_764 = arith.constant 0 : i32
          %dma_start3A_765 = arith.constant 0 : i32
          %dma_start3A_766 = tpu.memref_slice %arg6[%dma_start3A_764, %dma_start3A_765] : memref<10240x128xf32, #tpu.memory_space<vmem_shared>> -> memref<10240x128xf32, #tpu.memory_space<vmem_shared>>
          tpu.enqueue_indirect_dma source(%arg11 : memref<128x128xf32, #tpu.memory_space<vmem>>) target(%dma_start3A_766 : memref<10240x128xf32, #tpu.memory_space<vmem_shared>>) offsets(%dma_start3A_763 : memref<128xi32, #tpu.memory_space<vmem>>) semaphore(%run_scoped3A_760 : memref<!tpu.dma_semaphore, #tpu.memory_space<semaphore_mem>>) {add = true}
          %dma_wait3A_767 = arith.constant 0 : i32
          %dma_wait3A_768 = tpu.memref_slice %arg8[%run_scoped3A_736, %dma_wait3A_767] : memref<4x128xi32, #tpu.memory_space<vmem>> -> memref<1x128xi32, #tpu.memory_space<vmem>>
          %dma_wait3A_769 = tpu.memref_squeeze %dma_wait3A_768 : memref<1x128xi32, #tpu.memory_space<vmem>> -> memref<128xi32, #tpu.memory_space<vmem>>
          %dma_wait3A_770 = arith.constant 0 : i32
          %dma_wait3A_771 = arith.constant 0 : i32
          %dma_wait3A_772 = tpu.memref_slice %arg6[%dma_wait3A_770, %dma_wait3A_771] : memref<10240x128xf32, #tpu.memory_space<vmem_shared>> -> memref<10240x128xf32, #tpu.memory_space<vmem_shared>>
          tpu.wait_indirect_dma semaphore(%run_scoped3A_760 : memref<!tpu.dma_semaphore, #tpu.memory_space<semaphore_mem>>) src(%arg11 : memref<128x128xf32, #tpu.memory_space<vmem>>) dst(%dma_wait3A_772 : memref<10240x128xf32, #tpu.memory_space<vmem_shared>>)
          tpu.yield
        }) : () -> ()
        %dma_wait3A_737 = arith.constant 2 : i32
        %dma_wait3A_738 = arith.constant 0 : i32
        %dma_wait3A_739 = tpu.memref_slice %arg7[%dma_wait3A_737, %dma_wait3A_738] : memref<4x128xi32, #tpu.memory_space<vmem>> -> memref<1x128xi32, #tpu.memory_space<vmem>>
        %dma_wait3A_740 = tpu.memref_squeeze %dma_wait3A_739 : memref<1x128xi32, #tpu.memory_space<vmem>> -> memref<128xi32, #tpu.memory_space<vmem>>
        %dma_wait3A_741 = arith.constant 0 : i32
        %dma_wait3A_742 = arith.constant 0 : i32
        %dma_wait3A_743 = tpu.memref_slice %arg2[%dma_wait3A_741, %dma_wait3A_742] : memref<112640x128xf32, #tpu.memory_space<hbm>> -> memref<112640x128xf32, #tpu.memory_space<hbm>>
        tpu.wait_indirect_dma semaphore(%arg12 : memref<!tpu.dma_semaphore, #tpu.memory_space<semaphore_mem>>) src(%dma_wait3A_743 : memref<112640x128xf32, #tpu.memory_space<hbm>>) dst(%arg10 : memref<128x128xf32, #tpu.memory_space<vmem>>)
        %dma_start3A_744 = arith.constant 3 : i32
        %dma_start3A_745 = arith.constant 0 : i32
        %dma_start3A_746 = tpu.memref_slice %arg7[%dma_start3A_744, %dma_start3A_745] : memref<4x128xi32, #tpu.memory_space<vmem>> -> memref<1x128xi32, #tpu.memory_space<vmem>>
        %dma_start3A_747 = tpu.memref_squeeze %dma_start3A_746 : memref<1x128xi32, #tpu.memory_space<vmem>> -> memref<128xi32, #tpu.memory_space<vmem>>
        %dma_start3A_748 = arith.constant 0 : i32
        %dma_start3A_749 = arith.constant 0 : i32
        %dma_start3A_750 = tpu.memref_slice %arg2[%dma_start3A_748, %dma_start3A_749] : memref<112640x128xf32, #tpu.memory_space<hbm>> -> memref<112640x128xf32, #tpu.memory_space<hbm>>
        tpu.enqueue_indirect_dma source(%dma_start3A_750 : memref<112640x128xf32, #tpu.memory_space<hbm>>) target(%arg11 : memref<128x128xf32, #tpu.memory_space<vmem>>) offsets(%dma_start3A_747 : memref<128xi32, #tpu.memory_space<vmem>>) semaphore(%arg13 : memref<!tpu.dma_semaphore, #tpu.memory_space<semaphore_mem>>)
        %run_scoped3A_751 = arith.constant 2 : i32
        "tpu.region"() ({
          %run_scoped3A_760 = tpu.sem_alloc : memref<!tpu.dma_semaphore, #tpu.memory_space<semaphore_mem>>
          %dma_start3A_761 = arith.constant 0 : i32
          %dma_start3A_762 = tpu.memref_slice %arg8[%run_scoped3A_751, %dma_start3A_761] : memref<4x128xi32, #tpu.memory_space<vmem>> -> memref<1x128xi32, #tpu.memory_space<vmem>>
          %dma_start3A_763 = tpu.memref_squeeze %dma_start3A_762 : memref<1x128xi32, #tpu.memory_space<vmem>> -> memref<128xi32, #tpu.memory_space<vmem>>
          %dma_start3A_764 = arith.constant 0 : i32
          %dma_start3A_765 = arith.constant 0 : i32
          %dma_start3A_766 = tpu.memref_slice %arg6[%dma_start3A_764, %dma_start3A_765] : memref<10240x128xf32, #tpu.memory_space<vmem_shared>> -> memref<10240x128xf32, #tpu.memory_space<vmem_shared>>
          tpu.enqueue_indirect_dma source(%arg10 : memref<128x128xf32, #tpu.memory_space<vmem>>) target(%dma_start3A_766 : memref<10240x128xf32, #tpu.memory_space<vmem_shared>>) offsets(%dma_start3A_763 : memref<128xi32, #tpu.memory_space<vmem>>) semaphore(%run_scoped3A_760 : memref<!tpu.dma_semaphore, #tpu.memory_space<semaphore_mem>>) {add = true}
          %dma_wait3A_767 = arith.constant 0 : i32
          %dma_wait3A_768 = tpu.memref_slice %arg8[%run_scoped3A_751, %dma_wait3A_767] : memref<4x128xi32, #tpu.memory_space<vmem>> -> memref<1x128xi32, #tpu.memory_space<vmem>>
          %dma_wait3A_769 = tpu.memref_squeeze %dma_wait3A_768 : memref<1x128xi32, #tpu.memory_space<vmem>> -> memref<128xi32, #tpu.memory_space<vmem>>
          %dma_wait3A_770 = arith.constant 0 : i32
          %dma_wait3A_771 = arith.constant 0 : i32
          %dma_wait3A_772 = tpu.memref_slice %arg6[%dma_wait3A_770, %dma_wait3A_771] : memref<10240x128xf32, #tpu.memory_space<vmem_shared>> -> memref<10240x128xf32, #tpu.memory_space<vmem_shared>>
          tpu.wait_indirect_dma semaphore(%run_scoped3A_760 : memref<!tpu.dma_semaphore, #tpu.memory_space<semaphore_mem>>) src(%arg10 : memref<128x128xf32, #tpu.memory_space<vmem>>) dst(%dma_wait3A_772 : memref<10240x128xf32, #tpu.memory_space<vmem_shared>>)
          tpu.yield
        }) : () -> ()
        %dma_wait3A_752 = arith.constant 3 : i32
        %dma_wait3A_753 = arith.constant 0 : i32
        %dma_wait3A_754 = tpu.memref_slice %arg7[%dma_wait3A_752, %dma_wait3A_753] : memref<4x128xi32, #tpu.memory_space<vmem>> -> memref<1x128xi32, #tpu.memory_space<vmem>>
        %dma_wait3A_755 = tpu.memref_squeeze %dma_wait3A_754 : memref<1x128xi32, #tpu.memory_space<vmem>> -> memref<128xi32, #tpu.memory_space<vmem>>
        %dma_wait3A_756 = arith.constant 0 : i32
        %dma_wait3A_757 = arith.constant 0 : i32
        %dma_wait3A_758 = tpu.memref_slice %arg2[%dma_wait3A_756, %dma_wait3A_757] : memref<112640x128xf32, #tpu.memory_space<hbm>> -> memref<112640x128xf32, #tpu.memory_space<hbm>>
        tpu.wait_indirect_dma semaphore(%arg13 : memref<!tpu.dma_semaphore, #tpu.memory_space<semaphore_mem>>) src(%dma_wait3A_758 : memref<112640x128xf32, #tpu.memory_space<hbm>>) dst(%arg11 : memref<128x128xf32, #tpu.memory_space<vmem>>)
        %run_scoped3A_759 = arith.constant 3 : i32
        "tpu.region"() ({
          %run_scoped3A_760 = tpu.sem_alloc : memref<!tpu.dma_semaphore, #tpu.memory_space<semaphore_mem>>
          %dma_start3A_761 = arith.constant 0 : i32
          %dma_start3A_762 = tpu.memref_slice %arg8[%run_scoped3A_759, %dma_start3A_761] : memref<4x128xi32, #tpu.memory_space<vmem>> -> memref<1x128xi32, #tpu.memory_space<vmem>>
          %dma_start3A_763 = tpu.memref_squeeze %dma_start3A_762 : memref<1x128xi32, #tpu.memory_space<vmem>> -> memref<128xi32, #tpu.memory_space<vmem>>
          %dma_start3A_764 = arith.constant 0 : i32
          %dma_start3A_765 = arith.constant 0 : i32
          %dma_start3A_766 = tpu.memref_slice %arg6[%dma_start3A_764, %dma_start3A_765] : memref<10240x128xf32, #tpu.memory_space<vmem_shared>> -> memref<10240x128xf32, #tpu.memory_space<vmem_shared>>
          tpu.enqueue_indirect_dma source(%arg11 : memref<128x128xf32, #tpu.memory_space<vmem>>) target(%dma_start3A_766 : memref<10240x128xf32, #tpu.memory_space<vmem_shared>>) offsets(%dma_start3A_763 : memref<128xi32, #tpu.memory_space<vmem>>) semaphore(%run_scoped3A_760 : memref<!tpu.dma_semaphore, #tpu.memory_space<semaphore_mem>>) {add = true}
          %dma_wait3A_767 = arith.constant 0 : i32
          %dma_wait3A_768 = tpu.memref_slice %arg8[%run_scoped3A_759, %dma_wait3A_767] : memref<4x128xi32, #tpu.memory_space<vmem>> -> memref<1x128xi32, #tpu.memory_space<vmem>>
          %dma_wait3A_769 = tpu.memref_squeeze %dma_wait3A_768 : memref<1x128xi32, #tpu.memory_space<vmem>> -> memref<128xi32, #tpu.memory_space<vmem>>
          %dma_wait3A_770 = arith.constant 0 : i32
          %dma_wait3A_771 = arith.constant 0 : i32
          %dma_wait3A_772 = tpu.memref_slice %arg6[%dma_wait3A_770, %dma_wait3A_771] : memref<10240x128xf32, #tpu.memory_space<vmem_shared>> -> memref<10240x128xf32, #tpu.memory_space<vmem_shared>>
          tpu.wait_indirect_dma semaphore(%run_scoped3A_760 : memref<!tpu.dma_semaphore, #tpu.memory_space<semaphore_mem>>) src(%arg11 : memref<128x128xf32, #tpu.memory_space<vmem>>) dst(%dma_wait3A_772 : memref<10240x128xf32, #tpu.memory_space<vmem_shared>>)
          tpu.yield
        }) : () -> ()
      } else {
      }
    }
    %scan3A_351 = arith.constant 20 : i32
    %barrier3A_352 = arith.constant 0 : index
    tpu.barrier barrier_id(%barrier3A_352)
    %mul3A_353 = arith.constant 640 : i32
    %mul3A_354 = arith.muli %arg1, %mul3A_353 : i32
    %add3A_355 = arith.constant 0 : i32
    %add3A_356 = arith.addi %mul3A_354, %add3A_355 : i32
    %add3A_357 = arith.constant 0 : i32
    %add3A_358 = arith.addi %add3A_356, %add3A_357 : i32
    %add3A_359 = vector.broadcast %add3A_358 : i32 to vector<16xi32>
    %add3A_360 = arith.addi %add3A_359, %iota3A : vector<16xi32>
    %swap3A_361 = arith.constant 0 : index
    %swap3A_362 = tpu.vector_load %arg9[%swap3A_361] {strides = array<i32>} : memref<128xi32, #tpu.memory_space<vmem>>, vector<16xi32>,
    %swap3A_363 = vector.shape_cast %swap3A_362 : vector<16xi32> to vector<16xi32>
    %swap3A_364 = vector.shape_cast %add3A_360 : vector<16xi32> to vector<16xi32>
    tpu.vector_store %arg9[%swap3A_361], %swap3A_364 {strides = array<i32>} : memref<128xi32, #tpu.memory_space<vmem>>, vector<16xi32>,
    %add3A_365 = arith.constant 16 : i32
    %add3A_366 = arith.addi %add3A_356, %add3A_365 : i32
    %add3A_367 = vector.broadcast %add3A_366 : i32 to vector<16xi32>
    %add3A_368 = arith.addi %add3A_367, %iota3A : vector<16xi32>
    %swap3A_369 = arith.constant 16 : index
    %swap3A_370 = tpu.vector_load %arg9[%swap3A_369] {strides = array<i32>} : memref<128xi32, #tpu.memory_space<vmem>>, vector<16xi32>,
    %swap3A_371 = vector.shape_cast %swap3A_370 : vector<16xi32> to vector<16xi32>
    %swap3A_372 = vector.shape_cast %add3A_368 : vector<16xi32> to vector<16xi32>
    tpu.vector_store %arg9[%swap3A_369], %swap3A_372 {strides = array<i32>} : memref<128xi32, #tpu.memory_space<vmem>>, vector<16xi32>,
    %add3A_373 = arith.constant 32 : i32
    %add3A_374 = arith.addi %add3A_356, %add3A_373 : i32
    %add3A_375 = vector.broadcast %add3A_374 : i32 to vector<16xi32>
    %add3A_376 = arith.addi %add3A_375, %iota3A : vector<16xi32>
    %swap3A_377 = arith.constant 32 : index
    %swap3A_378 = tpu.vector_load %arg9[%swap3A_377] {strides = array<i32>} : memref<128xi32, #tpu.memory_space<vmem>>, vector<16xi32>,
    %swap3A_379 = vector.shape_cast %swap3A_378 : vector<16xi32> to vector<16xi32>
    %swap3A_380 = vector.shape_cast %add3A_376 : vector<16xi32> to vector<16xi32>
    tpu.vector_store %arg9[%swap3A_377], %swap3A_380 {strides = array<i32>} : memref<128xi32, #tpu.memory_space<vmem>>, vector<16xi32>,
    %add3A_381 = arith.constant 48 : i32
    %add3A_382 = arith.addi %add3A_356, %add3A_381 : i32
    %add3A_383 = vector.broadcast %add3A_382 : i32 to vector<16xi32>
    %add3A_384 = arith.addi %add3A_383, %iota3A : vector<16xi32>
    %swap3A_385 = arith.constant 48 : index
    %swap3A_386 = tpu.vector_load %arg9[%swap3A_385] {strides = array<i32>} : memref<128xi32, #tpu.memory_space<vmem>>, vector<16xi32>,
    %swap3A_387 = vector.shape_cast %swap3A_386 : vector<16xi32> to vector<16xi32>
    %swap3A_388 = vector.shape_cast %add3A_384 : vector<16xi32> to vector<16xi32>
    tpu.vector_store %arg9[%swap3A_385], %swap3A_388 {strides = array<i32>} : memref<128xi32, #tpu.memory_space<vmem>>, vector<16xi32>,
    %add3A_389 = arith.constant 64 : i32
    %add3A_390 = arith.addi %add3A_356, %add3A_389 : i32
    %add3A_391 = vector.broadcast %add3A_390 : i32 to vector<16xi32>
    %add3A_392 = arith.addi %add3A_391, %iota3A : vector<16xi32>
    %swap3A_393 = arith.constant 64 : index
    %swap3A_394 = tpu.vector_load %arg9[%swap3A_393] {strides = array<i32>} : memref<128xi32, #tpu.memory_space<vmem>>, vector<16xi32>,
    %swap3A_395 = vector.shape_cast %swap3A_394 : vector<16xi32> to vector<16xi32>
    %swap3A_396 = vector.shape_cast %add3A_392 : vector<16xi32> to vector<16xi32>
    tpu.vector_store %arg9[%swap3A_393], %swap3A_396 {strides = array<i32>} : memref<128xi32, #tpu.memory_space<vmem>>, vector<16xi32>,
    %add3A_397 = arith.constant 80 : i32
    %add3A_398 = arith.addi %add3A_356, %add3A_397 : i32
    %add3A_399 = vector.broadcast %add3A_398 : i32 to vector<16xi32>
    %add3A_400 = arith.addi %add3A_399, %iota3A : vector<16xi32>
    %swap3A_401 = arith.constant 80 : index
    %swap3A_402 = tpu.vector_load %arg9[%swap3A_401] {strides = array<i32>} : memref<128xi32, #tpu.memory_space<vmem>>, vector<16xi32>,
    %swap3A_403 = vector.shape_cast %swap3A_402 : vector<16xi32> to vector<16xi32>
    %swap3A_404 = vector.shape_cast %add3A_400 : vector<16xi32> to vector<16xi32>
    tpu.vector_store %arg9[%swap3A_401], %swap3A_404 {strides = array<i32>} : memref<128xi32, #tpu.memory_space<vmem>>, vector<16xi32>,
    %add3A_405 = arith.constant 96 : i32
    %add3A_406 = arith.addi %add3A_356, %add3A_405 : i32
    %add3A_407 = vector.broadcast %add3A_406 : i32 to vector<16xi32>
    %add3A_408 = arith.addi %add3A_407, %iota3A : vector<16xi32>
    %swap3A_409 = arith.constant 96 : index
    %swap3A_410 = tpu.vector_load %arg9[%swap3A_409] {strides = array<i32>} : memref<128xi32, #tpu.memory_space<vmem>>, vector<16xi32>,
    %swap3A_411 = vector.shape_cast %swap3A_410 : vector<16xi32> to vector<16xi32>
    %swap3A_412 = vector.shape_cast %add3A_408 : vector<16xi32> to vector<16xi32>
    tpu.vector_store %arg9[%swap3A_409], %swap3A_412 {strides = array<i32>} : memref<128xi32, #tpu.memory_space<vmem>>, vector<16xi32>,
    %add3A_413 = arith.constant 112 : i32
    %add3A_414 = arith.addi %add3A_356, %add3A_413 : i32
    %add3A_415 = vector.broadcast %add3A_414 : i32 to vector<16xi32>
    %add3A_416 = arith.addi %add3A_415, %iota3A : vector<16xi32>
    %swap3A_417 = arith.constant 112 : index
    %swap3A_418 = tpu.vector_load %arg9[%swap3A_417] {strides = array<i32>} : memref<128xi32, #tpu.memory_space<vmem>>, vector<16xi32>,
    %swap3A_419 = vector.shape_cast %swap3A_418 : vector<16xi32> to vector<16xi32>
    %swap3A_420 = vector.shape_cast %add3A_416 : vector<16xi32> to vector<16xi32>
    tpu.vector_store %arg9[%swap3A_417], %swap3A_420 {strides = array<i32>} : memref<128xi32, #tpu.memory_space<vmem>>, vector<16xi32>,
    "tpu.region"() ({
      %run_scoped3A = tpu.sem_alloc : memref<!tpu.dma_semaphore, #tpu.memory_space<semaphore_mem>>
      %dma_start3A = arith.constant 0 : i32
      %dma_start3A_693 = arith.constant 0 : i32
      %dma_start3A_694 = tpu.memref_slice %arg6[%dma_start3A, %dma_start3A_693] : memref<10240x128xf32, #tpu.memory_space<vmem_shared>> -> memref<10240x128xf32, #tpu.memory_space<vmem_shared>>
      tpu.enqueue_indirect_dma source(%dma_start3A_694 : memref<10240x128xf32, #tpu.memory_space<vmem_shared>>) target(%arg10 : memref<128x128xf32, #tpu.memory_space<vmem>>) offsets(%arg9 : memref<128xi32, #tpu.memory_space<vmem>>) semaphore(%run_scoped3A : memref<!tpu.dma_semaphore, #tpu.memory_space<semaphore_mem>>)
      %dma_wait3A = arith.constant 0 : i32
      %dma_wait3A_695 = arith.constant 0 : i32
      %dma_wait3A_696 = tpu.memref_slice %arg6[%dma_wait3A, %dma_wait3A_695] : memref<10240x128xf32, #tpu.memory_space<vmem_shared>> -> memref<10240x128xf32, #tpu.memory_space<vmem_shared>>
      tpu.wait_indirect_dma semaphore(%run_scoped3A : memref<!tpu.dma_semaphore, #tpu.memory_space<semaphore_mem>>) src(%dma_wait3A_696 : memref<10240x128xf32, #tpu.memory_space<vmem_shared>>) dst(%arg10 : memref<128x128xf32, #tpu.memory_space<vmem>>)
      tpu.yield
    }) : () -> ()
    "tpu.region"() ({
      %run_scoped3A = tpu.sem_alloc : memref<!tpu.dma_semaphore, #tpu.memory_space<semaphore_mem>>
      %dma_start3A = arith.constant 0 : i32
      %dma_start3A_693 = tpu.memref_slice %arg5[%arg0, %add3A_356, %dma_start3A] : memref<2x10240x128xf32, #tpu.memory_space<hbm>> -> memref<1x128x128xf32, #tpu.memory_space<hbm>>
      %dma_start3A_694 = tpu.memref_squeeze %dma_start3A_693 : memref<1x128x128xf32, #tpu.memory_space<hbm>> -> memref<128x128xf32, #tpu.memory_space<hbm>>
      %dma_start3A_695 = arith.constant 0 : i32
      %dma_start3A_696 = tpu.memref_slice %arg5[%arg0, %add3A_356, %dma_start3A_695] : memref<2x10240x128xf32, #tpu.memory_space<hbm>> -> memref<1x128x128xf32, #tpu.memory_space<hbm>>
      %dma_start3A_697 = tpu.memref_squeeze %dma_start3A_696 : memref<1x128x128xf32, #tpu.memory_space<hbm>> -> memref<128x128xf32, #tpu.memory_space<hbm>>
      tpu.enqueue_dma source(%arg10 : memref<128x128xf32, #tpu.memory_space<vmem>>) target(%dma_start3A_697 : memref<128x128xf32, #tpu.memory_space<hbm>>) target_semaphore(%run_scoped3A : memref<!tpu.dma_semaphore, #tpu.memory_space<semaphore_mem>>)
      %dma_wait3A = arith.constant 0 : i32
      %dma_wait3A_698 = tpu.memref_slice %arg5[%arg0, %add3A_356, %dma_wait3A] : memref<2x10240x128xf32, #tpu.memory_space<hbm>> -> memref<1x128x128xf32, #tpu.memory_space<hbm>>
      %dma_wait3A_699 = tpu.memref_squeeze %dma_wait3A_698 : memref<1x128x128xf32, #tpu.memory_space<hbm>> -> memref<128x128xf32, #tpu.memory_space<hbm>>
      %dma_wait3A_700 = arith.constant 0 : i32
      %dma_wait3A_701 = tpu.memref_slice %arg5[%arg0, %add3A_356, %dma_wait3A_700] : memref<2x10240x128xf32, #tpu.memory_space<hbm>> -> memref<1x128x128xf32, #tpu.memory_space<hbm>>
      %dma_wait3A_702 = tpu.memref_squeeze %dma_wait3A_701 : memref<1x128x128xf32, #tpu.memory_space<hbm>> -> memref<128x128xf32, #tpu.memory_space<hbm>>
      tpu.wait_dma2 semaphore(%run_scoped3A : memref<!tpu.dma_semaphore, #tpu.memory_space<semaphore_mem>>) src(%arg10 : memref<128x128xf32, #tpu.memory_space<vmem>>) dst(%dma_wait3A_702 : memref<128x128xf32, #tpu.memory_space<hbm>>)
      tpu.yield
    }) : () -> ()
    %mul3A_421 = arith.constant 640 : i32
    %mul3A_422 = arith.muli %arg1, %mul3A_421 : i32
    %add3A_423 = arith.constant 128 : i32
    %add3A_424 = arith.addi %mul3A_422, %add3A_423 : i32
    %add3A_425 = arith.constant 0 : i32
    %add3A_426 = arith.addi %add3A_424, %add3A_425 : i32
    %add3A_427 = vector.broadcast %add3A_426 : i32 to vector<16xi32>
    %add3A_428 = arith.addi %add3A_427, %iota3A : vector<16xi32>
    %swap3A_429 = arith.constant 0 : index
    %swap3A_430 = tpu.vector_load %arg9[%swap3A_429] {strides = array<i32>} : memref<128xi32, #tpu.memory_space<vmem>>, vector<16xi32>,
    %swap3A_431 = vector.shape_cast %swap3A_430 : vector<16xi32> to vector<16xi32>
    %swap3A_432 = vector.shape_cast %add3A_428 : vector<16xi32> to vector<16xi32>
    tpu.vector_store %arg9[%swap3A_429], %swap3A_432 {strides = array<i32>} : memref<128xi32, #tpu.memory_space<vmem>>, vector<16xi32>,
    %add3A_433 = arith.constant 16 : i32
    %add3A_434 = arith.addi %add3A_424, %add3A_433 : i32
    %add3A_435 = vector.broadcast %add3A_434 : i32 to vector<16xi32>
    %add3A_436 = arith.addi %add3A_435, %iota3A : vector<16xi32>
    %swap3A_437 = arith.constant 16 : index
    %swap3A_438 = tpu.vector_load %arg9[%swap3A_437] {strides = array<i32>} : memref<128xi32, #tpu.memory_space<vmem>>, vector<16xi32>,
    %swap3A_439 = vector.shape_cast %swap3A_438 : vector<16xi32> to vector<16xi32>
    %swap3A_440 = vector.shape_cast %add3A_436 : vector<16xi32> to vector<16xi32>
    tpu.vector_store %arg9[%swap3A_437], %swap3A_440 {strides = array<i32>} : memref<128xi32, #tpu.memory_space<vmem>>, vector<16xi32>,
    %add3A_441 = arith.constant 32 : i32
    %add3A_442 = arith.addi %add3A_424, %add3A_441 : i32
    %add3A_443 = vector.broadcast %add3A_442 : i32 to vector<16xi32>
    %add3A_444 = arith.addi %add3A_443, %iota3A : vector<16xi32>
    %swap3A_445 = arith.constant 32 : index
    %swap3A_446 = tpu.vector_load %arg9[%swap3A_445] {strides = array<i32>} : memref<128xi32, #tpu.memory_space<vmem>>, vector<16xi32>,
    %swap3A_447 = vector.shape_cast %swap3A_446 : vector<16xi32> to vector<16xi32>
    %swap3A_448 = vector.shape_cast %add3A_444 : vector<16xi32> to vector<16xi32>
    tpu.vector_store %arg9[%swap3A_445], %swap3A_448 {strides = array<i32>} : memref<128xi32, #tpu.memory_space<vmem>>, vector<16xi32>,
    %add3A_449 = arith.constant 48 : i32
    %add3A_450 = arith.addi %add3A_424, %add3A_449 : i32
    %add3A_451 = vector.broadcast %add3A_450 : i32 to vector<16xi32>
    %add3A_452 = arith.addi %add3A_451, %iota3A : vector<16xi32>
    %swap3A_453 = arith.constant 48 : index
    %swap3A_454 = tpu.vector_load %arg9[%swap3A_453] {strides = array<i32>} : memref<128xi32, #tpu.memory_space<vmem>>, vector<16xi32>,
    %swap3A_455 = vector.shape_cast %swap3A_454 : vector<16xi32> to vector<16xi32>
    %swap3A_456 = vector.shape_cast %add3A_452 : vector<16xi32> to vector<16xi32>
    tpu.vector_store %arg9[%swap3A_453], %swap3A_456 {strides = array<i32>} : memref<128xi32, #tpu.memory_space<vmem>>, vector<16xi32>,
    %add3A_457 = arith.constant 64 : i32
    %add3A_458 = arith.addi %add3A_424, %add3A_457 : i32
    %add3A_459 = vector.broadcast %add3A_458 : i32 to vector<16xi32>
    %add3A_460 = arith.addi %add3A_459, %iota3A : vector<16xi32>
    %swap3A_461 = arith.constant 64 : index
    %swap3A_462 = tpu.vector_load %arg9[%swap3A_461] {strides = array<i32>} : memref<128xi32, #tpu.memory_space<vmem>>, vector<16xi32>,
    %swap3A_463 = vector.shape_cast %swap3A_462 : vector<16xi32> to vector<16xi32>
    %swap3A_464 = vector.shape_cast %add3A_460 : vector<16xi32> to vector<16xi32>
    tpu.vector_store %arg9[%swap3A_461], %swap3A_464 {strides = array<i32>} : memref<128xi32, #tpu.memory_space<vmem>>, vector<16xi32>,
    %add3A_465 = arith.constant 80 : i32
    %add3A_466 = arith.addi %add3A_424, %add3A_465 : i32
    %add3A_467 = vector.broadcast %add3A_466 : i32 to vector<16xi32>
    %add3A_468 = arith.addi %add3A_467, %iota3A : vector<16xi32>
    %swap3A_469 = arith.constant 80 : index
    %swap3A_470 = tpu.vector_load %arg9[%swap3A_469] {strides = array<i32>} : memref<128xi32, #tpu.memory_space<vmem>>, vector<16xi32>,
    %swap3A_471 = vector.shape_cast %swap3A_470 : vector<16xi32> to vector<16xi32>
    %swap3A_472 = vector.shape_cast %add3A_468 : vector<16xi32> to vector<16xi32>
    tpu.vector_store %arg9[%swap3A_469], %swap3A_472 {strides = array<i32>} : memref<128xi32, #tpu.memory_space<vmem>>, vector<16xi32>,
    %add3A_473 = arith.constant 96 : i32
    %add3A_474 = arith.addi %add3A_424, %add3A_473 : i32
    %add3A_475 = vector.broadcast %add3A_474 : i32 to vector<16xi32>
    %add3A_476 = arith.addi %add3A_475, %iota3A : vector<16xi32>
    %swap3A_477 = arith.constant 96 : index
    %swap3A_478 = tpu.vector_load %arg9[%swap3A_477] {strides = array<i32>} : memref<128xi32, #tpu.memory_space<vmem>>, vector<16xi32>,
    %swap3A_479 = vector.shape_cast %swap3A_478 : vector<16xi32> to vector<16xi32>
    %swap3A_480 = vector.shape_cast %add3A_476 : vector<16xi32> to vector<16xi32>
    tpu.vector_store %arg9[%swap3A_477], %swap3A_480 {strides = array<i32>} : memref<128xi32, #tpu.memory_space<vmem>>, vector<16xi32>,
    %add3A_481 = arith.constant 112 : i32
    %add3A_482 = arith.addi %add3A_424, %add3A_481 : i32
    %add3A_483 = vector.broadcast %add3A_482 : i32 to vector<16xi32>
    %add3A_484 = arith.addi %add3A_483, %iota3A : vector<16xi32>
    %swap3A_485 = arith.constant 112 : index
    %swap3A_486 = tpu.vector_load %arg9[%swap3A_485] {strides = array<i32>} : memref<128xi32, #tpu.memory_space<vmem>>, vector<16xi32>,
    %swap3A_487 = vector.shape_cast %swap3A_486 : vector<16xi32> to vector<16xi32>
    %swap3A_488 = vector.shape_cast %add3A_484 : vector<16xi32> to vector<16xi32>
    tpu.vector_store %arg9[%swap3A_485], %swap3A_488 {strides = array<i32>} : memref<128xi32, #tpu.memory_space<vmem>>, vector<16xi32>,
    "tpu.region"() ({
      %run_scoped3A = tpu.sem_alloc : memref<!tpu.dma_semaphore, #tpu.memory_space<semaphore_mem>>
      %dma_start3A = arith.constant 0 : i32
      %dma_start3A_693 = arith.constant 0 : i32
      %dma_start3A_694 = tpu.memref_slice %arg6[%dma_start3A, %dma_start3A_693] : memref<10240x128xf32, #tpu.memory_space<vmem_shared>> -> memref<10240x128xf32, #tpu.memory_space<vmem_shared>>
      tpu.enqueue_indirect_dma source(%dma_start3A_694 : memref<10240x128xf32, #tpu.memory_space<vmem_shared>>) target(%arg10 : memref<128x128xf32, #tpu.memory_space<vmem>>) offsets(%arg9 : memref<128xi32, #tpu.memory_space<vmem>>) semaphore(%run_scoped3A : memref<!tpu.dma_semaphore, #tpu.memory_space<semaphore_mem>>)
      %dma_wait3A = arith.constant 0 : i32
      %dma_wait3A_695 = arith.constant 0 : i32
      %dma_wait3A_696 = tpu.memref_slice %arg6[%dma_wait3A, %dma_wait3A_695] : memref<10240x128xf32, #tpu.memory_space<vmem_shared>> -> memref<10240x128xf32, #tpu.memory_space<vmem_shared>>
      tpu.wait_indirect_dma semaphore(%run_scoped3A : memref<!tpu.dma_semaphore, #tpu.memory_space<semaphore_mem>>) src(%dma_wait3A_696 : memref<10240x128xf32, #tpu.memory_space<vmem_shared>>) dst(%arg10 : memref<128x128xf32, #tpu.memory_space<vmem>>)
      tpu.yield
    }) : () -> ()
    "tpu.region"() ({
      %run_scoped3A = tpu.sem_alloc : memref<!tpu.dma_semaphore, #tpu.memory_space<semaphore_mem>>
      %dma_start3A = arith.constant 0 : i32
      %dma_start3A_693 = tpu.memref_slice %arg5[%arg0, %add3A_424, %dma_start3A] : memref<2x10240x128xf32, #tpu.memory_space<hbm>> -> memref<1x128x128xf32, #tpu.memory_space<hbm>>
      %dma_start3A_694 = tpu.memref_squeeze %dma_start3A_693 : memref<1x128x128xf32, #tpu.memory_space<hbm>> -> memref<128x128xf32, #tpu.memory_space<hbm>>
      %dma_start3A_695 = arith.constant 0 : i32
      %dma_start3A_696 = tpu.memref_slice %arg5[%arg0, %add3A_424, %dma_start3A_695] : memref<2x10240x128xf32, #tpu.memory_space<hbm>> -> memref<1x128x128xf32, #tpu.memory_space<hbm>>
      %dma_start3A_697 = tpu.memref_squeeze %dma_start3A_696 : memref<1x128x128xf32, #tpu.memory_space<hbm>> -> memref<128x128xf32, #tpu.memory_space<hbm>>
      tpu.enqueue_dma source(%arg10 : memref<128x128xf32, #tpu.memory_space<vmem>>) target(%dma_start3A_697 : memref<128x128xf32, #tpu.memory_space<hbm>>) target_semaphore(%run_scoped3A : memref<!tpu.dma_semaphore, #tpu.memory_space<semaphore_mem>>)
      %dma_wait3A = arith.constant 0 : i32
      %dma_wait3A_698 = tpu.memref_slice %arg5[%arg0, %add3A_424, %dma_wait3A] : memref<2x10240x128xf32, #tpu.memory_space<hbm>> -> memref<1x128x128xf32, #tpu.memory_space<hbm>>
      %dma_wait3A_699 = tpu.memref_squeeze %dma_wait3A_698 : memref<1x128x128xf32, #tpu.memory_space<hbm>> -> memref<128x128xf32, #tpu.memory_space<hbm>>
      %dma_wait3A_700 = arith.constant 0 : i32
      %dma_wait3A_701 = tpu.memref_slice %arg5[%arg0, %add3A_424, %dma_wait3A_700] : memref<2x10240x128xf32, #tpu.memory_space<hbm>> -> memref<1x128x128xf32, #tpu.memory_space<hbm>>
      %dma_wait3A_702 = tpu.memref_squeeze %dma_wait3A_701 : memref<1x128x128xf32, #tpu.memory_space<hbm>> -> memref<128x128xf32, #tpu.memory_space<hbm>>
      tpu.wait_dma2 semaphore(%run_scoped3A : memref<!tpu.dma_semaphore, #tpu.memory_space<semaphore_mem>>) src(%arg10 : memref<128x128xf32, #tpu.memory_space<vmem>>) dst(%dma_wait3A_702 : memref<128x128xf32, #tpu.memory_space<hbm>>)
      tpu.yield
    }) : () -> ()
    %mul3A_489 = arith.constant 640 : i32
    %mul3A_490 = arith.muli %arg1, %mul3A_489 : i32
    %add3A_491 = arith.constant 256 : i32
    %add3A_492 = arith.addi %mul3A_490, %add3A_491 : i32
    %add3A_493 = arith.constant 0 : i32
    %add3A_494 = arith.addi %add3A_492, %add3A_493 : i32
    %add3A_495 = vector.broadcast %add3A_494 : i32 to vector<16xi32>
    %add3A_496 = arith.addi %add3A_495, %iota3A : vector<16xi32>
    %swap3A_497 = arith.constant 0 : index
    %swap3A_498 = tpu.vector_load %arg9[%swap3A_497] {strides = array<i32>} : memref<128xi32, #tpu.memory_space<vmem>>, vector<16xi32>,
    %swap3A_499 = vector.shape_cast %swap3A_498 : vector<16xi32> to vector<16xi32>
    %swap3A_500 = vector.shape_cast %add3A_496 : vector<16xi32> to vector<16xi32>
    tpu.vector_store %arg9[%swap3A_497], %swap3A_500 {strides = array<i32>} : memref<128xi32, #tpu.memory_space<vmem>>, vector<16xi32>,
    %add3A_501 = arith.constant 16 : i32
    %add3A_502 = arith.addi %add3A_492, %add3A_501 : i32
    %add3A_503 = vector.broadcast %add3A_502 : i32 to vector<16xi32>
    %add3A_504 = arith.addi %add3A_503, %iota3A : vector<16xi32>
    %swap3A_505 = arith.constant 16 : index
    %swap3A_506 = tpu.vector_load %arg9[%swap3A_505] {strides = array<i32>} : memref<128xi32, #tpu.memory_space<vmem>>, vector<16xi32>,
    %swap3A_507 = vector.shape_cast %swap3A_506 : vector<16xi32> to vector<16xi32>
    %swap3A_508 = vector.shape_cast %add3A_504 : vector<16xi32> to vector<16xi32>
    tpu.vector_store %arg9[%swap3A_505], %swap3A_508 {strides = array<i32>} : memref<128xi32, #tpu.memory_space<vmem>>, vector<16xi32>,
    %add3A_509 = arith.constant 32 : i32
    %add3A_510 = arith.addi %add3A_492, %add3A_509 : i32
    %add3A_511 = vector.broadcast %add3A_510 : i32 to vector<16xi32>
    %add3A_512 = arith.addi %add3A_511, %iota3A : vector<16xi32>
    %swap3A_513 = arith.constant 32 : index
    %swap3A_514 = tpu.vector_load %arg9[%swap3A_513] {strides = array<i32>} : memref<128xi32, #tpu.memory_space<vmem>>, vector<16xi32>,
    %swap3A_515 = vector.shape_cast %swap3A_514 : vector<16xi32> to vector<16xi32>
    %swap3A_516 = vector.shape_cast %add3A_512 : vector<16xi32> to vector<16xi32>
    tpu.vector_store %arg9[%swap3A_513], %swap3A_516 {strides = array<i32>} : memref<128xi32, #tpu.memory_space<vmem>>, vector<16xi32>,
    %add3A_517 = arith.constant 48 : i32
    %add3A_518 = arith.addi %add3A_492, %add3A_517 : i32
    %add3A_519 = vector.broadcast %add3A_518 : i32 to vector<16xi32>
    %add3A_520 = arith.addi %add3A_519, %iota3A : vector<16xi32>
    %swap3A_521 = arith.constant 48 : index
    %swap3A_522 = tpu.vector_load %arg9[%swap3A_521] {strides = array<i32>} : memref<128xi32, #tpu.memory_space<vmem>>, vector<16xi32>,
    %swap3A_523 = vector.shape_cast %swap3A_522 : vector<16xi32> to vector<16xi32>
    %swap3A_524 = vector.shape_cast %add3A_520 : vector<16xi32> to vector<16xi32>
    tpu.vector_store %arg9[%swap3A_521], %swap3A_524 {strides = array<i32>} : memref<128xi32, #tpu.memory_space<vmem>>, vector<16xi32>,
    %add3A_525 = arith.constant 64 : i32
    %add3A_526 = arith.addi %add3A_492, %add3A_525 : i32
    %add3A_527 = vector.broadcast %add3A_526 : i32 to vector<16xi32>
    %add3A_528 = arith.addi %add3A_527, %iota3A : vector<16xi32>
    %swap3A_529 = arith.constant 64 : index
    %swap3A_530 = tpu.vector_load %arg9[%swap3A_529] {strides = array<i32>} : memref<128xi32, #tpu.memory_space<vmem>>, vector<16xi32>,
    %swap3A_531 = vector.shape_cast %swap3A_530 : vector<16xi32> to vector<16xi32>
    %swap3A_532 = vector.shape_cast %add3A_528 : vector<16xi32> to vector<16xi32>
    tpu.vector_store %arg9[%swap3A_529], %swap3A_532 {strides = array<i32>} : memref<128xi32, #tpu.memory_space<vmem>>, vector<16xi32>,
    %add3A_533 = arith.constant 80 : i32
    %add3A_534 = arith.addi %add3A_492, %add3A_533 : i32
    %add3A_535 = vector.broadcast %add3A_534 : i32 to vector<16xi32>
    %add3A_536 = arith.addi %add3A_535, %iota3A : vector<16xi32>
    %swap3A_537 = arith.constant 80 : index
    %swap3A_538 = tpu.vector_load %arg9[%swap3A_537] {strides = array<i32>} : memref<128xi32, #tpu.memory_space<vmem>>, vector<16xi32>,
    %swap3A_539 = vector.shape_cast %swap3A_538 : vector<16xi32> to vector<16xi32>
    %swap3A_540 = vector.shape_cast %add3A_536 : vector<16xi32> to vector<16xi32>
    tpu.vector_store %arg9[%swap3A_537], %swap3A_540 {strides = array<i32>} : memref<128xi32, #tpu.memory_space<vmem>>, vector<16xi32>,
    %add3A_541 = arith.constant 96 : i32
    %add3A_542 = arith.addi %add3A_492, %add3A_541 : i32
    %add3A_543 = vector.broadcast %add3A_542 : i32 to vector<16xi32>
    %add3A_544 = arith.addi %add3A_543, %iota3A : vector<16xi32>
    %swap3A_545 = arith.constant 96 : index
    %swap3A_546 = tpu.vector_load %arg9[%swap3A_545] {strides = array<i32>} : memref<128xi32, #tpu.memory_space<vmem>>, vector<16xi32>,
    %swap3A_547 = vector.shape_cast %swap3A_546 : vector<16xi32> to vector<16xi32>
    %swap3A_548 = vector.shape_cast %add3A_544 : vector<16xi32> to vector<16xi32>
    tpu.vector_store %arg9[%swap3A_545], %swap3A_548 {strides = array<i32>} : memref<128xi32, #tpu.memory_space<vmem>>, vector<16xi32>,
    %add3A_549 = arith.constant 112 : i32
    %add3A_550 = arith.addi %add3A_492, %add3A_549 : i32
    %add3A_551 = vector.broadcast %add3A_550 : i32 to vector<16xi32>
    %add3A_552 = arith.addi %add3A_551, %iota3A : vector<16xi32>
    %swap3A_553 = arith.constant 112 : index
    %swap3A_554 = tpu.vector_load %arg9[%swap3A_553] {strides = array<i32>} : memref<128xi32, #tpu.memory_space<vmem>>, vector<16xi32>,
    %swap3A_555 = vector.shape_cast %swap3A_554 : vector<16xi32> to vector<16xi32>
    %swap3A_556 = vector.shape_cast %add3A_552 : vector<16xi32> to vector<16xi32>
    tpu.vector_store %arg9[%swap3A_553], %swap3A_556 {strides = array<i32>} : memref<128xi32, #tpu.memory_space<vmem>>, vector<16xi32>,
    "tpu.region"() ({
      %run_scoped3A = tpu.sem_alloc : memref<!tpu.dma_semaphore, #tpu.memory_space<semaphore_mem>>
      %dma_start3A = arith.constant 0 : i32
      %dma_start3A_693 = arith.constant 0 : i32
      %dma_start3A_694 = tpu.memref_slice %arg6[%dma_start3A, %dma_start3A_693] : memref<10240x128xf32, #tpu.memory_space<vmem_shared>> -> memref<10240x128xf32, #tpu.memory_space<vmem_shared>>
      tpu.enqueue_indirect_dma source(%dma_start3A_694 : memref<10240x128xf32, #tpu.memory_space<vmem_shared>>) target(%arg10 : memref<128x128xf32, #tpu.memory_space<vmem>>) offsets(%arg9 : memref<128xi32, #tpu.memory_space<vmem>>) semaphore(%run_scoped3A : memref<!tpu.dma_semaphore, #tpu.memory_space<semaphore_mem>>)
      %dma_wait3A = arith.constant 0 : i32
      %dma_wait3A_695 = arith.constant 0 : i32
      %dma_wait3A_696 = tpu.memref_slice %arg6[%dma_wait3A, %dma_wait3A_695] : memref<10240x128xf32, #tpu.memory_space<vmem_shared>> -> memref<10240x128xf32, #tpu.memory_space<vmem_shared>>
      tpu.wait_indirect_dma semaphore(%run_scoped3A : memref<!tpu.dma_semaphore, #tpu.memory_space<semaphore_mem>>) src(%dma_wait3A_696 : memref<10240x128xf32, #tpu.memory_space<vmem_shared>>) dst(%arg10 : memref<128x128xf32, #tpu.memory_space<vmem>>)
      tpu.yield
    }) : () -> ()
    "tpu.region"() ({
      %run_scoped3A = tpu.sem_alloc : memref<!tpu.dma_semaphore, #tpu.memory_space<semaphore_mem>>
      %dma_start3A = arith.constant 0 : i32
      %dma_start3A_693 = tpu.memref_slice %arg5[%arg0, %add3A_492, %dma_start3A] : memref<2x10240x128xf32, #tpu.memory_space<hbm>> -> memref<1x128x128xf32, #tpu.memory_space<hbm>>
      %dma_start3A_694 = tpu.memref_squeeze %dma_start3A_693 : memref<1x128x128xf32, #tpu.memory_space<hbm>> -> memref<128x128xf32, #tpu.memory_space<hbm>>
      %dma_start3A_695 = arith.constant 0 : i32
      %dma_start3A_696 = tpu.memref_slice %arg5[%arg0, %add3A_492, %dma_start3A_695] : memref<2x10240x128xf32, #tpu.memory_space<hbm>> -> memref<1x128x128xf32, #tpu.memory_space<hbm>>
      %dma_start3A_697 = tpu.memref_squeeze %dma_start3A_696 : memref<1x128x128xf32, #tpu.memory_space<hbm>> -> memref<128x128xf32, #tpu.memory_space<hbm>>
      tpu.enqueue_dma source(%arg10 : memref<128x128xf32, #tpu.memory_space<vmem>>) target(%dma_start3A_697 : memref<128x128xf32, #tpu.memory_space<hbm>>) target_semaphore(%run_scoped3A : memref<!tpu.dma_semaphore, #tpu.memory_space<semaphore_mem>>)
      %dma_wait3A = arith.constant 0 : i32
      %dma_wait3A_698 = tpu.memref_slice %arg5[%arg0, %add3A_492, %dma_wait3A] : memref<2x10240x128xf32, #tpu.memory_space<hbm>> -> memref<1x128x128xf32, #tpu.memory_space<hbm>>
      %dma_wait3A_699 = tpu.memref_squeeze %dma_wait3A_698 : memref<1x128x128xf32, #tpu.memory_space<hbm>> -> memref<128x128xf32, #tpu.memory_space<hbm>>
      %dma_wait3A_700 = arith.constant 0 : i32
      %dma_wait3A_701 = tpu.memref_slice %arg5[%arg0, %add3A_492, %dma_wait3A_700] : memref<2x10240x128xf32, #tpu.memory_space<hbm>> -> memref<1x128x128xf32, #tpu.memory_space<hbm>>
      %dma_wait3A_702 = tpu.memref_squeeze %dma_wait3A_701 : memref<1x128x128xf32, #tpu.memory_space<hbm>> -> memref<128x128xf32, #tpu.memory_space<hbm>>
      tpu.wait_dma2 semaphore(%run_scoped3A : memref<!tpu.dma_semaphore, #tpu.memory_space<semaphore_mem>>) src(%arg10 : memref<128x128xf32, #tpu.memory_space<vmem>>) dst(%dma_wait3A_702 : memref<128x128xf32, #tpu.memory_space<hbm>>)
      tpu.yield
    }) : () -> ()
    %mul3A_557 = arith.constant 640 : i32
    %mul3A_558 = arith.muli %arg1, %mul3A_557 : i32
    %add3A_559 = arith.constant 384 : i32
    %add3A_560 = arith.addi %mul3A_558, %add3A_559 : i32
    %add3A_561 = arith.constant 0 : i32
    %add3A_562 = arith.addi %add3A_560, %add3A_561 : i32
    %add3A_563 = vector.broadcast %add3A_562 : i32 to vector<16xi32>
    %add3A_564 = arith.addi %add3A_563, %iota3A : vector<16xi32>
    %swap3A_565 = arith.constant 0 : index
    %swap3A_566 = tpu.vector_load %arg9[%swap3A_565] {strides = array<i32>} : memref<128xi32, #tpu.memory_space<vmem>>, vector<16xi32>,
    %swap3A_567 = vector.shape_cast %swap3A_566 : vector<16xi32> to vector<16xi32>
    %swap3A_568 = vector.shape_cast %add3A_564 : vector<16xi32> to vector<16xi32>
    tpu.vector_store %arg9[%swap3A_565], %swap3A_568 {strides = array<i32>} : memref<128xi32, #tpu.memory_space<vmem>>, vector<16xi32>,
    %add3A_569 = arith.constant 16 : i32
    %add3A_570 = arith.addi %add3A_560, %add3A_569 : i32
    %add3A_571 = vector.broadcast %add3A_570 : i32 to vector<16xi32>
    %add3A_572 = arith.addi %add3A_571, %iota3A : vector<16xi32>
    %swap3A_573 = arith.constant 16 : index
    %swap3A_574 = tpu.vector_load %arg9[%swap3A_573] {strides = array<i32>} : memref<128xi32, #tpu.memory_space<vmem>>, vector<16xi32>,
    %swap3A_575 = vector.shape_cast %swap3A_574 : vector<16xi32> to vector<16xi32>
    %swap3A_576 = vector.shape_cast %add3A_572 : vector<16xi32> to vector<16xi32>
    tpu.vector_store %arg9[%swap3A_573], %swap3A_576 {strides = array<i32>} : memref<128xi32, #tpu.memory_space<vmem>>, vector<16xi32>,
    %add3A_577 = arith.constant 32 : i32
    %add3A_578 = arith.addi %add3A_560, %add3A_577 : i32
    %add3A_579 = vector.broadcast %add3A_578 : i32 to vector<16xi32>
    %add3A_580 = arith.addi %add3A_579, %iota3A : vector<16xi32>
    %swap3A_581 = arith.constant 32 : index
    %swap3A_582 = tpu.vector_load %arg9[%swap3A_581] {strides = array<i32>} : memref<128xi32, #tpu.memory_space<vmem>>, vector<16xi32>,
    %swap3A_583 = vector.shape_cast %swap3A_582 : vector<16xi32> to vector<16xi32>
    %swap3A_584 = vector.shape_cast %add3A_580 : vector<16xi32> to vector<16xi32>
    tpu.vector_store %arg9[%swap3A_581], %swap3A_584 {strides = array<i32>} : memref<128xi32, #tpu.memory_space<vmem>>, vector<16xi32>,
    %add3A_585 = arith.constant 48 : i32
    %add3A_586 = arith.addi %add3A_560, %add3A_585 : i32
    %add3A_587 = vector.broadcast %add3A_586 : i32 to vector<16xi32>
    %add3A_588 = arith.addi %add3A_587, %iota3A : vector<16xi32>
    %swap3A_589 = arith.constant 48 : index
    %swap3A_590 = tpu.vector_load %arg9[%swap3A_589] {strides = array<i32>} : memref<128xi32, #tpu.memory_space<vmem>>, vector<16xi32>,
    %swap3A_591 = vector.shape_cast %swap3A_590 : vector<16xi32> to vector<16xi32>
    %swap3A_592 = vector.shape_cast %add3A_588 : vector<16xi32> to vector<16xi32>
    tpu.vector_store %arg9[%swap3A_589], %swap3A_592 {strides = array<i32>} : memref<128xi32, #tpu.memory_space<vmem>>, vector<16xi32>,
    %add3A_593 = arith.constant 64 : i32
    %add3A_594 = arith.addi %add3A_560, %add3A_593 : i32
    %add3A_595 = vector.broadcast %add3A_594 : i32 to vector<16xi32>
    %add3A_596 = arith.addi %add3A_595, %iota3A : vector<16xi32>
    %swap3A_597 = arith.constant 64 : index
    %swap3A_598 = tpu.vector_load %arg9[%swap3A_597] {strides = array<i32>} : memref<128xi32, #tpu.memory_space<vmem>>, vector<16xi32>,
    %swap3A_599 = vector.shape_cast %swap3A_598 : vector<16xi32> to vector<16xi32>
    %swap3A_600 = vector.shape_cast %add3A_596 : vector<16xi32> to vector<16xi32>
    tpu.vector_store %arg9[%swap3A_597], %swap3A_600 {strides = array<i32>} : memref<128xi32, #tpu.memory_space<vmem>>, vector<16xi32>,
    %add3A_601 = arith.constant 80 : i32
    %add3A_602 = arith.addi %add3A_560, %add3A_601 : i32
    %add3A_603 = vector.broadcast %add3A_602 : i32 to vector<16xi32>
    %add3A_604 = arith.addi %add3A_603, %iota3A : vector<16xi32>
    %swap3A_605 = arith.constant 80 : index
    %swap3A_606 = tpu.vector_load %arg9[%swap3A_605] {strides = array<i32>} : memref<128xi32, #tpu.memory_space<vmem>>, vector<16xi32>,
    %swap3A_607 = vector.shape_cast %swap3A_606 : vector<16xi32> to vector<16xi32>
    %swap3A_608 = vector.shape_cast %add3A_604 : vector<16xi32> to vector<16xi32>
    tpu.vector_store %arg9[%swap3A_605], %swap3A_608 {strides = array<i32>} : memref<128xi32, #tpu.memory_space<vmem>>, vector<16xi32>,
    %add3A_609 = arith.constant 96 : i32
    %add3A_610 = arith.addi %add3A_560, %add3A_609 : i32
    %add3A_611 = vector.broadcast %add3A_610 : i32 to vector<16xi32>
    %add3A_612 = arith.addi %add3A_611, %iota3A : vector<16xi32>
    %swap3A_613 = arith.constant 96 : index
    %swap3A_614 = tpu.vector_load %arg9[%swap3A_613] {strides = array<i32>} : memref<128xi32, #tpu.memory_space<vmem>>, vector<16xi32>,
    %swap3A_615 = vector.shape_cast %swap3A_614 : vector<16xi32> to vector<16xi32>
    %swap3A_616 = vector.shape_cast %add3A_612 : vector<16xi32> to vector<16xi32>
    tpu.vector_store %arg9[%swap3A_613], %swap3A_616 {strides = array<i32>} : memref<128xi32, #tpu.memory_space<vmem>>, vector<16xi32>,
    %add3A_617 = arith.constant 112 : i32
    %add3A_618 = arith.addi %add3A_560, %add3A_617 : i32
    %add3A_619 = vector.broadcast %add3A_618 : i32 to vector<16xi32>
    %add3A_620 = arith.addi %add3A_619, %iota3A : vector<16xi32>
    %swap3A_621 = arith.constant 112 : index
    %swap3A_622 = tpu.vector_load %arg9[%swap3A_621] {strides = array<i32>} : memref<128xi32, #tpu.memory_space<vmem>>, vector<16xi32>,
    %swap3A_623 = vector.shape_cast %swap3A_622 : vector<16xi32> to vector<16xi32>
    %swap3A_624 = vector.shape_cast %add3A_620 : vector<16xi32> to vector<16xi32>
    tpu.vector_store %arg9[%swap3A_621], %swap3A_624 {strides = array<i32>} : memref<128xi32, #tpu.memory_space<vmem>>, vector<16xi32>,
    "tpu.region"() ({
      %run_scoped3A = tpu.sem_alloc : memref<!tpu.dma_semaphore, #tpu.memory_space<semaphore_mem>>
      %dma_start3A = arith.constant 0 : i32
      %dma_start3A_693 = arith.constant 0 : i32
      %dma_start3A_694 = tpu.memref_slice %arg6[%dma_start3A, %dma_start3A_693] : memref<10240x128xf32, #tpu.memory_space<vmem_shared>> -> memref<10240x128xf32, #tpu.memory_space<vmem_shared>>
      tpu.enqueue_indirect_dma source(%dma_start3A_694 : memref<10240x128xf32, #tpu.memory_space<vmem_shared>>) target(%arg10 : memref<128x128xf32, #tpu.memory_space<vmem>>) offsets(%arg9 : memref<128xi32, #tpu.memory_space<vmem>>) semaphore(%run_scoped3A : memref<!tpu.dma_semaphore, #tpu.memory_space<semaphore_mem>>)
      %dma_wait3A = arith.constant 0 : i32
      %dma_wait3A_695 = arith.constant 0 : i32
      %dma_wait3A_696 = tpu.memref_slice %arg6[%dma_wait3A, %dma_wait3A_695] : memref<10240x128xf32, #tpu.memory_space<vmem_shared>> -> memref<10240x128xf32, #tpu.memory_space<vmem_shared>>
      tpu.wait_indirect_dma semaphore(%run_scoped3A : memref<!tpu.dma_semaphore, #tpu.memory_space<semaphore_mem>>) src(%dma_wait3A_696 : memref<10240x128xf32, #tpu.memory_space<vmem_shared>>) dst(%arg10 : memref<128x128xf32, #tpu.memory_space<vmem>>)
      tpu.yield
    }) : () -> ()
    "tpu.region"() ({
      %run_scoped3A = tpu.sem_alloc : memref<!tpu.dma_semaphore, #tpu.memory_space<semaphore_mem>>
      %dma_start3A = arith.constant 0 : i32
      %dma_start3A_693 = tpu.memref_slice %arg5[%arg0, %add3A_560, %dma_start3A] : memref<2x10240x128xf32, #tpu.memory_space<hbm>> -> memref<1x128x128xf32, #tpu.memory_space<hbm>>
      %dma_start3A_694 = tpu.memref_squeeze %dma_start3A_693 : memref<1x128x128xf32, #tpu.memory_space<hbm>> -> memref<128x128xf32, #tpu.memory_space<hbm>>
      %dma_start3A_695 = arith.constant 0 : i32
      %dma_start3A_696 = tpu.memref_slice %arg5[%arg0, %add3A_560, %dma_start3A_695] : memref<2x10240x128xf32, #tpu.memory_space<hbm>> -> memref<1x128x128xf32, #tpu.memory_space<hbm>>
      %dma_start3A_697 = tpu.memref_squeeze %dma_start3A_696 : memref<1x128x128xf32, #tpu.memory_space<hbm>> -> memref<128x128xf32, #tpu.memory_space<hbm>>
      tpu.enqueue_dma source(%arg10 : memref<128x128xf32, #tpu.memory_space<vmem>>) target(%dma_start3A_697 : memref<128x128xf32, #tpu.memory_space<hbm>>) target_semaphore(%run_scoped3A : memref<!tpu.dma_semaphore, #tpu.memory_space<semaphore_mem>>)
      %dma_wait3A = arith.constant 0 : i32
      %dma_wait3A_698 = tpu.memref_slice %arg5[%arg0, %add3A_560, %dma_wait3A] : memref<2x10240x128xf32, #tpu.memory_space<hbm>> -> memref<1x128x128xf32, #tpu.memory_space<hbm>>
      %dma_wait3A_699 = tpu.memref_squeeze %dma_wait3A_698 : memref<1x128x128xf32, #tpu.memory_space<hbm>> -> memref<128x128xf32, #tpu.memory_space<hbm>>
      %dma_wait3A_700 = arith.constant 0 : i32
      %dma_wait3A_701 = tpu.memref_slice %arg5[%arg0, %add3A_560, %dma_wait3A_700] : memref<2x10240x128xf32, #tpu.memory_space<hbm>> -> memref<1x128x128xf32, #tpu.memory_space<hbm>>
      %dma_wait3A_702 = tpu.memref_squeeze %dma_wait3A_701 : memref<1x128x128xf32, #tpu.memory_space<hbm>> -> memref<128x128xf32, #tpu.memory_space<hbm>>
      tpu.wait_dma2 semaphore(%run_scoped3A : memref<!tpu.dma_semaphore, #tpu.memory_space<semaphore_mem>>) src(%arg10 : memref<128x128xf32, #tpu.memory_space<vmem>>) dst(%dma_wait3A_702 : memref<128x128xf32, #tpu.memory_space<hbm>>)
      tpu.yield
    }) : () -> ()
    %mul3A_625 = arith.constant 640 : i32
    %mul3A_626 = arith.muli %arg1, %mul3A_625 : i32
    %add3A_627 = arith.constant 512 : i32
    %add3A_628 = arith.addi %mul3A_626, %add3A_627 : i32
    %add3A_629 = arith.constant 0 : i32
    %add3A_630 = arith.addi %add3A_628, %add3A_629 : i32
    %add3A_631 = vector.broadcast %add3A_630 : i32 to vector<16xi32>
    %add3A_632 = arith.addi %add3A_631, %iota3A : vector<16xi32>
    %swap3A_633 = arith.constant 0 : index
    %swap3A_634 = tpu.vector_load %arg9[%swap3A_633] {strides = array<i32>} : memref<128xi32, #tpu.memory_space<vmem>>, vector<16xi32>,
    %swap3A_635 = vector.shape_cast %swap3A_634 : vector<16xi32> to vector<16xi32>
    %swap3A_636 = vector.shape_cast %add3A_632 : vector<16xi32> to vector<16xi32>
    tpu.vector_store %arg9[%swap3A_633], %swap3A_636 {strides = array<i32>} : memref<128xi32, #tpu.memory_space<vmem>>, vector<16xi32>,
    %add3A_637 = arith.constant 16 : i32
    %add3A_638 = arith.addi %add3A_628, %add3A_637 : i32
    %add3A_639 = vector.broadcast %add3A_638 : i32 to vector<16xi32>
    %add3A_640 = arith.addi %add3A_639, %iota3A : vector<16xi32>
    %swap3A_641 = arith.constant 16 : index
    %swap3A_642 = tpu.vector_load %arg9[%swap3A_641] {strides = array<i32>} : memref<128xi32, #tpu.memory_space<vmem>>, vector<16xi32>,
    %swap3A_643 = vector.shape_cast %swap3A_642 : vector<16xi32> to vector<16xi32>
    %swap3A_644 = vector.shape_cast %add3A_640 : vector<16xi32> to vector<16xi32>
    tpu.vector_store %arg9[%swap3A_641], %swap3A_644 {strides = array<i32>} : memref<128xi32, #tpu.memory_space<vmem>>, vector<16xi32>,
    %add3A_645 = arith.constant 32 : i32
    %add3A_646 = arith.addi %add3A_628, %add3A_645 : i32
    %add3A_647 = vector.broadcast %add3A_646 : i32 to vector<16xi32>
    %add3A_648 = arith.addi %add3A_647, %iota3A : vector<16xi32>
    %swap3A_649 = arith.constant 32 : index
    %swap3A_650 = tpu.vector_load %arg9[%swap3A_649] {strides = array<i32>} : memref<128xi32, #tpu.memory_space<vmem>>, vector<16xi32>,
    %swap3A_651 = vector.shape_cast %swap3A_650 : vector<16xi32> to vector<16xi32>
    %swap3A_652 = vector.shape_cast %add3A_648 : vector<16xi32> to vector<16xi32>
    tpu.vector_store %arg9[%swap3A_649], %swap3A_652 {strides = array<i32>} : memref<128xi32, #tpu.memory_space<vmem>>, vector<16xi32>,
    %add3A_653 = arith.constant 48 : i32
    %add3A_654 = arith.addi %add3A_628, %add3A_653 : i32
    %add3A_655 = vector.broadcast %add3A_654 : i32 to vector<16xi32>
    %add3A_656 = arith.addi %add3A_655, %iota3A : vector<16xi32>
    %swap3A_657 = arith.constant 48 : index
    %swap3A_658 = tpu.vector_load %arg9[%swap3A_657] {strides = array<i32>} : memref<128xi32, #tpu.memory_space<vmem>>, vector<16xi32>,
    %swap3A_659 = vector.shape_cast %swap3A_658 : vector<16xi32> to vector<16xi32>
    %swap3A_660 = vector.shape_cast %add3A_656 : vector<16xi32> to vector<16xi32>
    tpu.vector_store %arg9[%swap3A_657], %swap3A_660 {strides = array<i32>} : memref<128xi32, #tpu.memory_space<vmem>>, vector<16xi32>,
    %add3A_661 = arith.constant 64 : i32
    %add3A_662 = arith.addi %add3A_628, %add3A_661 : i32
    %add3A_663 = vector.broadcast %add3A_662 : i32 to vector<16xi32>
    %add3A_664 = arith.addi %add3A_663, %iota3A : vector<16xi32>
    %swap3A_665 = arith.constant 64 : index
    %swap3A_666 = tpu.vector_load %arg9[%swap3A_665] {strides = array<i32>} : memref<128xi32, #tpu.memory_space<vmem>>, vector<16xi32>,
    %swap3A_667 = vector.shape_cast %swap3A_666 : vector<16xi32> to vector<16xi32>
    %swap3A_668 = vector.shape_cast %add3A_664 : vector<16xi32> to vector<16xi32>
    tpu.vector_store %arg9[%swap3A_665], %swap3A_668 {strides = array<i32>} : memref<128xi32, #tpu.memory_space<vmem>>, vector<16xi32>,
    %add3A_669 = arith.constant 80 : i32
    %add3A_670 = arith.addi %add3A_628, %add3A_669 : i32
    %add3A_671 = vector.broadcast %add3A_670 : i32 to vector<16xi32>
    %add3A_672 = arith.addi %add3A_671, %iota3A : vector<16xi32>
    %swap3A_673 = arith.constant 80 : index
    %swap3A_674 = tpu.vector_load %arg9[%swap3A_673] {strides = array<i32>} : memref<128xi32, #tpu.memory_space<vmem>>, vector<16xi32>,
    %swap3A_675 = vector.shape_cast %swap3A_674 : vector<16xi32> to vector<16xi32>
    %swap3A_676 = vector.shape_cast %add3A_672 : vector<16xi32> to vector<16xi32>
    tpu.vector_store %arg9[%swap3A_673], %swap3A_676 {strides = array<i32>} : memref<128xi32, #tpu.memory_space<vmem>>, vector<16xi32>,
    %add3A_677 = arith.constant 96 : i32
    %add3A_678 = arith.addi %add3A_628, %add3A_677 : i32
    %add3A_679 = vector.broadcast %add3A_678 : i32 to vector<16xi32>
    %add3A_680 = arith.addi %add3A_679, %iota3A : vector<16xi32>
    %swap3A_681 = arith.constant 96 : index
    %swap3A_682 = tpu.vector_load %arg9[%swap3A_681] {strides = array<i32>} : memref<128xi32, #tpu.memory_space<vmem>>, vector<16xi32>,
    %swap3A_683 = vector.shape_cast %swap3A_682 : vector<16xi32> to vector<16xi32>
    %swap3A_684 = vector.shape_cast %add3A_680 : vector<16xi32> to vector<16xi32>
    tpu.vector_store %arg9[%swap3A_681], %swap3A_684 {strides = array<i32>} : memref<128xi32, #tpu.memory_space<vmem>>, vector<16xi32>,
    %add3A_685 = arith.constant 112 : i32
    %add3A_686 = arith.addi %add3A_628, %add3A_685 : i32
    %add3A_687 = vector.broadcast %add3A_686 : i32 to vector<16xi32>
    %add3A_688 = arith.addi %add3A_687, %iota3A : vector<16xi32>
    %swap3A_689 = arith.constant 112 : index
    %swap3A_690 = tpu.vector_load %arg9[%swap3A_689] {strides = array<i32>} : memref<128xi32, #tpu.memory_space<vmem>>, vector<16xi32>,
    %swap3A_691 = vector.shape_cast %swap3A_690 : vector<16xi32> to vector<16xi32>
    %swap3A_692 = vector.shape_cast %add3A_688 : vector<16xi32> to vector<16xi32>
    tpu.vector_store %arg9[%swap3A_689], %swap3A_692 {strides = array<i32>} : memref<128xi32, #tpu.memory_space<vmem>>, vector<16xi32>,
    "tpu.region"() ({
      %run_scoped3A = tpu.sem_alloc : memref<!tpu.dma_semaphore, #tpu.memory_space<semaphore_mem>>
      %dma_start3A = arith.constant 0 : i32
      %dma_start3A_693 = arith.constant 0 : i32
      %dma_start3A_694 = tpu.memref_slice %arg6[%dma_start3A, %dma_start3A_693] : memref<10240x128xf32, #tpu.memory_space<vmem_shared>> -> memref<10240x128xf32, #tpu.memory_space<vmem_shared>>
      tpu.enqueue_indirect_dma source(%dma_start3A_694 : memref<10240x128xf32, #tpu.memory_space<vmem_shared>>) target(%arg10 : memref<128x128xf32, #tpu.memory_space<vmem>>) offsets(%arg9 : memref<128xi32, #tpu.memory_space<vmem>>) semaphore(%run_scoped3A : memref<!tpu.dma_semaphore, #tpu.memory_space<semaphore_mem>>)
      %dma_wait3A = arith.constant 0 : i32
      %dma_wait3A_695 = arith.constant 0 : i32
      %dma_wait3A_696 = tpu.memref_slice %arg6[%dma_wait3A, %dma_wait3A_695] : memref<10240x128xf32, #tpu.memory_space<vmem_shared>> -> memref<10240x128xf32, #tpu.memory_space<vmem_shared>>
      tpu.wait_indirect_dma semaphore(%run_scoped3A : memref<!tpu.dma_semaphore, #tpu.memory_space<semaphore_mem>>) src(%dma_wait3A_696 : memref<10240x128xf32, #tpu.memory_space<vmem_shared>>) dst(%arg10 : memref<128x128xf32, #tpu.memory_space<vmem>>)
      tpu.yield
    }) : () -> ()
    "tpu.region"() ({
      %run_scoped3A = tpu.sem_alloc : memref<!tpu.dma_semaphore, #tpu.memory_space<semaphore_mem>>
      %dma_start3A = arith.constant 0 : i32
      %dma_start3A_693 = tpu.memref_slice %arg5[%arg0, %add3A_628, %dma_start3A] : memref<2x10240x128xf32, #tpu.memory_space<hbm>> -> memref<1x128x128xf32, #tpu.memory_space<hbm>>
      %dma_start3A_694 = tpu.memref_squeeze %dma_start3A_693 : memref<1x128x128xf32, #tpu.memory_space<hbm>> -> memref<128x128xf32, #tpu.memory_space<hbm>>
      %dma_start3A_695 = arith.constant 0 : i32
      %dma_start3A_696 = tpu.memref_slice %arg5[%arg0, %add3A_628, %dma_start3A_695] : memref<2x10240x128xf32, #tpu.memory_space<hbm>> -> memref<1x128x128xf32, #tpu.memory_space<hbm>>
      %dma_start3A_697 = tpu.memref_squeeze %dma_start3A_696 : memref<1x128x128xf32, #tpu.memory_space<hbm>> -> memref<128x128xf32, #tpu.memory_space<hbm>>
      tpu.enqueue_dma source(%arg10 : memref<128x128xf32, #tpu.memory_space<vmem>>) target(%dma_start3A_697 : memref<128x128xf32, #tpu.memory_space<hbm>>) target_semaphore(%run_scoped3A : memref<!tpu.dma_semaphore, #tpu.memory_space<semaphore_mem>>)
      %dma_wait3A = arith.constant 0 : i32
      %dma_wait3A_698 = tpu.memref_slice %arg5[%arg0, %add3A_628, %dma_wait3A] : memref<2x10240x128xf32, #tpu.memory_space<hbm>> -> memref<1x128x128xf32, #tpu.memory_space<hbm>>
      %dma_wait3A_699 = tpu.memref_squeeze %dma_wait3A_698 : memref<1x128x128xf32, #tpu.memory_space<hbm>> -> memref<128x128xf32, #tpu.memory_space<hbm>>
      %dma_wait3A_700 = arith.constant 0 : i32
      %dma_wait3A_701 = tpu.memref_slice %arg5[%arg0, %add3A_628, %dma_wait3A_700] : memref<2x10240x128xf32, #tpu.memory_space<hbm>> -> memref<1x128x128xf32, #tpu.memory_space<hbm>>
      %dma_wait3A_702 = tpu.memref_squeeze %dma_wait3A_701 : memref<1x128x128xf32, #tpu.memory_space<hbm>> -> memref<128x128xf32, #tpu.memory_space<hbm>>
      tpu.wait_dma2 semaphore(%run_scoped3A : memref<!tpu.dma_semaphore, #tpu.memory_space<semaphore_mem>>) src(%arg10 : memref<128x128xf32, #tpu.memory_space<vmem>>) dst(%dma_wait3A_702 : memref<128x128xf32, #tpu.memory_space<hbm>>)
      tpu.yield
    }) : () -> ()
    return
  }
}

module attributes {stable_mosaic.version = 14 : i64} {
  func.func @_scale_tbl_body(%arg0: i32, %arg1: i32, %arg2: memref<2048x128xf32, #tpu.memory_space<vmem>>, %arg3: memref<11x128xf32, #tpu.memory_space<vmem>>, %arg4: memref<2048x128xf32, #tpu.memory_space<vmem>>) attributes {dimension_semantics = [#tpu.dimension_semantics<parallel>, #tpu.dimension_semantics<parallel>], iteration_bounds = array<i64: 11, 5>, scalar_prefetch = 0 : i64, scratch_operands = 0 : i64, tpu.core_type = #tpu.core_type<tc>, window_params = [{transform_indices = @transform_0, window_bounds = array<i64: 2048, 128>}, {pipeline_mode = #tpu.pipeline_mode<synchronous>, transform_indices = @transform_1, window_bounds = array<i64: 11, 128>}, {transform_indices = @transform_2, window_bounds = array<i64: 2048, 128>}]} {
    %get3A = arith.constant 0 : index
    %get3A_0 = arith.constant 0 : index
    %get3A_1 = vector.load %arg2[%get3A, %get3A_0] : memref<2048x128xf32, #tpu.memory_space<vmem>>, vector<2048x128xf32>
    %get3A_2 = arith.index_cast %arg0 : i32 to index
    %get3A_3 = arith.constant 0 : index
    %get3A_4 = vector.load %arg3[%get3A_2, %get3A_3] : memref<11x128xf32, #tpu.memory_space<vmem>>, vector<1x128xf32>
    %mul3A = vector.broadcast %get3A_4 : vector<1x128xf32> to vector<2048x128xf32>
    %mul3A_5 = arith.mulf %get3A_1, %mul3A : vector<2048x128xf32>
    %swap3A = arith.constant 0 : index
    %swap3A_6 = arith.constant 0 : index
    %swap3A_7 = vector.load %arg4[%swap3A, %swap3A_6] : memref<2048x128xf32, #tpu.memory_space<vmem>>, vector<2048x128xf32>
    tpu.vector_store %arg4[%swap3A, %swap3A_6], %mul3A_5 {strides = array<i32>} : memref<2048x128xf32, #tpu.memory_space<vmem>>, vector<2048x128xf32>,
    return
  }
  func.func @transform_0(%arg0: i32, %arg1: i32) -> (i32, i32) {
    %c0_i32 = arith.constant 0 : i32
    %c0_i32_0 = arith.constant 0 : i32
    return %arg1, %c0_i32 : i32, i32
  }
  func.func @transform_1(%arg0: i32, %arg1: i32) -> (i32, i32) {
    %c0_i32 = arith.constant 0 : i32
    %c0_i32_0 = arith.constant 0 : i32
    %c0_i32_1 = arith.constant 0 : i32
    return %c0_i32, %c0_i32_0 : i32, i32
  }
  func.func @transform_2(%arg0: i32, %arg1: i32) -> (i32, i32) {
    %mul3A = arith.constant 5 : i32
    %mul3A_0 = arith.muli %arg0, %mul3A : i32
    %add3A = arith.addi %mul3A_0, %arg1 : i32
    %c0_i32 = arith.constant 0 : i32
    %c0_i32_1 = arith.constant 0 : i32
    return %add3A, %c0_i32 : i32, i32
  }
}

module attributes {stable_mosaic.version = 14 : i64} {
  func.func @_combine_body(%arg0: i32, %arg1: memref<2x640x128xf32, #tpu.memory_space<vmem>>, %arg2: memref<2x640x16xf32, #tpu.memory_space<vmem>>, %arg3: memref<640x128xf32, #tpu.memory_space<vmem>>, %arg4: memref<640x128xf32, #tpu.memory_space<vmem>>, %arg5: memref<640x128xf32, #tpu.memory_space<vmem>>) attributes {dimension_semantics = [#tpu.dimension_semantics<parallel>], iteration_bounds = array<i64: 16>, scalar_prefetch = 0 : i64, scratch_operands = 0 : i64, tpu.core_type = #tpu.core_type<tc>, window_params = [{transform_indices = @transform_0, window_bounds = array<i64: 2, 640, 128>}, {transform_indices = @transform_1, window_bounds = array<i64: 2, 640, 16>}, {transform_indices = @transform_2, window_bounds = array<i64: 640, 128>}, {transform_indices = @transform_3, window_bounds = array<i64: 640, 128>}, {transform_indices = @transform_4, window_bounds = array<i64: 640, 128>}]} {
    %get3A = arith.constant 0 : index
    %get3A_0 = arith.constant 0 : index
    %get3A_1 = arith.constant 0 : index
    %get3A_2 = vector.load %arg1[%get3A, %get3A_0, %get3A_1] : memref<2x640x128xf32, #tpu.memory_space<vmem>>, vector<1x640x128xf32>
    %get3A_3 = vector.shape_cast %get3A_2 : vector<1x640x128xf32> to vector<640x128xf32>
    %get3A_4 = arith.constant 1 : index
    %get3A_5 = arith.constant 0 : index
    %get3A_6 = arith.constant 0 : index
    %get3A_7 = vector.load %arg1[%get3A_4, %get3A_5, %get3A_6] : memref<2x640x128xf32, #tpu.memory_space<vmem>>, vector<1x640x128xf32>
    %get3A_8 = vector.shape_cast %get3A_7 : vector<1x640x128xf32> to vector<640x128xf32>
    %add3A = arith.addf %get3A_3, %get3A_8 : vector<640x128xf32>
    %get3A_9 = arith.constant 0 : index
    %get3A_10 = arith.constant 0 : index
    %get3A_11 = arith.constant 0 : index
    %get3A_12 = vector.load %arg2[%get3A_9, %get3A_10, %get3A_11] : memref<2x640x16xf32, #tpu.memory_space<vmem>>, vector<1x640x1xf32>
    %get3A_13 = vector.shape_cast %get3A_12 : vector<1x640x1xf32> to vector<640xf32>
    %get3A_14 = arith.constant 1 : index
    %get3A_15 = arith.constant 0 : index
    %get3A_16 = arith.constant 0 : index
    %get3A_17 = vector.load %arg2[%get3A_14, %get3A_15, %get3A_16] : memref<2x640x16xf32, #tpu.memory_space<vmem>>, vector<1x640x1xf32>
    %get3A_18 = vector.shape_cast %get3A_17 : vector<1x640x1xf32> to vector<640xf32>
    %add3A_19 = arith.addf %get3A_13, %get3A_18 : vector<640xf32>
    %max3A = arith.constant 1.000000e+00 : f32
    %max3A_20 = vector.broadcast %max3A : f32 to vector<640xf32>
    %max3A_21 = arith.maximumf %add3A_19, %max3A_20 : vector<640xf32>
    %broadcast_in_dim3A = vector.shape_cast %max3A_21 : vector<640xf32> to vector<640x1xf32>
    %div3A = vector.broadcast %broadcast_in_dim3A : vector<640x1xf32> to vector<640x128xf32>
    %div3A_22 = arith.divf %add3A, %div3A : vector<640x128xf32>
    %mul3A = arith.mulf %div3A_22, %div3A_22 : vector<640x128xf32>
    %reduce_sum3A = arith.constant dense<0.000000e+00> : vector<640xf32>
    %reduce_sum3A_23 = vector.multi_reduction <add>, %mul3A, %reduce_sum3A [1] : vector<640x128xf32> to vector<640xf32>
    %broadcast_in_dim3A_24 = vector.shape_cast %reduce_sum3A_23 : vector<640xf32> to vector<640x1xf32>
    %sqrt3A = math.sqrt %broadcast_in_dim3A_24 : vector<640x1xf32>
    %max3A_25 = arith.constant 9.99999996E-13 : f32
    %max3A_26 = vector.broadcast %max3A_25 : f32 to vector<640x1xf32>
    %max3A_27 = arith.maximumf %sqrt3A, %max3A_26 : vector<640x1xf32>
    %div3A_28 = vector.broadcast %max3A_27 : vector<640x1xf32> to vector<640x128xf32>
    %div3A_29 = arith.divf %div3A_22, %div3A_28 : vector<640x128xf32>
    %get3A_30 = arith.constant 0 : index
    %get3A_31 = arith.constant 0 : index
    %get3A_32 = vector.load %arg3[%get3A_30, %get3A_31] : memref<640x128xf32, #tpu.memory_space<vmem>>, vector<640x128xf32>
    %add3A_33 = arith.addf %get3A_32, %div3A_29 : vector<640x128xf32>
    %swap3A = arith.constant 0 : index
    %swap3A_34 = arith.constant 0 : index
    %swap3A_35 = vector.load %arg4[%swap3A, %swap3A_34] : memref<640x128xf32, #tpu.memory_space<vmem>>, vector<640x128xf32>
    tpu.vector_store %arg4[%swap3A, %swap3A_34], %add3A_33 {strides = array<i32>} : memref<640x128xf32, #tpu.memory_space<vmem>>, vector<640x128xf32>,
    %swap3A_36 = arith.constant 0 : index
    %swap3A_37 = arith.constant 0 : index
    %swap3A_38 = vector.load %arg5[%swap3A_36, %swap3A_37] : memref<640x128xf32, #tpu.memory_space<vmem>>, vector<640x128xf32>
    tpu.vector_store %arg5[%swap3A_36, %swap3A_37], %div3A_29 {strides = array<i32>} : memref<640x128xf32, #tpu.memory_space<vmem>>, vector<640x128xf32>,
    return
  }
  func.func @transform_0(%arg0: i32) -> (i32, i32, i32) {
    %c0_i32 = arith.constant 0 : i32
    %c0_i32_0 = arith.constant 0 : i32
    %c0_i32_1 = arith.constant 0 : i32
    return %c0_i32, %arg0, %c0_i32_0 : i32, i32, i32
  }
  func.func @transform_1(%arg0: i32) -> (i32, i32, i32) {
    %c0_i32 = arith.constant 0 : i32
    %c0_i32_0 = arith.constant 0 : i32
    %c0_i32_1 = arith.constant 0 : i32
    return %c0_i32, %arg0, %c0_i32_0 : i32, i32, i32
  }
  func.func @transform_2(%arg0: i32) -> (i32, i32) {
    %c0_i32 = arith.constant 0 : i32
    %c0_i32_0 = arith.constant 0 : i32
    return %arg0, %c0_i32 : i32, i32
  }
  func.func @transform_3(%arg0: i32) -> (i32, i32) {
    %c0_i32 = arith.constant 0 : i32
    %c0_i32_0 = arith.constant 0 : i32
    return %arg0, %c0_i32 : i32, i32
  }
  func.func @transform_4(%arg0: i32) -> (i32, i32) {
    %c0_i32 = arith.constant 0 : i32
    %c0_i32_0 = arith.constant 0 : i32
    return %arg0, %c0_i32 : i32, i32
  }
}

module attributes {stable_mosaic.version = 14 : i64} {
  func.func @_mm_norm_body(%arg0: i32, %arg1: i32, %arg2: memref<256x2048xf32, #tpu.memory_space<vmem>>, %arg3: memref<2048x128xf32, #tpu.memory_space<vmem>>, %arg4: memref<256x128xf32, #tpu.memory_space<vmem>>, %arg5: memref<256x128xf32, #tpu.memory_space<vmem>>) attributes {dimension_semantics = [#tpu.dimension_semantics<parallel>, #tpu.dimension_semantics<arbitrary>], iteration_bounds = array<i64: 8, 5>, scalar_prefetch = 0 : i64, scratch_operands = 0 : i64, tpu.core_type = #tpu.core_type<tc>, window_params = [{transform_indices = @transform_0, window_bounds = array<i64: 256, 2048>}, {transform_indices = @transform_1, window_bounds = array<i64: 2048, 128>}, {transform_indices = @transform_2, window_bounds = array<i64: 256, 128>}, {transform_indices = @transform_3, window_bounds = array<i64: 256, 128>}]} {
    %eq3A = arith.constant 0 : i32
    %eq3A_0 = arith.cmpi eq, %arg1, %eq3A : i32
    %convert_element_type3A = arith.extui %eq3A_0 : i1 to i32
    %cond3A = arith.constant 0 : i32
    %cond3A_1 = arith.cmpi ne, %convert_element_type3A, %cond3A : i32
    scf.if %cond3A_1 {
      %broadcast_in_dim3A = arith.constant 0.000000e+00 : f32
      %broadcast_in_dim3A_11 = vector.broadcast %broadcast_in_dim3A : f32 to vector<256x128xf32>
      %swap3A = arith.constant 0 : index
      %swap3A_12 = arith.constant 0 : index
      %swap3A_13 = vector.load %arg5[%swap3A, %swap3A_12] : memref<256x128xf32, #tpu.memory_space<vmem>>, vector<256x128xf32>
      tpu.vector_store %arg5[%swap3A, %swap3A_12], %broadcast_in_dim3A_11 {strides = array<i32>} : memref<256x128xf32, #tpu.memory_space<vmem>>, vector<256x128xf32>,
    } else {
    }
    %lt3A = arith.constant 4 : i32
    %lt3A_2 = arith.cmpi slt, %arg1, %lt3A : i32
    %convert_element_type3A_3 = arith.extui %lt3A_2 : i1 to i32
    %cond3A_4 = arith.constant 0 : i32
    %cond3A_5 = arith.cmpi ne, %convert_element_type3A_3, %cond3A_4 : i32
    scf.if %cond3A_5 {
      %get3A = arith.constant 0 : index
      %get3A_11 = arith.constant 0 : index
      %get3A_12 = vector.load %arg5[%get3A, %get3A_11] : memref<256x128xf32, #tpu.memory_space<vmem>>, vector<256x128xf32>
      %get3A_13 = arith.constant 0 : index
      %get3A_14 = arith.constant 0 : index
      %get3A_15 = vector.load %arg2[%get3A_13, %get3A_14] : memref<256x2048xf32, #tpu.memory_space<vmem>>, vector<256x2048xf32>
      %get3A_16 = arith.constant 0 : index
      %get3A_17 = arith.constant 0 : index
      %get3A_18 = vector.load %arg3[%get3A_16, %get3A_17] : memref<2048x128xf32, #tpu.memory_space<vmem>>, vector<2048x128xf32>
      %dot_general3A = arith.constant dense<0.000000e+00> : vector<256x128xf32>
      %dot_general3A_19 = tpu.matmul %get3A_15, %get3A_18, %dot_general3A {dimension_numbers = #tpu.dot_dimension_numbers<[1], [0], [0], [1], [0, 0, 1, 1], [], []>, transpose_lhs_hint = false} : vector<256x2048xf32>, vector<2048x128xf32>, vector<256x128xf32> -> vector<256x128xf32>
      %add3A = arith.addf %get3A_12, %dot_general3A_19 : vector<256x128xf32>
      %swap3A = arith.constant 0 : index
      %swap3A_20 = arith.constant 0 : index
      %swap3A_21 = vector.load %arg5[%swap3A, %swap3A_20] : memref<256x128xf32, #tpu.memory_space<vmem>>, vector<256x128xf32>
      tpu.vector_store %arg5[%swap3A, %swap3A_20], %add3A {strides = array<i32>} : memref<256x128xf32, #tpu.memory_space<vmem>>, vector<256x128xf32>,
    } else {
    }
    %eq3A_6 = arith.constant 4 : i32
    %eq3A_7 = arith.cmpi eq, %arg1, %eq3A_6 : i32
    %convert_element_type3A_8 = arith.extui %eq3A_7 : i1 to i32
    %cond3A_9 = arith.constant 0 : i32
    %cond3A_10 = arith.cmpi ne, %convert_element_type3A_8, %cond3A_9 : i32
    scf.if %cond3A_10 {
      %get3A = arith.constant 0 : index
      %get3A_11 = arith.constant 0 : index
      %get3A_12 = vector.load %arg2[%get3A, %get3A_11] : memref<256x2048xf32, #tpu.memory_space<vmem>>, vector<256x2048xf32>
      %iota3A = tpu.iota {dimensions = array<i32: 1>} : vector<256x2048xi32>
      %mul3A = arith.constant 2048 : i32
      %mul3A_13 = arith.muli %arg1, %mul3A : i32
      %add3A = vector.broadcast %mul3A_13 : i32 to vector<256x2048xi32>
      %add3A_14 = arith.addi %iota3A, %add3A : vector<256x2048xi32>
      %lt3A_15 = arith.constant 10000 : i32
      %lt3A_16 = vector.broadcast %lt3A_15 : i32 to vector<256x2048xi32>
      %lt3A_17 = arith.cmpi slt, %add3A_14, %lt3A_16 : vector<256x2048xi32>
      %jit3A = arith.constant 0.000000e+00 : f32
      %broadcast_in_dim3A = vector.broadcast %jit3A : f32 to vector<256x2048xf32>
      %select_n3A = arith.select %lt3A_17, %get3A_12, %broadcast_in_dim3A : vector<256x2048xi1>, vector<256x2048xf32>
      %get3A_18 = arith.constant 0 : index
      %get3A_19 = arith.constant 0 : index
      %get3A_20 = vector.load %arg5[%get3A_18, %get3A_19] : memref<256x128xf32, #tpu.memory_space<vmem>>, vector<256x128xf32>
      %get3A_21 = arith.constant 0 : index
      %get3A_22 = arith.constant 0 : index
      %get3A_23 = vector.load %arg3[%get3A_21, %get3A_22] : memref<2048x128xf32, #tpu.memory_space<vmem>>, vector<2048x128xf32>
      %dot_general3A = arith.constant dense<0.000000e+00> : vector<256x128xf32>
      %dot_general3A_24 = tpu.matmul %select_n3A, %get3A_23, %dot_general3A {dimension_numbers = #tpu.dot_dimension_numbers<[1], [0], [0], [1], [0, 0, 1, 1], [], []>, transpose_lhs_hint = false} : vector<256x2048xf32>, vector<2048x128xf32>, vector<256x128xf32> -> vector<256x128xf32>
      %add3A_25 = arith.addf %get3A_20, %dot_general3A_24 : vector<256x128xf32>
      %mul3A_26 = arith.mulf %add3A_25, %add3A_25 : vector<256x128xf32>
      %reduce_sum3A = arith.constant dense<0.000000e+00> : vector<256xf32>
      %reduce_sum3A_27 = vector.multi_reduction <add>, %mul3A_26, %reduce_sum3A [1] : vector<256x128xf32> to vector<256xf32>
      %broadcast_in_dim3A_28 = vector.shape_cast %reduce_sum3A_27 : vector<256xf32> to vector<256x1xf32>
      %sqrt3A = math.sqrt %broadcast_in_dim3A_28 : vector<256x1xf32>
      %get3A_29 = arith.constant 0 : index
      %get3A_30 = arith.constant 0 : index
      %get3A_31 = vector.load %arg4[%get3A_29, %get3A_30] : memref<256x128xf32, #tpu.memory_space<vmem>>, vector<256x128xf32>
      %max3A = arith.constant 9.99999996E-13 : f32
      %max3A_32 = vector.broadcast %max3A : f32 to vector<256x1xf32>
      %max3A_33 = arith.maximumf %sqrt3A, %max3A_32 : vector<256x1xf32>
      %div3A = vector.broadcast %max3A_33 : vector<256x1xf32> to vector<256x128xf32>
      %div3A_34 = arith.divf %add3A_25, %div3A : vector<256x128xf32>
      %add3A_35 = arith.addf %get3A_31, %div3A_34 : vector<256x128xf32>
      %swap3A = arith.constant 0 : index
      %swap3A_36 = arith.constant 0 : index
      %swap3A_37 = vector.load %arg5[%swap3A, %swap3A_36] : memref<256x128xf32, #tpu.memory_space<vmem>>, vector<256x128xf32>
      tpu.vector_store %arg5[%swap3A, %swap3A_36], %add3A_35 {strides = array<i32>} : memref<256x128xf32, #tpu.memory_space<vmem>>, vector<256x128xf32>,
    } else {
    }
    return
  }
  func.func @transform_0(%arg0: i32, %arg1: i32) -> (i32, i32) {
    %c0_i32 = arith.constant 0 : i32
    return %arg0, %arg1 : i32, i32
  }
  func.func @transform_1(%arg0: i32, %arg1: i32) -> (i32, i32) {
    %c0_i32 = arith.constant 0 : i32
    %c0_i32_0 = arith.constant 0 : i32
    return %arg1, %c0_i32 : i32, i32
  }
  func.func @transform_2(%arg0: i32, %arg1: i32) -> (i32, i32) {
    %c0_i32 = arith.constant 0 : i32
    %c0_i32_0 = arith.constant 0 : i32
    return %arg0, %c0_i32 : i32, i32
  }
  func.func @transform_3(%arg0: i32, %arg1: i32) -> (i32, i32) {
    %c0_i32 = arith.constant 0 : i32
    %c0_i32_0 = arith.constant 0 : i32
    return %arg0, %c0_i32 : i32, i32
  }
}

module attributes {stable_mosaic.version = 14 : i64} {
  func.func @_mm_norm_body(%arg0: i32, %arg1: i32, %arg2: memref<256x2048xf32, #tpu.memory_space<vmem>>, %arg3: memref<2048x128xf32, #tpu.memory_space<vmem>>, %arg4: memref<256x128xf32, #tpu.memory_space<vmem>>, %arg5: memref<256x128xf32, #tpu.memory_space<vmem>>) attributes {dimension_semantics = [#tpu.dimension_semantics<parallel>, #tpu.dimension_semantics<arbitrary>], iteration_bounds = array<i64: 8, 5>, scalar_prefetch = 0 : i64, scratch_operands = 0 : i64, tpu.core_type = #tpu.core_type<tc>, window_params = [{transform_indices = @transform_0, window_bounds = array<i64: 256, 2048>}, {transform_indices = @transform_1, window_bounds = array<i64: 2048, 128>}, {transform_indices = @transform_2, window_bounds = array<i64: 256, 128>}, {transform_indices = @transform_3, window_bounds = array<i64: 256, 128>}]} {
    %eq3A = arith.constant 0 : i32
    %eq3A_0 = arith.cmpi eq, %arg1, %eq3A : i32
    %convert_element_type3A = arith.extui %eq3A_0 : i1 to i32
    %cond3A = arith.constant 0 : i32
    %cond3A_1 = arith.cmpi ne, %convert_element_type3A, %cond3A : i32
    scf.if %cond3A_1 {
      %broadcast_in_dim3A = arith.constant 0.000000e+00 : f32
      %broadcast_in_dim3A_11 = vector.broadcast %broadcast_in_dim3A : f32 to vector<256x128xf32>
      %swap3A = arith.constant 0 : index
      %swap3A_12 = arith.constant 0 : index
      %swap3A_13 = vector.load %arg5[%swap3A, %swap3A_12] : memref<256x128xf32, #tpu.memory_space<vmem>>, vector<256x128xf32>
      tpu.vector_store %arg5[%swap3A, %swap3A_12], %broadcast_in_dim3A_11 {strides = array<i32>} : memref<256x128xf32, #tpu.memory_space<vmem>>, vector<256x128xf32>,
    } else {
    }
    %lt3A = arith.constant 4 : i32
    %lt3A_2 = arith.cmpi slt, %arg1, %lt3A : i32
    %convert_element_type3A_3 = arith.extui %lt3A_2 : i1 to i32
    %cond3A_4 = arith.constant 0 : i32
    %cond3A_5 = arith.cmpi ne, %convert_element_type3A_3, %cond3A_4 : i32
    scf.if %cond3A_5 {
      %get3A = arith.constant 0 : index
      %get3A_11 = arith.constant 0 : index
      %get3A_12 = vector.load %arg5[%get3A, %get3A_11] : memref<256x128xf32, #tpu.memory_space<vmem>>, vector<256x128xf32>
      %get3A_13 = arith.constant 0 : index
      %get3A_14 = arith.constant 0 : index
      %get3A_15 = vector.load %arg2[%get3A_13, %get3A_14] : memref<256x2048xf32, #tpu.memory_space<vmem>>, vector<256x2048xf32>
      %get3A_16 = arith.constant 0 : index
      %get3A_17 = arith.constant 0 : index
      %get3A_18 = vector.load %arg3[%get3A_16, %get3A_17] : memref<2048x128xf32, #tpu.memory_space<vmem>>, vector<2048x128xf32>
      %dot_general3A = arith.constant dense<0.000000e+00> : vector<256x128xf32>
      %dot_general3A_19 = tpu.matmul %get3A_15, %get3A_18, %dot_general3A {dimension_numbers = #tpu.dot_dimension_numbers<[1], [0], [0], [1], [0, 0, 1, 1], [], []>, transpose_lhs_hint = false} : vector<256x2048xf32>, vector<2048x128xf32>, vector<256x128xf32> -> vector<256x128xf32>
      %add3A = arith.addf %get3A_12, %dot_general3A_19 : vector<256x128xf32>
      %swap3A = arith.constant 0 : index
      %swap3A_20 = arith.constant 0 : index
      %swap3A_21 = vector.load %arg5[%swap3A, %swap3A_20] : memref<256x128xf32, #tpu.memory_space<vmem>>, vector<256x128xf32>
      tpu.vector_store %arg5[%swap3A, %swap3A_20], %add3A {strides = array<i32>} : memref<256x128xf32, #tpu.memory_space<vmem>>, vector<256x128xf32>,
    } else {
    }
    %eq3A_6 = arith.constant 4 : i32
    %eq3A_7 = arith.cmpi eq, %arg1, %eq3A_6 : i32
    %convert_element_type3A_8 = arith.extui %eq3A_7 : i1 to i32
    %cond3A_9 = arith.constant 0 : i32
    %cond3A_10 = arith.cmpi ne, %convert_element_type3A_8, %cond3A_9 : i32
    scf.if %cond3A_10 {
      %get3A = arith.constant 0 : index
      %get3A_11 = arith.constant 0 : index
      %get3A_12 = vector.load %arg2[%get3A, %get3A_11] : memref<256x2048xf32, #tpu.memory_space<vmem>>, vector<256x2048xf32>
      %iota3A = tpu.iota {dimensions = array<i32: 1>} : vector<256x2048xi32>
      %mul3A = arith.constant 2048 : i32
      %mul3A_13 = arith.muli %arg1, %mul3A : i32
      %add3A = vector.broadcast %mul3A_13 : i32 to vector<256x2048xi32>
      %add3A_14 = arith.addi %iota3A, %add3A : vector<256x2048xi32>
      %lt3A_15 = arith.constant 10000 : i32
      %lt3A_16 = vector.broadcast %lt3A_15 : i32 to vector<256x2048xi32>
      %lt3A_17 = arith.cmpi slt, %add3A_14, %lt3A_16 : vector<256x2048xi32>
      %jit3A = arith.constant 0.000000e+00 : f32
      %broadcast_in_dim3A = vector.broadcast %jit3A : f32 to vector<256x2048xf32>
      %select_n3A = arith.select %lt3A_17, %get3A_12, %broadcast_in_dim3A : vector<256x2048xi1>, vector<256x2048xf32>
      %get3A_18 = arith.constant 0 : index
      %get3A_19 = arith.constant 0 : index
      %get3A_20 = vector.load %arg5[%get3A_18, %get3A_19] : memref<256x128xf32, #tpu.memory_space<vmem>>, vector<256x128xf32>
      %get3A_21 = arith.constant 0 : index
      %get3A_22 = arith.constant 0 : index
      %get3A_23 = vector.load %arg3[%get3A_21, %get3A_22] : memref<2048x128xf32, #tpu.memory_space<vmem>>, vector<2048x128xf32>
      %dot_general3A = arith.constant dense<0.000000e+00> : vector<256x128xf32>
      %dot_general3A_24 = tpu.matmul %select_n3A, %get3A_23, %dot_general3A {dimension_numbers = #tpu.dot_dimension_numbers<[1], [0], [0], [1], [0, 0, 1, 1], [], []>, transpose_lhs_hint = false} : vector<256x2048xf32>, vector<2048x128xf32>, vector<256x128xf32> -> vector<256x128xf32>
      %add3A_25 = arith.addf %get3A_20, %dot_general3A_24 : vector<256x128xf32>
      %mul3A_26 = arith.mulf %add3A_25, %add3A_25 : vector<256x128xf32>
      %reduce_sum3A = arith.constant dense<0.000000e+00> : vector<256xf32>
      %reduce_sum3A_27 = vector.multi_reduction <add>, %mul3A_26, %reduce_sum3A [1] : vector<256x128xf32> to vector<256xf32>
      %broadcast_in_dim3A_28 = vector.shape_cast %reduce_sum3A_27 : vector<256xf32> to vector<256x1xf32>
      %sqrt3A = math.sqrt %broadcast_in_dim3A_28 : vector<256x1xf32>
      %get3A_29 = arith.constant 0 : index
      %get3A_30 = arith.constant 0 : index
      %get3A_31 = vector.load %arg4[%get3A_29, %get3A_30] : memref<256x128xf32, #tpu.memory_space<vmem>>, vector<256x128xf32>
      %max3A = arith.constant 9.99999996E-13 : f32
      %max3A_32 = vector.broadcast %max3A : f32 to vector<256x1xf32>
      %max3A_33 = arith.maximumf %sqrt3A, %max3A_32 : vector<256x1xf32>
      %div3A = vector.broadcast %max3A_33 : vector<256x1xf32> to vector<256x128xf32>
      %div3A_34 = arith.divf %add3A_25, %div3A : vector<256x128xf32>
      %add3A_35 = arith.addf %get3A_31, %div3A_34 : vector<256x128xf32>
      %swap3A = arith.constant 0 : index
      %swap3A_36 = arith.constant 0 : index
      %swap3A_37 = vector.load %arg5[%swap3A, %swap3A_36] : memref<256x128xf32, #tpu.memory_space<vmem>>, vector<256x128xf32>
      tpu.vector_store %arg5[%swap3A, %swap3A_36], %add3A_35 {strides = array<i32>} : memref<256x128xf32, #tpu.memory_space<vmem>>, vector<256x128xf32>,
    } else {
    }
    return
  }
  func.func @transform_0(%arg0: i32, %arg1: i32) -> (i32, i32) {
    %c0_i32 = arith.constant 0 : i32
    return %arg0, %arg1 : i32, i32
  }
  func.func @transform_1(%arg0: i32, %arg1: i32) -> (i32, i32) {
    %c0_i32 = arith.constant 0 : i32
    %c0_i32_0 = arith.constant 0 : i32
    return %arg1, %c0_i32 : i32, i32
  }
  func.func @transform_2(%arg0: i32, %arg1: i32) -> (i32, i32) {
    %c0_i32 = arith.constant 0 : i32
    %c0_i32_0 = arith.constant 0 : i32
    return %arg0, %c0_i32 : i32, i32
  }
  func.func @transform_3(%arg0: i32, %arg1: i32) -> (i32, i32) {
    %c0_i32 = arith.constant 0 : i32
    %c0_i32_0 = arith.constant 0 : i32
    return %arg0, %c0_i32 : i32, i32
  }
}

module attributes {stable_mosaic.version = 14 : i64} {
  func.func @_combine_body(%arg0: i32, %arg1: memref<2x640x128xf32, #tpu.memory_space<vmem>>, %arg2: memref<2x640x16xf32, #tpu.memory_space<vmem>>, %arg3: memref<640x128xf32, #tpu.memory_space<vmem>>, %arg4: memref<640x128xf32, #tpu.memory_space<vmem>>, %arg5: memref<640x128xf32, #tpu.memory_space<vmem>>) attributes {dimension_semantics = [#tpu.dimension_semantics<parallel>], iteration_bounds = array<i64: 16>, scalar_prefetch = 0 : i64, scratch_operands = 0 : i64, tpu.core_type = #tpu.core_type<tc>, window_params = [{transform_indices = @transform_0, window_bounds = array<i64: 2, 640, 128>}, {transform_indices = @transform_1, window_bounds = array<i64: 2, 640, 16>}, {transform_indices = @transform_2, window_bounds = array<i64: 640, 128>}, {transform_indices = @transform_3, window_bounds = array<i64: 640, 128>}, {transform_indices = @transform_4, window_bounds = array<i64: 640, 128>}]} {
    %get3A = arith.constant 0 : index
    %get3A_0 = arith.constant 0 : index
    %get3A_1 = arith.constant 0 : index
    %get3A_2 = vector.load %arg1[%get3A, %get3A_0, %get3A_1] : memref<2x640x128xf32, #tpu.memory_space<vmem>>, vector<1x640x128xf32>
    %get3A_3 = vector.shape_cast %get3A_2 : vector<1x640x128xf32> to vector<640x128xf32>
    %get3A_4 = arith.constant 1 : index
    %get3A_5 = arith.constant 0 : index
    %get3A_6 = arith.constant 0 : index
    %get3A_7 = vector.load %arg1[%get3A_4, %get3A_5, %get3A_6] : memref<2x640x128xf32, #tpu.memory_space<vmem>>, vector<1x640x128xf32>
    %get3A_8 = vector.shape_cast %get3A_7 : vector<1x640x128xf32> to vector<640x128xf32>
    %add3A = arith.addf %get3A_3, %get3A_8 : vector<640x128xf32>
    %get3A_9 = arith.constant 0 : index
    %get3A_10 = arith.constant 0 : index
    %get3A_11 = arith.constant 0 : index
    %get3A_12 = vector.load %arg2[%get3A_9, %get3A_10, %get3A_11] : memref<2x640x16xf32, #tpu.memory_space<vmem>>, vector<1x640x1xf32>
    %get3A_13 = vector.shape_cast %get3A_12 : vector<1x640x1xf32> to vector<640xf32>
    %get3A_14 = arith.constant 1 : index
    %get3A_15 = arith.constant 0 : index
    %get3A_16 = arith.constant 0 : index
    %get3A_17 = vector.load %arg2[%get3A_14, %get3A_15, %get3A_16] : memref<2x640x16xf32, #tpu.memory_space<vmem>>, vector<1x640x1xf32>
    %get3A_18 = vector.shape_cast %get3A_17 : vector<1x640x1xf32> to vector<640xf32>
    %add3A_19 = arith.addf %get3A_13, %get3A_18 : vector<640xf32>
    %max3A = arith.constant 1.000000e+00 : f32
    %max3A_20 = vector.broadcast %max3A : f32 to vector<640xf32>
    %max3A_21 = arith.maximumf %add3A_19, %max3A_20 : vector<640xf32>
    %broadcast_in_dim3A = vector.shape_cast %max3A_21 : vector<640xf32> to vector<640x1xf32>
    %div3A = vector.broadcast %broadcast_in_dim3A : vector<640x1xf32> to vector<640x128xf32>
    %div3A_22 = arith.divf %add3A, %div3A : vector<640x128xf32>
    %mul3A = arith.mulf %div3A_22, %div3A_22 : vector<640x128xf32>
    %reduce_sum3A = arith.constant dense<0.000000e+00> : vector<640xf32>
    %reduce_sum3A_23 = vector.multi_reduction <add>, %mul3A, %reduce_sum3A [1] : vector<640x128xf32> to vector<640xf32>
    %broadcast_in_dim3A_24 = vector.shape_cast %reduce_sum3A_23 : vector<640xf32> to vector<640x1xf32>
    %sqrt3A = math.sqrt %broadcast_in_dim3A_24 : vector<640x1xf32>
    %max3A_25 = arith.constant 9.99999996E-13 : f32
    %max3A_26 = vector.broadcast %max3A_25 : f32 to vector<640x1xf32>
    %max3A_27 = arith.maximumf %sqrt3A, %max3A_26 : vector<640x1xf32>
    %div3A_28 = vector.broadcast %max3A_27 : vector<640x1xf32> to vector<640x128xf32>
    %div3A_29 = arith.divf %div3A_22, %div3A_28 : vector<640x128xf32>
    %get3A_30 = arith.constant 0 : index
    %get3A_31 = arith.constant 0 : index
    %get3A_32 = vector.load %arg3[%get3A_30, %get3A_31] : memref<640x128xf32, #tpu.memory_space<vmem>>, vector<640x128xf32>
    %add3A_33 = arith.addf %get3A_32, %div3A_29 : vector<640x128xf32>
    %swap3A = arith.constant 0 : index
    %swap3A_34 = arith.constant 0 : index
    %swap3A_35 = vector.load %arg4[%swap3A, %swap3A_34] : memref<640x128xf32, #tpu.memory_space<vmem>>, vector<640x128xf32>
    tpu.vector_store %arg4[%swap3A, %swap3A_34], %add3A_33 {strides = array<i32>} : memref<640x128xf32, #tpu.memory_space<vmem>>, vector<640x128xf32>,
    %swap3A_36 = arith.constant 0 : index
    %swap3A_37 = arith.constant 0 : index
    %swap3A_38 = vector.load %arg5[%swap3A_36, %swap3A_37] : memref<640x128xf32, #tpu.memory_space<vmem>>, vector<640x128xf32>
    tpu.vector_store %arg5[%swap3A_36, %swap3A_37], %div3A_29 {strides = array<i32>} : memref<640x128xf32, #tpu.memory_space<vmem>>, vector<640x128xf32>,
    return
  }
  func.func @transform_0(%arg0: i32) -> (i32, i32, i32) {
    %c0_i32 = arith.constant 0 : i32
    %c0_i32_0 = arith.constant 0 : i32
    %c0_i32_1 = arith.constant 0 : i32
    return %c0_i32, %arg0, %c0_i32_0 : i32, i32, i32
  }
  func.func @transform_1(%arg0: i32) -> (i32, i32, i32) {
    %c0_i32 = arith.constant 0 : i32
    %c0_i32_0 = arith.constant 0 : i32
    %c0_i32_1 = arith.constant 0 : i32
    return %c0_i32, %arg0, %c0_i32_0 : i32, i32, i32
  }
  func.func @transform_2(%arg0: i32) -> (i32, i32) {
    %c0_i32 = arith.constant 0 : i32
    %c0_i32_0 = arith.constant 0 : i32
    return %arg0, %c0_i32 : i32, i32
  }
  func.func @transform_3(%arg0: i32) -> (i32, i32) {
    %c0_i32 = arith.constant 0 : i32
    %c0_i32_0 = arith.constant 0 : i32
    return %arg0, %c0_i32 : i32, i32
  }
  func.func @transform_4(%arg0: i32) -> (i32, i32) {
    %c0_i32 = arith.constant 0 : i32
    %c0_i32_0 = arith.constant 0 : i32
    return %arg0, %c0_i32 : i32, i32
  }
}

</mosaic_0001>

<sc_bundles>
// kernel: kernel.11.cloned.1.call-start
scs
__scs_entry_jumppad:
0x0: {  	(pc) =	sbr.rel $0x88, $3  }
0x1: {  	(tag) =	ssettag $0x0;
	lr =	simm.s32 $0x1  }
0x2: {  	[smem:$0x3F9B] =	sst lr;
	_ =	strace $0xD0000000  }
0x3: {  	_ = 	snop  }
0x4: {  	_ = 	snop  }
0x5: {  	_ = 	snop  }
0x6: {  	_ = 	snop  }
0x7: {  	_ = 	snop  }
__scs_overlays_trampoline_lowered:
0x8: {  	[smem:$0x3FAA] =	sst s0  }
0x9: {  	[smem:$0x3FAB] =	sst s1  }
0xa: {  	[smem:$0x3FAC] =	sst s2  }
0xb: {  	[smem:$0x3FAD] =	sst s3  }
0xc: {  	[smem:$0x3FAE] =	sst s4  }
0xd: {  	[smem:$0x3FAF] =	sst s5  }
0xe: {  	[smem:$0x3FB0] =	sst s6  }
0xf: {  	[smem:$0x3FB1] =	sst s7  }
0x10: {  	[smem:$0x3FB2] =	sst s8  }
0x11: {  	[smem:$0x3FB3] =	sst s9;
	s0 =	simm.s32 @!p0 $0x0  }
0x12: {  	s1 =	sld [smem:$0x3F99];
	s0 =	simm.s32 @p0 $0x1  }
0x13: {  	[smem:$0x3FB4] =	sst s0;
	s0 =	simm.s32 @!p1 $0x0  }
0x14: {  	s2 =	sld [smem:$0x3F98];
	s0 =	simm.s32 @p1 $0x1  }
0x15: {  	[smem:$0x3FB5] =	sst s0;
	s0 =	simm.s32 @!p2 $0x0  }
0x16: {  	s3 =	sld [smem:$0x3FDB];
	s0 =	simm.s32 @p2 $0x1  }
0x17: {  	s4 =	simm.s32 $0x1BF5;
	[smem:$0x3FB7] =	sst s0  }
0x18: {  	s0 =	sld [smem:$0x3F9A];
	_ =	swait.ge [sflag:s4], $0x0  }
0x19: {  	s7 =	sld [smem:$0x3F9B]  }
0x1a: {  	s8 =	sadd.s32 $0xFFFFE003, lr  }
0x1b: {  	s9 =	sadd.s32 $0xFFFFFEF7, lr;
	s5 =	simm.s32 $0xFFFFFFFF;
	p2 =	slt.u32 s8, $0xFFFFF086  }
0x1c: {  	p1 =	slt.u32 s9, $0xF7A;
	s5 =	simm.s32 @!p2 $0x0  }
0x1d: {  	s5 =	simm.s32 @p1 $0x1;
	p0 =	seq.s32 s7, s2  }
0x1e: {  	s7 =	smul.u32 @!p0 $0xF7A, s2;
	p2 =	seq.s32 @!p0 s5, $0x0  }
0x1f: {  	s9 =	smul.u32 $0xF7A, s1;
	s8 =	simm.s32 @!p0 $0x1BF5;
	p2 =	por !p2, p0  }
0x20: {  	[sflag:s8] =	ssyncset.s32 @!p0 $0xFFFFF086;
	s6 =	sadd.s32 @!p0 s3, s7;
	s7 =	simm.s32 @!p0 $0x108  }
0x21: {  	s3 =	sadd.s32 s3, s9;
	s6 =	sadd.s32 @!p0 $0x88, s6;
	s7 =	simm.s32 @p2 $0x1082  }
0x22: {  	[simem:s7], [sflag:s8] =	dma.local @!p0 [hbm:s6], $0xF7A  }
0x23: {  	s9 =	sor.u32 $0xD0000000, s2;
	s6 =	simm.s32 $0x108;
	_ =	swait.ge @!p0 [sflag:s8], $0x0  }
0x24: {  	s3 =	sadd.s32 $0x88, s3;
	s6 =	simm.s32 @!p1 $0x1082;
	[sflag:s4] =	ssyncset.s32 $0xFFFFF086  }
0x25: {  	[simem:s6], [sflag:s4] =	dma.local [hbm:s3], $0xF7A  }
0x26: {  	[smem:$0x3F9B] =	sst s1;
	(tag) =	ssettag s2;
	_ =	strace s9  }
0x27: {  	s1 =	sld [smem:$0x3FAB]  }
0x28: {  	s2 =	sld [smem:$0x3FAC]  }
0x29: {  	s4 =	sld [smem:$0x3FAE]  }
0x2a: {  	p0 =	seq.s32 s5, $0x0;
	s5 =	sld [smem:$0x3FAF]  }
0x2b: {  	s6 =	sld [smem:$0x3FB0]  }
0x2c: {  	s7 =	sld [smem:$0x3FB1]  }
0x2d: {  	s3 =	simm.s32 $0x108;
	s8 =	sld [smem:$0x3FB2]  }
0x2e: {  	s3 =	simm.s32 @!p0 $0x1082;
	s9 =	sld [smem:$0x3FB3]  }
0x2f: {  	lr =	sadd.s32 s0, s3;
	s0 =	sld [smem:$0x3FAA]  }
0x30: {  	s3 =	sld [smem:$0x3FAD]  }
0x31: {  	[smem:$0x3FB6] =	sst s10  }
0x32: {  	s10 =	sld [smem:$0x3FB4];
	_ =	sdelay $0x3  }
0x33: {  	p0 =	seq.s32 s10, $0x1;
	s10 =	sld [smem:$0x3FB6];
	_ =	sdelay $0x3  }
0x34: {  	[smem:$0x3FB6] =	sst s10  }
0x35: {  	s10 =	sld [smem:$0x3FB5];
	_ =	sdelay $0x3  }
0x36: {  	p1 =	seq.s32 s10, $0x1;
	s10 =	sld [smem:$0x3FB6];
	_ =	sdelay $0x3  }
0x37: {  	[smem:$0x3FB6] =	sst s10  }
0x38: {  	s10 =	sld [smem:$0x3FB7]  }
0x39: {  	_ = 	snop;
	(pc) =	sbr.ind lr, $3  }
0x3a: {  	_ = 	snop  }
0x3b: {  	_ = 	snop  }
0x3c: {  	p2 =	seq.s32 s10, $0x1;
	s10 =	sld [smem:$0x3FB6]  }
0x3d: {  	_ =	shalt  }
0x3e: {  	_ =	shalt  }
0x3f: {  	_ =	shalt  }
0x40: {  	_ =	shalt  }
0x41: {  	_ =	shalt  }
0x42: {  	_ =	shalt  }
0x43: {  	_ =	shalt  }
0x44: {  	_ =	shalt  }
0x45: {  	_ =	shalt  }
0x46: {  	_ =	shalt  }
0x47: {  	_ =	shalt  }
0x48: {  	_ =	shalt  }
0x49: {  	_ =	shalt  }
0x4a: {  	_ =	shalt  }
0x4b: {  	_ =	shalt  }
0x4c: {  	_ =	shalt  }
0x4d: {  	_ =	shalt  }
0x4e: {  	_ =	shalt  }
0x4f: {  	_ =	shalt  }
0x50: {  	_ =	shalt  }
0x51: {  	_ =	shalt  }
0x52: {  	_ =	shalt  }
0x53: {  	_ =	shalt  }
0x54: {  	_ =	shalt  }
0x55: {  	_ =	shalt  }
0x56: {  	_ =	shalt  }
0x57: {  	_ =	shalt  }
0x58: {  	_ =	shalt  }
0x59: {  	_ =	shalt  }
0x5a: {  	_ =	shalt  }
0x5b: {  	_ =	shalt  }
0x5c: {  	_ =	shalt  }
0x5d: {  	_ =	shalt  }
0x5e: {  	_ =	shalt  }
0x5f: {  	_ =	shalt  }
0x60: {  	_ =	shalt  }
0x61: {  	_ =	shalt  }
0x62: {  	_ =	shalt  }
0x63: {  	_ =	shalt  }
0x64: {  	_ =	shalt  }
0x65: {  	_ =	shalt  }
0x66: {  	_ =	shalt  }
0x67: {  	_ =	shalt  }
0x68: {  	_ =	shalt  }
0x69: {  	_ =	shalt  }
0x6a: {  	_ =	shalt  }
0x6b: {  	_ =	shalt  }
0x6c: {  	_ =	shalt  }
0x6d: {  	_ =	shalt  }
0x6e: {  	_ =	shalt  }
0x6f: {  	_ =	shalt  }
0x70: {  	_ =	shalt  }
0x71: {  	_ =	shalt  }
0x72: {  	_ =	shalt  }
0x73: {  	_ =	shalt  }
0x74: {  	_ =	shalt  }
0x75: {  	_ =	shalt  }
0x76: {  	_ =	shalt  }
0x77: {  	_ =	shalt  }
0x78: {  	_ =	shalt  }
0x79: {  	_ =	shalt  }
0x7a: {  	_ =	shalt  }
0x7b: {  	_ =	shalt  }
0x7c: {  	_ =	shalt  }
0x7d: {  	_ =	shalt  }
0x7e: {  	_ =	shalt  }
0x7f: {  	_ =	shalt  }
0x80: {  	_ =	shalt  }
0x81: {  	_ =	shalt  }
0x82: {  	_ =	shalt  }
0x83: {  	_ =	shalt  }
0x84: {  	_ =	shalt  }
0x85: {  	_ =	shalt  }
0x86: {  	_ =	shalt  }
0x87: {  	_ =	shalt  }
.Lfunc_end0:
.L_simem_size_0:
called_computation_lowered:
.L_overlay_start_0:
0x88: {  	s2 =	sld [smem:$0x3FD9]  }
0x89: {  	s3 =	sld [smem:$0x3FFE];
	_ =	sdelay $0x1  }
0x8a: {  	s1 =	srdreg.scid  }
0x8b: {  	s0 =	sand.u32 $0x1, s1  }
0x8c: {  	s16 =	sshll.u32 s0, $0xA;
	s2 =	sadd.s32 s3, s2  }
0x8d: {  	s2 =	sadd.s32 s2, s16  }
0x8e: {  	[smem:$0x3FC2] =	sst s2  }
0x8f: {  	_ = 	snop  }
0x90: {  	(tm) =	ssettm $0x1  }
0x91: {  	s17 =	sld [smem:$0x3FFB];
	_ =	sdelay $0x3  }
0x92: {  	_ =	strace s17  }
0x93: {  	s2 =	sld [smem:$0x3FFC];
	_ =	sdelay $0x3  }
0x94: {  	_ =	strace s2  }
0x95: {  	s2 =	sld [smem:$0x3FFD];
	_ =	sdelay $0x3  }
0x96: {  	_ =	strace s2  }
0x97: {  	_ =	strace $0x8FFFFFFF  }
0x98: {  	s18 =	sld [smem:$0x3FDB];
	_ =	sdelay $0x1  }
0x99: {  	s19 =	simm.s32 $_scs_section_size  }
0x9a: {  	s4 =	simm.s32 $_size__tile_overlayer_lowered;
	s5 =	simm.s32 $_tile_overlayer_lowered  }
0x9b: {  	s22 =	simm.s32 $0x1BFF;
	s21 =	sshll.u32 s5, $0x1;
	s2 =	sadd.s32 s19, s18  }
0x9c: {  	s6 =	simm.s32 $0x0;
	s20 =	sshll.u32 s4, $0x1;
	s4 =	sadd.s32 s21, s2  }
0x9d: {  	[timem:s6], [sflag:s22] =	dma.local [hbm:s4], s20  }
0x9e: {  	_ =	swait.ge [sflag:s22], s20  }
0x9f: {  	s3 =	ssub.s32 $0x0, s20;
	[sflag:s22] =	ssyncset.done $0x0  }
0xa0: {  	[sflag:s22] =	ssyncadd.s32 s3;
	_ =	sdelay $0x1  }
0xa1: {  	s23 =	simm.s32 $0x1B8B  }
0xa2: {  	_ =	swait.ge [sflag:s23], $0x1  }
0xa3: {  	[sflag:s23] =	ssyncset.done $0x0  }
0xa4: {  	s25 =	simm.s32 $0x1B8E;
	s24 =	sld [smem:$0x3FFE];
	[sflag:s23] =	ssyncadd.s32 $0xFFFFFFFF  }
0xa5: {  	s26 =	simm.s32 $execute0_lowered;
	[smem:$0x3FD2] =	sst s25  }
0xa6: {  	s4 =	sshll.u32 s26, $0x1;
	_ =	strace $0x80000046;
	[dreg:$0x1] =	wrdreg $0xFFFFFFFF  }
0xa7: {  	s28 =	simm.s32 $_size_execute0_lowered;
	s2 =	sadd.s32 s2, s4;
	[dreg:$0x0] =	wrdreg $0x0  }
0xa8: {  	s4 =	sshll.u32 s28, $0x1;
	[dreg:$0x2] =	wrdreg s2  }
0xa9: {  	[dreg:$0x3] =	wrdreg s4  }
0xaa: {  	[dreg:$0x4] =	wrdreg $0xC0  }
0xab: {  	_ =	task [dreg:s6], $0x5FFFF  }
0xac: {  	[dreg:$0x1] =	wrdreg $0xFFFFFFFF  }
0xad: {  	[dreg:$0x0] =	wrdreg $0x60  }
0xae: {  	[dreg:$0x2] =	wrdreg s24  }
0xaf: {  	[dreg:$0x3] =	wrdreg $0x0  }
0xb0: {  	[dreg:$0x4] =	wrdreg $0x9  }
0xb1: {  	_ =	task.clear_ibuf [dreg:s6], $0x5FFFF;
	_ =	strace $0x90000046  }
0xb2: {  	s29 =	simm.s32 $0x9;
	_ =	strace $0x80000048  }
0xb3: {  	_ =	swait.ge [sflag:s29], $0x1  }
0xb4: {  	[sflag:s29] =	ssyncadd.s32 $0xFFFFFFFF  }
0xb5: {  	_ =	strace $0x90000048  }
0xb6: {  	_ =	sfence  }
0xb7: {  	s30 =	sld [smem:$0x0];
	_ =	sdelay $0x2  }
0xb8: {  	s31 =	sshll.u32 s1, $0xD;
	s1 =	sshrl.u32 s1, $0x2  }
0xb9: {  	s3 =	sand.u32 $0x4000, s31;
	s1 =	sadd.s32 s1, s30  }
0xba: {  	s0 =	sor.u32 s3, s0;
	s1 =	sshll.u32 s1, $0x11  }
0xbb: {  	s0 =	sor.u32 s1, s0  }
0xbc: {  	s0 =	sadd.s32 $0x8F2B, s0  }
0xbd: {  	[sflag:s0] =	ssyncadd.remote.s32 $0x1  }
0xbe: {  	_ =	sfence.sel $0xFFFF  }
0xbf: {  	[dreg:$0x0] =	wrdreg $0xFFFFFFFF;
	(pc) =	sbr.abs _section_cstart, $3  }
0xc0: {  	[dreg:$0x1] =	wrdreg $0xFFFFFFFF  }
0xc1: {  	_ =	task.clear_ibuf [dreg:s6], $0x2FFFF;
	_ =	strace $0x9FFFFFFF  }
0xc2: {  	(tm) =	ssettm $0x7FFFFFFF  }
0xc3: {  	_ =	shalt  }
tec
execute0_lowered:
.L_overlay_start_1:
0x0: {  	(tag) =	ssettag $0x1  }
0x1: {  	s5 =	rddreg [dreg:$0x0]  }
0x2: {  	s2 =	rddreg [dreg:$0x1]  }
0x3: {  	s0 =	rddreg [dreg:$0x2]  }
0x4: {  	s3 =	simm.s32 $0x0;
	s4 =	srdreg.scid;
	s1 =	stileid.u32  }
0x5: {  	[smem:$0x7FF] =	sst s3;
	s7 =	sshll.u32 s1, $0x6;
	s6 =	sshll.u32 s4, $0xA  }
0x6: {  	s10 =	sand.u32 $0x1, s4;
	s4 =	smul.u32 $0x280, s1;
	s8 =	sadd.s32 $0xCA00, s5  }
0x7: {  	s26 =	smul.u32 $0x14000, s1;
	_ =	strace $0x80000047;
	s6 =	sor.u32 s7, s6  }
0x8: {  	s9 =	ssub.s32 $0x2, s10;
	s11 =	sshll.u32 s10, $0x4;
	s10 =	smul.u32 $0x140000, s10  }
0x9: {  	s24 =	sand.u32 $0x40, s7;
	s6 =	sand.u32 $0x780, s6;
	s25 =	sshrl.u32 s9, $0x1  }
0xa: {  	s16 =	sor.u32 $0x10, s4;
	s17 =	sor.u32 $0x20, s4;
	s18 =	sor.u32 $0x30, s4  }
0xb: {  	s19 =	sor.u32 $0x40, s4;
	s20 =	sor.u32 $0x50, s4;
	s21 =	sor.u32 $0x60, s4  }
0xc: {  	s22 =	sadd.s32 $0x80, s4;
	s23 =	sadd.s32 $0x100, s4;
	s14 =	sadd.s32 $0x180, s4  }
0xd: {  	s30 =	sadd.s32 $0x90, s4;
	s31 =	sadd.s32 $0xA0, s4;
	s11 =	sor.u32 s11, s1  }
0xe: {  	s15 =	sadd.s32 s6, s5;
	s9 =	ssub.s32 s9, s25;
	s6 =	sadd.s32 $0x200, s4  }
0xf: {  	v39 =	vlaneseq.u32;
	s12 =	sshll.u32 s22, $0x7;
	s25 =	sadd.s32 s26, s10;
	s28 =	sshll.u32 s23, $0x7  }
0x10: {  	s29 =	sshll.u32 s14, $0x7;
	v0 =	vor.u32 s16, v39;
	v1 =	vor.u32 s17, v39;
	s16 =	sadd.s32 $0xD0, s4;
	s17 =	sadd.s32 $0xE0, s4  }
0x11: {  	v2 =	vor.u32 s18, v39;
	s18 =	sadd.s32 $0xF0, s4;
	v3 =	vor.u32 s19, v39;
	v4 =	vor.u32 s20, v39;
	s19 =	sadd.s32 $0x110, s4;
	s20 =	sadd.s32 $0x120, s4  }
0x12: {  	v5 =	vor.u32 s21, v39;
	s21 =	sadd.s32 $0x130, s4;
	v7 =	vor.u32 s22, v39;
	v8 =	vor.u32 s30, v39;
	s22 =	sadd.s32 $0x150, s4;
	s30 =	sadd.s32 $0x170, s4  }
0x13: {  	v9 =	vor.u32 s31, v39;
	s31 =	sadd.s32 $0x1A0, s4;
	v15 =	vor.u32 s23, v39;
	s23 =	sadd.s32 $0x210, s4;
	v23 =	vor.u32 s14, v39;
	s14 =	simm.s32 $0x2A80  }
0x14: {  	s5 =	sadd.s32 s10, s12;
	s26 =	sshll.u32 s6, $0x7;
	s7 =	sadd.s32 s10, s28  }
0x15: {  	s13 =	sadd.s32 s10, s29;
	s28 =	sadd.s32 $0xB0, s4;
	s29 =	sadd.s32 $0xC0, s4  }
0x16: {  	v12 =	vor.u32 s16, v39;
	v13 =	vor.u32 s17, v39;
	v14 =	vor.u32 s18, v39;
	s16 =	sadd.s32 $0x1B0, s4;
	s17 =	sadd.s32 $0x1C0, s4;
	s18 =	sadd.s32 $0x1D0, s4  }
0x17: {  	v16 =	vor.u32 s19, v39;
	v17 =	vor.u32 s20, v39;
	s19 =	sadd.s32 $0x1E0, s4;
	s20 =	sadd.s32 $0x1F0, s4;
	v18 =	vor.u32 s21, v39;
	s21 =	sadd.s32 $0x230, s4  }
0x18: {  	v20 =	vor.u32 s22, v39;
	s22 =	sadd.s32 $0x240, s4;
	v22 =	vor.u32 s30, v39;
	s25 =	sshrl.u32 s25, $0x3;
	s30 =	sadd.s32 $0x260, s4  }
0x19: {  	v40 =	vimm.f32 $0.0e+00;
	v25 =	vor.u32 s31, v39;
	s31 =	sadd.s32 $0x270, s4;
	s9 =	smax.u32 s9, $0x1;
	s12 =	sadd.s32 s10, s26  }
0x1a: {  	v41 =	vimm.f32 $1.000000000e+00;
	v26 =	vor.u32 s4, v39;
	v32 =	vor.u32 s6, v39;
	s26 =	sor.u32 $0x70, s4;
	s10 =	sadd.s32 s24, s15;
	s15 =	sadd.s32 $0x140, s4  }
0x1b: {  	v33 =	vor.u32 s23, v39;
	v10 =	vor.u32 s28, v39;
	v11 =	vor.u32 s29, v39;
	s28 =	sadd.s32 $0x190, s4;
	s5 =	sshrl.u32 s5, $0x3;
	s7 =	sshrl.u32 s7, $0x3  }
0x1c: {  	v27 =	vor.u32 s16, v39;
	v28 =	vor.u32 s17, v39;
	s13 =	sshrl.u32 s13, $0x3;
	s16 =	simm.s32 $0x0;
	v6 =	vor.u32 s26, v39;
	s26 =	sadd.s32 $0x160, s4  }
0x1d: {  	v29 =	vor.u32 s18, v39;
	v30 =	vor.u32 s19, v39;
	v19 =	vor.u32 s15, v39;
	s15 =	sadd.s32 $0x220, s4;
	s5 =	sadd.s32 s8, s5;
	s6 =	sadd.s32 s8, s7  }
0x1e: {  	v31 =	vor.u32 s20, v39;
	v35 =	vor.u32 s21, v39;
	v36 =	vor.u32 s22, v39;
	s7 =	sadd.s32 s8, s13;
	s12 =	sshrl.u32 s12, $0x3;
	s10 =	sadd.s32 $0x2C00, s10  }
0x1f: {  	v38 =	vor.u32 s30, v39;
	v24 =	vor.u32 s28, v39;
	s13 =	simm.s32 $0x2A00;
	v21 =	vor.u32 s26, v39;
	s26 =	sadd.s32 $0x250, s4;
	s4 =	sadd.s32 s8, s25  }
0x20: {  	v34 =	vor.u32 s15, v39;
	s8 =	sadd.s32 s8, s12;
	s12 =	simm.s32 $0x80;
	s15 =	simm.s32 $0x1;
	v37 =	vor.u32 s26, v39;
	v39 =	vor.u32 s31, v39  }
.LBB2_1:
0x21: {  	s17 =	simm.s32 $0x200;
	s18 =	simm.s32 $0x0  }
.LBB2_2:
0x22: {  	p0 =	sne.s32 s17, $0xFE00;
	[tilespmem:s18+$0x2A80] =	vst v40;
	s18 =	smov.u32 s17;
	s17 =	sadd.s32 $0x200, s17  }
.Ltmp0:
0x23: {  	(pc) =	sbr.rel @p0 .LBB2_2-.Ltmp0, $2  }
0x24: {  	_ =	sdelay $0x2  }
0x25: {  	s18 =	sshra.s32 s18, $0x2  }
0x26: {  	[tilespmem:s18+$0x2A80] =	vst v40  }
0x27: {  	[tilespmem:$0x2A00] =	vst v26  }
0x28: {  	[tilespmem:$0x2A10] =	vst v0  }
0x29: {  	[tilespmem:$0x2A20] =	vst v1  }
0x2a: {  	[tilespmem:$0x2A30] =	vst v2  }
0x2b: {  	[tilespmem:$0x2A40] =	vst v3  }
0x2c: {  	[tilespmem:$0x2A50] =	vst v4  }
0x2d: {  	[tilespmem:$0x2A60] =	vst v5  }
0x2e: {  	[tilespmem:$0x2A70] =	vst v6  }
0x2f: {  	[spmem:s2] =	stream.indirect.scatter [tilespmem:s14], [sflag:$0x1], $0x10, s13, s12, $0xb8;
	[tilespmem:$0x6A80] =	vst v63  }
0x30: {  	_ =	swait.ge [sflag:s15], $0x800  }
0x31: {  	[sflag:s15] =	ssyncset.done $0x0  }
0x32: {  	[sflag:s15] =	ssyncadd.s32 $0xFFFFF800  }
0x33: {  	[tilespmem:$0x2A00] =	vst v7  }
0x34: {  	[tilespmem:$0x2A10] =	vst v8  }
0x35: {  	[tilespmem:$0x2A20] =	vst v9  }
0x36: {  	[tilespmem:$0x2A30] =	vst v10  }
0x37: {  	[tilespmem:$0x2A40] =	vst v11  }
0x38: {  	[tilespmem:$0x2A50] =	vst v12  }
0x39: {  	[tilespmem:$0x2A60] =	vst v13  }
0x3a: {  	[tilespmem:$0x2A70] =	vst v14  }
0x3b: {  	[spmem:s2] =	stream.indirect.scatter [tilespmem:s14], [sflag:$0x1], $0x10, s13, s12, $0xb8;
	[tilespmem:$0x6A80] =	vst v63  }
0x3c: {  	_ =	swait.ge [sflag:s15], $0x800  }
0x3d: {  	[sflag:s15] =	ssyncset.done $0x0  }
0x3e: {  	[sflag:s15] =	ssyncadd.s32 $0xFFFFF800  }
0x3f: {  	[tilespmem:$0x2A00] =	vst v15  }
0x40: {  	[tilespmem:$0x2A10] =	vst v16  }
0x41: {  	[tilespmem:$0x2A20] =	vst v17  }
0x42: {  	[tilespmem:$0x2A30] =	vst v18  }
0x43: {  	[tilespmem:$0x2A40] =	vst v19  }
0x44: {  	[tilespmem:$0x2A50] =	vst v20  }
0x45: {  	[tilespmem:$0x2A60] =	vst v21  }
0x46: {  	[tilespmem:$0x2A70] =	vst v22  }
0x47: {  	[spmem:s2] =	stream.indirect.scatter [tilespmem:s14], [sflag:$0x1], $0x10, s13, s12, $0xb8;
	[tilespmem:$0x6A80] =	vst v63  }
0x48: {  	_ =	swait.ge [sflag:s15], $0x800  }
0x49: {  	[sflag:s15] =	ssyncset.done $0x0  }
0x4a: {  	[sflag:s15] =	ssyncadd.s32 $0xFFFFF800  }
0x4b: {  	[tilespmem:$0x2A00] =	vst v23  }
0x4c: {  	[tilespmem:$0x2A10] =	vst v24  }
0x4d: {  	[tilespmem:$0x2A20] =	vst v25  }
0x4e: {  	[tilespmem:$0x2A30] =	vst v27  }
0x4f: {  	[tilespmem:$0x2A40] =	vst v28  }
0x50: {  	[tilespmem:$0x2A50] =	vst v29  }
0x51: {  	[tilespmem:$0x2A60] =	vst v30  }
0x52: {  	[tilespmem:$0x2A70] =	vst v31  }
0x53: {  	[spmem:s2] =	stream.indirect.scatter [tilespmem:s14], [sflag:$0x1], $0x10, s13, s12, $0xb8;
	[tilespmem:$0x6A80] =	vst v63  }
0x54: {  	_ =	swait.ge [sflag:s15], $0x800  }
0x55: {  	[sflag:s15] =	ssyncset.done $0x0  }
0x56: {  	[sflag:s15] =	ssyncadd.s32 $0xFFFFF800  }
0x57: {  	[tilespmem:$0x2A00] =	vst v32  }
0x58: {  	[tilespmem:$0x2A10] =	vst v33  }
0x59: {  	[tilespmem:$0x2A20] =	vst v34  }
0x5a: {  	[tilespmem:$0x2A30] =	vst v35  }
0x5b: {  	[tilespmem:$0x2A40] =	vst v36  }
0x5c: {  	[tilespmem:$0x2A50] =	vst v37  }
0x5d: {  	[tilespmem:$0x2A60] =	vst v38  }
0x5e: {  	[tilespmem:$0x2A70] =	vst v39  }
0x5f: {  	[spmem:s2] =	stream.indirect.scatter [tilespmem:s14], [sflag:$0x1], $0x10, s13, s12, $0xb8;
	[tilespmem:$0x6A80] =	vst v63  }
0x60: {  	_ =	swait.ge [sflag:s15], $0x800  }
0x61: {  	[sflag:s15] =	ssyncset.done $0x0  }
0x62: {  	s17 =	simm.s32 $0x200;
	s18 =	simm.s32 $0x0;
	[sflag:s15] =	ssyncadd.s32 $0xFFFFF800  }
.LBB2_4:
0x63: {  	p0 =	sne.s32 s17, $0xFE00;
	[tilespmem:s18+$0x2A80] =	vst v41;
	s18 =	smov.u32 s17;
	s17 =	sadd.s32 $0x200, s17  }
.Ltmp1:
0x64: {  	(pc) =	sbr.rel @p0 .LBB2_4-.Ltmp1, $2  }
0x65: {  	_ =	sdelay $0x2  }
0x66: {  	s18 =	sshra.s32 s18, $0x2  }
0x67: {  	[tilespmem:s18+$0x2A80] =	vst v41;
	s17 =	sadd.s32 $0x0, s11  }
0x68: {  	[bflag:$0x0] =	sbarrier.arrive $0xFFFF;
	p0 =	sgt.u32 s17, $0x270  }
0x69: {  	s17 =	simm.s32 @!p0 $0x0;
	s18 =	simm.s32 @!p0 $0x2800;
	s19 =	simm.s32 @!p0 $0x2  }
0x6a: {  	[tilespmem:s18], [sflag:$0x2] =	stream.linear.gather @!p0 [hbm4b:s10+s17], $0x200, $0x38;
	[tilespmem:$0x6A80] =	vst v63  }
0x6b: {  	_ =	swait.ge @!p0 [sflag:s19], $0x200;
	p0 =	por p0, p0  }
0x6c: {  	[sflag:s19] =	ssyncset.done @!p0 $0x0  }
0x6d: {  	s17 =	simm.s32 @!p0 $0x80;
	s20 =	simm.s32 @!p0 $0x2A80;
	[sflag:s19] =	ssyncadd.s32 @!p0 $0xFFFFFE00  }
0x6e: {  	[spmem:s2] =	stream.indirect.scatter.add.f32 @!p0 [tilespmem:s20], [sflag:$0x2], $0x10, s18, s17, $0xb8;
	[tilespmem:$0x6A80] =	vst v63  }
0x6f: {  	_ =	swait.ge @!p0 [sflag:s19], $0x800  }
0x70: {  	[sflag:s19] =	ssyncset.done @!p0 $0x0  }
0x71: {  	s18 =	simm.s32 @!p0 $0x2880;
	[sflag:s19] =	ssyncadd.s32 @!p0 $0xFFFFF800  }
0x72: {  	[spmem:s2] =	stream.indirect.scatter.add.f32 @!p0 [tilespmem:s20], [sflag:$0x2], $0x10, s18, s17, $0xb8;
	[tilespmem:$0x6A80] =	vst v63  }
0x73: {  	_ =	swait.ge @!p0 [sflag:s19], $0x800  }
0x74: {  	[sflag:s19] =	ssyncset.done @!p0 $0x0  }
0x75: {  	s18 =	simm.s32 @!p0 $0x2900;
	[sflag:s19] =	ssyncadd.s32 @!p0 $0xFFFFF800  }
0x76: {  	[spmem:s2] =	stream.indirect.scatter.add.f32 @!p0 [tilespmem:s20], [sflag:$0x2], $0x10, s18, s17, $0xb8;
	[tilespmem:$0x6A80] =	vst v63  }
0x77: {  	s31 =	sadd.s32 $0x20, s11;
	_ =	swait.ge @!p0 [sflag:s19], $0x800  }
0x78: {  	p2 =	sgt.u32 s31, $0x270;
	[sflag:s19] =	ssyncset.done @!p0 $0x0  }
0x79: {  	s18 =	simm.s32 @!p0 $0x2980;
	[sflag:s19] =	ssyncadd.s32 @!p0 $0xFFFFF800;
	s19 =	simm.s32 @!p0 $0x1  }
0x7a: {  	[spmem:s2] =	stream.indirect.scatter.add.f32 @!p0 [tilespmem:s20], [sflag:$0x1], $0x10, s18, s17, $0xb8;
	[tilespmem:$0x6A80] =	vst v63  }
0x7b: {  	s18 =	simm.s32 $0x40;
	s17 =	sadd.s32 $0x800, s10;
	_ =	swait.ge @!p0 [sflag:s19], $0x800  }
.LBB2_6:
0x7c: {  	s20 =	simm.s32 @!p2 $0x0  }
0x7d: {  	s21 =	simm.s32 @!p2 $0x2800;
	[sflag:s19] =	ssyncset.done @!p0 $0x0;
	s22 =	smov.u32 s18  }
0x7e: {  	s18 =	sadd.s32 $0x20, s18;
	s23 =	simm.s32 @!p2 $0x2;
	[sflag:s19] =	ssyncadd.s32 @!p0 $0xFFFFF800  }
0x7f: {  	[tilespmem:s21], [sflag:$0x2] =	stream.linear.gather @!p2 [hbm4b:s17+s20], $0x200, $0x38;
	[tilespmem:$0x6A80] =	vst v63  }
0x80: {  	p1 =	sne.s32 s18, $0x280;
	p0 =	por p2, p2;
	_ =	swait.ge @!p2 [sflag:s23], $0x200  }
0x81: {  	[sflag:s23] =	ssyncset.done @!p0 $0x0  }
0x82: {  	s20 =	simm.s32 @!p0 $0x80;
	s24 =	simm.s32 @!p0 $0x2A80;
	[sflag:s23] =	ssyncadd.s32 @!p0 $0xFFFFFE00  }
0x83: {  	[spmem:s2] =	stream.indirect.scatter.add.f32 @!p0 [tilespmem:s24], [sflag:$0x2], $0x10, s21, s20, $0xb8;
	[tilespmem:$0x6A80] =	vst v63  }
0x84: {  	_ =	swait.ge @!p0 [sflag:s23], $0x800  }
0x85: {  	[sflag:s23] =	ssyncset.done @!p0 $0x0  }
0x86: {  	s19 =	simm.s32 @!p0 $0x2880;
	[sflag:s23] =	ssyncadd.s32 @!p0 $0xFFFFF800  }
0x87: {  	[spmem:s2] =	stream.indirect.scatter.add.f32 @!p0 [tilespmem:s24], [sflag:$0x2], $0x10, s19, s20, $0xb8;
	[tilespmem:$0x6A80] =	vst v63  }
0x88: {  	_ =	swait.ge @!p0 [sflag:s23], $0x800  }
0x89: {  	[sflag:s23] =	ssyncset.done @!p0 $0x0  }
0x8a: {  	s19 =	simm.s32 @!p0 $0x2900;
	[sflag:s23] =	ssyncadd.s32 @!p0 $0xFFFFF800  }
0x8b: {  	[spmem:s2] =	stream.indirect.scatter.add.f32 @!p0 [tilespmem:s24], [sflag:$0x2], $0x10, s19, s20, $0xb8;
	[tilespmem:$0x6A80] =	vst v63  }
.Ltmp2:
0x8c: {  	_ =	swait.ge @!p0 [sflag:s23], $0x800;
	(pc) =	sbr.rel @p1 .LBB2_6-.Ltmp2, $4  }
0x8d: {  	s19 =	simm.s32 @!p0 $0x1;
	[sflag:s23] =	ssyncset.done @!p0 $0x0  }
0x8e: {  	s21 =	sadd.s32 s22, s11;
	s22 =	simm.s32 @!p0 $0x2980;
	[sflag:s23] =	ssyncadd.s32 @!p0 $0xFFFFF800  }
0x8f: {  	[spmem:s2] =	stream.indirect.scatter.add.f32 @!p0 [tilespmem:s24], [sflag:$0x1], $0x10, s22, s20, $0xb8;
	[tilespmem:$0x6A80] =	vst v63  }
0x90: {  	s17 =	sadd.s32 $0x800, s17;
	p2 =	sgt.u32 s21, $0x270;
	_ =	swait.ge @!p0 [sflag:s19], $0x800  }
0x91: {  	s18 =	simm.s32 @!p2 $0x0;
	[sflag:s19] =	ssyncset.done @!p0 $0x0  }
0x92: {  	s20 =	simm.s32 @!p2 $0x2800;
	s21 =	simm.s32 @!p2 $0x2;
	[sflag:s19] =	ssyncadd.s32 @!p0 $0xFFFFF800  }
0x93: {  	[tilespmem:s20], [sflag:$0x2] =	stream.linear.gather @!p2 [hbm4b:s17+s18], $0x200, $0x38;
	[tilespmem:$0x6A80] =	vst v63  }
0x94: {  	p0 =	por p2, p2;
	_ =	swait.ge @!p2 [sflag:s21], $0x200  }
0x95: {  	[sflag:s21] =	ssyncset.done @!p0 $0x0  }
0x96: {  	s17 =	simm.s32 @!p0 $0x80;
	s18 =	simm.s32 @!p0 $0x2A80;
	[sflag:s21] =	ssyncadd.s32 @!p0 $0xFFFFFE00  }
0x97: {  	[spmem:s2] =	stream.indirect.scatter.add.f32 @!p0 [tilespmem:s18], [sflag:$0x2], $0x10, s20, s17, $0xb8;
	[tilespmem:$0x6A80] =	vst v63  }
0x98: {  	_ =	swait.ge @!p0 [sflag:s21], $0x800  }
0x99: {  	[sflag:s21] =	ssyncset.done @!p0 $0x0  }
0x9a: {  	s19 =	simm.s32 @!p0 $0x2880;
	[sflag:s21] =	ssyncadd.s32 @!p0 $0xFFFFF800  }
0x9b: {  	[spmem:s2] =	stream.indirect.scatter.add.f32 @!p0 [tilespmem:s18], [sflag:$0x2], $0x10, s19, s17, $0xb8;
	[tilespmem:$0x6A80] =	vst v63  }
0x9c: {  	_ =	swait.ge @!p0 [sflag:s21], $0x800  }
0x9d: {  	[sflag:s21] =	ssyncset.done @!p0 $0x0  }
0x9e: {  	s19 =	simm.s32 @!p0 $0x2900;
	[sflag:s21] =	ssyncadd.s32 @!p0 $0xFFFFF800  }
0x9f: {  	[spmem:s2] =	stream.indirect.scatter.add.f32 @!p0 [tilespmem:s18], [sflag:$0x2], $0x10, s19, s17, $0xb8;
	[tilespmem:$0x6A80] =	vst v63  }
0xa0: {  	_ =	swait.ge @!p0 [sflag:s21], $0x800  }
0xa1: {  	[sflag:s21] =	ssyncset.done @!p0 $0x0  }
0xa2: {  	s20 =	simm.s32 @!p0 $0x2980;
	s19 =	simm.s32 @!p0 $0x1;
	[sflag:s21] =	ssyncadd.s32 @!p0 $0xFFFFF800  }
0xa3: {  	[spmem:s2] =	stream.indirect.scatter.add.f32 @!p0 [tilespmem:s18], [sflag:$0x1], $0x10, s20, s17, $0xb8;
	[tilespmem:$0x6A80] =	vst v63  }
0xa4: {  	_ =	swait.ge @!p0 [sflag:s19], $0x800  }
0xa5: {  	[sflag:s19] =	ssyncset.done @!p0 $0x0  }
0xa6: {  	[sflag:s19] =	ssyncadd.s32 @!p0 $0xFFFFF800  }
0xa7: {  	[bflag:$0x0] =	sbarrier.arrive $0xFFFF  }
0xa8: {  	[tilespmem:$0x2A00] =	vst v26  }
0xa9: {  	[tilespmem:$0x2A10] =	vst v0  }
0xaa: {  	[tilespmem:$0x2A20] =	vst v1  }
0xab: {  	[tilespmem:$0x2A30] =	vst v2  }
0xac: {  	[tilespmem:$0x2A40] =	vst v3  }
0xad: {  	[tilespmem:$0x2A50] =	vst v4  }
0xae: {  	[tilespmem:$0x2A60] =	vst v5  }
0xaf: {  	[tilespmem:$0x2A70] =	vst v6  }
0xb0: {  	[tilespmem:s14], [sflag:$0x1] =	stream.indirect.gather [spmem:s2], $0x10, s13, s12, $0xb8;
	[tilespmem:$0x6A80] =	vst v63  }
0xb1: {  	_ =	swait.ge [sflag:s15], $0x800  }
0xb2: {  	[sflag:s15] =	ssyncset.done $0x0  }
0xb3: {  	[sflag:s15] =	ssyncadd.s32 $0xFFFFF800  }
0xb4: {  	[hbm4b:s4+s3] =	stream.linear.scatter [tilespmem:s14], [sflag:$0x1], $0x4000, $0x38;
	[tilespmem:$0x6A80] =	vst v63  }
0xb5: {  	_ =	swait.ge [sflag:s15], $0x4000  }
0xb6: {  	[sflag:s15] =	ssyncset.done $0x0  }
0xb7: {  	[sflag:s15] =	ssyncadd.s32 $0xFFFFC000  }
0xb8: {  	[tilespmem:$0x2A00] =	vst v7  }
0xb9: {  	[tilespmem:$0x2A10] =	vst v8  }
0xba: {  	[tilespmem:$0x2A20] =	vst v9  }
0xbb: {  	[tilespmem:$0x2A30] =	vst v10  }
0xbc: {  	[tilespmem:$0x2A40] =	vst v11  }
0xbd: {  	[tilespmem:$0x2A50] =	vst v12  }
0xbe: {  	[tilespmem:$0x2A60] =	vst v13  }
0xbf: {  	[tilespmem:$0x2A70] =	vst v14  }
0xc0: {  	[tilespmem:s14], [sflag:$0x1] =	stream.indirect.gather [spmem:s2], $0x10, s13, s12, $0xb8;
	[tilespmem:$0x6A80] =	vst v63  }
0xc1: {  	_ =	swait.ge [sflag:s15], $0x800  }
0xc2: {  	[sflag:s15] =	ssyncset.done $0x0  }
0xc3: {  	[sflag:s15] =	ssyncadd.s32 $0xFFFFF800  }
0xc4: {  	[hbm4b:s5+s3] =	stream.linear.scatter [tilespmem:s14], [sflag:$0x1], $0x4000, $0x38;
	[tilespmem:$0x6A80] =	vst v63  }
0xc5: {  	_ =	swait.ge [sflag:s15], $0x4000  }
0xc6: {  	[sflag:s15] =	ssyncset.done $0x0  }
0xc7: {  	[sflag:s15] =	ssyncadd.s32 $0xFFFFC000  }
0xc8: {  	[tilespmem:$0x2A00] =	vst v15  }
0xc9: {  	[tilespmem:$0x2A10] =	vst v16  }
0xca: {  	[tilespmem:$0x2A20] =	vst v17  }
0xcb: {  	[tilespmem:$0x2A30] =	vst v18  }
0xcc: {  	[tilespmem:$0x2A40] =	vst v19  }
0xcd: {  	[tilespmem:$0x2A50] =	vst v20  }
0xce: {  	[tilespmem:$0x2A60] =	vst v21  }
0xcf: {  	[tilespmem:$0x2A70] =	vst v22  }
0xd0: {  	[tilespmem:s14], [sflag:$0x1] =	stream.indirect.gather [spmem:s2], $0x10, s13, s12, $0xb8;
	[tilespmem:$0x6A80] =	vst v63  }
0xd1: {  	_ =	swait.ge [sflag:s15], $0x800  }
0xd2: {  	[sflag:s15] =	ssyncset.done $0x0  }
0xd3: {  	[sflag:s15] =	ssyncadd.s32 $0xFFFFF800  }
0xd4: {  	[hbm4b:s6+s3] =	stream.linear.scatter [tilespmem:s14], [sflag:$0x1], $0x4000, $0x38;
	[tilespmem:$0x6A80] =	vst v63  }
0xd5: {  	_ =	swait.ge [sflag:s15], $0x4000  }
0xd6: {  	[sflag:s15] =	ssyncset.done $0x0  }
0xd7: {  	[sflag:s15] =	ssyncadd.s32 $0xFFFFC000  }
0xd8: {  	[tilespmem:$0x2A00] =	vst v23  }
0xd9: {  	[tilespmem:$0x2A10] =	vst v24  }
0xda: {  	[tilespmem:$0x2A20] =	vst v25  }
0xdb: {  	[tilespmem:$0x2A30] =	vst v27  }
0xdc: {  	[tilespmem:$0x2A40] =	vst v28  }
0xdd: {  	[tilespmem:$0x2A50] =	vst v29  }
0xde: {  	[tilespmem:$0x2A60] =	vst v30  }
0xdf: {  	[tilespmem:$0x2A70] =	vst v31  }
0xe0: {  	[tilespmem:s14], [sflag:$0x1] =	stream.indirect.gather [spmem:s2], $0x10, s13, s12, $0xb8;
	[tilespmem:$0x6A80] =	vst v63  }
0xe1: {  	_ =	swait.ge [sflag:s15], $0x800  }
0xe2: {  	[sflag:s15] =	ssyncset.done $0x0  }
0xe3: {  	[sflag:s15] =	ssyncadd.s32 $0xFFFFF800  }
0xe4: {  	[hbm4b:s7+s3] =	stream.linear.scatter [tilespmem:s14], [sflag:$0x1], $0x4000, $0x38;
	[tilespmem:$0x6A80] =	vst v63  }
0xe5: {  	_ =	swait.ge [sflag:s15], $0x4000  }
0xe6: {  	[sflag:s15] =	ssyncset.done $0x0  }
0xe7: {  	[sflag:s15] =	ssyncadd.s32 $0xFFFFC000  }
0xe8: {  	[tilespmem:$0x2A00] =	vst v32  }
0xe9: {  	[tilespmem:$0x2A10] =	vst v33  }
0xea: {  	[tilespmem:$0x2A20] =	vst v34  }
0xeb: {  	[tilespmem:$0x2A30] =	vst v35  }
0xec: {  	[tilespmem:$0x2A40] =	vst v36  }
0xed: {  	[tilespmem:$0x2A50] =	vst v37  }
0xee: {  	[tilespmem:$0x2A60] =	vst v38  }
0xef: {  	[tilespmem:$0x2A70] =	vst v39  }
0xf0: {  	[tilespmem:s14], [sflag:$0x1] =	stream.indirect.gather [spmem:s2], $0x10, s13, s12, $0xb8;
	[tilespmem:$0x6A80] =	vst v63  }
0xf1: {  	s16 =	sadd.s32 $0x1, s16;
	_ =	swait.ge [sflag:s15], $0x800  }
0xf2: {  	p0 =	sne.s32 s16, s9;
	[sflag:s15] =	ssyncset.done $0x0  }
.Ltmp3:
0xf3: {  	[sflag:s15] =	ssyncadd.s32 $0xFFFFF800;
	(pc) =	sbr.rel @p0 .LBB2_1-.Ltmp3, $4  }
0xf4: {  	[hbm4b:s8+s3] =	stream.linear.scatter [tilespmem:s14], [sflag:$0x1], $0x4000, $0x38;
	[tilespmem:$0x6A80] =	vst v63  }
0xf5: {  	_ =	swait.ge [sflag:s15], $0x4000  }
0xf6: {  	[sflag:s15] =	ssyncset.done $0x0  }
0xf7: {  	[sflag:s15] =	ssyncadd.s32 $0xFFFFC000  }
0xf8: {  	_ =	sfence.sel $0x180000  }
0xf9: {  	[bflag:$0x0] =	sbarrier.arrive $0xFFFF  }
0xfa: {  	p0 =	sne.s32 s1, $0x0;
	_ =	strace $0x90000047  }
0xfb: {  	s0 =	sadd.s32 @!p0 $0x100000, s0;
	[bflag:$0x2] =	sbarrier.arrive $0xFFFF  }
0xfc: {  	[sflag:s0] =	ssyncadd.tile.s32 @!p0 $0x1;
	_ =	shalt  }
.Lfunc_end2:
_tile_overlayer_lowered:
.L_overlay_start_2:
0xfd: {  	(tag) =	ssettag $0x2  }
0xfe: {  	s0 =	rddreg [dreg:$0x0];
	s2 =	stileid.u32  }
0xff: {  	s1 =	rddreg [dreg:$0x1];
	p0 =	sne.s32 s2, $0x0  }
0x100: {  	s3 =	rddreg [dreg:$0x2];
	[bflag:$0x3] =	sbarrier.arrive $0xFFFF;
	s2 =	simm.s32 @!p0 $0x1C01  }
0x101: {  	[timem:s3], [sflag:s2] =	dma.local @!p0 [hbm:s0], s1  }
0x102: {  	s0 =	simm.s32 @!p0 $0x1  }
0x103: {  	_ =	swait.ge @!p0 [sflag:s0], s1  }
0x104: {  	s1 =	ssub.s32 @!p0 $0x0, s1;
	[sflag:s0] =	ssyncset.done @!p0 $0x0  }
0x105: {  	[sflag:s0] =	ssyncadd.s32 @!p0 s1  }
0x106: {  	[bflag:$0x3] =	sbarrier.arrive $0xFFFF  }
0x107: {  	_ =	shalt  }

// kernel: kernel.14.cloned.1.call-start
scs
__scs_entry_jumppad:
0x0: {  	(pc) =	sbr.rel $0x88, $3  }
0x1: {  	(tag) =	ssettag $0x0;
	lr =	simm.s32 $0x1  }
0x2: {  	[smem:$0x3F9B] =	sst lr;
	_ =	strace $0xD0000000  }
0x3: {  	_ = 	snop  }
0x4: {  	_ = 	snop  }
0x5: {  	_ = 	snop  }
0x6: {  	_ = 	snop  }
0x7: {  	_ = 	snop  }
__scs_overlays_trampoline_lowered:
0x8: {  	[smem:$0x3FAA] =	sst s0  }
0x9: {  	[smem:$0x3FAB] =	sst s1  }
0xa: {  	[smem:$0x3FAC] =	sst s2  }
0xb: {  	[smem:$0x3FAD] =	sst s3  }
0xc: {  	[smem:$0x3FAE] =	sst s4  }
0xd: {  	[smem:$0x3FAF] =	sst s5  }
0xe: {  	[smem:$0x3FB0] =	sst s6  }
0xf: {  	[smem:$0x3FB1] =	sst s7  }
0x10: {  	[smem:$0x3FB2] =	sst s8  }
0x11: {  	[smem:$0x3FB3] =	sst s9;
	s0 =	simm.s32 @!p0 $0x0  }
0x12: {  	s1 =	sld [smem:$0x3F99];
	s0 =	simm.s32 @p0 $0x1  }
0x13: {  	[smem:$0x3FB4] =	sst s0;
	s0 =	simm.s32 @!p1 $0x0  }
0x14: {  	s2 =	sld [smem:$0x3F98];
	s0 =	simm.s32 @p1 $0x1  }
0x15: {  	[smem:$0x3FB5] =	sst s0;
	s0 =	simm.s32 @!p2 $0x0  }
0x16: {  	s3 =	sld [smem:$0x3FDB];
	s0 =	simm.s32 @p2 $0x1  }
0x17: {  	s4 =	simm.s32 $0x1BF5;
	[smem:$0x3FB7] =	sst s0  }
0x18: {  	s0 =	sld [smem:$0x3F9A];
	_ =	swait.ge [sflag:s4], $0x0  }
0x19: {  	s7 =	sld [smem:$0x3F9B]  }
0x1a: {  	s8 =	sadd.s32 $0xFFFFE003, lr  }
0x1b: {  	s9 =	sadd.s32 $0xFFFFFEF7, lr;
	s5 =	simm.s32 $0xFFFFFFFF;
	p2 =	slt.u32 s8, $0xFFFFF086  }
0x1c: {  	p1 =	slt.u32 s9, $0xF7A;
	s5 =	simm.s32 @!p2 $0x0  }
0x1d: {  	s5 =	simm.s32 @p1 $0x1;
	p0 =	seq.s32 s7, s2  }
0x1e: {  	s7 =	smul.u32 @!p0 $0xF7A, s2;
	p2 =	seq.s32 @!p0 s5, $0x0  }
0x1f: {  	s9 =	smul.u32 $0xF7A, s1;
	s8 =	simm.s32 @!p0 $0x1BF5;
	p2 =	por !p2, p0  }
0x20: {  	[sflag:s8] =	ssyncset.s32 @!p0 $0xFFFFF086;
	s6 =	sadd.s32 @!p0 s3, s7;
	s7 =	simm.s32 @!p0 $0x108  }
0x21: {  	s3 =	sadd.s32 s3, s9;
	s6 =	sadd.s32 @!p0 $0x88, s6;
	s7 =	simm.s32 @p2 $0x1082  }
0x22: {  	[simem:s7], [sflag:s8] =	dma.local @!p0 [hbm:s6], $0xF7A  }
0x23: {  	s9 =	sor.u32 $0xD0000000, s2;
	s6 =	simm.s32 $0x108;
	_ =	swait.ge @!p0 [sflag:s8], $0x0  }
0x24: {  	s3 =	sadd.s32 $0x88, s3;
	s6 =	simm.s32 @!p1 $0x1082;
	[sflag:s4] =	ssyncset.s32 $0xFFFFF086  }
0x25: {  	[simem:s6], [sflag:s4] =	dma.local [hbm:s3], $0xF7A  }
0x26: {  	[smem:$0x3F9B] =	sst s1;
	(tag) =	ssettag s2;
	_ =	strace s9  }
0x27: {  	s1 =	sld [smem:$0x3FAB]  }
0x28: {  	s2 =	sld [smem:$0x3FAC]  }
0x29: {  	s4 =	sld [smem:$0x3FAE]  }
0x2a: {  	p0 =	seq.s32 s5, $0x0;
	s5 =	sld [smem:$0x3FAF]  }
0x2b: {  	s6 =	sld [smem:$0x3FB0]  }
0x2c: {  	s7 =	sld [smem:$0x3FB1]  }
0x2d: {  	s3 =	simm.s32 $0x108;
	s8 =	sld [smem:$0x3FB2]  }
0x2e: {  	s3 =	simm.s32 @!p0 $0x1082;
	s9 =	sld [smem:$0x3FB3]  }
0x2f: {  	lr =	sadd.s32 s0, s3;
	s0 =	sld [smem:$0x3FAA]  }
0x30: {  	s3 =	sld [smem:$0x3FAD]  }
0x31: {  	[smem:$0x3FB6] =	sst s10  }
0x32: {  	s10 =	sld [smem:$0x3FB4];
	_ =	sdelay $0x3  }
0x33: {  	p0 =	seq.s32 s10, $0x1;
	s10 =	sld [smem:$0x3FB6];
	_ =	sdelay $0x3  }
0x34: {  	[smem:$0x3FB6] =	sst s10  }
0x35: {  	s10 =	sld [smem:$0x3FB5];
	_ =	sdelay $0x3  }
0x36: {  	p1 =	seq.s32 s10, $0x1;
	s10 =	sld [smem:$0x3FB6];
	_ =	sdelay $0x3  }
0x37: {  	[smem:$0x3FB6] =	sst s10  }
0x38: {  	s10 =	sld [smem:$0x3FB7]  }
0x39: {  	_ = 	snop;
	(pc) =	sbr.ind lr, $3  }
0x3a: {  	_ = 	snop  }
0x3b: {  	_ = 	snop  }
0x3c: {  	p2 =	seq.s32 s10, $0x1;
	s10 =	sld [smem:$0x3FB6]  }
0x3d: {  	_ =	shalt  }
0x3e: {  	_ =	shalt  }
0x3f: {  	_ =	shalt  }
0x40: {  	_ =	shalt  }
0x41: {  	_ =	shalt  }
0x42: {  	_ =	shalt  }
0x43: {  	_ =	shalt  }
0x44: {  	_ =	shalt  }
0x45: {  	_ =	shalt  }
0x46: {  	_ =	shalt  }
0x47: {  	_ =	shalt  }
0x48: {  	_ =	shalt  }
0x49: {  	_ =	shalt  }
0x4a: {  	_ =	shalt  }
0x4b: {  	_ =	shalt  }
0x4c: {  	_ =	shalt  }
0x4d: {  	_ =	shalt  }
0x4e: {  	_ =	shalt  }
0x4f: {  	_ =	shalt  }
0x50: {  	_ =	shalt  }
0x51: {  	_ =	shalt  }
0x52: {  	_ =	shalt  }
0x53: {  	_ =	shalt  }
0x54: {  	_ =	shalt  }
0x55: {  	_ =	shalt  }
0x56: {  	_ =	shalt  }
0x57: {  	_ =	shalt  }
0x58: {  	_ =	shalt  }
0x59: {  	_ =	shalt  }
0x5a: {  	_ =	shalt  }
0x5b: {  	_ =	shalt  }
0x5c: {  	_ =	shalt  }
0x5d: {  	_ =	shalt  }
0x5e: {  	_ =	shalt  }
0x5f: {  	_ =	shalt  }
0x60: {  	_ =	shalt  }
0x61: {  	_ =	shalt  }
0x62: {  	_ =	shalt  }
0x63: {  	_ =	shalt  }
0x64: {  	_ =	shalt  }
0x65: {  	_ =	shalt  }
0x66: {  	_ =	shalt  }
0x67: {  	_ =	shalt  }
0x68: {  	_ =	shalt  }
0x69: {  	_ =	shalt  }
0x6a: {  	_ =	shalt  }
0x6b: {  	_ =	shalt  }
0x6c: {  	_ =	shalt  }
0x6d: {  	_ =	shalt  }
0x6e: {  	_ =	shalt  }
0x6f: {  	_ =	shalt  }
0x70: {  	_ =	shalt  }
0x71: {  	_ =	shalt  }
0x72: {  	_ =	shalt  }
0x73: {  	_ =	shalt  }
0x74: {  	_ =	shalt  }
0x75: {  	_ =	shalt  }
0x76: {  	_ =	shalt  }
0x77: {  	_ =	shalt  }
0x78: {  	_ =	shalt  }
0x79: {  	_ =	shalt  }
0x7a: {  	_ =	shalt  }
0x7b: {  	_ =	shalt  }
0x7c: {  	_ =	shalt  }
0x7d: {  	_ =	shalt  }
0x7e: {  	_ =	shalt  }
0x7f: {  	_ =	shalt  }
0x80: {  	_ =	shalt  }
0x81: {  	_ =	shalt  }
0x82: {  	_ =	shalt  }
0x83: {  	_ =	shalt  }
0x84: {  	_ =	shalt  }
0x85: {  	_ =	shalt  }
0x86: {  	_ =	shalt  }
0x87: {  	_ =	shalt  }
.Lfunc_end0:
.L_simem_size_0:
called_computation.1_lowered:
.L_overlay_start_0:
0x88: {  	s2 =	sld [smem:$0x3FD9]  }
0x89: {  	s3 =	sld [smem:$0x3FFE];
	_ =	sdelay $0x1  }
0x8a: {  	s1 =	srdreg.scid  }
0x8b: {  	s0 =	sand.u32 $0x1, s1  }
0x8c: {  	s17 =	sshll.u32 s0, $0xA;
	s2 =	sadd.s32 s3, s2  }
0x8d: {  	s2 =	sadd.s32 s2, s17  }
0x8e: {  	[smem:$0x3FC2] =	sst s2  }
0x8f: {  	_ = 	snop  }
0x90: {  	(tm) =	ssettm $0x1  }
0x91: {  	s18 =	sld [smem:$0x3FFB];
	_ =	sdelay $0x3  }
0x92: {  	_ =	strace s18  }
0x93: {  	s2 =	sld [smem:$0x3FFC];
	_ =	sdelay $0x3  }
0x94: {  	_ =	strace s2  }
0x95: {  	s2 =	sld [smem:$0x3FFD];
	_ =	sdelay $0x3  }
0x96: {  	_ =	strace s2  }
0x97: {  	_ =	strace $0x8FFFFFFF  }
0x98: {  	s19 =	sld [smem:$0x3FDB];
	_ =	sdelay $0x1  }
0x99: {  	s20 =	simm.s32 $_scs_section_size  }
0x9a: {  	s4 =	simm.s32 $_size__tile_overlayer_lowered;
	s5 =	simm.s32 $_tile_overlayer_lowered  }
0x9b: {  	s6 =	simm.s32 $0x1BFF;
	s21 =	sshll.u32 s5, $0x1;
	s3 =	sadd.s32 s20, s19  }
0x9c: {  	s22 =	simm.s32 $0x0;
	s4 =	sshll.u32 s4, $0x1;
	s5 =	sadd.s32 s21, s3  }
0x9d: {  	[timem:s22], [sflag:s6] =	dma.local [hbm:s5], s4  }
0x9e: {  	_ =	swait.ge [sflag:s6], s4  }
0x9f: {  	s4 =	ssub.s32 $0x0, s4;
	[sflag:s6] =	ssyncset.done $0x0  }
0xa0: {  	[sflag:s6] =	ssyncadd.s32 s4;
	_ =	sdelay $0x1  }
0xa1: {  	s23 =	simm.s32 $0x1B8B  }
0xa2: {  	_ =	swait.ge [sflag:s23], $0x1  }
0xa3: {  	[sflag:s23] =	ssyncset.done $0x0  }
0xa4: {  	[sflag:s23] =	ssyncadd.s32 $0xFFFFFFFF  }
0xa5: {  	s4 =	sld [smem:$0x0]  }
0xa6: {  	s5 =	sand.u32 $0xFFFFFFFE, s1  }
0xa7: {  	p0 =	sne.s32 s1, s5  }
0xa8: {  	s5 =	sshll.u32 @p0 s5, $0xE  }
0xa9: {  	s5 =	sadd.s32 @p0 $0x11B8D, s5;
	s6 =	sshll.u32 @p0 s4, $0x11  }
0xaa: {  	s5 =	sor.u32 @p0 s6, s5  }
0xab: {  	[sflag:s5] =	ssyncadd.remote.s32 @p0 $0x1;
	_ =	sdelay $0x1  }
0xac: {  	s5 =	simm.s32 @p0 $0x1B8D  }
0xad: {  	_ =	swait.eq @p0 [sflag:s5], $0x1  }
0xae: {  	[sflag:s5] =	ssyncadd.s32 @p0 $0xFFFFFFFF  }
0xaf: {  	s6 =	sshll.u32 @!p0 s1, $0xE  }
0xb0: {  	s6 =	sor.u32 @!p0 $0x4000, s6;
	s5 =	simm.s32 @!p0 $0x1B8D  }
0xb1: {  	s4 =	sshll.u32 @!p0 s4, $0x11;
	s6 =	sadd.s32 @!p0 $0x11B8D, s6;
	_ =	swait.eq @!p0 [sflag:s5], $0x1  }
0xb2: {  	s4 =	sor.u32 @!p0 s4, s6;
	[sflag:s5] =	ssyncadd.s32 @!p0 $0xFFFFFFFF  }
0xb3: {  	s25 =	simm.s32 $0x1B8E;
	s24 =	sld [smem:$0x3FFE];
	[sflag:s4] =	ssyncadd.remote.s32 @!p0 $0x1  }
0xb4: {  	s26 =	simm.s32 $execute0_lowered;
	[smem:$0x3FD2] =	sst s25  }
0xb5: {  	s5 =	sshll.u32 s26, $0x1;
	_ =	strace $0x80000049;
	[dreg:$0x1] =	wrdreg $0xFFFFFFFF  }
0xb6: {  	s28 =	simm.s32 $_size_execute0_lowered;
	s3 =	sadd.s32 s3, s5;
	[dreg:$0x0] =	wrdreg $0x0  }
0xb7: {  	s5 =	sshll.u32 s28, $0x1;
	[dreg:$0x2] =	wrdreg s3  }
0xb8: {  	[dreg:$0x3] =	wrdreg s5  }
0xb9: {  	[dreg:$0x4] =	wrdreg $0xC0  }
0xba: {  	_ =	task [dreg:s22], $0x5FFFF  }
0xbb: {  	[dreg:$0x1] =	wrdreg $0xFFFFFFFF  }
0xbc: {  	[dreg:$0x0] =	wrdreg $0x60  }
0xbd: {  	[dreg:$0x2] =	wrdreg s24  }
0xbe: {  	[dreg:$0x3] =	wrdreg $0x0  }
0xbf: {  	[dreg:$0x4] =	wrdreg $0xA  }
0xc0: {  	_ =	task.clear_ibuf [dreg:s22], $0x5FFFF;
	_ =	strace $0x90000049  }
0xc1: {  	s29 =	simm.s32 $0xA;
	_ =	strace $0x8000004B  }
0xc2: {  	_ =	swait.ge [sflag:s29], $0x1  }
0xc3: {  	[sflag:s29] =	ssyncadd.s32 $0xFFFFFFFF  }
0xc4: {  	_ =	strace $0x9000004B  }
0xc5: {  	_ =	sfence  }
0xc6: {  	s30 =	sld [smem:$0x0];
	_ =	sdelay $0x2  }
0xc7: {  	s31 =	sshll.u32 s1, $0xD;
	s1 =	sshrl.u32 s1, $0x2  }
0xc8: {  	s4 =	sand.u32 $0x4000, s31;
	s1 =	sadd.s32 s1, s30  }
0xc9: {  	s0 =	sor.u32 s4, s0;
	s1 =	sshll.u32 s1, $0x11  }
0xca: {  	s0 =	sor.u32 s1, s0  }
0xcb: {  	s0 =	sadd.s32 $0x8F2B, s0  }
0xcc: {  	[sflag:s0] =	ssyncadd.remote.s32 $0x1  }
0xcd: {  	_ =	sfence.sel $0xFFFF  }
0xce: {  	[dreg:$0x0] =	wrdreg $0xFFFFFFFF;
	(pc) =	sbr.abs _section_cstart, $3  }
0xcf: {  	[dreg:$0x1] =	wrdreg $0xFFFFFFFF  }
0xd0: {  	_ =	task.clear_ibuf [dreg:s22], $0x2FFFF;
	_ =	strace $0x9FFFFFFF  }
0xd1: {  	(tm) =	ssettm $0x7FFFFFFF  }
tec
execute0_lowered:
.L_overlay_start_1:
0x0: {  	(tag) =	ssettag $0x1  }
0x1: {  	s5 =	rddreg [dreg:$0x0]  }
0x2: {  	s1 =	rddreg [dreg:$0x1]  }
0x3: {  	s0 =	rddreg [dreg:$0x2];
	s3 =	simm.s32 $0x0;
	s2 =	stileid.u32  }
0x4: {  	s4 =	srdreg.scid;
	[smem:$0x7FF] =	sst s3;
	s10 =	sshll.u32 s2, $0x6  }
0x5: {  	s6 =	sshll.u32 s4, $0xA;
	s7 =	sand.u32 $0x1, s4;
	s12 =	smul.u32 $0x280, s2  }
0x6: {  	s4 =	sadd.s32 $0x84A00, s5;
	s9 =	sadd.s32 $0x246800, s5;
	s25 =	smul.u32 $0x14000, s2  }
0x7: {  	_ =	strace $0x8000004A;
	s6 =	sor.u32 s10, s6;
	s8 =	ssub.s32 $0x2, s7  }
0x8: {  	s13 =	sshll.u32 s7, $0x4;
	s31 =	smul.u32 $0x140000, s7;
	s10 =	sand.u32 $0x40, s10  }
0x9: {  	s6 =	sand.u32 $0x780, s6;
	s11 =	sshrl.u32 s8, $0x1;
	s17 =	sor.u32 $0x20, s12  }
0xa: {  	s18 =	sor.u32 $0x30, s12;
	s19 =	sor.u32 $0x40, s12;
	s20 =	sor.u32 $0x50, s12  }
0xb: {  	s21 =	sadd.s32 $0x80, s12;
	s22 =	sadd.s32 $0x100, s12;
	s7 =	sadd.s32 $0x180, s12  }
0xc: {  	s15 =	sadd.s32 $0x200, s12;
	s30 =	sor.u32 $0x70, s12;
	s13 =	sor.u32 s13, s2  }
0xd: {  	s14 =	sadd.s32 s6, s5;
	s11 =	ssub.s32 s8, s11;
	s8 =	sor.u32 $0x10, s12  }
0xe: {  	v39 =	vlaneseq.u32;
	s16 =	sshll.u32 s21, $0x7;
	s6 =	sadd.s32 s25, s31;
	s26 =	sshll.u32 s22, $0x7  }
0xf: {  	s24 =	sshll.u32 s7, $0x7;
	s25 =	sshll.u32 s15, $0x7;
	v1 =	vor.u32 s17, v39;
	s17 =	sadd.s32 $0xA0, s12  }
0x10: {  	v2 =	vor.u32 s18, v39;
	v3 =	vor.u32 s19, v39;
	v4 =	vor.u32 s20, v39;
	s18 =	sadd.s32 $0xD0, s12;
	s19 =	sadd.s32 $0xE0, s12;
	s20 =	sadd.s32 $0xF0, s12  }
0x11: {  	v6 =	vor.u32 s30, v39;
	v7 =	vor.u32 s21, v39;
	s30 =	sadd.s32 $0x130, s12;
	v15 =	vor.u32 s22, v39;
	s21 =	sadd.s32 $0x1C0, s12;
	s22 =	sadd.s32 $0x1D0, s12  }
0x12: {  	v32 =	vor.u32 s15, v39;
	s15 =	simm.s32 $0x14400;
	s23 =	sadd.s32 s31, s16;
	s26 =	sadd.s32 s31, s26  }
0x13: {  	s24 =	sadd.s32 s31, s24;
	s16 =	sadd.s32 s31, s25;
	s25 =	sor.u32 $0x60, s12  }
0x14: {  	s28 =	sshrl.u32 s6, $0x3;
	s31 =	sadd.s32 $0xB0, s12;
	v9 =	vor.u32 s17, v39;
	s17 =	sadd.s32 $0x150, s12  }
0x15: {  	v12 =	vor.u32 s18, v39;
	v13 =	vor.u32 s19, v39;
	s18 =	sadd.s32 $0x170, s12;
	s19 =	sadd.s32 $0x190, s12;
	v14 =	vor.u32 s20, v39;
	s20 =	sadd.s32 $0x1B0, s12  }
0x16: {  	v18 =	vor.u32 s30, v39;
	s30 =	sadd.s32 $0x210, s12;
	s14 =	sadd.s32 s10, s14;
	s10 =	smax.u32 s11, $0x1  }
0x17: {  	v40 =	vimm.f32 $0.0e+00;
	s29 =	sshrl.u32 s23, $0x3;
	s5 =	sadd.s32 s9, s28;
	s23 =	sshrl.u32 s26, $0x3  }
0x18: {  	v31 =	vor.u32 s12, v39;
	v23 =	vor.u32 s7, v39;
	s24 =	sshrl.u32 s24, $0x3;
	s28 =	sadd.s32 $0x90, s12;
	v5 =	vor.u32 s25, v39;
	s25 =	sadd.s32 $0x110, s12  }
0x19: {  	v0 =	vor.u32 s8, v39;
	s26 =	sadd.s32 $0x120, s12;
	v10 =	vor.u32 s31, v39;
	s31 =	sadd.s32 $0x140, s12;
	v20 =	vor.u32 s17, v39;
	s17 =	sadd.s32 $0x220, s12  }
0x1a: {  	v27 =	vor.u32 s21, v39;
	v28 =	vor.u32 s22, v39;
	v22 =	vor.u32 s18, v39;
	s18 =	sadd.s32 $0x230, s12;
	s16 =	sshrl.u32 s16, $0x3;
	s11 =	sadd.s32 $0x23CA00, s14  }
0x1b: {  	v24 =	vor.u32 s19, v39;
	v26 =	vor.u32 s20, v39;
	s6 =	sadd.s32 s9, s29;
	s29 =	sadd.s32 $0xC0, s12;
	v8 =	vor.u32 s28, v39;
	s28 =	sadd.s32 $0x160, s12  }
0x1c: {  	v33 =	vor.u32 s30, v39;
	v17 =	vor.u32 s26, v39;
	v19 =	vor.u32 s31, v39;
	s26 =	sadd.s32 $0x1E0, s12;
	s31 =	sadd.s32 $0x1F0, s12;
	s7 =	sadd.s32 s9, s23  }
0x1d: {  	v16 =	vor.u32 s25, v39;
	s8 =	sadd.s32 s9, s24;
	s9 =	sadd.s32 s9, s16;
	s24 =	sadd.s32 $0x250, s12;
	v34 =	vor.u32 s17, v39;
	v35 =	vor.u32 s18, v39  }
0x1e: {  	s16 =	simm.s32 $0x14480;
	s17 =	simm.s32 $0x3;
	v11 =	vor.u32 s29, v39;
	s29 =	sadd.s32 $0x1A0, s12;
	v21 =	vor.u32 s28, v39;
	v29 =	vor.u32 s26, v39  }
0x1f: {  	s28 =	sadd.s32 $0x240, s12;
	v30 =	vor.u32 s31, v39;
	s31 =	sadd.s32 $0x270, s12;
	v37 =	vor.u32 s24, v39;
	v25 =	vor.u32 s29, v39;
	s29 =	sadd.s32 $0x260, s12  }
0x20: {  	s18 =	simm.s32 $0x0;
	s12 =	sadd.s32 $0x2C00, s14;
	v36 =	vor.u32 s28, v39;
	s14 =	simm.s32 $0x80;
	v38 =	vor.u32 s29, v39;
	v39 =	vor.u32 s31, v39  }
.LBB2_1:
0x21: {  	s19 =	simm.s32 $0x0;
	s20 =	simm.s32 $0x200  }
.LBB2_2:
0x22: {  	p0 =	sne.s32 s20, $0xFE00;
	[tilespmem:s19+$0x144F0] =	vst v40  }
0x23: {  	[tilespmem:s19+$0x14480] =	vst v40  }
0x24: {  	[tilespmem:s19+$0x14490] =	vst v40  }
.Ltmp0:
0x25: {  	[tilespmem:s19+$0x144A0] =	vst v40;
	(pc) =	sbr.rel @p0 .LBB2_2-.Ltmp0, $4  }
0x26: {  	[tilespmem:s19+$0x144B0] =	vst v40  }
0x27: {  	[tilespmem:s19+$0x144C0] =	vst v40  }
0x28: {  	[tilespmem:s19+$0x144D0] =	vst v40  }
0x29: {  	[tilespmem:s19+$0x144E0] =	vst v40;
	s19 =	sshra.s32 s20, $0x2;
	s20 =	sadd.s32 $0x200, s20  }
0x2a: {  	[tilespmem:s19+$0x144F0] =	vst v40  }
0x2b: {  	[tilespmem:s19+$0x14480] =	vst v40  }
0x2c: {  	[tilespmem:s19+$0x14490] =	vst v40  }
0x2d: {  	[tilespmem:s19+$0x144A0] =	vst v40  }
0x2e: {  	[tilespmem:s19+$0x144B0] =	vst v40  }
0x2f: {  	[tilespmem:s19+$0x144C0] =	vst v40  }
0x30: {  	[tilespmem:s19+$0x144D0] =	vst v40  }
0x31: {  	[tilespmem:s19+$0x144E0] =	vst v40  }
0x32: {  	[tilespmem:$0x14400] =	vst v31  }
0x33: {  	[tilespmem:$0x14410] =	vst v0  }
0x34: {  	[tilespmem:$0x14420] =	vst v1  }
0x35: {  	[tilespmem:$0x14430] =	vst v2  }
0x36: {  	[tilespmem:$0x14440] =	vst v3  }
0x37: {  	[tilespmem:$0x14450] =	vst v4  }
0x38: {  	[tilespmem:$0x14460] =	vst v5  }
0x39: {  	[tilespmem:$0x14470] =	vst v6  }
0x3a: {  	[spmem:s1] =	stream.indirect.scatter [tilespmem:s16], [sflag:$0x3], $0x80, s15, s14, $0xb8;
	[tilespmem:$0x1C480] =	vst v63  }
0x3b: {  	_ =	swait.ge [sflag:s17], $0x4000  }
0x3c: {  	[sflag:s17] =	ssyncset.done $0x0  }
0x3d: {  	[sflag:s17] =	ssyncadd.s32 $0xFFFFC000  }
0x3e: {  	[tilespmem:$0x14400] =	vst v7  }
0x3f: {  	[tilespmem:$0x14410] =	vst v8  }
0x40: {  	[tilespmem:$0x14420] =	vst v9  }
0x41: {  	[tilespmem:$0x14430] =	vst v10  }
0x42: {  	[tilespmem:$0x14440] =	vst v11  }
0x43: {  	[tilespmem:$0x14450] =	vst v12  }
0x44: {  	[tilespmem:$0x14460] =	vst v13  }
0x45: {  	[tilespmem:$0x14470] =	vst v14  }
0x46: {  	[spmem:s1] =	stream.indirect.scatter [tilespmem:s16], [sflag:$0x3], $0x80, s15, s14, $0xb8;
	[tilespmem:$0x1C480] =	vst v63  }
0x47: {  	_ =	swait.ge [sflag:s17], $0x4000  }
0x48: {  	[sflag:s17] =	ssyncset.done $0x0  }
0x49: {  	[sflag:s17] =	ssyncadd.s32 $0xFFFFC000  }
0x4a: {  	[tilespmem:$0x14400] =	vst v15  }
0x4b: {  	[tilespmem:$0x14410] =	vst v16  }
0x4c: {  	[tilespmem:$0x14420] =	vst v17  }
0x4d: {  	[tilespmem:$0x14430] =	vst v18  }
0x4e: {  	[tilespmem:$0x14440] =	vst v19  }
0x4f: {  	[tilespmem:$0x14450] =	vst v20  }
0x50: {  	[tilespmem:$0x14460] =	vst v21  }
0x51: {  	[tilespmem:$0x14470] =	vst v22  }
0x52: {  	[spmem:s1] =	stream.indirect.scatter [tilespmem:s16], [sflag:$0x3], $0x80, s15, s14, $0xb8;
	[tilespmem:$0x1C480] =	vst v63  }
0x53: {  	_ =	swait.ge [sflag:s17], $0x4000  }
0x54: {  	[sflag:s17] =	ssyncset.done $0x0  }
0x55: {  	[sflag:s17] =	ssyncadd.s32 $0xFFFFC000  }
0x56: {  	[tilespmem:$0x14400] =	vst v23  }
0x57: {  	[tilespmem:$0x14410] =	vst v24  }
0x58: {  	[tilespmem:$0x14420] =	vst v25  }
0x59: {  	[tilespmem:$0x14430] =	vst v26  }
0x5a: {  	[tilespmem:$0x14440] =	vst v27  }
0x5b: {  	[tilespmem:$0x14450] =	vst v28  }
0x5c: {  	[tilespmem:$0x14460] =	vst v29  }
0x5d: {  	[tilespmem:$0x14470] =	vst v30  }
0x5e: {  	[spmem:s1] =	stream.indirect.scatter [tilespmem:s16], [sflag:$0x3], $0x80, s15, s14, $0xb8;
	[tilespmem:$0x1C480] =	vst v63  }
0x5f: {  	_ =	swait.ge [sflag:s17], $0x4000  }
0x60: {  	[sflag:s17] =	ssyncset.done $0x0  }
0x61: {  	[sflag:s17] =	ssyncadd.s32 $0xFFFFC000  }
0x62: {  	[tilespmem:$0x14400] =	vst v32  }
0x63: {  	[tilespmem:$0x14410] =	vst v33  }
0x64: {  	[tilespmem:$0x14420] =	vst v34  }
0x65: {  	[tilespmem:$0x14430] =	vst v35  }
0x66: {  	[tilespmem:$0x14440] =	vst v36  }
0x67: {  	[tilespmem:$0x14450] =	vst v37  }
0x68: {  	[tilespmem:$0x14460] =	vst v38  }
0x69: {  	[tilespmem:$0x14470] =	vst v39  }
0x6a: {  	[spmem:s1] =	stream.indirect.scatter [tilespmem:s16], [sflag:$0x3], $0x80, s15, s14, $0xb8;
	[tilespmem:$0x1C480] =	vst v63  }
0x6b: {  	_ =	swait.ge [sflag:s17], $0x4000  }
0x6c: {  	p0 =	sgt.u32 s13, $0x270;
	[sflag:s17] =	ssyncset.done $0x0  }
0x6d: {  	s19 =	sadd.s32 @!p0 $0x0, s11;
	s20 =	simm.s32 @!p0 $0x0;
	[sflag:s17] =	ssyncadd.s32 $0xFFFFC000  }
0x6e: {  	s21 =	simm.s32 @!p0 $0x14000;
	s22 =	simm.s32 @!p0 $0x4;
	[bflag:$0x0] =	sbarrier.arrive $0xFFFF  }
0x6f: {  	[tilespmem:s21], [sflag:$0x4] =	stream.linear.gather @!p0 [hbm4b:s19+s20], $0x200, $0x38;
	[tilespmem:$0x1C480] =	vst v63  }
0x70: {  	_ =	swait.ge @!p0 [sflag:s22], $0x200  }
0x71: {  	[sflag:s22] =	ssyncset.done @!p0 $0x0  }
0x72: {  	s23 =	simm.s32 @!p0 $0x14200;
	s19 =	sadd.s32 @!p0 $0x0, s12;
	[sflag:s22] =	ssyncadd.s32 @!p0 $0xFFFFFE00  }
0x73: {  	[tilespmem:s23], [sflag:$0x4] =	stream.linear.gather @!p0 [hbm4b:s19+s20], $0x200, $0x38;
	[tilespmem:$0x1C480] =	vst v63  }
0x74: {  	_ =	swait.ge @!p0 [sflag:s22], $0x200;
	p0 =	por p0, p0  }
0x75: {  	[sflag:s22] =	ssyncset.done @!p0 $0x0;
	s19 =	simm.s32 @!p0 $0x80  }
0x76: {  	s20 =	simm.s32 @!p0 $0x14480;
	s24 =	simm.s32 @!p0 $0x1;
	[sflag:s22] =	ssyncadd.s32 @!p0 $0xFFFFFE00  }
0x77: {  	[tilespmem:s20], [sflag:$0x1] =	stream.indirect.gather @!p0 [hbm4b:s4+s19], $0x80, s21, s19, $0xb8;
	[tilespmem:$0x1C480] =	vst v63  }
0x78: {  	_ =	swait.ge @!p0 [sflag:s24], $0x4000  }
0x79: {  	[sflag:s24] =	ssyncset.done @!p0 $0x0  }
0x7a: {  	s25 =	simm.s32 @!p0 $0x18480;
	s21 =	simm.s32 @!p0 $0x14080;
	[sflag:s24] =	ssyncadd.s32 @!p0 $0xFFFFC000  }
0x7b: {  	[tilespmem:s25], [sflag:$0x2] =	stream.indirect.gather @!p0 [hbm4b:s4+s19], $0x80, s21, s19, $0xb8;
	[tilespmem:$0x1C480] =	vst v63  }
0x7c: {  	_ = 	snop  }
0x7d: {  	[spmem:s1] =	stream.indirect.scatter.add.f32 @!p0 [tilespmem:s20], [sflag:$0x4], $0x80, s23, s19, $0xb8;
	[tilespmem:$0x1C480] =	vst v63  }
0x7e: {  	_ =	swait.ge @!p0 [sflag:s22], $0x4000  }
0x7f: {  	[sflag:s22] =	ssyncset.done @!p0 $0x0  }
0x80: {  	s21 =	simm.s32 @!p0 $0x2;
	[sflag:s22] =	ssyncadd.s32 @!p0 $0xFFFFC000  }
0x81: {  	_ =	swait.ge @!p0 [sflag:s21], $0x4000  }
0x82: {  	[sflag:s21] =	ssyncset.done @!p0 $0x0  }
0x83: {  	s23 =	simm.s32 @!p0 $0x14100;
	[sflag:s21] =	ssyncadd.s32 @!p0 $0xFFFFC000  }
0x84: {  	[tilespmem:s20], [sflag:$0x1] =	stream.indirect.gather @!p0 [hbm4b:s4+s19], $0x80, s23, s19, $0xb8;
	[tilespmem:$0x1C480] =	vst v63  }
0x85: {  	s23 =	simm.s32 @!p0 $0x14280  }
0x86: {  	[spmem:s1] =	stream.indirect.scatter.add.f32 @!p0 [tilespmem:s25], [sflag:$0x4], $0x80, s23, s19, $0xb8;
	[tilespmem:$0x1C480] =	vst v63  }
0x87: {  	_ =	swait.ge @!p0 [sflag:s22], $0x4000  }
0x88: {  	[sflag:s22] =	ssyncset.done @!p0 $0x0  }
0x89: {  	[sflag:s22] =	ssyncadd.s32 @!p0 $0xFFFFC000  }
0x8a: {  	_ =	swait.ge @!p0 [sflag:s24], $0x4000  }
0x8b: {  	[sflag:s24] =	ssyncset.done @!p0 $0x0  }
0x8c: {  	s23 =	simm.s32 @!p0 $0x14180;
	[sflag:s24] =	ssyncadd.s32 @!p0 $0xFFFFC000  }
0x8d: {  	[tilespmem:s25], [sflag:$0x2] =	stream.indirect.gather @!p0 [hbm4b:s4+s19], $0x80, s23, s19, $0xb8;
	[tilespmem:$0x1C480] =	vst v63  }
0x8e: {  	s23 =	simm.s32 @!p0 $0x14300  }
0x8f: {  	[spmem:s1] =	stream.indirect.scatter.add.f32 @!p0 [tilespmem:s20], [sflag:$0x4], $0x80, s23, s19, $0xb8;
	[tilespmem:$0x1C480] =	vst v63  }
0x90: {  	_ =	swait.ge @!p0 [sflag:s22], $0x4000  }
0x91: {  	[sflag:s22] =	ssyncset.done @!p0 $0x0  }
0x92: {  	[sflag:s22] =	ssyncadd.s32 @!p0 $0xFFFFC000  }
0x93: {  	_ =	swait.ge @!p0 [sflag:s21], $0x4000  }
0x94: {  	[sflag:s21] =	ssyncset.done @!p0 $0x0  }
0x95: {  	s20 =	simm.s32 @!p0 $0x14380;
	[sflag:s21] =	ssyncadd.s32 @!p0 $0xFFFFC000  }
0x96: {  	[spmem:s1] =	stream.indirect.scatter.add.f32 @!p0 [tilespmem:s25], [sflag:$0x3], $0x80, s20, s19, $0xb8;
	[tilespmem:$0x1C480] =	vst v63  }
0x97: {  	s21 =	simm.s32 $0x1000;
	s25 =	simm.s32 @!p0 $0x3;
	s20 =	sadd.s32 $0x20, s13  }
0x98: {  	s19 =	simm.s32 $0x800;
	p2 =	sgt.u32 s20, $0x270;
	_ =	swait.ge @!p0 [sflag:s25], $0x4000  }
.LBB2_4:
0x99: {  	s23 =	sadd.s32 @!p2 s19, s11;
	s24 =	simm.s32 @!p2 $0x0;
	[sflag:s25] =	ssyncset.done @!p0 $0x0  }
0x9a: {  	s26 =	simm.s32 @!p2 $0x14000;
	s22 =	simm.s32 @!p2 $0x4;
	[sflag:s25] =	ssyncadd.s32 @!p0 $0xFFFFC000  }
0x9b: {  	[tilespmem:s26], [sflag:$0x4] =	stream.linear.gather @!p2 [hbm4b:s23+s24], $0x200, $0x38;
	[tilespmem:$0x1C480] =	vst v63  }
0x9c: {  	s23 =	smov.u32 s21;
	s21 =	sadd.s32 $0x800, s21;
	_ =	swait.ge @!p2 [sflag:s22], $0x200  }
0x9d: {  	s28 =	simm.s32 @!p2 $0x14200;
	s25 =	sadd.s32 @!p2 s19, s12;
	[sflag:s22] =	ssyncset.done @!p2 $0x0  }
0x9e: {  	p1 =	sne.s32 s21, $0xA000;
	s19 =	smov.u32 s23;
	[sflag:s22] =	ssyncadd.s32 @!p2 $0xFFFFFE00  }
0x9f: {  	[tilespmem:s28], [sflag:$0x4] =	stream.linear.gather @!p2 [hbm4b:s25+s24], $0x200, $0x38;
	[tilespmem:$0x1C480] =	vst v63  }
0xa0: {  	p0 =	por p2, p2;
	_ =	swait.ge @!p2 [sflag:s22], $0x200  }
0xa1: {  	s23 =	simm.s32 @!p0 $0x80;
	s25 =	simm.s32 @!p0 $0x14480;
	[sflag:s22] =	ssyncset.done @!p0 $0x0  }
0xa2: {  	s29 =	simm.s32 @!p0 $0x1;
	[sflag:s22] =	ssyncadd.s32 @!p0 $0xFFFFFE00  }
0xa3: {  	[tilespmem:s25], [sflag:$0x1] =	stream.indirect.gather @!p0 [hbm4b:s4+s23], $0x80, s26, s23, $0xb8;
	[tilespmem:$0x1C480] =	vst v63  }
0xa4: {  	_ =	swait.ge @!p0 [sflag:s29], $0x4000  }
0xa5: {  	s24 =	simm.s32 @!p0 $0x18480;
	s26 =	simm.s32 @!p0 $0x14080;
	[sflag:s29] =	ssyncset.done @!p0 $0x0  }
0xa6: {  	[sflag:s29] =	ssyncadd.s32 @!p0 $0xFFFFC000  }
0xa7: {  	[tilespmem:s24], [sflag:$0x2] =	stream.indirect.gather @!p0 [hbm4b:s4+s23], $0x80, s26, s23, $0xb8;
	[tilespmem:$0x1C480] =	vst v63  }
0xa8: {  	_ = 	snop  }
0xa9: {  	[spmem:s1] =	stream.indirect.scatter.add.f32 @!p0 [tilespmem:s25], [sflag:$0x4], $0x80, s28, s23, $0xb8;
	[tilespmem:$0x1C480] =	vst v63  }
0xaa: {  	_ =	swait.ge @!p0 [sflag:s22], $0x4000  }
0xab: {  	s26 =	simm.s32 @!p0 $0x2;
	[sflag:s22] =	ssyncset.done @!p0 $0x0  }
0xac: {  	[sflag:s22] =	ssyncadd.s32 @!p0 $0xFFFFC000  }
0xad: {  	_ =	swait.ge @!p0 [sflag:s26], $0x4000  }
0xae: {  	s28 =	simm.s32 @!p0 $0x14100;
	[sflag:s26] =	ssyncset.done @!p0 $0x0  }
0xaf: {  	s30 =	simm.s32 @!p0 $0x14280;
	[sflag:s26] =	ssyncadd.s32 @!p0 $0xFFFFC000  }
0xb0: {  	[tilespmem:s25], [sflag:$0x1] =	stream.indirect.gather @!p0 [hbm4b:s4+s23], $0x80, s28, s23, $0xb8;
	[tilespmem:$0x1C480] =	vst v63  }
0xb1: {  	_ = 	snop  }
0xb2: {  	[spmem:s1] =	stream.indirect.scatter.add.f32 @!p0 [tilespmem:s24], [sflag:$0x4], $0x80, s30, s23, $0xb8;
	[tilespmem:$0x1C480] =	vst v63  }
0xb3: {  	_ =	swait.ge @!p0 [sflag:s22], $0x4000  }
0xb4: {  	[sflag:s22] =	ssyncset.done @!p0 $0x0  }
0xb5: {  	[sflag:s22] =	ssyncadd.s32 @!p0 $0xFFFFC000  }
0xb6: {  	_ =	swait.ge @!p0 [sflag:s29], $0x4000  }
0xb7: {  	s28 =	simm.s32 @!p0 $0x14180;
	[sflag:s29] =	ssyncset.done @!p0 $0x0  }
0xb8: {  	[sflag:s29] =	ssyncadd.s32 @!p0 $0xFFFFC000;
	s29 =	simm.s32 @!p0 $0x14300  }
0xb9: {  	[tilespmem:s24], [sflag:$0x2] =	stream.indirect.gather @!p0 [hbm4b:s4+s23], $0x80, s28, s23, $0xb8;
	[tilespmem:$0x1C480] =	vst v63  }
0xba: {  	_ = 	snop  }
0xbb: {  	[spmem:s1] =	stream.indirect.scatter.add.f32 @!p0 [tilespmem:s25], [sflag:$0x4], $0x80, s29, s23, $0xb8;
	[tilespmem:$0x1C480] =	vst v63  }
0xbc: {  	_ =	swait.ge @!p0 [sflag:s22], $0x4000  }
0xbd: {  	[sflag:s22] =	ssyncset.done @!p0 $0x0  }
0xbe: {  	[sflag:s22] =	ssyncadd.s32 @!p0 $0xFFFFC000  }
.Ltmp1:
0xbf: {  	_ =	swait.ge @!p0 [sflag:s26], $0x4000;
	(pc) =	sbr.rel @p1 .LBB2_4-.Ltmp1, $4  }
0xc0: {  	s22 =	simm.s32 @!p0 $0x14380;
	[sflag:s26] =	ssyncset.done @!p0 $0x0  }
0xc1: {  	s20 =	sadd.s32 $0x20, s20;
	s25 =	simm.s32 @!p0 $0x3;
	[sflag:s26] =	ssyncadd.s32 @!p0 $0xFFFFC000  }
0xc2: {  	[spmem:s1] =	stream.indirect.scatter.add.f32 @!p0 [tilespmem:s24], [sflag:$0x3], $0x80, s22, s23, $0xb8;
	[tilespmem:$0x1C480] =	vst v63  }
0xc3: {  	p2 =	sgt.u32 s20, $0x270;
	_ =	swait.ge @!p0 [sflag:s25], $0x4000  }
0xc4: {  	s20 =	sadd.s32 @!p2 s19, s11;
	s21 =	simm.s32 @!p2 $0x0;
	[sflag:s25] =	ssyncset.done @!p0 $0x0  }
0xc5: {  	s22 =	simm.s32 @!p2 $0x14000;
	s23 =	simm.s32 @!p2 $0x4;
	[sflag:s25] =	ssyncadd.s32 @!p0 $0xFFFFC000  }
0xc6: {  	[tilespmem:s22], [sflag:$0x4] =	stream.linear.gather @!p2 [hbm4b:s20+s21], $0x200, $0x38;
	[tilespmem:$0x1C480] =	vst v63  }
0xc7: {  	_ =	swait.ge @!p2 [sflag:s23], $0x200  }
0xc8: {  	[sflag:s23] =	ssyncset.done @!p2 $0x0  }
0xc9: {  	s19 =	sadd.s32 @!p2 s19, s12;
	s20 =	simm.s32 @!p2 $0x14200;
	[sflag:s23] =	ssyncadd.s32 @!p2 $0xFFFFFE00  }
0xca: {  	[tilespmem:s20], [sflag:$0x4] =	stream.linear.gather @!p2 [hbm4b:s19+s21], $0x200, $0x38;
	[tilespmem:$0x1C480] =	vst v63  }
0xcb: {  	p0 =	por p2, p2;
	_ =	swait.ge @!p2 [sflag:s23], $0x200  }
0xcc: {  	s24 =	simm.s32 @!p0 $0x1;
	[sflag:s23] =	ssyncset.done @!p0 $0x0  }
0xcd: {  	s19 =	simm.s32 @!p0 $0x80;
	s21 =	simm.s32 @!p0 $0x14480;
	[sflag:s23] =	ssyncadd.s32 @!p0 $0xFFFFFE00  }
0xce: {  	[tilespmem:s21], [sflag:$0x1] =	stream.indirect.gather @!p0 [hbm4b:s4+s19], $0x80, s22, s19, $0xb8;
	[tilespmem:$0x1C480] =	vst v63  }
0xcf: {  	_ =	swait.ge @!p0 [sflag:s24], $0x4000  }
0xd0: {  	[sflag:s24] =	ssyncset.done @!p0 $0x0  }
0xd1: {  	s25 =	simm.s32 @!p0 $0x18480;
	s22 =	simm.s32 @!p0 $0x14080;
	[sflag:s24] =	ssyncadd.s32 @!p0 $0xFFFFC000  }
0xd2: {  	[tilespmem:s25], [sflag:$0x2] =	stream.indirect.gather @!p0 [hbm4b:s4+s19], $0x80, s22, s19, $0xb8;
	[tilespmem:$0x1C480] =	vst v63  }
0xd3: {  	_ = 	snop  }
0xd4: {  	[spmem:s1] =	stream.indirect.scatter.add.f32 @!p0 [tilespmem:s21], [sflag:$0x4], $0x80, s20, s19, $0xb8;
	[tilespmem:$0x1C480] =	vst v63  }
0xd5: {  	_ =	swait.ge @!p0 [sflag:s23], $0x4000  }
0xd6: {  	[sflag:s23] =	ssyncset.done @!p0 $0x0  }
0xd7: {  	s20 =	simm.s32 @!p0 $0x2;
	[sflag:s23] =	ssyncadd.s32 @!p0 $0xFFFFC000  }
0xd8: {  	_ =	swait.ge @!p0 [sflag:s20], $0x4000  }
0xd9: {  	[sflag:s20] =	ssyncset.done @!p0 $0x0  }
0xda: {  	s22 =	simm.s32 @!p0 $0x14100;
	[sflag:s20] =	ssyncadd.s32 @!p0 $0xFFFFC000  }
0xdb: {  	[tilespmem:s21], [sflag:$0x1] =	stream.indirect.gather @!p0 [hbm4b:s4+s19], $0x80, s22, s19, $0xb8;
	[tilespmem:$0x1C480] =	vst v63  }
0xdc: {  	s22 =	simm.s32 @!p0 $0x14280  }
0xdd: {  	[spmem:s1] =	stream.indirect.scatter.add.f32 @!p0 [tilespmem:s25], [sflag:$0x4], $0x80, s22, s19, $0xb8;
	[tilespmem:$0x1C480] =	vst v63  }
0xde: {  	_ =	swait.ge @!p0 [sflag:s23], $0x4000  }
0xdf: {  	[sflag:s23] =	ssyncset.done @!p0 $0x0  }
0xe0: {  	[sflag:s23] =	ssyncadd.s32 @!p0 $0xFFFFC000  }
0xe1: {  	_ =	swait.ge @!p0 [sflag:s24], $0x4000  }
0xe2: {  	[sflag:s24] =	ssyncset.done @!p0 $0x0  }
0xe3: {  	s22 =	simm.s32 @!p0 $0x14180;
	[sflag:s24] =	ssyncadd.s32 @!p0 $0xFFFFC000  }
0xe4: {  	[tilespmem:s25], [sflag:$0x2] =	stream.indirect.gather @!p0 [hbm4b:s4+s19], $0x80, s22, s19, $0xb8;
	[tilespmem:$0x1C480] =	vst v63  }
0xe5: {  	s22 =	simm.s32 @!p0 $0x14300  }
0xe6: {  	[spmem:s1] =	stream.indirect.scatter.add.f32 @!p0 [tilespmem:s21], [sflag:$0x4], $0x80, s22, s19, $0xb8;
	[tilespmem:$0x1C480] =	vst v63  }
0xe7: {  	_ =	swait.ge @!p0 [sflag:s23], $0x4000  }
0xe8: {  	[sflag:s23] =	ssyncset.done @!p0 $0x0  }
0xe9: {  	[sflag:s23] =	ssyncadd.s32 @!p0 $0xFFFFC000  }
0xea: {  	_ =	swait.ge @!p0 [sflag:s20], $0x4000  }
0xeb: {  	[sflag:s20] =	ssyncset.done @!p0 $0x0  }
0xec: {  	s21 =	simm.s32 @!p0 $0x14380;
	[sflag:s20] =	ssyncadd.s32 @!p0 $0xFFFFC000;
	s20 =	simm.s32 @!p0 $0x3  }
0xed: {  	[spmem:s1] =	stream.indirect.scatter.add.f32 @!p0 [tilespmem:s25], [sflag:$0x3], $0x80, s21, s19, $0xb8;
	[tilespmem:$0x1C480] =	vst v63  }
0xee: {  	_ =	swait.ge @!p0 [sflag:s20], $0x4000  }
0xef: {  	[sflag:s20] =	ssyncset.done @!p0 $0x0  }
0xf0: {  	[sflag:s20] =	ssyncadd.s32 @!p0 $0xFFFFC000  }
0xf1: {  	[bflag:$0x0] =	sbarrier.arrive $0xFFFF  }
0xf2: {  	[tilespmem:$0x14400] =	vst v31  }
0xf3: {  	[tilespmem:$0x14410] =	vst v0  }
0xf4: {  	[tilespmem:$0x14420] =	vst v1  }
0xf5: {  	[tilespmem:$0x14430] =	vst v2  }
0xf6: {  	[tilespmem:$0x14440] =	vst v3  }
0xf7: {  	[tilespmem:$0x14450] =	vst v4  }
0xf8: {  	[tilespmem:$0x14460] =	vst v5  }
0xf9: {  	[tilespmem:$0x14470] =	vst v6  }
0xfa: {  	[tilespmem:s16], [sflag:$0x3] =	stream.indirect.gather [spmem:s1], $0x80, s15, s14, $0xb8;
	[tilespmem:$0x1C480] =	vst v63  }
0xfb: {  	_ =	swait.ge [sflag:s17], $0x4000  }
0xfc: {  	[sflag:s17] =	ssyncset.done $0x0  }
0xfd: {  	[sflag:s17] =	ssyncadd.s32 $0xFFFFC000  }
0xfe: {  	[hbm4b:s5+s3] =	stream.linear.scatter [tilespmem:s16], [sflag:$0x3], $0x4000, $0x38;
	[tilespmem:$0x1C480] =	vst v63  }
0xff: {  	_ =	swait.ge [sflag:s17], $0x4000  }
0x100: {  	[sflag:s17] =	ssyncset.done $0x0  }
0x101: {  	[sflag:s17] =	ssyncadd.s32 $0xFFFFC000  }
0x102: {  	[tilespmem:$0x14400] =	vst v7  }
0x103: {  	[tilespmem:$0x14410] =	vst v8  }
0x104: {  	[tilespmem:$0x14420] =	vst v9  }
0x105: {  	[tilespmem:$0x14430] =	vst v10  }
0x106: {  	[tilespmem:$0x14440] =	vst v11  }
0x107: {  	[tilespmem:$0x14450] =	vst v12  }
0x108: {  	[tilespmem:$0x14460] =	vst v13  }
0x109: {  	[tilespmem:$0x14470] =	vst v14  }
0x10a: {  	[tilespmem:s16], [sflag:$0x3] =	stream.indirect.gather [spmem:s1], $0x80, s15, s14, $0xb8;
	[tilespmem:$0x1C480] =	vst v63  }
0x10b: {  	_ =	swait.ge [sflag:s17], $0x4000  }
0x10c: {  	[sflag:s17] =	ssyncset.done $0x0  }
0x10d: {  	[sflag:s17] =	ssyncadd.s32 $0xFFFFC000  }
0x10e: {  	[hbm4b:s6+s3] =	stream.linear.scatter [tilespmem:s16], [sflag:$0x3], $0x4000, $0x38;
	[tilespmem:$0x1C480] =	vst v63  }
0x10f: {  	_ =	swait.ge [sflag:s17], $0x4000  }
0x110: {  	[sflag:s17] =	ssyncset.done $0x0  }
0x111: {  	[sflag:s17] =	ssyncadd.s32 $0xFFFFC000  }
0x112: {  	[tilespmem:$0x14400] =	vst v15  }
0x113: {  	[tilespmem:$0x14410] =	vst v16  }
0x114: {  	[tilespmem:$0x14420] =	vst v17  }
0x115: {  	[tilespmem:$0x14430] =	vst v18  }
0x116: {  	[tilespmem:$0x14440] =	vst v19  }
0x117: {  	[tilespmem:$0x14450] =	vst v20  }
0x118: {  	[tilespmem:$0x14460] =	vst v21  }
0x119: {  	[tilespmem:$0x14470] =	vst v22  }
0x11a: {  	[tilespmem:s16], [sflag:$0x3] =	stream.indirect.gather [spmem:s1], $0x80, s15, s14, $0xb8;
	[tilespmem:$0x1C480] =	vst v63  }
0x11b: {  	_ =	swait.ge [sflag:s17], $0x4000  }
0x11c: {  	[sflag:s17] =	ssyncset.done $0x0  }
0x11d: {  	[sflag:s17] =	ssyncadd.s32 $0xFFFFC000  }
0x11e: {  	[hbm4b:s7+s3] =	stream.linear.scatter [tilespmem:s16], [sflag:$0x3], $0x4000, $0x38;
	[tilespmem:$0x1C480] =	vst v63  }
0x11f: {  	_ =	swait.ge [sflag:s17], $0x4000  }
0x120: {  	[sflag:s17] =	ssyncset.done $0x0  }
0x121: {  	[sflag:s17] =	ssyncadd.s32 $0xFFFFC000  }
0x122: {  	[tilespmem:$0x14400] =	vst v23  }
0x123: {  	[tilespmem:$0x14410] =	vst v24  }
0x124: {  	[tilespmem:$0x14420] =	vst v25  }
0x125: {  	[tilespmem:$0x14430] =	vst v26  }
0x126: {  	[tilespmem:$0x14440] =	vst v27  }
0x127: {  	[tilespmem:$0x14450] =	vst v28  }
0x128: {  	[tilespmem:$0x14460] =	vst v29  }
0x129: {  	[tilespmem:$0x14470] =	vst v30  }
0x12a: {  	[tilespmem:s16], [sflag:$0x3] =	stream.indirect.gather [spmem:s1], $0x80, s15, s14, $0xb8;
	[tilespmem:$0x1C480] =	vst v63  }
0x12b: {  	_ =	swait.ge [sflag:s17], $0x4000  }
0x12c: {  	[sflag:s17] =	ssyncset.done $0x0  }
0x12d: {  	[sflag:s17] =	ssyncadd.s32 $0xFFFFC000  }
0x12e: {  	[hbm4b:s8+s3] =	stream.linear.scatter [tilespmem:s16], [sflag:$0x3], $0x4000, $0x38;
	[tilespmem:$0x1C480] =	vst v63  }
0x12f: {  	_ =	swait.ge [sflag:s17], $0x4000  }
0x130: {  	[sflag:s17] =	ssyncset.done $0x0  }
0x131: {  	[sflag:s17] =	ssyncadd.s32 $0xFFFFC000  }
0x132: {  	[tilespmem:$0x14400] =	vst v32  }
0x133: {  	[tilespmem:$0x14410] =	vst v33  }
0x134: {  	[tilespmem:$0x14420] =	vst v34  }
0x135: {  	[tilespmem:$0x14430] =	vst v35  }
0x136: {  	[tilespmem:$0x14440] =	vst v36  }
0x137: {  	[tilespmem:$0x14450] =	vst v37  }
0x138: {  	[tilespmem:$0x14460] =	vst v38  }
0x139: {  	[tilespmem:$0x14470] =	vst v39  }
0x13a: {  	[tilespmem:s16], [sflag:$0x3] =	stream.indirect.gather [spmem:s1], $0x80, s15, s14, $0xb8;
	[tilespmem:$0x1C480] =	vst v63  }
0x13b: {  	s18 =	sadd.s32 $0x1, s18;
	_ =	swait.ge [sflag:s17], $0x4000  }
0x13c: {  	p0 =	sne.s32 s18, s10;
	[sflag:s17] =	ssyncset.done $0x0  }
.Ltmp2:
0x13d: {  	[sflag:s17] =	ssyncadd.s32 $0xFFFFC000;
	(pc) =	sbr.rel @p0 .LBB2_1-.Ltmp2, $4  }
0x13e: {  	[hbm4b:s9+s3] =	stream.linear.scatter [tilespmem:s16], [sflag:$0x3], $0x4000, $0x38;
	[tilespmem:$0x1C480] =	vst v63  }
0x13f: {  	_ =	swait.ge [sflag:s17], $0x4000  }
0x140: {  	[sflag:s17] =	ssyncset.done $0x0  }
0x141: {  	[sflag:s17] =	ssyncadd.s32 $0xFFFFC000  }
0x142: {  	_ =	sfence.sel $0x180000  }
0x143: {  	[bflag:$0x0] =	sbarrier.arrive $0xFFFF  }
0x144: {  	p0 =	sne.s32 s2, $0x0;
	_ =	strace $0x9000004A  }
0x145: {  	s0 =	sadd.s32 @!p0 $0x100000, s0;
	[bflag:$0x2] =	sbarrier.arrive $0xFFFF  }
0x146: {  	[sflag:s0] =	ssyncadd.tile.s32 @!p0 $0x1;
	_ =	shalt  }
.Lfunc_end2:
_tile_overlayer_lowered:
.L_overlay_start_2:
0x147: {  	(tag) =	ssettag $0x2  }
0x148: {  	s0 =	rddreg [dreg:$0x0];
	s2 =	stileid.u32  }
0x149: {  	s1 =	rddreg [dreg:$0x1];
	p0 =	sne.s32 s2, $0x0  }
0x14a: {  	s3 =	rddreg [dreg:$0x2];
	[bflag:$0x3] =	sbarrier.arrive $0xFFFF;
	s2 =	simm.s32 @!p0 $0x1C03  }
0x14b: {  	[timem:s3], [sflag:s2] =	dma.local @!p0 [hbm:s0], s1  }
0x14c: {  	s0 =	simm.s32 @!p0 $0x3  }
0x14d: {  	_ =	swait.ge @!p0 [sflag:s0], s1  }
0x14e: {  	s1 =	ssub.s32 @!p0 $0x0, s1;
	[sflag:s0] =	ssyncset.done @!p0 $0x0  }
0x14f: {  	[sflag:s0] =	ssyncadd.s32 @!p0 s1  }
0x150: {  	[bflag:$0x3] =	sbarrier.arrive $0xFFFF  }
0x151: {  	_ =	shalt  }

// kernel: kernel.17.cloned.1.call-start
scs
__scs_entry_jumppad:
0x0: {  	(pc) =	sbr.rel $0x88, $3  }
0x1: {  	(tag) =	ssettag $0x0;
	lr =	simm.s32 $0x1  }
0x2: {  	[smem:$0x3F9B] =	sst lr;
	_ =	strace $0xD0000000  }
0x3: {  	_ = 	snop  }
0x4: {  	_ = 	snop  }
0x5: {  	_ = 	snop  }
0x6: {  	_ = 	snop  }
0x7: {  	_ = 	snop  }
__scs_overlays_trampoline_lowered:
0x8: {  	[smem:$0x3FAA] =	sst s0  }
0x9: {  	[smem:$0x3FAB] =	sst s1  }
0xa: {  	[smem:$0x3FAC] =	sst s2  }
0xb: {  	[smem:$0x3FAD] =	sst s3  }
0xc: {  	[smem:$0x3FAE] =	sst s4  }
0xd: {  	[smem:$0x3FAF] =	sst s5  }
0xe: {  	[smem:$0x3FB0] =	sst s6  }
0xf: {  	[smem:$0x3FB1] =	sst s7  }
0x10: {  	[smem:$0x3FB2] =	sst s8  }
0x11: {  	[smem:$0x3FB3] =	sst s9;
	s0 =	simm.s32 @!p0 $0x0  }
0x12: {  	s1 =	sld [smem:$0x3F99];
	s0 =	simm.s32 @p0 $0x1  }
0x13: {  	[smem:$0x3FB4] =	sst s0;
	s0 =	simm.s32 @!p1 $0x0  }
0x14: {  	s2 =	sld [smem:$0x3F98];
	s0 =	simm.s32 @p1 $0x1  }
0x15: {  	[smem:$0x3FB5] =	sst s0;
	s0 =	simm.s32 @!p2 $0x0  }
0x16: {  	s3 =	sld [smem:$0x3FDB];
	s0 =	simm.s32 @p2 $0x1  }
0x17: {  	s4 =	simm.s32 $0x1BF5;
	[smem:$0x3FB7] =	sst s0  }
0x18: {  	s0 =	sld [smem:$0x3F9A];
	_ =	swait.ge [sflag:s4], $0x0  }
0x19: {  	s7 =	sld [smem:$0x3F9B]  }
0x1a: {  	s8 =	sadd.s32 $0xFFFFE003, lr  }
0x1b: {  	s9 =	sadd.s32 $0xFFFFFEF7, lr;
	s5 =	simm.s32 $0xFFFFFFFF;
	p2 =	slt.u32 s8, $0xFFFFF086  }
0x1c: {  	p1 =	slt.u32 s9, $0xF7A;
	s5 =	simm.s32 @!p2 $0x0  }
0x1d: {  	s5 =	simm.s32 @p1 $0x1;
	p0 =	seq.s32 s7, s2  }
0x1e: {  	s7 =	smul.u32 @!p0 $0xF7A, s2;
	p2 =	seq.s32 @!p0 s5, $0x0  }
0x1f: {  	s9 =	smul.u32 $0xF7A, s1;
	s8 =	simm.s32 @!p0 $0x1BF5;
	p2 =	por !p2, p0  }
0x20: {  	[sflag:s8] =	ssyncset.s32 @!p0 $0xFFFFF086;
	s6 =	sadd.s32 @!p0 s3, s7;
	s7 =	simm.s32 @!p0 $0x108  }
0x21: {  	s3 =	sadd.s32 s3, s9;
	s6 =	sadd.s32 @!p0 $0x88, s6;
	s7 =	simm.s32 @p2 $0x1082  }
0x22: {  	[simem:s7], [sflag:s8] =	dma.local @!p0 [hbm:s6], $0xF7A  }
0x23: {  	s9 =	sor.u32 $0xD0000000, s2;
	s6 =	simm.s32 $0x108;
	_ =	swait.ge @!p0 [sflag:s8], $0x0  }
0x24: {  	s3 =	sadd.s32 $0x88, s3;
	s6 =	simm.s32 @!p1 $0x1082;
	[sflag:s4] =	ssyncset.s32 $0xFFFFF086  }
0x25: {  	[simem:s6], [sflag:s4] =	dma.local [hbm:s3], $0xF7A  }
0x26: {  	[smem:$0x3F9B] =	sst s1;
	(tag) =	ssettag s2;
	_ =	strace s9  }
0x27: {  	s1 =	sld [smem:$0x3FAB]  }
0x28: {  	s2 =	sld [smem:$0x3FAC]  }
0x29: {  	s4 =	sld [smem:$0x3FAE]  }
0x2a: {  	p0 =	seq.s32 s5, $0x0;
	s5 =	sld [smem:$0x3FAF]  }
0x2b: {  	s6 =	sld [smem:$0x3FB0]  }
0x2c: {  	s7 =	sld [smem:$0x3FB1]  }
0x2d: {  	s3 =	simm.s32 $0x108;
	s8 =	sld [smem:$0x3FB2]  }
0x2e: {  	s3 =	simm.s32 @!p0 $0x1082;
	s9 =	sld [smem:$0x3FB3]  }
0x2f: {  	lr =	sadd.s32 s0, s3;
	s0 =	sld [smem:$0x3FAA]  }
0x30: {  	s3 =	sld [smem:$0x3FAD]  }
0x31: {  	[smem:$0x3FB6] =	sst s10  }
0x32: {  	s10 =	sld [smem:$0x3FB4];
	_ =	sdelay $0x3  }
0x33: {  	p0 =	seq.s32 s10, $0x1;
	s10 =	sld [smem:$0x3FB6];
	_ =	sdelay $0x3  }
0x34: {  	[smem:$0x3FB6] =	sst s10  }
0x35: {  	s10 =	sld [smem:$0x3FB5];
	_ =	sdelay $0x3  }
0x36: {  	p1 =	seq.s32 s10, $0x1;
	s10 =	sld [smem:$0x3FB6];
	_ =	sdelay $0x3  }
0x37: {  	[smem:$0x3FB6] =	sst s10  }
0x38: {  	s10 =	sld [smem:$0x3FB7]  }
0x39: {  	_ = 	snop;
	(pc) =	sbr.ind lr, $3  }
0x3a: {  	_ = 	snop  }
0x3b: {  	_ = 	snop  }
0x3c: {  	p2 =	seq.s32 s10, $0x1;
	s10 =	sld [smem:$0x3FB6]  }
0x3d: {  	_ =	shalt  }
0x3e: {  	_ =	shalt  }
0x3f: {  	_ =	shalt  }
0x40: {  	_ =	shalt  }
0x41: {  	_ =	shalt  }
0x42: {  	_ =	shalt  }
0x43: {  	_ =	shalt  }
0x44: {  	_ =	shalt  }
0x45: {  	_ =	shalt  }
0x46: {  	_ =	shalt  }
0x47: {  	_ =	shalt  }
0x48: {  	_ =	shalt  }
0x49: {  	_ =	shalt  }
0x4a: {  	_ =	shalt  }
0x4b: {  	_ =	shalt  }
0x4c: {  	_ =	shalt  }
0x4d: {  	_ =	shalt  }
0x4e: {  	_ =	shalt  }
0x4f: {  	_ =	shalt  }
0x50: {  	_ =	shalt  }
0x51: {  	_ =	shalt  }
0x52: {  	_ =	shalt  }
0x53: {  	_ =	shalt  }
0x54: {  	_ =	shalt  }
0x55: {  	_ =	shalt  }
0x56: {  	_ =	shalt  }
0x57: {  	_ =	shalt  }
0x58: {  	_ =	shalt  }
0x59: {  	_ =	shalt  }
0x5a: {  	_ =	shalt  }
0x5b: {  	_ =	shalt  }
0x5c: {  	_ =	shalt  }
0x5d: {  	_ =	shalt  }
0x5e: {  	_ =	shalt  }
0x5f: {  	_ =	shalt  }
0x60: {  	_ =	shalt  }
0x61: {  	_ =	shalt  }
0x62: {  	_ =	shalt  }
0x63: {  	_ =	shalt  }
0x64: {  	_ =	shalt  }
0x65: {  	_ =	shalt  }
0x66: {  	_ =	shalt  }
0x67: {  	_ =	shalt  }
0x68: {  	_ =	shalt  }
0x69: {  	_ =	shalt  }
0x6a: {  	_ =	shalt  }
0x6b: {  	_ =	shalt  }
0x6c: {  	_ =	shalt  }
0x6d: {  	_ =	shalt  }
0x6e: {  	_ =	shalt  }
0x6f: {  	_ =	shalt  }
0x70: {  	_ =	shalt  }
0x71: {  	_ =	shalt  }
0x72: {  	_ =	shalt  }
0x73: {  	_ =	shalt  }
0x74: {  	_ =	shalt  }
0x75: {  	_ =	shalt  }
0x76: {  	_ =	shalt  }
0x77: {  	_ =	shalt  }
0x78: {  	_ =	shalt  }
0x79: {  	_ =	shalt  }
0x7a: {  	_ =	shalt  }
0x7b: {  	_ =	shalt  }
0x7c: {  	_ =	shalt  }
0x7d: {  	_ =	shalt  }
0x7e: {  	_ =	shalt  }
0x7f: {  	_ =	shalt  }
0x80: {  	_ =	shalt  }
0x81: {  	_ =	shalt  }
0x82: {  	_ =	shalt  }
0x83: {  	_ =	shalt  }
0x84: {  	_ =	shalt  }
0x85: {  	_ =	shalt  }
0x86: {  	_ =	shalt  }
0x87: {  	_ =	shalt  }
.Lfunc_end0:
.L_simem_size_0:
called_computation.2_lowered:
.L_overlay_start_0:
0x88: {  	s2 =	sld [smem:$0x3FD9]  }
0x89: {  	s3 =	sld [smem:$0x3FFE];
	_ =	sdelay $0x1  }
0x8a: {  	s1 =	srdreg.scid  }
0x8b: {  	s0 =	sand.u32 $0x1, s1  }
0x8c: {  	s16 =	sshll.u32 s0, $0xA;
	s2 =	sadd.s32 s3, s2  }
0x8d: {  	s2 =	sadd.s32 s2, s16  }
0x8e: {  	[smem:$0x3FC2] =	sst s2  }
0x8f: {  	_ = 	snop  }
0x90: {  	(tm) =	ssettm $0x1  }
0x91: {  	s17 =	sld [smem:$0x3FFB];
	_ =	sdelay $0x3  }
0x92: {  	_ =	strace s17  }
0x93: {  	s2 =	sld [smem:$0x3FFC];
	_ =	sdelay $0x3  }
0x94: {  	_ =	strace s2  }
0x95: {  	s2 =	sld [smem:$0x3FFD];
	_ =	sdelay $0x3  }
0x96: {  	_ =	strace s2  }
0x97: {  	_ =	strace $0x8FFFFFFF  }
0x98: {  	s18 =	sld [smem:$0x3FDB];
	_ =	sdelay $0x1  }
0x99: {  	s19 =	simm.s32 $_scs_section_size  }
0x9a: {  	s4 =	simm.s32 $_size__tile_overlayer_lowered;
	s5 =	simm.s32 $_tile_overlayer_lowered  }
0x9b: {  	s22 =	simm.s32 $0x1BFF;
	s21 =	sshll.u32 s5, $0x1;
	s2 =	sadd.s32 s19, s18  }
0x9c: {  	s6 =	simm.s32 $0x0;
	s20 =	sshll.u32 s4, $0x1;
	s4 =	sadd.s32 s21, s2  }
0x9d: {  	[timem:s6], [sflag:s22] =	dma.local [hbm:s4], s20  }
0x9e: {  	_ =	swait.ge [sflag:s22], s20  }
0x9f: {  	s3 =	ssub.s32 $0x0, s20;
	[sflag:s22] =	ssyncset.done $0x0  }
0xa0: {  	[sflag:s22] =	ssyncadd.s32 s3;
	_ =	sdelay $0x1  }
0xa1: {  	s23 =	simm.s32 $0x1B8B  }
0xa2: {  	_ =	swait.ge [sflag:s23], $0x1  }
0xa3: {  	[sflag:s23] =	ssyncset.done $0x0  }
0xa4: {  	s25 =	simm.s32 $0x1B8E;
	s24 =	sld [smem:$0x3FFE];
	[sflag:s23] =	ssyncadd.s32 $0xFFFFFFFF  }
0xa5: {  	s26 =	simm.s32 $execute0_lowered;
	[smem:$0x3FD2] =	sst s25  }
0xa6: {  	s4 =	sshll.u32 s26, $0x1;
	_ =	strace $0x8000004C;
	[dreg:$0x1] =	wrdreg $0xFFFFFFFF  }
0xa7: {  	s28 =	simm.s32 $_size_execute0_lowered;
	s2 =	sadd.s32 s2, s4;
	[dreg:$0x0] =	wrdreg $0x0  }
0xa8: {  	s4 =	sshll.u32 s28, $0x1;
	[dreg:$0x2] =	wrdreg s2  }
0xa9: {  	[dreg:$0x3] =	wrdreg s4  }
0xaa: {  	[dreg:$0x4] =	wrdreg $0xC0  }
0xab: {  	_ =	task [dreg:s6], $0x5FFFF  }
0xac: {  	[dreg:$0x1] =	wrdreg $0xFFFFFFFF  }
0xad: {  	[dreg:$0x0] =	wrdreg $0x60  }
0xae: {  	[dreg:$0x2] =	wrdreg s24  }
0xaf: {  	[dreg:$0x3] =	wrdreg $0x0  }
0xb0: {  	[dreg:$0x4] =	wrdreg $0x9  }
0xb1: {  	_ =	task.clear_ibuf [dreg:s6], $0x5FFFF;
	_ =	strace $0x9000004C  }
0xb2: {  	s29 =	simm.s32 $0x9;
	_ =	strace $0x8000004E  }
0xb3: {  	_ =	swait.ge [sflag:s29], $0x1  }
0xb4: {  	[sflag:s29] =	ssyncadd.s32 $0xFFFFFFFF  }
0xb5: {  	_ =	strace $0x9000004E  }
0xb6: {  	_ =	sfence  }
0xb7: {  	s30 =	sld [smem:$0x0];
	_ =	sdelay $0x2  }
0xb8: {  	s31 =	sshll.u32 s1, $0xD;
	s1 =	sshrl.u32 s1, $0x2  }
0xb9: {  	s3 =	sand.u32 $0x4000, s31;
	s1 =	sadd.s32 s1, s30  }
0xba: {  	s0 =	sor.u32 s3, s0;
	s1 =	sshll.u32 s1, $0x11  }
0xbb: {  	s0 =	sor.u32 s1, s0  }
0xbc: {  	s0 =	sadd.s32 $0x8F2B, s0  }
0xbd: {  	[sflag:s0] =	ssyncadd.remote.s32 $0x1  }
0xbe: {  	_ =	sfence.sel $0xFFFF  }
0xbf: {  	[dreg:$0x0] =	wrdreg $0xFFFFFFFF;
	(pc) =	sbr.abs _section_cstart, $3  }
0xc0: {  	[dreg:$0x1] =	wrdreg $0xFFFFFFFF  }
0xc1: {  	_ =	task.clear_ibuf [dreg:s6], $0x2FFFF;
	_ =	strace $0x9FFFFFFF  }
0xc2: {  	(tm) =	ssettm $0x7FFFFFFF  }
0xc3: {  	_ =	shalt  }
tec
execute0_lowered:
.L_overlay_start_1:
0x0: {  	(tag) =	ssettag $0x1  }
0x1: {  	s5 =	rddreg [dreg:$0x0]  }
0x2: {  	s1 =	rddreg [dreg:$0x1]  }
0x3: {  	s0 =	rddreg [dreg:$0x2];
	s3 =	simm.s32 $0x0;
	s2 =	stileid.u32  }
0x4: {  	s4 =	srdreg.scid;
	[smem:$0x7FF] =	sst s3;
	s10 =	sshll.u32 s2, $0x6  }
0x5: {  	s6 =	sshll.u32 s4, $0xA;
	s7 =	sand.u32 $0x1, s4;
	s12 =	smul.u32 $0x280, s2  }
0x6: {  	s4 =	sadd.s32 $0x84A00, s5;
	s9 =	sadd.s32 $0x246800, s5;
	s25 =	smul.u32 $0x14000, s2  }
0x7: {  	_ =	strace $0x8000004D;
	s6 =	sor.u32 s10, s6;
	s8 =	ssub.s32 $0x2, s7  }
0x8: {  	s13 =	sshll.u32 s7, $0x4;
	s31 =	smul.u32 $0x140000, s7;
	s10 =	sand.u32 $0x40, s10  }
0x9: {  	s6 =	sand.u32 $0x780, s6;
	s11 =	sshrl.u32 s8, $0x1;
	s17 =	sor.u32 $0x20, s12  }
0xa: {  	s18 =	sor.u32 $0x30, s12;
	s19 =	sor.u32 $0x40, s12;
	s20 =	sor.u32 $0x50, s12  }
0xb: {  	s21 =	sadd.s32 $0x80, s12;
	s22 =	sadd.s32 $0x100, s12;
	s7 =	sadd.s32 $0x180, s12  }
0xc: {  	s15 =	sadd.s32 $0x200, s12;
	s30 =	sor.u32 $0x70, s12;
	s13 =	sor.u32 s13, s2  }
0xd: {  	s14 =	sadd.s32 s6, s5;
	s11 =	ssub.s32 s8, s11;
	s8 =	sor.u32 $0x10, s12  }
0xe: {  	v39 =	vlaneseq.u32;
	s16 =	sshll.u32 s21, $0x7;
	s6 =	sadd.s32 s25, s31;
	s26 =	sshll.u32 s22, $0x7  }
0xf: {  	s24 =	sshll.u32 s7, $0x7;
	s25 =	sshll.u32 s15, $0x7;
	v1 =	vor.u32 s17, v39;
	s17 =	sadd.s32 $0xA0, s12  }
0x10: {  	v2 =	vor.u32 s18, v39;
	v3 =	vor.u32 s19, v39;
	v4 =	vor.u32 s20, v39;
	s18 =	sadd.s32 $0xD0, s12;
	s19 =	sadd.s32 $0xE0, s12;
	s20 =	sadd.s32 $0xF0, s12  }
0x11: {  	v6 =	vor.u32 s30, v39;
	v7 =	vor.u32 s21, v39;
	s30 =	sadd.s32 $0x130, s12;
	v15 =	vor.u32 s22, v39;
	s21 =	sadd.s32 $0x1C0, s12;
	s22 =	sadd.s32 $0x1D0, s12  }
0x12: {  	v32 =	vor.u32 s15, v39;
	s15 =	simm.s32 $0x14400;
	s23 =	sadd.s32 s31, s16;
	s26 =	sadd.s32 s31, s26  }
0x13: {  	s24 =	sadd.s32 s31, s24;
	s16 =	sadd.s32 s31, s25;
	s25 =	sor.u32 $0x60, s12  }
0x14: {  	s28 =	sshrl.u32 s6, $0x3;
	s31 =	sadd.s32 $0xB0, s12;
	v9 =	vor.u32 s17, v39;
	s17 =	sadd.s32 $0x150, s12  }
0x15: {  	v12 =	vor.u32 s18, v39;
	v13 =	vor.u32 s19, v39;
	s18 =	sadd.s32 $0x170, s12;
	s19 =	sadd.s32 $0x190, s12;
	v14 =	vor.u32 s20, v39;
	s20 =	sadd.s32 $0x1B0, s12  }
0x16: {  	v18 =	vor.u32 s30, v39;
	s30 =	sadd.s32 $0x210, s12;
	s14 =	sadd.s32 s10, s14;
	s10 =	smax.u32 s11, $0x1  }
0x17: {  	v40 =	vimm.f32 $0.0e+00;
	s29 =	sshrl.u32 s23, $0x3;
	s5 =	sadd.s32 s9, s28;
	s23 =	sshrl.u32 s26, $0x3  }
0x18: {  	v31 =	vor.u32 s12, v39;
	v23 =	vor.u32 s7, v39;
	s24 =	sshrl.u32 s24, $0x3;
	s28 =	sadd.s32 $0x90, s12;
	v5 =	vor.u32 s25, v39;
	s25 =	sadd.s32 $0x110, s12  }
0x19: {  	v0 =	vor.u32 s8, v39;
	s26 =	sadd.s32 $0x120, s12;
	v10 =	vor.u32 s31, v39;
	s31 =	sadd.s32 $0x140, s12;
	v20 =	vor.u32 s17, v39;
	s17 =	sadd.s32 $0x220, s12  }
0x1a: {  	v27 =	vor.u32 s21, v39;
	v28 =	vor.u32 s22, v39;
	v22 =	vor.u32 s18, v39;
	s18 =	sadd.s32 $0x230, s12;
	s16 =	sshrl.u32 s16, $0x3;
	s11 =	sadd.s32 $0x23CA00, s14  }
0x1b: {  	v24 =	vor.u32 s19, v39;
	v26 =	vor.u32 s20, v39;
	s6 =	sadd.s32 s9, s29;
	s29 =	sadd.s32 $0xC0, s12;
	v8 =	vor.u32 s28, v39;
	s28 =	sadd.s32 $0x160, s12  }
0x1c: {  	v33 =	vor.u32 s30, v39;
	v17 =	vor.u32 s26, v39;
	v19 =	vor.u32 s31, v39;
	s26 =	sadd.s32 $0x1E0, s12;
	s31 =	sadd.s32 $0x1F0, s12;
	s7 =	sadd.s32 s9, s23  }
0x1d: {  	v16 =	vor.u32 s25, v39;
	s8 =	sadd.s32 s9, s24;
	s9 =	sadd.s32 s9, s16;
	s24 =	sadd.s32 $0x250, s12;
	v34 =	vor.u32 s17, v39;
	v35 =	vor.u32 s18, v39  }
0x1e: {  	s16 =	simm.s32 $0x14480;
	s17 =	simm.s32 $0x3;
	v11 =	vor.u32 s29, v39;
	s29 =	sadd.s32 $0x1A0, s12;
	v21 =	vor.u32 s28, v39;
	v29 =	vor.u32 s26, v39  }
0x1f: {  	s28 =	sadd.s32 $0x240, s12;
	v30 =	vor.u32 s31, v39;
	s31 =	sadd.s32 $0x270, s12;
	v37 =	vor.u32 s24, v39;
	v25 =	vor.u32 s29, v39;
	s29 =	sadd.s32 $0x260, s12  }
0x20: {  	s18 =	simm.s32 $0x0;
	s12 =	sadd.s32 $0x2C00, s14;
	v36 =	vor.u32 s28, v39;
	s14 =	simm.s32 $0x80;
	v38 =	vor.u32 s29, v39;
	v39 =	vor.u32 s31, v39  }
.LBB2_1:
0x21: {  	s19 =	simm.s32 $0x0;
	s20 =	simm.s32 $0x200  }
.LBB2_2:
0x22: {  	p0 =	sne.s32 s20, $0xFE00;
	[tilespmem:s19+$0x144F0] =	vst v40  }
0x23: {  	[tilespmem:s19+$0x14480] =	vst v40  }
0x24: {  	[tilespmem:s19+$0x14490] =	vst v40  }
.Ltmp0:
0x25: {  	[tilespmem:s19+$0x144A0] =	vst v40;
	(pc) =	sbr.rel @p0 .LBB2_2-.Ltmp0, $4  }
0x26: {  	[tilespmem:s19+$0x144B0] =	vst v40  }
0x27: {  	[tilespmem:s19+$0x144C0] =	vst v40  }
0x28: {  	[tilespmem:s19+$0x144D0] =	vst v40  }
0x29: {  	[tilespmem:s19+$0x144E0] =	vst v40;
	s19 =	sshra.s32 s20, $0x2;
	s20 =	sadd.s32 $0x200, s20  }
0x2a: {  	[tilespmem:s19+$0x144F0] =	vst v40  }
0x2b: {  	[tilespmem:s19+$0x14480] =	vst v40  }
0x2c: {  	[tilespmem:s19+$0x14490] =	vst v40  }
0x2d: {  	[tilespmem:s19+$0x144A0] =	vst v40  }
0x2e: {  	[tilespmem:s19+$0x144B0] =	vst v40  }
0x2f: {  	[tilespmem:s19+$0x144C0] =	vst v40  }
0x30: {  	[tilespmem:s19+$0x144D0] =	vst v40  }
0x31: {  	[tilespmem:s19+$0x144E0] =	vst v40  }
0x32: {  	[tilespmem:$0x14400] =	vst v31  }
0x33: {  	[tilespmem:$0x14410] =	vst v0  }
0x34: {  	[tilespmem:$0x14420] =	vst v1  }
0x35: {  	[tilespmem:$0x14430] =	vst v2  }
0x36: {  	[tilespmem:$0x14440] =	vst v3  }
0x37: {  	[tilespmem:$0x14450] =	vst v4  }
0x38: {  	[tilespmem:$0x14460] =	vst v5  }
0x39: {  	[tilespmem:$0x14470] =	vst v6  }
0x3a: {  	[spmem:s1] =	stream.indirect.scatter [tilespmem:s16], [sflag:$0x3], $0x80, s15, s14, $0xb8;
	[tilespmem:$0x1C480] =	vst v63  }
0x3b: {  	_ =	swait.ge [sflag:s17], $0x4000  }
0x3c: {  	[sflag:s17] =	ssyncset.done $0x0  }
0x3d: {  	[sflag:s17] =	ssyncadd.s32 $0xFFFFC000  }
0x3e: {  	[tilespmem:$0x14400] =	vst v7  }
0x3f: {  	[tilespmem:$0x14410] =	vst v8  }
0x40: {  	[tilespmem:$0x14420] =	vst v9  }
0x41: {  	[tilespmem:$0x14430] =	vst v10  }
0x42: {  	[tilespmem:$0x14440] =	vst v11  }
0x43: {  	[tilespmem:$0x14450] =	vst v12  }
0x44: {  	[tilespmem:$0x14460] =	vst v13  }
0x45: {  	[tilespmem:$0x14470] =	vst v14  }
0x46: {  	[spmem:s1] =	stream.indirect.scatter [tilespmem:s16], [sflag:$0x3], $0x80, s15, s14, $0xb8;
	[tilespmem:$0x1C480] =	vst v63  }
0x47: {  	_ =	swait.ge [sflag:s17], $0x4000  }
0x48: {  	[sflag:s17] =	ssyncset.done $0x0  }
0x49: {  	[sflag:s17] =	ssyncadd.s32 $0xFFFFC000  }
0x4a: {  	[tilespmem:$0x14400] =	vst v15  }
0x4b: {  	[tilespmem:$0x14410] =	vst v16  }
0x4c: {  	[tilespmem:$0x14420] =	vst v17  }
0x4d: {  	[tilespmem:$0x14430] =	vst v18  }
0x4e: {  	[tilespmem:$0x14440] =	vst v19  }
0x4f: {  	[tilespmem:$0x14450] =	vst v20  }
0x50: {  	[tilespmem:$0x14460] =	vst v21  }
0x51: {  	[tilespmem:$0x14470] =	vst v22  }
0x52: {  	[spmem:s1] =	stream.indirect.scatter [tilespmem:s16], [sflag:$0x3], $0x80, s15, s14, $0xb8;
	[tilespmem:$0x1C480] =	vst v63  }
0x53: {  	_ =	swait.ge [sflag:s17], $0x4000  }
0x54: {  	[sflag:s17] =	ssyncset.done $0x0  }
0x55: {  	[sflag:s17] =	ssyncadd.s32 $0xFFFFC000  }
0x56: {  	[tilespmem:$0x14400] =	vst v23  }
0x57: {  	[tilespmem:$0x14410] =	vst v24  }
0x58: {  	[tilespmem:$0x14420] =	vst v25  }
0x59: {  	[tilespmem:$0x14430] =	vst v26  }
0x5a: {  	[tilespmem:$0x14440] =	vst v27  }
0x5b: {  	[tilespmem:$0x14450] =	vst v28  }
0x5c: {  	[tilespmem:$0x14460] =	vst v29  }
0x5d: {  	[tilespmem:$0x14470] =	vst v30  }
0x5e: {  	[spmem:s1] =	stream.indirect.scatter [tilespmem:s16], [sflag:$0x3], $0x80, s15, s14, $0xb8;
	[tilespmem:$0x1C480] =	vst v63  }
0x5f: {  	_ =	swait.ge [sflag:s17], $0x4000  }
0x60: {  	[sflag:s17] =	ssyncset.done $0x0  }
0x61: {  	[sflag:s17] =	ssyncadd.s32 $0xFFFFC000  }
0x62: {  	[tilespmem:$0x14400] =	vst v32  }
0x63: {  	[tilespmem:$0x14410] =	vst v33  }
0x64: {  	[tilespmem:$0x14420] =	vst v34  }
0x65: {  	[tilespmem:$0x14430] =	vst v35  }
0x66: {  	[tilespmem:$0x14440] =	vst v36  }
0x67: {  	[tilespmem:$0x14450] =	vst v37  }
0x68: {  	[tilespmem:$0x14460] =	vst v38  }
0x69: {  	[tilespmem:$0x14470] =	vst v39  }
0x6a: {  	[spmem:s1] =	stream.indirect.scatter [tilespmem:s16], [sflag:$0x3], $0x80, s15, s14, $0xb8;
	[tilespmem:$0x1C480] =	vst v63  }
0x6b: {  	_ =	swait.ge [sflag:s17], $0x4000  }
0x6c: {  	p0 =	sgt.u32 s13, $0x270;
	[sflag:s17] =	ssyncset.done $0x0  }
0x6d: {  	s19 =	sadd.s32 @!p0 $0x0, s11;
	s20 =	simm.s32 @!p0 $0x0;
	[sflag:s17] =	ssyncadd.s32 $0xFFFFC000  }
0x6e: {  	s21 =	simm.s32 @!p0 $0x14000;
	s22 =	simm.s32 @!p0 $0x4;
	[bflag:$0x0] =	sbarrier.arrive $0xFFFF  }
0x6f: {  	[tilespmem:s21], [sflag:$0x4] =	stream.linear.gather @!p0 [hbm4b:s19+s20], $0x200, $0x38;
	[tilespmem:$0x1C480] =	vst v63  }
0x70: {  	_ =	swait.ge @!p0 [sflag:s22], $0x200  }
0x71: {  	[sflag:s22] =	ssyncset.done @!p0 $0x0  }
0x72: {  	s23 =	simm.s32 @!p0 $0x14200;
	s19 =	sadd.s32 @!p0 $0x0, s12;
	[sflag:s22] =	ssyncadd.s32 @!p0 $0xFFFFFE00  }
0x73: {  	[tilespmem:s23], [sflag:$0x4] =	stream.linear.gather @!p0 [hbm4b:s19+s20], $0x200, $0x38;
	[tilespmem:$0x1C480] =	vst v63  }
0x74: {  	_ =	swait.ge @!p0 [sflag:s22], $0x200;
	p0 =	por p0, p0  }
0x75: {  	[sflag:s22] =	ssyncset.done @!p0 $0x0;
	s19 =	simm.s32 @!p0 $0x80  }
0x76: {  	s20 =	simm.s32 @!p0 $0x14480;
	s24 =	simm.s32 @!p0 $0x1;
	[sflag:s22] =	ssyncadd.s32 @!p0 $0xFFFFFE00  }
0x77: {  	[tilespmem:s20], [sflag:$0x1] =	stream.indirect.gather @!p0 [hbm4b:s4+s19], $0x80, s21, s19, $0xb8;
	[tilespmem:$0x1C480] =	vst v63  }
0x78: {  	_ =	swait.ge @!p0 [sflag:s24], $0x4000  }
0x79: {  	[sflag:s24] =	ssyncset.done @!p0 $0x0  }
0x7a: {  	s25 =	simm.s32 @!p0 $0x18480;
	s21 =	simm.s32 @!p0 $0x14080;
	[sflag:s24] =	ssyncadd.s32 @!p0 $0xFFFFC000  }
0x7b: {  	[tilespmem:s25], [sflag:$0x2] =	stream.indirect.gather @!p0 [hbm4b:s4+s19], $0x80, s21, s19, $0xb8;
	[tilespmem:$0x1C480] =	vst v63  }
0x7c: {  	_ = 	snop  }
0x7d: {  	[spmem:s1] =	stream.indirect.scatter.add.f32 @!p0 [tilespmem:s20], [sflag:$0x4], $0x80, s23, s19, $0xb8;
	[tilespmem:$0x1C480] =	vst v63  }
0x7e: {  	_ =	swait.ge @!p0 [sflag:s22], $0x4000  }
0x7f: {  	[sflag:s22] =	ssyncset.done @!p0 $0x0  }
0x80: {  	s21 =	simm.s32 @!p0 $0x2;
	[sflag:s22] =	ssyncadd.s32 @!p0 $0xFFFFC000  }
0x81: {  	_ =	swait.ge @!p0 [sflag:s21], $0x4000  }
0x82: {  	[sflag:s21] =	ssyncset.done @!p0 $0x0  }
0x83: {  	s23 =	simm.s32 @!p0 $0x14100;
	[sflag:s21] =	ssyncadd.s32 @!p0 $0xFFFFC000  }
0x84: {  	[tilespmem:s20], [sflag:$0x1] =	stream.indirect.gather @!p0 [hbm4b:s4+s19], $0x80, s23, s19, $0xb8;
	[tilespmem:$0x1C480] =	vst v63  }
0x85: {  	s23 =	simm.s32 @!p0 $0x14280  }
0x86: {  	[spmem:s1] =	stream.indirect.scatter.add.f32 @!p0 [tilespmem:s25], [sflag:$0x4], $0x80, s23, s19, $0xb8;
	[tilespmem:$0x1C480] =	vst v63  }
0x87: {  	_ =	swait.ge @!p0 [sflag:s22], $0x4000  }
0x88: {  	[sflag:s22] =	ssyncset.done @!p0 $0x0  }
0x89: {  	[sflag:s22] =	ssyncadd.s32 @!p0 $0xFFFFC000  }
0x8a: {  	_ =	swait.ge @!p0 [sflag:s24], $0x4000  }
0x8b: {  	[sflag:s24] =	ssyncset.done @!p0 $0x0  }
0x8c: {  	s23 =	simm.s32 @!p0 $0x14180;
	[sflag:s24] =	ssyncadd.s32 @!p0 $0xFFFFC000  }
0x8d: {  	[tilespmem:s25], [sflag:$0x2] =	stream.indirect.gather @!p0 [hbm4b:s4+s19], $0x80, s23, s19, $0xb8;
	[tilespmem:$0x1C480] =	vst v63  }
0x8e: {  	s23 =	simm.s32 @!p0 $0x14300  }
0x8f: {  	[spmem:s1] =	stream.indirect.scatter.add.f32 @!p0 [tilespmem:s20], [sflag:$0x4], $0x80, s23, s19, $0xb8;
	[tilespmem:$0x1C480] =	vst v63  }
0x90: {  	_ =	swait.ge @!p0 [sflag:s22], $0x4000  }
0x91: {  	[sflag:s22] =	ssyncset.done @!p0 $0x0  }
0x92: {  	[sflag:s22] =	ssyncadd.s32 @!p0 $0xFFFFC000  }
0x93: {  	_ =	swait.ge @!p0 [sflag:s21], $0x4000  }
0x94: {  	[sflag:s21] =	ssyncset.done @!p0 $0x0  }
0x95: {  	s20 =	simm.s32 @!p0 $0x14380;
	[sflag:s21] =	ssyncadd.s32 @!p0 $0xFFFFC000  }
0x96: {  	[spmem:s1] =	stream.indirect.scatter.add.f32 @!p0 [tilespmem:s25], [sflag:$0x3], $0x80, s20, s19, $0xb8;
	[tilespmem:$0x1C480] =	vst v63  }
0x97: {  	s21 =	simm.s32 $0x1000;
	s25 =	simm.s32 @!p0 $0x3;
	s20 =	sadd.s32 $0x20, s13  }
0x98: {  	s19 =	simm.s32 $0x800;
	p2 =	sgt.u32 s20, $0x270;
	_ =	swait.ge @!p0 [sflag:s25], $0x4000  }
.LBB2_4:
0x99: {  	s23 =	sadd.s32 @!p2 s19, s11;
	s24 =	simm.s32 @!p2 $0x0;
	[sflag:s25] =	ssyncset.done @!p0 $0x0  }
0x9a: {  	s26 =	simm.s32 @!p2 $0x14000;
	s22 =	simm.s32 @!p2 $0x4;
	[sflag:s25] =	ssyncadd.s32 @!p0 $0xFFFFC000  }
0x9b: {  	[tilespmem:s26], [sflag:$0x4] =	stream.linear.gather @!p2 [hbm4b:s23+s24], $0x200, $0x38;
	[tilespmem:$0x1C480] =	vst v63  }
0x9c: {  	s23 =	smov.u32 s21;
	s21 =	sadd.s32 $0x800, s21;
	_ =	swait.ge @!p2 [sflag:s22], $0x200  }
0x9d: {  	s28 =	simm.s32 @!p2 $0x14200;
	s25 =	sadd.s32 @!p2 s19, s12;
	[sflag:s22] =	ssyncset.done @!p2 $0x0  }
0x9e: {  	p1 =	sne.s32 s21, $0xA000;
	s19 =	smov.u32 s23;
	[sflag:s22] =	ssyncadd.s32 @!p2 $0xFFFFFE00  }
0x9f: {  	[tilespmem:s28], [sflag:$0x4] =	stream.linear.gather @!p2 [hbm4b:s25+s24], $0x200, $0x38;
	[tilespmem:$0x1C480] =	vst v63  }
0xa0: {  	p0 =	por p2, p2;
	_ =	swait.ge @!p2 [sflag:s22], $0x200  }
0xa1: {  	s23 =	simm.s32 @!p0 $0x80;
	s25 =	simm.s32 @!p0 $0x14480;
	[sflag:s22] =	ssyncset.done @!p0 $0x0  }
0xa2: {  	s29 =	simm.s32 @!p0 $0x1;
	[sflag:s22] =	ssyncadd.s32 @!p0 $0xFFFFFE00  }
0xa3: {  	[tilespmem:s25], [sflag:$0x1] =	stream.indirect.gather @!p0 [hbm4b:s4+s23], $0x80, s26, s23, $0xb8;
	[tilespmem:$0x1C480] =	vst v63  }
0xa4: {  	_ =	swait.ge @!p0 [sflag:s29], $0x4000  }
0xa5: {  	s24 =	simm.s32 @!p0 $0x18480;
	s26 =	simm.s32 @!p0 $0x14080;
	[sflag:s29] =	ssyncset.done @!p0 $0x0  }
0xa6: {  	[sflag:s29] =	ssyncadd.s32 @!p0 $0xFFFFC000  }
0xa7: {  	[tilespmem:s24], [sflag:$0x2] =	stream.indirect.gather @!p0 [hbm4b:s4+s23], $0x80, s26, s23, $0xb8;
	[tilespmem:$0x1C480] =	vst v63  }
0xa8: {  	_ = 	snop  }
0xa9: {  	[spmem:s1] =	stream.indirect.scatter.add.f32 @!p0 [tilespmem:s25], [sflag:$0x4], $0x80, s28, s23, $0xb8;
	[tilespmem:$0x1C480] =	vst v63  }
0xaa: {  	_ =	swait.ge @!p0 [sflag:s22], $0x4000  }
0xab: {  	s26 =	simm.s32 @!p0 $0x2;
	[sflag:s22] =	ssyncset.done @!p0 $0x0  }
0xac: {  	[sflag:s22] =	ssyncadd.s32 @!p0 $0xFFFFC000  }
0xad: {  	_ =	swait.ge @!p0 [sflag:s26], $0x4000  }
0xae: {  	s28 =	simm.s32 @!p0 $0x14100;
	[sflag:s26] =	ssyncset.done @!p0 $0x0  }
0xaf: {  	s30 =	simm.s32 @!p0 $0x14280;
	[sflag:s26] =	ssyncadd.s32 @!p0 $0xFFFFC000  }
0xb0: {  	[tilespmem:s25], [sflag:$0x1] =	stream.indirect.gather @!p0 [hbm4b:s4+s23], $0x80, s28, s23, $0xb8;
	[tilespmem:$0x1C480] =	vst v63  }
0xb1: {  	_ = 	snop  }
0xb2: {  	[spmem:s1] =	stream.indirect.scatter.add.f32 @!p0 [tilespmem:s24], [sflag:$0x4], $0x80, s30, s23, $0xb8;
	[tilespmem:$0x1C480] =	vst v63  }
0xb3: {  	_ =	swait.ge @!p0 [sflag:s22], $0x4000  }
0xb4: {  	[sflag:s22] =	ssyncset.done @!p0 $0x0  }
0xb5: {  	[sflag:s22] =	ssyncadd.s32 @!p0 $0xFFFFC000  }
0xb6: {  	_ =	swait.ge @!p0 [sflag:s29], $0x4000  }
0xb7: {  	s28 =	simm.s32 @!p0 $0x14180;
	[sflag:s29] =	ssyncset.done @!p0 $0x0  }
0xb8: {  	[sflag:s29] =	ssyncadd.s32 @!p0 $0xFFFFC000;
	s29 =	simm.s32 @!p0 $0x14300  }
0xb9: {  	[tilespmem:s24], [sflag:$0x2] =	stream.indirect.gather @!p0 [hbm4b:s4+s23], $0x80, s28, s23, $0xb8;
	[tilespmem:$0x1C480] =	vst v63  }
0xba: {  	_ = 	snop  }
0xbb: {  	[spmem:s1] =	stream.indirect.scatter.add.f32 @!p0 [tilespmem:s25], [sflag:$0x4], $0x80, s29, s23, $0xb8;
	[tilespmem:$0x1C480] =	vst v63  }
0xbc: {  	_ =	swait.ge @!p0 [sflag:s22], $0x4000  }
0xbd: {  	[sflag:s22] =	ssyncset.done @!p0 $0x0  }
0xbe: {  	[sflag:s22] =	ssyncadd.s32 @!p0 $0xFFFFC000  }
.Ltmp1:
0xbf: {  	_ =	swait.ge @!p0 [sflag:s26], $0x4000;
	(pc) =	sbr.rel @p1 .LBB2_4-.Ltmp1, $4  }
0xc0: {  	s22 =	simm.s32 @!p0 $0x14380;
	[sflag:s26] =	ssyncset.done @!p0 $0x0  }
0xc1: {  	s20 =	sadd.s32 $0x20, s20;
	s25 =	simm.s32 @!p0 $0x3;
	[sflag:s26] =	ssyncadd.s32 @!p0 $0xFFFFC000  }
0xc2: {  	[spmem:s1] =	stream.indirect.scatter.add.f32 @!p0 [tilespmem:s24], [sflag:$0x3], $0x80, s22, s23, $0xb8;
	[tilespmem:$0x1C480] =	vst v63  }
0xc3: {  	p2 =	sgt.u32 s20, $0x270;
	_ =	swait.ge @!p0 [sflag:s25], $0x4000  }
0xc4: {  	s20 =	sadd.s32 @!p2 s19, s11;
	s21 =	simm.s32 @!p2 $0x0;
	[sflag:s25] =	ssyncset.done @!p0 $0x0  }
0xc5: {  	s22 =	simm.s32 @!p2 $0x14000;
	s23 =	simm.s32 @!p2 $0x4;
	[sflag:s25] =	ssyncadd.s32 @!p0 $0xFFFFC000  }
0xc6: {  	[tilespmem:s22], [sflag:$0x4] =	stream.linear.gather @!p2 [hbm4b:s20+s21], $0x200, $0x38;
	[tilespmem:$0x1C480] =	vst v63  }
0xc7: {  	_ =	swait.ge @!p2 [sflag:s23], $0x200  }
0xc8: {  	[sflag:s23] =	ssyncset.done @!p2 $0x0  }
0xc9: {  	s19 =	sadd.s32 @!p2 s19, s12;
	s20 =	simm.s32 @!p2 $0x14200;
	[sflag:s23] =	ssyncadd.s32 @!p2 $0xFFFFFE00  }
0xca: {  	[tilespmem:s20], [sflag:$0x4] =	stream.linear.gather @!p2 [hbm4b:s19+s21], $0x200, $0x38;
	[tilespmem:$0x1C480] =	vst v63  }
0xcb: {  	p0 =	por p2, p2;
	_ =	swait.ge @!p2 [sflag:s23], $0x200  }
0xcc: {  	s24 =	simm.s32 @!p0 $0x1;
	[sflag:s23] =	ssyncset.done @!p0 $0x0  }
0xcd: {  	s19 =	simm.s32 @!p0 $0x80;
	s21 =	simm.s32 @!p0 $0x14480;
	[sflag:s23] =	ssyncadd.s32 @!p0 $0xFFFFFE00  }
0xce: {  	[tilespmem:s21], [sflag:$0x1] =	stream.indirect.gather @!p0 [hbm4b:s4+s19], $0x80, s22, s19, $0xb8;
	[tilespmem:$0x1C480] =	vst v63  }
0xcf: {  	_ =	swait.ge @!p0 [sflag:s24], $0x4000  }
0xd0: {  	[sflag:s24] =	ssyncset.done @!p0 $0x0  }
0xd1: {  	s25 =	simm.s32 @!p0 $0x18480;
	s22 =	simm.s32 @!p0 $0x14080;
	[sflag:s24] =	ssyncadd.s32 @!p0 $0xFFFFC000  }
0xd2: {  	[tilespmem:s25], [sflag:$0x2] =	stream.indirect.gather @!p0 [hbm4b:s4+s19], $0x80, s22, s19, $0xb8;
	[tilespmem:$0x1C480] =	vst v63  }
0xd3: {  	_ = 	snop  }
0xd4: {  	[spmem:s1] =	stream.indirect.scatter.add.f32 @!p0 [tilespmem:s21], [sflag:$0x4], $0x80, s20, s19, $0xb8;
	[tilespmem:$0x1C480] =	vst v63  }
0xd5: {  	_ =	swait.ge @!p0 [sflag:s23], $0x4000  }
0xd6: {  	[sflag:s23] =	ssyncset.done @!p0 $0x0  }
0xd7: {  	s20 =	simm.s32 @!p0 $0x2;
	[sflag:s23] =	ssyncadd.s32 @!p0 $0xFFFFC000  }
0xd8: {  	_ =	swait.ge @!p0 [sflag:s20], $0x4000  }
0xd9: {  	[sflag:s20] =	ssyncset.done @!p0 $0x0  }
0xda: {  	s22 =	simm.s32 @!p0 $0x14100;
	[sflag:s20] =	ssyncadd.s32 @!p0 $0xFFFFC000  }
0xdb: {  	[tilespmem:s21], [sflag:$0x1] =	stream.indirect.gather @!p0 [hbm4b:s4+s19], $0x80, s22, s19, $0xb8;
	[tilespmem:$0x1C480] =	vst v63  }
0xdc: {  	s22 =	simm.s32 @!p0 $0x14280  }
0xdd: {  	[spmem:s1] =	stream.indirect.scatter.add.f32 @!p0 [tilespmem:s25], [sflag:$0x4], $0x80, s22, s19, $0xb8;
	[tilespmem:$0x1C480] =	vst v63  }
0xde: {  	_ =	swait.ge @!p0 [sflag:s23], $0x4000  }
0xdf: {  	[sflag:s23] =	ssyncset.done @!p0 $0x0  }
0xe0: {  	[sflag:s23] =	ssyncadd.s32 @!p0 $0xFFFFC000  }
0xe1: {  	_ =	swait.ge @!p0 [sflag:s24], $0x4000  }
0xe2: {  	[sflag:s24] =	ssyncset.done @!p0 $0x0  }
0xe3: {  	s22 =	simm.s32 @!p0 $0x14180;
	[sflag:s24] =	ssyncadd.s32 @!p0 $0xFFFFC000  }
0xe4: {  	[tilespmem:s25], [sflag:$0x2] =	stream.indirect.gather @!p0 [hbm4b:s4+s19], $0x80, s22, s19, $0xb8;
	[tilespmem:$0x1C480] =	vst v63  }
0xe5: {  	s22 =	simm.s32 @!p0 $0x14300  }
0xe6: {  	[spmem:s1] =	stream.indirect.scatter.add.f32 @!p0 [tilespmem:s21], [sflag:$0x4], $0x80, s22, s19, $0xb8;
	[tilespmem:$0x1C480] =	vst v63  }
0xe7: {  	_ =	swait.ge @!p0 [sflag:s23], $0x4000  }
0xe8: {  	[sflag:s23] =	ssyncset.done @!p0 $0x0  }
0xe9: {  	[sflag:s23] =	ssyncadd.s32 @!p0 $0xFFFFC000  }
0xea: {  	_ =	swait.ge @!p0 [sflag:s20], $0x4000  }
0xeb: {  	[sflag:s20] =	ssyncset.done @!p0 $0x0  }
0xec: {  	s21 =	simm.s32 @!p0 $0x14380;
	[sflag:s20] =	ssyncadd.s32 @!p0 $0xFFFFC000;
	s20 =	simm.s32 @!p0 $0x3  }
0xed: {  	[spmem:s1] =	stream.indirect.scatter.add.f32 @!p0 [tilespmem:s25], [sflag:$0x3], $0x80, s21, s19, $0xb8;
	[tilespmem:$0x1C480] =	vst v63  }
0xee: {  	_ =	swait.ge @!p0 [sflag:s20], $0x4000  }
0xef: {  	[sflag:s20] =	ssyncset.done @!p0 $0x0  }
0xf0: {  	[sflag:s20] =	ssyncadd.s32 @!p0 $0xFFFFC000  }
0xf1: {  	[bflag:$0x0] =	sbarrier.arrive $0xFFFF  }
0xf2: {  	[tilespmem:$0x14400] =	vst v31  }
0xf3: {  	[tilespmem:$0x14410] =	vst v0  }
0xf4: {  	[tilespmem:$0x14420] =	vst v1  }
0xf5: {  	[tilespmem:$0x14430] =	vst v2  }
0xf6: {  	[tilespmem:$0x14440] =	vst v3  }
0xf7: {  	[tilespmem:$0x14450] =	vst v4  }
0xf8: {  	[tilespmem:$0x14460] =	vst v5  }
0xf9: {  	[tilespmem:$0x14470] =	vst v6  }
0xfa: {  	[tilespmem:s16], [sflag:$0x3] =	stream.indirect.gather [spmem:s1], $0x80, s15, s14, $0xb8;
	[tilespmem:$0x1C480] =	vst v63  }
0xfb: {  	_ =	swait.ge [sflag:s17], $0x4000  }
0xfc: {  	[sflag:s17] =	ssyncset.done $0x0  }
0xfd: {  	[sflag:s17] =	ssyncadd.s32 $0xFFFFC000  }
0xfe: {  	[hbm4b:s5+s3] =	stream.linear.scatter [tilespmem:s16], [sflag:$0x3], $0x4000, $0x38;
	[tilespmem:$0x1C480] =	vst v63  }
0xff: {  	_ =	swait.ge [sflag:s17], $0x4000  }
0x100: {  	[sflag:s17] =	ssyncset.done $0x0  }
0x101: {  	[sflag:s17] =	ssyncadd.s32 $0xFFFFC000  }
0x102: {  	[tilespmem:$0x14400] =	vst v7  }
0x103: {  	[tilespmem:$0x14410] =	vst v8  }
0x104: {  	[tilespmem:$0x14420] =	vst v9  }
0x105: {  	[tilespmem:$0x14430] =	vst v10  }
0x106: {  	[tilespmem:$0x14440] =	vst v11  }
0x107: {  	[tilespmem:$0x14450] =	vst v12  }
0x108: {  	[tilespmem:$0x14460] =	vst v13  }
0x109: {  	[tilespmem:$0x14470] =	vst v14  }
0x10a: {  	[tilespmem:s16], [sflag:$0x3] =	stream.indirect.gather [spmem:s1], $0x80, s15, s14, $0xb8;
	[tilespmem:$0x1C480] =	vst v63  }
0x10b: {  	_ =	swait.ge [sflag:s17], $0x4000  }
0x10c: {  	[sflag:s17] =	ssyncset.done $0x0  }
0x10d: {  	[sflag:s17] =	ssyncadd.s32 $0xFFFFC000  }
0x10e: {  	[hbm4b:s6+s3] =	stream.linear.scatter [tilespmem:s16], [sflag:$0x3], $0x4000, $0x38;
	[tilespmem:$0x1C480] =	vst v63  }
0x10f: {  	_ =	swait.ge [sflag:s17], $0x4000  }
0x110: {  	[sflag:s17] =	ssyncset.done $0x0  }
0x111: {  	[sflag:s17] =	ssyncadd.s32 $0xFFFFC000  }
0x112: {  	[tilespmem:$0x14400] =	vst v15  }
0x113: {  	[tilespmem:$0x14410] =	vst v16  }
0x114: {  	[tilespmem:$0x14420] =	vst v17  }
0x115: {  	[tilespmem:$0x14430] =	vst v18  }
0x116: {  	[tilespmem:$0x14440] =	vst v19  }
0x117: {  	[tilespmem:$0x14450] =	vst v20  }
0x118: {  	[tilespmem:$0x14460] =	vst v21  }
0x119: {  	[tilespmem:$0x14470] =	vst v22  }
0x11a: {  	[tilespmem:s16], [sflag:$0x3] =	stream.indirect.gather [spmem:s1], $0x80, s15, s14, $0xb8;
	[tilespmem:$0x1C480] =	vst v63  }
0x11b: {  	_ =	swait.ge [sflag:s17], $0x4000  }
0x11c: {  	[sflag:s17] =	ssyncset.done $0x0  }
0x11d: {  	[sflag:s17] =	ssyncadd.s32 $0xFFFFC000  }
0x11e: {  	[hbm4b:s7+s3] =	stream.linear.scatter [tilespmem:s16], [sflag:$0x3], $0x4000, $0x38;
	[tilespmem:$0x1C480] =	vst v63  }
0x11f: {  	_ =	swait.ge [sflag:s17], $0x4000  }
0x120: {  	[sflag:s17] =	ssyncset.done $0x0  }
0x121: {  	[sflag:s17] =	ssyncadd.s32 $0xFFFFC000  }
0x122: {  	[tilespmem:$0x14400] =	vst v23  }
0x123: {  	[tilespmem:$0x14410] =	vst v24  }
0x124: {  	[tilespmem:$0x14420] =	vst v25  }
0x125: {  	[tilespmem:$0x14430] =	vst v26  }
0x126: {  	[tilespmem:$0x14440] =	vst v27  }
0x127: {  	[tilespmem:$0x14450] =	vst v28  }
0x128: {  	[tilespmem:$0x14460] =	vst v29  }
0x129: {  	[tilespmem:$0x14470] =	vst v30  }
0x12a: {  	[tilespmem:s16], [sflag:$0x3] =	stream.indirect.gather [spmem:s1], $0x80, s15, s14, $0xb8;
	[tilespmem:$0x1C480] =	vst v63  }
0x12b: {  	_ =	swait.ge [sflag:s17], $0x4000  }
0x12c: {  	[sflag:s17] =	ssyncset.done $0x0  }
0x12d: {  	[sflag:s17] =	ssyncadd.s32 $0xFFFFC000  }
0x12e: {  	[hbm4b:s8+s3] =	stream.linear.scatter [tilespmem:s16], [sflag:$0x3], $0x4000, $0x38;
	[tilespmem:$0x1C480] =	vst v63  }
0x12f: {  	_ =	swait.ge [sflag:s17], $0x4000  }
0x130: {  	[sflag:s17] =	ssyncset.done $0x0  }
0x131: {  	[sflag:s17] =	ssyncadd.s32 $0xFFFFC000  }
0x132: {  	[tilespmem:$0x14400] =	vst v32  }
0x133: {  	[tilespmem:$0x14410] =	vst v33  }
0x134: {  	[tilespmem:$0x14420] =	vst v34  }
0x135: {  	[tilespmem:$0x14430] =	vst v35  }
0x136: {  	[tilespmem:$0x14440] =	vst v36  }
0x137: {  	[tilespmem:$0x14450] =	vst v37  }
0x138: {  	[tilespmem:$0x14460] =	vst v38  }
0x139: {  	[tilespmem:$0x14470] =	vst v39  }
0x13a: {  	[tilespmem:s16], [sflag:$0x3] =	stream.indirect.gather [spmem:s1], $0x80, s15, s14, $0xb8;
	[tilespmem:$0x1C480] =	vst v63  }
0x13b: {  	s18 =	sadd.s32 $0x1, s18;
	_ =	swait.ge [sflag:s17], $0x4000  }
0x13c: {  	p0 =	sne.s32 s18, s10;
	[sflag:s17] =	ssyncset.done $0x0  }
.Ltmp2:
0x13d: {  	[sflag:s17] =	ssyncadd.s32 $0xFFFFC000;
	(pc) =	sbr.rel @p0 .LBB2_1-.Ltmp2, $4  }
0x13e: {  	[hbm4b:s9+s3] =	stream.linear.scatter [tilespmem:s16], [sflag:$0x3], $0x4000, $0x38;
	[tilespmem:$0x1C480] =	vst v63  }
0x13f: {  	_ =	swait.ge [sflag:s17], $0x4000  }
0x140: {  	[sflag:s17] =	ssyncset.done $0x0  }
0x141: {  	[sflag:s17] =	ssyncadd.s32 $0xFFFFC000  }
0x142: {  	_ =	sfence.sel $0x180000  }
0x143: {  	[bflag:$0x0] =	sbarrier.arrive $0xFFFF  }
0x144: {  	p0 =	sne.s32 s2, $0x0;
	_ =	strace $0x9000004D  }
0x145: {  	s0 =	sadd.s32 @!p0 $0x100000, s0;
	[bflag:$0x2] =	sbarrier.arrive $0xFFFF  }
0x146: {  	[sflag:s0] =	ssyncadd.tile.s32 @!p0 $0x1;
	_ =	shalt  }
.Lfunc_end2:
_tile_overlayer_lowered:
.L_overlay_start_2:
0x147: {  	(tag) =	ssettag $0x2  }
0x148: {  	s0 =	rddreg [dreg:$0x0];
	s2 =	stileid.u32  }
0x149: {  	s1 =	rddreg [dreg:$0x1];
	p0 =	sne.s32 s2, $0x0  }
0x14a: {  	s3 =	rddreg [dreg:$0x2];
	[bflag:$0x3] =	sbarrier.arrive $0xFFFF;
	s2 =	simm.s32 @!p0 $0x1C03  }
0x14b: {  	[timem:s3], [sflag:s2] =	dma.local @!p0 [hbm:s0], s1  }
0x14c: {  	s0 =	simm.s32 @!p0 $0x3  }
0x14d: {  	_ =	swait.ge @!p0 [sflag:s0], s1  }
0x14e: {  	s1 =	ssub.s32 @!p0 $0x0, s1;
	[sflag:s0] =	ssyncset.done @!p0 $0x0  }
0x14f: {  	[sflag:s0] =	ssyncadd.s32 @!p0 s1  }
0x150: {  	[bflag:$0x3] =	sbarrier.arrive $0xFFFF  }
0x151: {  	_ =	shalt  }

</sc_bundles>
